<compile_context>
chip_gen: v7x
topology: tpu7x:2x2x1
jax: 0.10.2.dev20260603
libtpu: 0.0.44.dev20260713+nightly
codegen_flags: <defaults>
</compile_context>

<pallas_src>
import functools
import math

import jax
import jax.numpy as jnp
from jax import lax
from jax.experimental import pallas as pl
from jax.experimental.pallas import tpu as pltpu
from jax.experimental.pallas import tpu_sc as plsc

VOCAB = 1000000
HDIM = 64
BATCH = 4096
SEQLEN = 200

NUM_WORKERS = 32
ROWS = BATCH * SEQLEN
ROWS_PER_WORKER = ROWS // NUM_WORKERS
CHUNK = SEQLEN
NCHUNK = ROWS_PER_WORKER // CHUNK

GATHER_SPLITS = ((0, 104), (104, 96))

BB = 128


def _sinusoidal_pe(length, d_model):
    pos = jnp.arange(length, dtype=jnp.float32)[:, None]
    i = jnp.arange(0, d_model, 2, dtype=jnp.float32)
    div = jnp.exp(-(math.log(10000.0)) * i / d_model)
    pe = jnp.zeros((length, d_model), dtype=jnp.float32)
    pe = pe.at[:, 0::2].set(jnp.sin(pos * div))
    pe = pe.at[:, 1::2].set(jnp.cos(pos * div))
    return pe


def _transpose_out(emb3):
    def body(in_ref, out_ref):
        for j in range(SEQLEN):
            half = (j % 2) * HDIM
            out_ref[j] = in_ref[:, j // 2, half:half + HDIM].T

    return pl.pallas_call(
        body,
        grid=(BATCH // BB,),
        in_specs=[pl.BlockSpec((BB, SEQLEN // 2, 128), lambda b: (b, 0, 0))],
        out_specs=pl.BlockSpec((SEQLEN, HDIM, BB), lambda b: (0, 0, b)),
        out_shape=jax.ShapeDtypeStruct((SEQLEN, HDIM, BATCH), jnp.float32),
    )(emb3)


def _make_sc_kernel():
    mesh = plsc.VectorSubcoreMesh(core_axis_name="c", subcore_axis_name="s",
                                  num_cores=2, num_subcores=16)

    @functools.partial(
        pl.kernel,
        mesh=mesh,
        out_type=jax.ShapeDtypeStruct((ROWS, HDIM), jnp.float32),
        scratch_types=[
            pltpu.VMEM((ROWS_PER_WORKER,), jnp.int32),
            pltpu.VMEM((CHUNK, HDIM), jnp.float32),
            pltpu.VMEM((CHUNK, HDIM), jnp.float32),
            pltpu.VMEM((SEQLEN, HDIM), jnp.float32),
            pltpu.SemaphoreType.DMA,
            pltpu.SemaphoreType.DMA,
        ],
        compiler_params=pltpu.CompilerParams(use_tc_tiling_on_sc=False),
    )
    def k(idx_hbm, pe_hbm, table_hbm, out_hbm,
          idx_v, buf0, buf1, pe_v, gsem0, gsem1):
        wid = lax.axis_index("s") * 2 + lax.axis_index("c")
        base = wid * ROWS_PER_WORKER
        bufs = (buf0, buf1)
        gsems = (gsem0, gsem1)

        pltpu.sync_copy(pe_hbm, pe_v)
        pltpu.sync_copy(idx_hbm.at[pl.ds(base, ROWS_PER_WORKER)], idx_v)

        def issue_gathers(chunk_i, b):
            for off, width in GATHER_SPLITS:
                pltpu.async_copy(
                    table_hbm.at[idx_v.at[pl.ds(chunk_i * CHUNK + off,
                                                width)]],
                    bufs[b].at[pl.ds(off, width)],
                    gsems[b],
                )

        def finish_chunk(chunk_i, b):
            for off, width in GATHER_SPLITS:
                pltpu.make_async_copy(
                    table_hbm.at[idx_v.at[pl.ds(off, width)]],
                    bufs[b].at[pl.ds(off, width)],
                    gsems[b],
                ).wait()

            def pe_body(r):
                for c in range(HDIM // 16):
                    plsc.addupdate(bufs[b].at[r, pl.ds(c * 16, 16)],
                                   pe_v[r, pl.ds(c * 16, 16)])
            pl.loop(0, CHUNK, unroll=4)(pe_body)

            pltpu.sync_copy(bufs[b],
                            out_hbm.at[pl.ds(base + chunk_i * CHUNK, CHUNK)])

        issue_gathers(0, 0)

        def body(ii):
            for b in range(2):
                chunk_i = ii + b
                issue_gathers(chunk_i + 1, 1 - b)
                finish_chunk(chunk_i, b)
        pl.loop(0, NCHUNK - 2, step=2)(body)

        issue_gathers(NCHUNK - 1, 1)
        finish_chunk(NCHUNK - 2, 0)
        finish_chunk(NCHUNK - 1, 1)

    return k


def kernel(text, table):
    idx = text.reshape(ROWS).astype(jnp.int32)
    pe = _sinusoidal_pe(SEQLEN, HDIM)
    emb = _make_sc_kernel()(idx, pe, table)
    out_t = _transpose_out(emb.reshape(BATCH, SEQLEN // 2, 128))
    return jnp.transpose(out_t, (2, 0, 1))

# --- scband reference (transcript-rebuilt; emitter-appended) ---
"""Pipeline reference for scband-none-text-encoder-20804821582373 (READ-ONLY COPY).

The authoritative reference and input builder live on the scoring server;
editing this copy changes nothing except your own understanding.
"""

import jax, jax.numpy as jnp
import numpy as np

VOCAB = 1000000
HDIM = 64
BATCH = 4096
SEQLEN = 200


def _pos_encoding(length, d_model):
    # Standard sinusoidal positional encoding (Vaswani et al.)
    pos = jnp.arange(length, dtype=jnp.float32)[:, None]
    i = jnp.arange(0, d_model, 2, dtype=jnp.float32)
    div = jnp.exp(-(jnp.log(10000.0)) * i / d_model)
    pe = jnp.zeros((length, d_model), dtype=jnp.float32)
    pe = pe.at[:, 0::2].set(jnp.sin(pos * div))
    pe = pe.at[:, 1::2].set(jnp.cos(pos * div))
    return pe


def setup_inputs(seed: int = 0) -> dict:
    key = jax.random.key(seed)
    k1, k2 = jax.random.split(key)
    text = jax.random.randint(k1, (BATCH, SEQLEN), 0, VOCAB, dtype=jnp.int64 if jax.config.jax_enable_x64 else jnp.int32)
    table = jax.random.normal(k2, (VOCAB, HDIM), dtype=jnp.float32) * 0.02
    return {"text": text, "table": table}


def reference(text, table):
    # embedding lookup (gather)
    emb = jnp.take(table, text, axis=0)  # [B, L, hdim]
    # add positional encoding over sequence dim
    pe = _pos_encoding(emb.shape[1], emb.shape[2])
    out = emb + pe[None, :, :]
    # original module returns (pos(text_tokens), None); we return the array
    return out

if __name__ == "__main__":
    import jax
    _d = setup_inputs()
    print(jax.jit(kernel)(*tuple(_d.values())))

</pallas_src>

<mosaic_0001>
#map = affine_map<(d0, d1) -> (0)>
#map1 = affine_map<(d0, d1) -> (0, 0)>
module attributes {stable_mosaic.version = 14 : i64} {
  func.func @k(%arg0: i32, %arg1: i32, %arg2: memref<819200xi32, #tpu.memory_space<hbm>>, %arg3: memref<200x64xf32, #tpu.memory_space<hbm>>, %arg4: memref<1000000x64xf32, #tpu.memory_space<hbm>>, %arg5: memref<819200x64xf32, #tpu.memory_space<hbm>>, %arg6: memref<25600xi32, #tpu.memory_space<vmem>>, %arg7: memref<200x64xf32, #tpu.memory_space<vmem>>, %arg8: memref<200x64xf32, #tpu.memory_space<vmem>>, %arg9: memref<200x64xf32, #tpu.memory_space<vmem>>, %arg10: memref<!tpu.dma_semaphore, #tpu.memory_space<semaphore_mem>>, %arg11: memref<!tpu.dma_semaphore, #tpu.memory_space<semaphore_mem>>) attributes {dimension_semantics = [#tpu.dimension_semantics<core_parallel>, #tpu.dimension_semantics<subcore_parallel>], iteration_bounds = array<i64: 2, 16>, scalar_prefetch = 0 : i64, scratch_operands = 6 : i64, tpu.core_type = #tpu.core_type<sc_vector_subcore>, window_params = [{transform_indices = #map}, {transform_indices = #map1}, {transform_indices = #map1}, {transform_indices = #map1}]} {
    %mul3A = arith.constant 2 : i32
    %mul3A_0 = arith.muli %arg1, %mul3A : i32
    %add3A = arith.addi %mul3A_0, %arg0 : i32
    %mul3A_1 = arith.constant 25600 : i32
    %mul3A_2 = arith.muli %add3A, %mul3A_1 : i32
    "tpu.region"() ({
      %run_scoped3A = tpu.sem_alloc : memref<!tpu.dma_semaphore, #tpu.memory_space<semaphore_mem>>
      tpu.enqueue_dma source(%arg3 : memref<200x64xf32, #tpu.memory_space<hbm>>) target(%arg9 : memref<200x64xf32, #tpu.memory_space<vmem>>) target_semaphore(%run_scoped3A : memref<!tpu.dma_semaphore, #tpu.memory_space<semaphore_mem>>)
      tpu.wait_dma2 semaphore(%run_scoped3A : memref<!tpu.dma_semaphore, #tpu.memory_space<semaphore_mem>>) src(%arg3 : memref<200x64xf32, #tpu.memory_space<hbm>>) dst(%arg9 : memref<200x64xf32, #tpu.memory_space<vmem>>)
      tpu.yield
    }) : () -> ()
    "tpu.region"() ({
      %run_scoped3A = tpu.sem_alloc : memref<!tpu.dma_semaphore, #tpu.memory_space<semaphore_mem>>
      %dma_start3A_83 = tpu.memref_slice %arg2[%mul3A_2] : memref<819200xi32, #tpu.memory_space<hbm>> -> memref<25600xi32, #tpu.memory_space<hbm>>
      %dma_start3A_84 = tpu.memref_slice %arg2[%mul3A_2] : memref<819200xi32, #tpu.memory_space<hbm>> -> memref<25600xi32, #tpu.memory_space<hbm>>
      tpu.enqueue_dma source(%dma_start3A_84 : memref<25600xi32, #tpu.memory_space<hbm>>) target(%arg6 : memref<25600xi32, #tpu.memory_space<vmem>>) target_semaphore(%run_scoped3A : memref<!tpu.dma_semaphore, #tpu.memory_space<semaphore_mem>>)
      %dma_wait3A_85 = tpu.memref_slice %arg2[%mul3A_2] : memref<819200xi32, #tpu.memory_space<hbm>> -> memref<25600xi32, #tpu.memory_space<hbm>>
      %dma_wait3A_86 = tpu.memref_slice %arg2[%mul3A_2] : memref<819200xi32, #tpu.memory_space<hbm>> -> memref<25600xi32, #tpu.memory_space<hbm>>
      tpu.wait_dma2 semaphore(%run_scoped3A : memref<!tpu.dma_semaphore, #tpu.memory_space<semaphore_mem>>) src(%dma_wait3A_86 : memref<25600xi32, #tpu.memory_space<hbm>>) dst(%arg6 : memref<25600xi32, #tpu.memory_space<vmem>>)
      tpu.yield
    }) : () -> ()
    %dma_start3A = arith.constant 0 : i32
    %dma_start3A_3 = arith.constant 0 : i32
    %dma_start3A_4 = tpu.memref_slice %arg7[%dma_start3A, %dma_start3A_3] : memref<200x64xf32, #tpu.memory_space<vmem>> -> memref<104x64xf32, #tpu.memory_space<vmem>>
    %dma_start3A_5 = arith.constant 0 : i32
    %dma_start3A_6 = tpu.memref_slice %arg6[%dma_start3A_5] : memref<25600xi32, #tpu.memory_space<vmem>> -> memref<104xi32, #tpu.memory_space<vmem>>
    %dma_start3A_7 = arith.constant 0 : i32
    %dma_start3A_8 = arith.constant 0 : i32
    %dma_start3A_9 = tpu.memref_slice %arg4[%dma_start3A_7, %dma_start3A_8] : memref<1000000x64xf32, #tpu.memory_space<hbm>> -> memref<1000000x64xf32, #tpu.memory_space<hbm>>
    tpu.enqueue_indirect_dma source(%dma_start3A_9 : memref<1000000x64xf32, #tpu.memory_space<hbm>>) target(%dma_start3A_4 : memref<104x64xf32, #tpu.memory_space<vmem>>) offsets(%dma_start3A_6 : memref<104xi32, #tpu.memory_space<vmem>>) semaphore(%arg10 : memref<!tpu.dma_semaphore, #tpu.memory_space<semaphore_mem>>)
    %dma_start3A_10 = arith.constant 104 : i32
    %dma_start3A_11 = arith.constant 0 : i32
    %dma_start3A_12 = tpu.memref_slice %arg7[%dma_start3A_10, %dma_start3A_11] : memref<200x64xf32, #tpu.memory_space<vmem>> -> memref<96x64xf32, #tpu.memory_space<vmem>>
    %dma_start3A_13 = arith.constant 104 : i32
    %dma_start3A_14 = tpu.memref_slice %arg6[%dma_start3A_13] : memref<25600xi32, #tpu.memory_space<vmem>> -> memref<96xi32, #tpu.memory_space<vmem>>
    %dma_start3A_15 = arith.constant 0 : i32
    %dma_start3A_16 = arith.constant 0 : i32
    %dma_start3A_17 = tpu.memref_slice %arg4[%dma_start3A_15, %dma_start3A_16] : memref<1000000x64xf32, #tpu.memory_space<hbm>> -> memref<1000000x64xf32, #tpu.memory_space<hbm>>
    tpu.enqueue_indirect_dma source(%dma_start3A_17 : memref<1000000x64xf32, #tpu.memory_space<hbm>>) target(%dma_start3A_12 : memref<96x64xf32, #tpu.memory_space<vmem>>) offsets(%dma_start3A_14 : memref<96xi32, #tpu.memory_space<vmem>>) semaphore(%arg10 : memref<!tpu.dma_semaphore, #tpu.memory_space<semaphore_mem>>)
    %scan3A = arith.constant 0 : i32
    %scan3A_18 = arith.constant 63 : i32
    %scan3A_19 = arith.addi %scan3A, %scan3A_18 : i32
    %scan3A_20 = arith.constant 1 : i32
    scf.for %scan3A_83 = %scan3A to %scan3A_19 step %scan3A_20  : i32 {
      %mul3A_84 = arith.constant 2 : i32
      %mul3A_85 = arith.muli %scan3A_83, %mul3A_84 : i32
      %add3A_86 = arith.constant 0 : i32
      %add3A_87 = arith.addi %add3A_86, %mul3A_85 : i32
      %add3A_88 = arith.constant 0 : i32
      %add3A_89 = arith.addi %add3A_87, %add3A_88 : i32
      %add3A_90 = arith.constant 1 : i32
      %add3A_91 = arith.addi %add3A_89, %add3A_90 : i32
      %mul3A_92 = arith.constant 200 : i32
      %mul3A_93 = arith.muli %add3A_91, %mul3A_92 : i32
      %add3A_94 = arith.constant 0 : i32
      %add3A_95 = arith.addi %mul3A_93, %add3A_94 : i32
      %dma_start3A_96 = arith.constant 0 : i32
      %dma_start3A_97 = arith.constant 0 : i32
      %dma_start3A_98 = tpu.memref_slice %arg8[%dma_start3A_96, %dma_start3A_97] : memref<200x64xf32, #tpu.memory_space<vmem>> -> memref<104x64xf32, #tpu.memory_space<vmem>>
      %dma_start3A_99 = tpu.memref_slice %arg6[%add3A_95] : memref<25600xi32, #tpu.memory_space<vmem>> -> memref<104xi32, #tpu.memory_space<vmem>>
      %dma_start3A_100 = arith.constant 0 : i32
      %dma_start3A_101 = arith.constant 0 : i32
      %dma_start3A_102 = tpu.memref_slice %arg4[%dma_start3A_100, %dma_start3A_101] : memref<1000000x64xf32, #tpu.memory_space<hbm>> -> memref<1000000x64xf32, #tpu.memory_space<hbm>>
      tpu.enqueue_indirect_dma source(%dma_start3A_102 : memref<1000000x64xf32, #tpu.memory_space<hbm>>) target(%dma_start3A_98 : memref<104x64xf32, #tpu.memory_space<vmem>>) offsets(%dma_start3A_99 : memref<104xi32, #tpu.memory_space<vmem>>) semaphore(%arg11 : memref<!tpu.dma_semaphore, #tpu.memory_space<semaphore_mem>>)
      %mul3A_103 = arith.constant 200 : i32
      %mul3A_104 = arith.muli %add3A_91, %mul3A_103 : i32
      %add3A_105 = arith.constant 104 : i32
      %add3A_106 = arith.addi %mul3A_104, %add3A_105 : i32
      %dma_start3A_107 = arith.constant 104 : i32
      %dma_start3A_108 = arith.constant 0 : i32
      %dma_start3A_109 = tpu.memref_slice %arg8[%dma_start3A_107, %dma_start3A_108] : memref<200x64xf32, #tpu.memory_space<vmem>> -> memref<96x64xf32, #tpu.memory_space<vmem>>
      %dma_start3A_110 = tpu.memref_slice %arg6[%add3A_106] : memref<25600xi32, #tpu.memory_space<vmem>> -> memref<96xi32, #tpu.memory_space<vmem>>
      %dma_start3A_111 = arith.constant 0 : i32
      %dma_start3A_112 = arith.constant 0 : i32
      %dma_start3A_113 = tpu.memref_slice %arg4[%dma_start3A_111, %dma_start3A_112] : memref<1000000x64xf32, #tpu.memory_space<hbm>> -> memref<1000000x64xf32, #tpu.memory_space<hbm>>
      tpu.enqueue_indirect_dma source(%dma_start3A_113 : memref<1000000x64xf32, #tpu.memory_space<hbm>>) target(%dma_start3A_109 : memref<96x64xf32, #tpu.memory_space<vmem>>) offsets(%dma_start3A_110 : memref<96xi32, #tpu.memory_space<vmem>>) semaphore(%arg11 : memref<!tpu.dma_semaphore, #tpu.memory_space<semaphore_mem>>)
      %dma_wait3A_114 = arith.constant 0 : i32
      %dma_wait3A_115 = arith.constant 0 : i32
      %dma_wait3A_116 = tpu.memref_slice %arg7[%dma_wait3A_114, %dma_wait3A_115] : memref<200x64xf32, #tpu.memory_space<vmem>> -> memref<104x64xf32, #tpu.memory_space<vmem>>
      %dma_wait3A_117 = arith.constant 0 : i32
      %dma_wait3A_118 = tpu.memref_slice %arg6[%dma_wait3A_117] : memref<25600xi32, #tpu.memory_space<vmem>> -> memref<104xi32, #tpu.memory_space<vmem>>
      %dma_wait3A_119 = arith.constant 0 : i32
      %dma_wait3A_120 = arith.constant 0 : i32
      %dma_wait3A_121 = tpu.memref_slice %arg4[%dma_wait3A_119, %dma_wait3A_120] : memref<1000000x64xf32, #tpu.memory_space<hbm>> -> memref<1000000x64xf32, #tpu.memory_space<hbm>>
      tpu.wait_indirect_dma semaphore(%arg10 : memref<!tpu.dma_semaphore, #tpu.memory_space<semaphore_mem>>) src(%dma_wait3A_121 : memref<1000000x64xf32, #tpu.memory_space<hbm>>) dst(%dma_wait3A_116 : memref<104x64xf32, #tpu.memory_space<vmem>>)
      %dma_wait3A_122 = arith.constant 104 : i32
      %dma_wait3A_123 = arith.constant 0 : i32
      %dma_wait3A_124 = tpu.memref_slice %arg7[%dma_wait3A_122, %dma_wait3A_123] : memref<200x64xf32, #tpu.memory_space<vmem>> -> memref<96x64xf32, #tpu.memory_space<vmem>>
      %dma_wait3A_125 = arith.constant 104 : i32
      %dma_wait3A_126 = tpu.memref_slice %arg6[%dma_wait3A_125] : memref<25600xi32, #tpu.memory_space<vmem>> -> memref<96xi32, #tpu.memory_space<vmem>>
      %dma_wait3A_127 = arith.constant 0 : i32
      %dma_wait3A_128 = arith.constant 0 : i32
      %dma_wait3A_129 = tpu.memref_slice %arg4[%dma_wait3A_127, %dma_wait3A_128] : memref<1000000x64xf32, #tpu.memory_space<hbm>> -> memref<1000000x64xf32, #tpu.memory_space<hbm>>
      tpu.wait_indirect_dma semaphore(%arg10 : memref<!tpu.dma_semaphore, #tpu.memory_space<semaphore_mem>>) src(%dma_wait3A_129 : memref<1000000x64xf32, #tpu.memory_space<hbm>>) dst(%dma_wait3A_124 : memref<96x64xf32, #tpu.memory_space<vmem>>)
      %scan3A_130 = arith.constant 0 : i32
      %scan3A_131 = arith.constant 200 : i32
      %scan3A_132 = arith.addi %scan3A_130, %scan3A_131 : i32
      %scan3A_133 = arith.constant 4 : i32
      scf.for %scan3A_188 = %scan3A_130 to %scan3A_132 step %scan3A_133  : i32 {
        %mul3A_189 = arith.constant 1 : i32
        %mul3A_190 = arith.muli %scan3A_188, %mul3A_189 : i32
        %add3A_191 = arith.constant 0 : i32
        %add3A_192 = arith.addi %add3A_191, %mul3A_190 : i32
        %get3A = arith.index_cast %add3A_192 : i32 to index
        %get3A_193 = arith.constant 0 : index
        %get3A_194 = tpu.vector_load %arg9[%get3A, %get3A_193] {strides = array<i32>} : memref<200x64xf32, #tpu.memory_space<vmem>>, vector<1x16xf32>,
        %get3A_195 = vector.shape_cast %get3A_194 : vector<1x16xf32> to vector<16xf32>
        %swap3A = arith.index_cast %add3A_192 : i32 to index
        %swap3A_196 = arith.constant 0 : index
        %swap3A_197 = tpu.vector_load %arg7[%swap3A, %swap3A_196] {strides = array<i32>} : memref<200x64xf32, #tpu.memory_space<vmem>>, vector<1x16xf32>,
        %swap3A_198 = vector.shape_cast %swap3A_197 : vector<1x16xf32> to vector<16xf32>
        %swap3A_199 = vector.shape_cast %get3A_195 : vector<16xf32> to vector<1x16xf32>
        tpu.vector_store %arg7[%swap3A, %swap3A_196], %swap3A_199 {add = true, strides = array<i32>} : memref<200x64xf32, #tpu.memory_space<vmem>>, vector<1x16xf32>,
        %get3A_200 = arith.index_cast %add3A_192 : i32 to index
        %get3A_201 = arith.constant 16 : index
        %get3A_202 = tpu.vector_load %arg9[%get3A_200, %get3A_201] {strides = array<i32>} : memref<200x64xf32, #tpu.memory_space<vmem>>, vector<1x16xf32>,
        %get3A_203 = vector.shape_cast %get3A_202 : vector<1x16xf32> to vector<16xf32>
        %swap3A_204 = arith.index_cast %add3A_192 : i32 to index
        %swap3A_205 = arith.constant 16 : index
        %swap3A_206 = tpu.vector_load %arg7[%swap3A_204, %swap3A_205] {strides = array<i32>} : memref<200x64xf32, #tpu.memory_space<vmem>>, vector<1x16xf32>,
        %swap3A_207 = vector.shape_cast %swap3A_206 : vector<1x16xf32> to vector<16xf32>
        %swap3A_208 = vector.shape_cast %get3A_203 : vector<16xf32> to vector<1x16xf32>
        tpu.vector_store %arg7[%swap3A_204, %swap3A_205], %swap3A_208 {add = true, strides = array<i32>} : memref<200x64xf32, #tpu.memory_space<vmem>>, vector<1x16xf32>,
        %get3A_209 = arith.index_cast %add3A_192 : i32 to index
        %get3A_210 = arith.constant 32 : index
        %get3A_211 = tpu.vector_load %arg9[%get3A_209, %get3A_210] {strides = array<i32>} : memref<200x64xf32, #tpu.memory_space<vmem>>, vector<1x16xf32>,
        %get3A_212 = vector.shape_cast %get3A_211 : vector<1x16xf32> to vector<16xf32>
        %swap3A_213 = arith.index_cast %add3A_192 : i32 to index
        %swap3A_214 = arith.constant 32 : index
        %swap3A_215 = tpu.vector_load %arg7[%swap3A_213, %swap3A_214] {strides = array<i32>} : memref<200x64xf32, #tpu.memory_space<vmem>>, vector<1x16xf32>,
        %swap3A_216 = vector.shape_cast %swap3A_215 : vector<1x16xf32> to vector<16xf32>
        %swap3A_217 = vector.shape_cast %get3A_212 : vector<16xf32> to vector<1x16xf32>
        tpu.vector_store %arg7[%swap3A_213, %swap3A_214], %swap3A_217 {add = true, strides = array<i32>} : memref<200x64xf32, #tpu.memory_space<vmem>>, vector<1x16xf32>,
        %get3A_218 = arith.index_cast %add3A_192 : i32 to index
        %get3A_219 = arith.constant 48 : index
        %get3A_220 = tpu.vector_load %arg9[%get3A_218, %get3A_219] {strides = array<i32>} : memref<200x64xf32, #tpu.memory_space<vmem>>, vector<1x16xf32>,
        %get3A_221 = vector.shape_cast %get3A_220 : vector<1x16xf32> to vector<16xf32>
        %swap3A_222 = arith.index_cast %add3A_192 : i32 to index
        %swap3A_223 = arith.constant 48 : index
        %swap3A_224 = tpu.vector_load %arg7[%swap3A_222, %swap3A_223] {strides = array<i32>} : memref<200x64xf32, #tpu.memory_space<vmem>>, vector<1x16xf32>,
        %swap3A_225 = vector.shape_cast %swap3A_224 : vector<1x16xf32> to vector<16xf32>
        %swap3A_226 = vector.shape_cast %get3A_221 : vector<16xf32> to vector<1x16xf32>
        tpu.vector_store %arg7[%swap3A_222, %swap3A_223], %swap3A_226 {add = true, strides = array<i32>} : memref<200x64xf32, #tpu.memory_space<vmem>>, vector<1x16xf32>,
        %scan3A_227 = arith.constant 1 : i32
        %scan3A_228 = arith.addi %scan3A_188, %scan3A_227 : i32
        %mul3A_229 = arith.constant 1 : i32
        %mul3A_230 = arith.muli %scan3A_228, %mul3A_229 : i32
        %add3A_231 = arith.constant 0 : i32
        %add3A_232 = arith.addi %add3A_231, %mul3A_230 : i32
        %get3A_233 = arith.index_cast %add3A_232 : i32 to index
        %get3A_234 = arith.constant 0 : index
        %get3A_235 = tpu.vector_load %arg9[%get3A_233, %get3A_234] {strides = array<i32>} : memref<200x64xf32, #tpu.memory_space<vmem>>, vector<1x16xf32>,
        %get3A_236 = vector.shape_cast %get3A_235 : vector<1x16xf32> to vector<16xf32>
        %swap3A_237 = arith.index_cast %add3A_232 : i32 to index
        %swap3A_238 = arith.constant 0 : index
        %swap3A_239 = tpu.vector_load %arg7[%swap3A_237, %swap3A_238] {strides = array<i32>} : memref<200x64xf32, #tpu.memory_space<vmem>>, vector<1x16xf32>,
        %swap3A_240 = vector.shape_cast %swap3A_239 : vector<1x16xf32> to vector<16xf32>
        %swap3A_241 = vector.shape_cast %get3A_236 : vector<16xf32> to vector<1x16xf32>
        tpu.vector_store %arg7[%swap3A_237, %swap3A_238], %swap3A_241 {add = true, strides = array<i32>} : memref<200x64xf32, #tpu.memory_space<vmem>>, vector<1x16xf32>,
        %get3A_242 = arith.index_cast %add3A_232 : i32 to index
        %get3A_243 = arith.constant 16 : index
        %get3A_244 = tpu.vector_load %arg9[%get3A_242, %get3A_243] {strides = array<i32>} : memref<200x64xf32, #tpu.memory_space<vmem>>, vector<1x16xf32>,
        %get3A_245 = vector.shape_cast %get3A_244 : vector<1x16xf32> to vector<16xf32>
        %swap3A_246 = arith.index_cast %add3A_232 : i32 to index
        %swap3A_247 = arith.constant 16 : index
        %swap3A_248 = tpu.vector_load %arg7[%swap3A_246, %swap3A_247] {strides = array<i32>} : memref<200x64xf32, #tpu.memory_space<vmem>>, vector<1x16xf32>,
        %swap3A_249 = vector.shape_cast %swap3A_248 : vector<1x16xf32> to vector<16xf32>
        %swap3A_250 = vector.shape_cast %get3A_245 : vector<16xf32> to vector<1x16xf32>
        tpu.vector_store %arg7[%swap3A_246, %swap3A_247], %swap3A_250 {add = true, strides = array<i32>} : memref<200x64xf32, #tpu.memory_space<vmem>>, vector<1x16xf32>,
        %get3A_251 = arith.index_cast %add3A_232 : i32 to index
        %get3A_252 = arith.constant 32 : index
        %get3A_253 = tpu.vector_load %arg9[%get3A_251, %get3A_252] {strides = array<i32>} : memref<200x64xf32, #tpu.memory_space<vmem>>, vector<1x16xf32>,
        %get3A_254 = vector.shape_cast %get3A_253 : vector<1x16xf32> to vector<16xf32>
        %swap3A_255 = arith.index_cast %add3A_232 : i32 to index
        %swap3A_256 = arith.constant 32 : index
        %swap3A_257 = tpu.vector_load %arg7[%swap3A_255, %swap3A_256] {strides = array<i32>} : memref<200x64xf32, #tpu.memory_space<vmem>>, vector<1x16xf32>,
        %swap3A_258 = vector.shape_cast %swap3A_257 : vector<1x16xf32> to vector<16xf32>
        %swap3A_259 = vector.shape_cast %get3A_254 : vector<16xf32> to vector<1x16xf32>
        tpu.vector_store %arg7[%swap3A_255, %swap3A_256], %swap3A_259 {add = true, strides = array<i32>} : memref<200x64xf32, #tpu.memory_space<vmem>>, vector<1x16xf32>,
        %get3A_260 = arith.index_cast %add3A_232 : i32 to index
        %get3A_261 = arith.constant 48 : index
        %get3A_262 = tpu.vector_load %arg9[%get3A_260, %get3A_261] {strides = array<i32>} : memref<200x64xf32, #tpu.memory_space<vmem>>, vector<1x16xf32>,
        %get3A_263 = vector.shape_cast %get3A_262 : vector<1x16xf32> to vector<16xf32>
        %swap3A_264 = arith.index_cast %add3A_232 : i32 to index
        %swap3A_265 = arith.constant 48 : index
        %swap3A_266 = tpu.vector_load %arg7[%swap3A_264, %swap3A_265] {strides = array<i32>} : memref<200x64xf32, #tpu.memory_space<vmem>>, vector<1x16xf32>,
        %swap3A_267 = vector.shape_cast %swap3A_266 : vector<1x16xf32> to vector<16xf32>
        %swap3A_268 = vector.shape_cast %get3A_263 : vector<16xf32> to vector<1x16xf32>
        tpu.vector_store %arg7[%swap3A_264, %swap3A_265], %swap3A_268 {add = true, strides = array<i32>} : memref<200x64xf32, #tpu.memory_space<vmem>>, vector<1x16xf32>,
        %scan3A_269 = arith.constant 2 : i32
        %scan3A_270 = arith.addi %scan3A_188, %scan3A_269 : i32
        %mul3A_271 = arith.constant 1 : i32
        %mul3A_272 = arith.muli %scan3A_270, %mul3A_271 : i32
        %add3A_273 = arith.constant 0 : i32
        %add3A_274 = arith.addi %add3A_273, %mul3A_272 : i32
        %get3A_275 = arith.index_cast %add3A_274 : i32 to index
        %get3A_276 = arith.constant 0 : index
        %get3A_277 = tpu.vector_load %arg9[%get3A_275, %get3A_276] {strides = array<i32>} : memref<200x64xf32, #tpu.memory_space<vmem>>, vector<1x16xf32>,
        %get3A_278 = vector.shape_cast %get3A_277 : vector<1x16xf32> to vector<16xf32>
        %swap3A_279 = arith.index_cast %add3A_274 : i32 to index
        %swap3A_280 = arith.constant 0 : index
        %swap3A_281 = tpu.vector_load %arg7[%swap3A_279, %swap3A_280] {strides = array<i32>} : memref<200x64xf32, #tpu.memory_space<vmem>>, vector<1x16xf32>,
        %swap3A_282 = vector.shape_cast %swap3A_281 : vector<1x16xf32> to vector<16xf32>
        %swap3A_283 = vector.shape_cast %get3A_278 : vector<16xf32> to vector<1x16xf32>
        tpu.vector_store %arg7[%swap3A_279, %swap3A_280], %swap3A_283 {add = true, strides = array<i32>} : memref<200x64xf32, #tpu.memory_space<vmem>>, vector<1x16xf32>,
        %get3A_284 = arith.index_cast %add3A_274 : i32 to index
        %get3A_285 = arith.constant 16 : index
        %get3A_286 = tpu.vector_load %arg9[%get3A_284, %get3A_285] {strides = array<i32>} : memref<200x64xf32, #tpu.memory_space<vmem>>, vector<1x16xf32>,
        %get3A_287 = vector.shape_cast %get3A_286 : vector<1x16xf32> to vector<16xf32>
        %swap3A_288 = arith.index_cast %add3A_274 : i32 to index
        %swap3A_289 = arith.constant 16 : index
        %swap3A_290 = tpu.vector_load %arg7[%swap3A_288, %swap3A_289] {strides = array<i32>} : memref<200x64xf32, #tpu.memory_space<vmem>>, vector<1x16xf32>,
        %swap3A_291 = vector.shape_cast %swap3A_290 : vector<1x16xf32> to vector<16xf32>
        %swap3A_292 = vector.shape_cast %get3A_287 : vector<16xf32> to vector<1x16xf32>
        tpu.vector_store %arg7[%swap3A_288, %swap3A_289], %swap3A_292 {add = true, strides = array<i32>} : memref<200x64xf32, #tpu.memory_space<vmem>>, vector<1x16xf32>,
        %get3A_293 = arith.index_cast %add3A_274 : i32 to index
        %get3A_294 = arith.constant 32 : index
        %get3A_295 = tpu.vector_load %arg9[%get3A_293, %get3A_294] {strides = array<i32>} : memref<200x64xf32, #tpu.memory_space<vmem>>, vector<1x16xf32>,
        %get3A_296 = vector.shape_cast %get3A_295 : vector<1x16xf32> to vector<16xf32>
        %swap3A_297 = arith.index_cast %add3A_274 : i32 to index
        %swap3A_298 = arith.constant 32 : index
        %swap3A_299 = tpu.vector_load %arg7[%swap3A_297, %swap3A_298] {strides = array<i32>} : memref<200x64xf32, #tpu.memory_space<vmem>>, vector<1x16xf32>,
        %swap3A_300 = vector.shape_cast %swap3A_299 : vector<1x16xf32> to vector<16xf32>
        %swap3A_301 = vector.shape_cast %get3A_296 : vector<16xf32> to vector<1x16xf32>
        tpu.vector_store %arg7[%swap3A_297, %swap3A_298], %swap3A_301 {add = true, strides = array<i32>} : memref<200x64xf32, #tpu.memory_space<vmem>>, vector<1x16xf32>,
        %get3A_302 = arith.index_cast %add3A_274 : i32 to index
        %get3A_303 = arith.constant 48 : index
        %get3A_304 = tpu.vector_load %arg9[%get3A_302, %get3A_303] {strides = array<i32>} : memref<200x64xf32, #tpu.memory_space<vmem>>, vector<1x16xf32>,
        %get3A_305 = vector.shape_cast %get3A_304 : vector<1x16xf32> to vector<16xf32>
        %swap3A_306 = arith.index_cast %add3A_274 : i32 to index
        %swap3A_307 = arith.constant 48 : index
        %swap3A_308 = tpu.vector_load %arg7[%swap3A_306, %swap3A_307] {strides = array<i32>} : memref<200x64xf32, #tpu.memory_space<vmem>>, vector<1x16xf32>,
        %swap3A_309 = vector.shape_cast %swap3A_308 : vector<1x16xf32> to vector<16xf32>
        %swap3A_310 = vector.shape_cast %get3A_305 : vector<16xf32> to vector<1x16xf32>
        tpu.vector_store %arg7[%swap3A_306, %swap3A_307], %swap3A_310 {add = true, strides = array<i32>} : memref<200x64xf32, #tpu.memory_space<vmem>>, vector<1x16xf32>,
        %scan3A_311 = arith.constant 3 : i32
        %scan3A_312 = arith.addi %scan3A_188, %scan3A_311 : i32
        %mul3A_313 = arith.constant 1 : i32
        %mul3A_314 = arith.muli %scan3A_312, %mul3A_313 : i32
        %add3A_315 = arith.constant 0 : i32
        %add3A_316 = arith.addi %add3A_315, %mul3A_314 : i32
        %get3A_317 = arith.index_cast %add3A_316 : i32 to index
        %get3A_318 = arith.constant 0 : index
        %get3A_319 = tpu.vector_load %arg9[%get3A_317, %get3A_318] {strides = array<i32>} : memref<200x64xf32, #tpu.memory_space<vmem>>, vector<1x16xf32>,
        %get3A_320 = vector.shape_cast %get3A_319 : vector<1x16xf32> to vector<16xf32>
        %swap3A_321 = arith.index_cast %add3A_316 : i32 to index
        %swap3A_322 = arith.constant 0 : index
        %swap3A_323 = tpu.vector_load %arg7[%swap3A_321, %swap3A_322] {strides = array<i32>} : memref<200x64xf32, #tpu.memory_space<vmem>>, vector<1x16xf32>,
        %swap3A_324 = vector.shape_cast %swap3A_323 : vector<1x16xf32> to vector<16xf32>
        %swap3A_325 = vector.shape_cast %get3A_320 : vector<16xf32> to vector<1x16xf32>
        tpu.vector_store %arg7[%swap3A_321, %swap3A_322], %swap3A_325 {add = true, strides = array<i32>} : memref<200x64xf32, #tpu.memory_space<vmem>>, vector<1x16xf32>,
        %get3A_326 = arith.index_cast %add3A_316 : i32 to index
        %get3A_327 = arith.constant 16 : index
        %get3A_328 = tpu.vector_load %arg9[%get3A_326, %get3A_327] {strides = array<i32>} : memref<200x64xf32, #tpu.memory_space<vmem>>, vector<1x16xf32>,
        %get3A_329 = vector.shape_cast %get3A_328 : vector<1x16xf32> to vector<16xf32>
        %swap3A_330 = arith.index_cast %add3A_316 : i32 to index
        %swap3A_331 = arith.constant 16 : index
        %swap3A_332 = tpu.vector_load %arg7[%swap3A_330, %swap3A_331] {strides = array<i32>} : memref<200x64xf32, #tpu.memory_space<vmem>>, vector<1x16xf32>,
        %swap3A_333 = vector.shape_cast %swap3A_332 : vector<1x16xf32> to vector<16xf32>
        %swap3A_334 = vector.shape_cast %get3A_329 : vector<16xf32> to vector<1x16xf32>
        tpu.vector_store %arg7[%swap3A_330, %swap3A_331], %swap3A_334 {add = true, strides = array<i32>} : memref<200x64xf32, #tpu.memory_space<vmem>>, vector<1x16xf32>,
        %get3A_335 = arith.index_cast %add3A_316 : i32 to index
        %get3A_336 = arith.constant 32 : index
        %get3A_337 = tpu.vector_load %arg9[%get3A_335, %get3A_336] {strides = array<i32>} : memref<200x64xf32, #tpu.memory_space<vmem>>, vector<1x16xf32>,
        %get3A_338 = vector.shape_cast %get3A_337 : vector<1x16xf32> to vector<16xf32>
        %swap3A_339 = arith.index_cast %add3A_316 : i32 to index
        %swap3A_340 = arith.constant 32 : index
        %swap3A_341 = tpu.vector_load %arg7[%swap3A_339, %swap3A_340] {strides = array<i32>} : memref<200x64xf32, #tpu.memory_space<vmem>>, vector<1x16xf32>,
        %swap3A_342 = vector.shape_cast %swap3A_341 : vector<1x16xf32> to vector<16xf32>
        %swap3A_343 = vector.shape_cast %get3A_338 : vector<16xf32> to vector<1x16xf32>
        tpu.vector_store %arg7[%swap3A_339, %swap3A_340], %swap3A_343 {add = true, strides = array<i32>} : memref<200x64xf32, #tpu.memory_space<vmem>>, vector<1x16xf32>,
        %get3A_344 = arith.index_cast %add3A_316 : i32 to index
        %get3A_345 = arith.constant 48 : index
        %get3A_346 = tpu.vector_load %arg9[%get3A_344, %get3A_345] {strides = array<i32>} : memref<200x64xf32, #tpu.memory_space<vmem>>, vector<1x16xf32>,
        %get3A_347 = vector.shape_cast %get3A_346 : vector<1x16xf32> to vector<16xf32>
        %swap3A_348 = arith.index_cast %add3A_316 : i32 to index
        %swap3A_349 = arith.constant 48 : index
        %swap3A_350 = tpu.vector_load %arg7[%swap3A_348, %swap3A_349] {strides = array<i32>} : memref<200x64xf32, #tpu.memory_space<vmem>>, vector<1x16xf32>,
        %swap3A_351 = vector.shape_cast %swap3A_350 : vector<1x16xf32> to vector<16xf32>
        %swap3A_352 = vector.shape_cast %get3A_347 : vector<16xf32> to vector<1x16xf32>
        tpu.vector_store %arg7[%swap3A_348, %swap3A_349], %swap3A_352 {add = true, strides = array<i32>} : memref<200x64xf32, #tpu.memory_space<vmem>>, vector<1x16xf32>,
      }
      %scan3A_134 = arith.constant 200 : i32
      %mul3A_135 = arith.constant 200 : i32
      %mul3A_136 = arith.muli %add3A_89, %mul3A_135 : i32
      %add3A_137 = arith.addi %mul3A_2, %mul3A_136 : i32
      "tpu.region"() ({
        %run_scoped3A = tpu.sem_alloc : memref<!tpu.dma_semaphore, #tpu.memory_space<semaphore_mem>>
        %dma_start3A_188 = arith.constant 0 : i32
        %dma_start3A_189 = tpu.memref_slice %arg5[%add3A_137, %dma_start3A_188] : memref<819200x64xf32, #tpu.memory_space<hbm>> -> memref<200x64xf32, #tpu.memory_space<hbm>>
        %dma_start3A_190 = arith.constant 0 : i32
        %dma_start3A_191 = tpu.memref_slice %arg5[%add3A_137, %dma_start3A_190] : memref<819200x64xf32, #tpu.memory_space<hbm>> -> memref<200x64xf32, #tpu.memory_space<hbm>>
        tpu.enqueue_dma source(%arg7 : memref<200x64xf32, #tpu.memory_space<vmem>>) target(%dma_start3A_191 : memref<200x64xf32, #tpu.memory_space<hbm>>) target_semaphore(%run_scoped3A : memref<!tpu.dma_semaphore, #tpu.memory_space<semaphore_mem>>)
        %dma_wait3A_192 = arith.constant 0 : i32
        %dma_wait3A_193 = tpu.memref_slice %arg5[%add3A_137, %dma_wait3A_192] : memref<819200x64xf32, #tpu.memory_space<hbm>> -> memref<200x64xf32, #tpu.memory_space<hbm>>
        %dma_wait3A_194 = arith.constant 0 : i32
        %dma_wait3A_195 = tpu.memref_slice %arg5[%add3A_137, %dma_wait3A_194] : memref<819200x64xf32, #tpu.memory_space<hbm>> -> memref<200x64xf32, #tpu.memory_space<hbm>>
        tpu.wait_dma2 semaphore(%run_scoped3A : memref<!tpu.dma_semaphore, #tpu.memory_space<semaphore_mem>>) src(%arg7 : memref<200x64xf32, #tpu.memory_space<vmem>>) dst(%dma_wait3A_195 : memref<200x64xf32, #tpu.memory_space<hbm>>)
        tpu.yield
      }) : () -> ()
      %add3A_138 = arith.constant 1 : i32
      %add3A_139 = arith.addi %add3A_87, %add3A_138 : i32
      %add3A_140 = arith.constant 1 : i32
      %add3A_141 = arith.addi %add3A_139, %add3A_140 : i32
      %mul3A_142 = arith.constant 200 : i32
      %mul3A_143 = arith.muli %add3A_141, %mul3A_142 : i32
      %add3A_144 = arith.constant 0 : i32
      %add3A_145 = arith.addi %mul3A_143, %add3A_144 : i32
      %dma_start3A_146 = arith.constant 0 : i32
      %dma_start3A_147 = arith.constant 0 : i32
      %dma_start3A_148 = tpu.memref_slice %arg7[%dma_start3A_146, %dma_start3A_147] : memref<200x64xf32, #tpu.memory_space<vmem>> -> memref<104x64xf32, #tpu.memory_space<vmem>>
      %dma_start3A_149 = tpu.memref_slice %arg6[%add3A_145] : memref<25600xi32, #tpu.memory_space<vmem>> -> memref<104xi32, #tpu.memory_space<vmem>>
      %dma_start3A_150 = arith.constant 0 : i32
      %dma_start3A_151 = arith.constant 0 : i32
      %dma_start3A_152 = tpu.memref_slice %arg4[%dma_start3A_150, %dma_start3A_151] : memref<1000000x64xf32, #tpu.memory_space<hbm>> -> memref<1000000x64xf32, #tpu.memory_space<hbm>>
      tpu.enqueue_indirect_dma source(%dma_start3A_152 : memref<1000000x64xf32, #tpu.memory_space<hbm>>) target(%dma_start3A_148 : memref<104x64xf32, #tpu.memory_space<vmem>>) offsets(%dma_start3A_149 : memref<104xi32, #tpu.memory_space<vmem>>) semaphore(%arg10 : memref<!tpu.dma_semaphore, #tpu.memory_space<semaphore_mem>>)
      %mul3A_153 = arith.constant 200 : i32
      %mul3A_154 = arith.muli %add3A_141, %mul3A_153 : i32
      %add3A_155 = arith.constant 104 : i32
      %add3A_156 = arith.addi %mul3A_154, %add3A_155 : i32
      %dma_start3A_157 = arith.constant 104 : i32
      %dma_start3A_158 = arith.constant 0 : i32
      %dma_start3A_159 = tpu.memref_slice %arg7[%dma_start3A_157, %dma_start3A_158] : memref<200x64xf32, #tpu.memory_space<vmem>> -> memref<96x64xf32, #tpu.memory_space<vmem>>
      %dma_start3A_160 = tpu.memref_slice %arg6[%add3A_156] : memref<25600xi32, #tpu.memory_space<vmem>> -> memref<96xi32, #tpu.memory_space<vmem>>
      %dma_start3A_161 = arith.constant 0 : i32
      %dma_start3A_162 = arith.constant 0 : i32
      %dma_start3A_163 = tpu.memref_slice %arg4[%dma_start3A_161, %dma_start3A_162] : memref<1000000x64xf32, #tpu.memory_space<hbm>> -> memref<1000000x64xf32, #tpu.memory_space<hbm>>
      tpu.enqueue_indirect_dma source(%dma_start3A_163 : memref<1000000x64xf32, #tpu.memory_space<hbm>>) target(%dma_start3A_159 : memref<96x64xf32, #tpu.memory_space<vmem>>) offsets(%dma_start3A_160 : memref<96xi32, #tpu.memory_space<vmem>>) semaphore(%arg10 : memref<!tpu.dma_semaphore, #tpu.memory_space<semaphore_mem>>)
      %dma_wait3A_164 = arith.constant 0 : i32
      %dma_wait3A_165 = arith.constant 0 : i32
      %dma_wait3A_166 = tpu.memref_slice %arg8[%dma_wait3A_164, %dma_wait3A_165] : memref<200x64xf32, #tpu.memory_space<vmem>> -> memref<104x64xf32, #tpu.memory_space<vmem>>
      %dma_wait3A_167 = arith.constant 0 : i32
      %dma_wait3A_168 = tpu.memref_slice %arg6[%dma_wait3A_167] : memref<25600xi32, #tpu.memory_space<vmem>> -> memref<104xi32, #tpu.memory_space<vmem>>
      %dma_wait3A_169 = arith.constant 0 : i32
      %dma_wait3A_170 = arith.constant 0 : i32
      %dma_wait3A_171 = tpu.memref_slice %arg4[%dma_wait3A_169, %dma_wait3A_170] : memref<1000000x64xf32, #tpu.memory_space<hbm>> -> memref<1000000x64xf32, #tpu.memory_space<hbm>>
      tpu.wait_indirect_dma semaphore(%arg11 : memref<!tpu.dma_semaphore, #tpu.memory_space<semaphore_mem>>) src(%dma_wait3A_171 : memref<1000000x64xf32, #tpu.memory_space<hbm>>) dst(%dma_wait3A_166 : memref<104x64xf32, #tpu.memory_space<vmem>>)
      %dma_wait3A_172 = arith.constant 104 : i32
      %dma_wait3A_173 = arith.constant 0 : i32
      %dma_wait3A_174 = tpu.memref_slice %arg8[%dma_wait3A_172, %dma_wait3A_173] : memref<200x64xf32, #tpu.memory_space<vmem>> -> memref<96x64xf32, #tpu.memory_space<vmem>>
      %dma_wait3A_175 = arith.constant 104 : i32
      %dma_wait3A_176 = tpu.memref_slice %arg6[%dma_wait3A_175] : memref<25600xi32, #tpu.memory_space<vmem>> -> memref<96xi32, #tpu.memory_space<vmem>>
      %dma_wait3A_177 = arith.constant 0 : i32
      %dma_wait3A_178 = arith.constant 0 : i32
      %dma_wait3A_179 = tpu.memref_slice %arg4[%dma_wait3A_177, %dma_wait3A_178] : memref<1000000x64xf32, #tpu.memory_space<hbm>> -> memref<1000000x64xf32, #tpu.memory_space<hbm>>
      tpu.wait_indirect_dma semaphore(%arg11 : memref<!tpu.dma_semaphore, #tpu.memory_space<semaphore_mem>>) src(%dma_wait3A_179 : memref<1000000x64xf32, #tpu.memory_space<hbm>>) dst(%dma_wait3A_174 : memref<96x64xf32, #tpu.memory_space<vmem>>)
      %scan3A_180 = arith.constant 0 : i32
      %scan3A_181 = arith.constant 200 : i32
      %scan3A_182 = arith.addi %scan3A_180, %scan3A_181 : i32
      %scan3A_183 = arith.constant 4 : i32
      scf.for %scan3A_188 = %scan3A_180 to %scan3A_182 step %scan3A_183  : i32 {
        %mul3A_189 = arith.constant 1 : i32
        %mul3A_190 = arith.muli %scan3A_188, %mul3A_189 : i32
        %add3A_191 = arith.constant 0 : i32
        %add3A_192 = arith.addi %add3A_191, %mul3A_190 : i32
        %get3A = arith.index_cast %add3A_192 : i32 to index
        %get3A_193 = arith.constant 0 : index
        %get3A_194 = tpu.vector_load %arg9[%get3A, %get3A_193] {strides = array<i32>} : memref<200x64xf32, #tpu.memory_space<vmem>>, vector<1x16xf32>,
        %get3A_195 = vector.shape_cast %get3A_194 : vector<1x16xf32> to vector<16xf32>
        %swap3A = arith.index_cast %add3A_192 : i32 to index
        %swap3A_196 = arith.constant 0 : index
        %swap3A_197 = tpu.vector_load %arg8[%swap3A, %swap3A_196] {strides = array<i32>} : memref<200x64xf32, #tpu.memory_space<vmem>>, vector<1x16xf32>,
        %swap3A_198 = vector.shape_cast %swap3A_197 : vector<1x16xf32> to vector<16xf32>
        %swap3A_199 = vector.shape_cast %get3A_195 : vector<16xf32> to vector<1x16xf32>
        tpu.vector_store %arg8[%swap3A, %swap3A_196], %swap3A_199 {add = true, strides = array<i32>} : memref<200x64xf32, #tpu.memory_space<vmem>>, vector<1x16xf32>,
        %get3A_200 = arith.index_cast %add3A_192 : i32 to index
        %get3A_201 = arith.constant 16 : index
        %get3A_202 = tpu.vector_load %arg9[%get3A_200, %get3A_201] {strides = array<i32>} : memref<200x64xf32, #tpu.memory_space<vmem>>, vector<1x16xf32>,
        %get3A_203 = vector.shape_cast %get3A_202 : vector<1x16xf32> to vector<16xf32>
        %swap3A_204 = arith.index_cast %add3A_192 : i32 to index
        %swap3A_205 = arith.constant 16 : index
        %swap3A_206 = tpu.vector_load %arg8[%swap3A_204, %swap3A_205] {strides = array<i32>} : memref<200x64xf32, #tpu.memory_space<vmem>>, vector<1x16xf32>,
        %swap3A_207 = vector.shape_cast %swap3A_206 : vector<1x16xf32> to vector<16xf32>
        %swap3A_208 = vector.shape_cast %get3A_203 : vector<16xf32> to vector<1x16xf32>
        tpu.vector_store %arg8[%swap3A_204, %swap3A_205], %swap3A_208 {add = true, strides = array<i32>} : memref<200x64xf32, #tpu.memory_space<vmem>>, vector<1x16xf32>,
        %get3A_209 = arith.index_cast %add3A_192 : i32 to index
        %get3A_210 = arith.constant 32 : index
        %get3A_211 = tpu.vector_load %arg9[%get3A_209, %get3A_210] {strides = array<i32>} : memref<200x64xf32, #tpu.memory_space<vmem>>, vector<1x16xf32>,
        %get3A_212 = vector.shape_cast %get3A_211 : vector<1x16xf32> to vector<16xf32>
        %swap3A_213 = arith.index_cast %add3A_192 : i32 to index
        %swap3A_214 = arith.constant 32 : index
        %swap3A_215 = tpu.vector_load %arg8[%swap3A_213, %swap3A_214] {strides = array<i32>} : memref<200x64xf32, #tpu.memory_space<vmem>>, vector<1x16xf32>,
        %swap3A_216 = vector.shape_cast %swap3A_215 : vector<1x16xf32> to vector<16xf32>
        %swap3A_217 = vector.shape_cast %get3A_212 : vector<16xf32> to vector<1x16xf32>
        tpu.vector_store %arg8[%swap3A_213, %swap3A_214], %swap3A_217 {add = true, strides = array<i32>} : memref<200x64xf32, #tpu.memory_space<vmem>>, vector<1x16xf32>,
        %get3A_218 = arith.index_cast %add3A_192 : i32 to index
        %get3A_219 = arith.constant 48 : index
        %get3A_220 = tpu.vector_load %arg9[%get3A_218, %get3A_219] {strides = array<i32>} : memref<200x64xf32, #tpu.memory_space<vmem>>, vector<1x16xf32>,
        %get3A_221 = vector.shape_cast %get3A_220 : vector<1x16xf32> to vector<16xf32>
        %swap3A_222 = arith.index_cast %add3A_192 : i32 to index
        %swap3A_223 = arith.constant 48 : index
        %swap3A_224 = tpu.vector_load %arg8[%swap3A_222, %swap3A_223] {strides = array<i32>} : memref<200x64xf32, #tpu.memory_space<vmem>>, vector<1x16xf32>,
        %swap3A_225 = vector.shape_cast %swap3A_224 : vector<1x16xf32> to vector<16xf32>
        %swap3A_226 = vector.shape_cast %get3A_221 : vector<16xf32> to vector<1x16xf32>
        tpu.vector_store %arg8[%swap3A_222, %swap3A_223], %swap3A_226 {add = true, strides = array<i32>} : memref<200x64xf32, #tpu.memory_space<vmem>>, vector<1x16xf32>,
        %scan3A_227 = arith.constant 1 : i32
        %scan3A_228 = arith.addi %scan3A_188, %scan3A_227 : i32
        %mul3A_229 = arith.constant 1 : i32
        %mul3A_230 = arith.muli %scan3A_228, %mul3A_229 : i32
        %add3A_231 = arith.constant 0 : i32
        %add3A_232 = arith.addi %add3A_231, %mul3A_230 : i32
        %get3A_233 = arith.index_cast %add3A_232 : i32 to index
        %get3A_234 = arith.constant 0 : index
        %get3A_235 = tpu.vector_load %arg9[%get3A_233, %get3A_234] {strides = array<i32>} : memref<200x64xf32, #tpu.memory_space<vmem>>, vector<1x16xf32>,
        %get3A_236 = vector.shape_cast %get3A_235 : vector<1x16xf32> to vector<16xf32>
        %swap3A_237 = arith.index_cast %add3A_232 : i32 to index
        %swap3A_238 = arith.constant 0 : index
        %swap3A_239 = tpu.vector_load %arg8[%swap3A_237, %swap3A_238] {strides = array<i32>} : memref<200x64xf32, #tpu.memory_space<vmem>>, vector<1x16xf32>,
        %swap3A_240 = vector.shape_cast %swap3A_239 : vector<1x16xf32> to vector<16xf32>
        %swap3A_241 = vector.shape_cast %get3A_236 : vector<16xf32> to vector<1x16xf32>
        tpu.vector_store %arg8[%swap3A_237, %swap3A_238], %swap3A_241 {add = true, strides = array<i32>} : memref<200x64xf32, #tpu.memory_space<vmem>>, vector<1x16xf32>,
        %get3A_242 = arith.index_cast %add3A_232 : i32 to index
        %get3A_243 = arith.constant 16 : index
        %get3A_244 = tpu.vector_load %arg9[%get3A_242, %get3A_243] {strides = array<i32>} : memref<200x64xf32, #tpu.memory_space<vmem>>, vector<1x16xf32>,
        %get3A_245 = vector.shape_cast %get3A_244 : vector<1x16xf32> to vector<16xf32>
        %swap3A_246 = arith.index_cast %add3A_232 : i32 to index
        %swap3A_247 = arith.constant 16 : index
        %swap3A_248 = tpu.vector_load %arg8[%swap3A_246, %swap3A_247] {strides = array<i32>} : memref<200x64xf32, #tpu.memory_space<vmem>>, vector<1x16xf32>,
        %swap3A_249 = vector.shape_cast %swap3A_248 : vector<1x16xf32> to vector<16xf32>
        %swap3A_250 = vector.shape_cast %get3A_245 : vector<16xf32> to vector<1x16xf32>
        tpu.vector_store %arg8[%swap3A_246, %swap3A_247], %swap3A_250 {add = true, strides = array<i32>} : memref<200x64xf32, #tpu.memory_space<vmem>>, vector<1x16xf32>,
        %get3A_251 = arith.index_cast %add3A_232 : i32 to index
        %get3A_252 = arith.constant 32 : index
        %get3A_253 = tpu.vector_load %arg9[%get3A_251, %get3A_252] {strides = array<i32>} : memref<200x64xf32, #tpu.memory_space<vmem>>, vector<1x16xf32>,
        %get3A_254 = vector.shape_cast %get3A_253 : vector<1x16xf32> to vector<16xf32>
        %swap3A_255 = arith.index_cast %add3A_232 : i32 to index
        %swap3A_256 = arith.constant 32 : index
        %swap3A_257 = tpu.vector_load %arg8[%swap3A_255, %swap3A_256] {strides = array<i32>} : memref<200x64xf32, #tpu.memory_space<vmem>>, vector<1x16xf32>,
        %swap3A_258 = vector.shape_cast %swap3A_257 : vector<1x16xf32> to vector<16xf32>
        %swap3A_259 = vector.shape_cast %get3A_254 : vector<16xf32> to vector<1x16xf32>
        tpu.vector_store %arg8[%swap3A_255, %swap3A_256], %swap3A_259 {add = true, strides = array<i32>} : memref<200x64xf32, #tpu.memory_space<vmem>>, vector<1x16xf32>,
        %get3A_260 = arith.index_cast %add3A_232 : i32 to index
        %get3A_261 = arith.constant 48 : index
        %get3A_262 = tpu.vector_load %arg9[%get3A_260, %get3A_261] {strides = array<i32>} : memref<200x64xf32, #tpu.memory_space<vmem>>, vector<1x16xf32>,
        %get3A_263 = vector.shape_cast %get3A_262 : vector<1x16xf32> to vector<16xf32>
        %swap3A_264 = arith.index_cast %add3A_232 : i32 to index
        %swap3A_265 = arith.constant 48 : index
        %swap3A_266 = tpu.vector_load %arg8[%swap3A_264, %swap3A_265] {strides = array<i32>} : memref<200x64xf32, #tpu.memory_space<vmem>>, vector<1x16xf32>,
        %swap3A_267 = vector.shape_cast %swap3A_266 : vector<1x16xf32> to vector<16xf32>
        %swap3A_268 = vector.shape_cast %get3A_263 : vector<16xf32> to vector<1x16xf32>
        tpu.vector_store %arg8[%swap3A_264, %swap3A_265], %swap3A_268 {add = true, strides = array<i32>} : memref<200x64xf32, #tpu.memory_space<vmem>>, vector<1x16xf32>,
        %scan3A_269 = arith.constant 2 : i32
        %scan3A_270 = arith.addi %scan3A_188, %scan3A_269 : i32
        %mul3A_271 = arith.constant 1 : i32
        %mul3A_272 = arith.muli %scan3A_270, %mul3A_271 : i32
        %add3A_273 = arith.constant 0 : i32
        %add3A_274 = arith.addi %add3A_273, %mul3A_272 : i32
        %get3A_275 = arith.index_cast %add3A_274 : i32 to index
        %get3A_276 = arith.constant 0 : index
        %get3A_277 = tpu.vector_load %arg9[%get3A_275, %get3A_276] {strides = array<i32>} : memref<200x64xf32, #tpu.memory_space<vmem>>, vector<1x16xf32>,
        %get3A_278 = vector.shape_cast %get3A_277 : vector<1x16xf32> to vector<16xf32>
        %swap3A_279 = arith.index_cast %add3A_274 : i32 to index
        %swap3A_280 = arith.constant 0 : index
        %swap3A_281 = tpu.vector_load %arg8[%swap3A_279, %swap3A_280] {strides = array<i32>} : memref<200x64xf32, #tpu.memory_space<vmem>>, vector<1x16xf32>,
        %swap3A_282 = vector.shape_cast %swap3A_281 : vector<1x16xf32> to vector<16xf32>
        %swap3A_283 = vector.shape_cast %get3A_278 : vector<16xf32> to vector<1x16xf32>
        tpu.vector_store %arg8[%swap3A_279, %swap3A_280], %swap3A_283 {add = true, strides = array<i32>} : memref<200x64xf32, #tpu.memory_space<vmem>>, vector<1x16xf32>,
        %get3A_284 = arith.index_cast %add3A_274 : i32 to index
        %get3A_285 = arith.constant 16 : index
        %get3A_286 = tpu.vector_load %arg9[%get3A_284, %get3A_285] {strides = array<i32>} : memref<200x64xf32, #tpu.memory_space<vmem>>, vector<1x16xf32>,
        %get3A_287 = vector.shape_cast %get3A_286 : vector<1x16xf32> to vector<16xf32>
        %swap3A_288 = arith.index_cast %add3A_274 : i32 to index
        %swap3A_289 = arith.constant 16 : index
        %swap3A_290 = tpu.vector_load %arg8[%swap3A_288, %swap3A_289] {strides = array<i32>} : memref<200x64xf32, #tpu.memory_space<vmem>>, vector<1x16xf32>,
        %swap3A_291 = vector.shape_cast %swap3A_290 : vector<1x16xf32> to vector<16xf32>
        %swap3A_292 = vector.shape_cast %get3A_287 : vector<16xf32> to vector<1x16xf32>
        tpu.vector_store %arg8[%swap3A_288, %swap3A_289], %swap3A_292 {add = true, strides = array<i32>} : memref<200x64xf32, #tpu.memory_space<vmem>>, vector<1x16xf32>,
        %get3A_293 = arith.index_cast %add3A_274 : i32 to index
        %get3A_294 = arith.constant 32 : index
        %get3A_295 = tpu.vector_load %arg9[%get3A_293, %get3A_294] {strides = array<i32>} : memref<200x64xf32, #tpu.memory_space<vmem>>, vector<1x16xf32>,
        %get3A_296 = vector.shape_cast %get3A_295 : vector<1x16xf32> to vector<16xf32>
        %swap3A_297 = arith.index_cast %add3A_274 : i32 to index
        %swap3A_298 = arith.constant 32 : index
        %swap3A_299 = tpu.vector_load %arg8[%swap3A_297, %swap3A_298] {strides = array<i32>} : memref<200x64xf32, #tpu.memory_space<vmem>>, vector<1x16xf32>,
        %swap3A_300 = vector.shape_cast %swap3A_299 : vector<1x16xf32> to vector<16xf32>
        %swap3A_301 = vector.shape_cast %get3A_296 : vector<16xf32> to vector<1x16xf32>
        tpu.vector_store %arg8[%swap3A_297, %swap3A_298], %swap3A_301 {add = true, strides = array<i32>} : memref<200x64xf32, #tpu.memory_space<vmem>>, vector<1x16xf32>,
        %get3A_302 = arith.index_cast %add3A_274 : i32 to index
        %get3A_303 = arith.constant 48 : index
        %get3A_304 = tpu.vector_load %arg9[%get3A_302, %get3A_303] {strides = array<i32>} : memref<200x64xf32, #tpu.memory_space<vmem>>, vector<1x16xf32>,
        %get3A_305 = vector.shape_cast %get3A_304 : vector<1x16xf32> to vector<16xf32>
        %swap3A_306 = arith.index_cast %add3A_274 : i32 to index
        %swap3A_307 = arith.constant 48 : index
        %swap3A_308 = tpu.vector_load %arg8[%swap3A_306, %swap3A_307] {strides = array<i32>} : memref<200x64xf32, #tpu.memory_space<vmem>>, vector<1x16xf32>,
        %swap3A_309 = vector.shape_cast %swap3A_308 : vector<1x16xf32> to vector<16xf32>
        %swap3A_310 = vector.shape_cast %get3A_305 : vector<16xf32> to vector<1x16xf32>
        tpu.vector_store %arg8[%swap3A_306, %swap3A_307], %swap3A_310 {add = true, strides = array<i32>} : memref<200x64xf32, #tpu.memory_space<vmem>>, vector<1x16xf32>,
        %scan3A_311 = arith.constant 3 : i32
        %scan3A_312 = arith.addi %scan3A_188, %scan3A_311 : i32
        %mul3A_313 = arith.constant 1 : i32
        %mul3A_314 = arith.muli %scan3A_312, %mul3A_313 : i32
        %add3A_315 = arith.constant 0 : i32
        %add3A_316 = arith.addi %add3A_315, %mul3A_314 : i32
        %get3A_317 = arith.index_cast %add3A_316 : i32 to index
        %get3A_318 = arith.constant 0 : index
        %get3A_319 = tpu.vector_load %arg9[%get3A_317, %get3A_318] {strides = array<i32>} : memref<200x64xf32, #tpu.memory_space<vmem>>, vector<1x16xf32>,
        %get3A_320 = vector.shape_cast %get3A_319 : vector<1x16xf32> to vector<16xf32>
        %swap3A_321 = arith.index_cast %add3A_316 : i32 to index
        %swap3A_322 = arith.constant 0 : index
        %swap3A_323 = tpu.vector_load %arg8[%swap3A_321, %swap3A_322] {strides = array<i32>} : memref<200x64xf32, #tpu.memory_space<vmem>>, vector<1x16xf32>,
        %swap3A_324 = vector.shape_cast %swap3A_323 : vector<1x16xf32> to vector<16xf32>
        %swap3A_325 = vector.shape_cast %get3A_320 : vector<16xf32> to vector<1x16xf32>
        tpu.vector_store %arg8[%swap3A_321, %swap3A_322], %swap3A_325 {add = true, strides = array<i32>} : memref<200x64xf32, #tpu.memory_space<vmem>>, vector<1x16xf32>,
        %get3A_326 = arith.index_cast %add3A_316 : i32 to index
        %get3A_327 = arith.constant 16 : index
        %get3A_328 = tpu.vector_load %arg9[%get3A_326, %get3A_327] {strides = array<i32>} : memref<200x64xf32, #tpu.memory_space<vmem>>, vector<1x16xf32>,
        %get3A_329 = vector.shape_cast %get3A_328 : vector<1x16xf32> to vector<16xf32>
        %swap3A_330 = arith.index_cast %add3A_316 : i32 to index
        %swap3A_331 = arith.constant 16 : index
        %swap3A_332 = tpu.vector_load %arg8[%swap3A_330, %swap3A_331] {strides = array<i32>} : memref<200x64xf32, #tpu.memory_space<vmem>>, vector<1x16xf32>,
        %swap3A_333 = vector.shape_cast %swap3A_332 : vector<1x16xf32> to vector<16xf32>
        %swap3A_334 = vector.shape_cast %get3A_329 : vector<16xf32> to vector<1x16xf32>
        tpu.vector_store %arg8[%swap3A_330, %swap3A_331], %swap3A_334 {add = true, strides = array<i32>} : memref<200x64xf32, #tpu.memory_space<vmem>>, vector<1x16xf32>,
        %get3A_335 = arith.index_cast %add3A_316 : i32 to index
        %get3A_336 = arith.constant 32 : index
        %get3A_337 = tpu.vector_load %arg9[%get3A_335, %get3A_336] {strides = array<i32>} : memref<200x64xf32, #tpu.memory_space<vmem>>, vector<1x16xf32>,
        %get3A_338 = vector.shape_cast %get3A_337 : vector<1x16xf32> to vector<16xf32>
        %swap3A_339 = arith.index_cast %add3A_316 : i32 to index
        %swap3A_340 = arith.constant 32 : index
        %swap3A_341 = tpu.vector_load %arg8[%swap3A_339, %swap3A_340] {strides = array<i32>} : memref<200x64xf32, #tpu.memory_space<vmem>>, vector<1x16xf32>,
        %swap3A_342 = vector.shape_cast %swap3A_341 : vector<1x16xf32> to vector<16xf32>
        %swap3A_343 = vector.shape_cast %get3A_338 : vector<16xf32> to vector<1x16xf32>
        tpu.vector_store %arg8[%swap3A_339, %swap3A_340], %swap3A_343 {add = true, strides = array<i32>} : memref<200x64xf32, #tpu.memory_space<vmem>>, vector<1x16xf32>,
        %get3A_344 = arith.index_cast %add3A_316 : i32 to index
        %get3A_345 = arith.constant 48 : index
        %get3A_346 = tpu.vector_load %arg9[%get3A_344, %get3A_345] {strides = array<i32>} : memref<200x64xf32, #tpu.memory_space<vmem>>, vector<1x16xf32>,
        %get3A_347 = vector.shape_cast %get3A_346 : vector<1x16xf32> to vector<16xf32>
        %swap3A_348 = arith.index_cast %add3A_316 : i32 to index
        %swap3A_349 = arith.constant 48 : index
        %swap3A_350 = tpu.vector_load %arg8[%swap3A_348, %swap3A_349] {strides = array<i32>} : memref<200x64xf32, #tpu.memory_space<vmem>>, vector<1x16xf32>,
        %swap3A_351 = vector.shape_cast %swap3A_350 : vector<1x16xf32> to vector<16xf32>
        %swap3A_352 = vector.shape_cast %get3A_347 : vector<16xf32> to vector<1x16xf32>
        tpu.vector_store %arg8[%swap3A_348, %swap3A_349], %swap3A_352 {add = true, strides = array<i32>} : memref<200x64xf32, #tpu.memory_space<vmem>>, vector<1x16xf32>,
      }
      %scan3A_184 = arith.constant 200 : i32
      %mul3A_185 = arith.constant 200 : i32
      %mul3A_186 = arith.muli %add3A_139, %mul3A_185 : i32
      %add3A_187 = arith.addi %mul3A_2, %mul3A_186 : i32
      "tpu.region"() ({
        %run_scoped3A = tpu.sem_alloc : memref<!tpu.dma_semaphore, #tpu.memory_space<semaphore_mem>>
        %dma_start3A_188 = arith.constant 0 : i32
        %dma_start3A_189 = tpu.memref_slice %arg5[%add3A_187, %dma_start3A_188] : memref<819200x64xf32, #tpu.memory_space<hbm>> -> memref<200x64xf32, #tpu.memory_space<hbm>>
        %dma_start3A_190 = arith.constant 0 : i32
        %dma_start3A_191 = tpu.memref_slice %arg5[%add3A_187, %dma_start3A_190] : memref<819200x64xf32, #tpu.memory_space<hbm>> -> memref<200x64xf32, #tpu.memory_space<hbm>>
        tpu.enqueue_dma source(%arg8 : memref<200x64xf32, #tpu.memory_space<vmem>>) target(%dma_start3A_191 : memref<200x64xf32, #tpu.memory_space<hbm>>) target_semaphore(%run_scoped3A : memref<!tpu.dma_semaphore, #tpu.memory_space<semaphore_mem>>)
        %dma_wait3A_192 = arith.constant 0 : i32
        %dma_wait3A_193 = tpu.memref_slice %arg5[%add3A_187, %dma_wait3A_192] : memref<819200x64xf32, #tpu.memory_space<hbm>> -> memref<200x64xf32, #tpu.memory_space<hbm>>
        %dma_wait3A_194 = arith.constant 0 : i32
        %dma_wait3A_195 = tpu.memref_slice %arg5[%add3A_187, %dma_wait3A_194] : memref<819200x64xf32, #tpu.memory_space<hbm>> -> memref<200x64xf32, #tpu.memory_space<hbm>>
        tpu.wait_dma2 semaphore(%run_scoped3A : memref<!tpu.dma_semaphore, #tpu.memory_space<semaphore_mem>>) src(%arg8 : memref<200x64xf32, #tpu.memory_space<vmem>>) dst(%dma_wait3A_195 : memref<200x64xf32, #tpu.memory_space<hbm>>)
        tpu.yield
      }) : () -> ()
    }
    %scan3A_21 = arith.constant 63 : i32
    %dma_start3A_22 = arith.constant 0 : i32
    %dma_start3A_23 = arith.constant 0 : i32
    %dma_start3A_24 = tpu.memref_slice %arg8[%dma_start3A_22, %dma_start3A_23] : memref<200x64xf32, #tpu.memory_space<vmem>> -> memref<104x64xf32, #tpu.memory_space<vmem>>
    %dma_start3A_25 = arith.constant 25400 : i32
    %dma_start3A_26 = tpu.memref_slice %arg6[%dma_start3A_25] : memref<25600xi32, #tpu.memory_space<vmem>> -> memref<104xi32, #tpu.memory_space<vmem>>
    %dma_start3A_27 = arith.constant 0 : i32
    %dma_start3A_28 = arith.constant 0 : i32
    %dma_start3A_29 = tpu.memref_slice %arg4[%dma_start3A_27, %dma_start3A_28] : memref<1000000x64xf32, #tpu.memory_space<hbm>> -> memref<1000000x64xf32, #tpu.memory_space<hbm>>
    tpu.enqueue_indirect_dma source(%dma_start3A_29 : memref<1000000x64xf32, #tpu.memory_space<hbm>>) target(%dma_start3A_24 : memref<104x64xf32, #tpu.memory_space<vmem>>) offsets(%dma_start3A_26 : memref<104xi32, #tpu.memory_space<vmem>>) semaphore(%arg11 : memref<!tpu.dma_semaphore, #tpu.memory_space<semaphore_mem>>)
    %dma_start3A_30 = arith.constant 104 : i32
    %dma_start3A_31 = arith.constant 0 : i32
    %dma_start3A_32 = tpu.memref_slice %arg8[%dma_start3A_30, %dma_start3A_31] : memref<200x64xf32, #tpu.memory_space<vmem>> -> memref<96x64xf32, #tpu.memory_space<vmem>>
    %dma_start3A_33 = arith.constant 25504 : i32
    %dma_start3A_34 = tpu.memref_slice %arg6[%dma_start3A_33] : memref<25600xi32, #tpu.memory_space<vmem>> -> memref<96xi32, #tpu.memory_space<vmem>>
    %dma_start3A_35 = arith.constant 0 : i32
    %dma_start3A_36 = arith.constant 0 : i32
    %dma_start3A_37 = tpu.memref_slice %arg4[%dma_start3A_35, %dma_start3A_36] : memref<1000000x64xf32, #tpu.memory_space<hbm>> -> memref<1000000x64xf32, #tpu.memory_space<hbm>>
    tpu.enqueue_indirect_dma source(%dma_start3A_37 : memref<1000000x64xf32, #tpu.memory_space<hbm>>) target(%dma_start3A_32 : memref<96x64xf32, #tpu.memory_space<vmem>>) offsets(%dma_start3A_34 : memref<96xi32, #tpu.memory_space<vmem>>) semaphore(%arg11 : memref<!tpu.dma_semaphore, #tpu.memory_space<semaphore_mem>>)
    %dma_wait3A = arith.constant 0 : i32
    %dma_wait3A_38 = arith.constant 0 : i32
    %dma_wait3A_39 = tpu.memref_slice %arg7[%dma_wait3A, %dma_wait3A_38] : memref<200x64xf32, #tpu.memory_space<vmem>> -> memref<104x64xf32, #tpu.memory_space<vmem>>
    %dma_wait3A_40 = arith.constant 0 : i32
    %dma_wait3A_41 = tpu.memref_slice %arg6[%dma_wait3A_40] : memref<25600xi32, #tpu.memory_space<vmem>> -> memref<104xi32, #tpu.memory_space<vmem>>
    %dma_wait3A_42 = arith.constant 0 : i32
    %dma_wait3A_43 = arith.constant 0 : i32
    %dma_wait3A_44 = tpu.memref_slice %arg4[%dma_wait3A_42, %dma_wait3A_43] : memref<1000000x64xf32, #tpu.memory_space<hbm>> -> memref<1000000x64xf32, #tpu.memory_space<hbm>>
    tpu.wait_indirect_dma semaphore(%arg10 : memref<!tpu.dma_semaphore, #tpu.memory_space<semaphore_mem>>) src(%dma_wait3A_44 : memref<1000000x64xf32, #tpu.memory_space<hbm>>) dst(%dma_wait3A_39 : memref<104x64xf32, #tpu.memory_space<vmem>>)
    %dma_wait3A_45 = arith.constant 104 : i32
    %dma_wait3A_46 = arith.constant 0 : i32
    %dma_wait3A_47 = tpu.memref_slice %arg7[%dma_wait3A_45, %dma_wait3A_46] : memref<200x64xf32, #tpu.memory_space<vmem>> -> memref<96x64xf32, #tpu.memory_space<vmem>>
    %dma_wait3A_48 = arith.constant 104 : i32
    %dma_wait3A_49 = tpu.memref_slice %arg6[%dma_wait3A_48] : memref<25600xi32, #tpu.memory_space<vmem>> -> memref<96xi32, #tpu.memory_space<vmem>>
    %dma_wait3A_50 = arith.constant 0 : i32
    %dma_wait3A_51 = arith.constant 0 : i32
    %dma_wait3A_52 = tpu.memref_slice %arg4[%dma_wait3A_50, %dma_wait3A_51] : memref<1000000x64xf32, #tpu.memory_space<hbm>> -> memref<1000000x64xf32, #tpu.memory_space<hbm>>
    tpu.wait_indirect_dma semaphore(%arg10 : memref<!tpu.dma_semaphore, #tpu.memory_space<semaphore_mem>>) src(%dma_wait3A_52 : memref<1000000x64xf32, #tpu.memory_space<hbm>>) dst(%dma_wait3A_47 : memref<96x64xf32, #tpu.memory_space<vmem>>)
    %scan3A_53 = arith.constant 0 : i32
    %scan3A_54 = arith.constant 200 : i32
    %scan3A_55 = arith.addi %scan3A_53, %scan3A_54 : i32
    %scan3A_56 = arith.constant 4 : i32
    scf.for %scan3A_83 = %scan3A_53 to %scan3A_55 step %scan3A_56  : i32 {
      %mul3A_84 = arith.constant 1 : i32
      %mul3A_85 = arith.muli %scan3A_83, %mul3A_84 : i32
      %add3A_86 = arith.constant 0 : i32
      %add3A_87 = arith.addi %add3A_86, %mul3A_85 : i32
      %get3A = arith.index_cast %add3A_87 : i32 to index
      %get3A_88 = arith.constant 0 : index
      %get3A_89 = tpu.vector_load %arg9[%get3A, %get3A_88] {strides = array<i32>} : memref<200x64xf32, #tpu.memory_space<vmem>>, vector<1x16xf32>,
      %get3A_90 = vector.shape_cast %get3A_89 : vector<1x16xf32> to vector<16xf32>
      %swap3A = arith.index_cast %add3A_87 : i32 to index
      %swap3A_91 = arith.constant 0 : index
      %swap3A_92 = tpu.vector_load %arg7[%swap3A, %swap3A_91] {strides = array<i32>} : memref<200x64xf32, #tpu.memory_space<vmem>>, vector<1x16xf32>,
      %swap3A_93 = vector.shape_cast %swap3A_92 : vector<1x16xf32> to vector<16xf32>
      %swap3A_94 = vector.shape_cast %get3A_90 : vector<16xf32> to vector<1x16xf32>
      tpu.vector_store %arg7[%swap3A, %swap3A_91], %swap3A_94 {add = true, strides = array<i32>} : memref<200x64xf32, #tpu.memory_space<vmem>>, vector<1x16xf32>,
      %get3A_95 = arith.index_cast %add3A_87 : i32 to index
      %get3A_96 = arith.constant 16 : index
      %get3A_97 = tpu.vector_load %arg9[%get3A_95, %get3A_96] {strides = array<i32>} : memref<200x64xf32, #tpu.memory_space<vmem>>, vector<1x16xf32>,
      %get3A_98 = vector.shape_cast %get3A_97 : vector<1x16xf32> to vector<16xf32>
      %swap3A_99 = arith.index_cast %add3A_87 : i32 to index
      %swap3A_100 = arith.constant 16 : index
      %swap3A_101 = tpu.vector_load %arg7[%swap3A_99, %swap3A_100] {strides = array<i32>} : memref<200x64xf32, #tpu.memory_space<vmem>>, vector<1x16xf32>,
      %swap3A_102 = vector.shape_cast %swap3A_101 : vector<1x16xf32> to vector<16xf32>
      %swap3A_103 = vector.shape_cast %get3A_98 : vector<16xf32> to vector<1x16xf32>
      tpu.vector_store %arg7[%swap3A_99, %swap3A_100], %swap3A_103 {add = true, strides = array<i32>} : memref<200x64xf32, #tpu.memory_space<vmem>>, vector<1x16xf32>,
      %get3A_104 = arith.index_cast %add3A_87 : i32 to index
      %get3A_105 = arith.constant 32 : index
      %get3A_106 = tpu.vector_load %arg9[%get3A_104, %get3A_105] {strides = array<i32>} : memref<200x64xf32, #tpu.memory_space<vmem>>, vector<1x16xf32>,
      %get3A_107 = vector.shape_cast %get3A_106 : vector<1x16xf32> to vector<16xf32>
      %swap3A_108 = arith.index_cast %add3A_87 : i32 to index
      %swap3A_109 = arith.constant 32 : index
      %swap3A_110 = tpu.vector_load %arg7[%swap3A_108, %swap3A_109] {strides = array<i32>} : memref<200x64xf32, #tpu.memory_space<vmem>>, vector<1x16xf32>,
      %swap3A_111 = vector.shape_cast %swap3A_110 : vector<1x16xf32> to vector<16xf32>
      %swap3A_112 = vector.shape_cast %get3A_107 : vector<16xf32> to vector<1x16xf32>
      tpu.vector_store %arg7[%swap3A_108, %swap3A_109], %swap3A_112 {add = true, strides = array<i32>} : memref<200x64xf32, #tpu.memory_space<vmem>>, vector<1x16xf32>,
      %get3A_113 = arith.index_cast %add3A_87 : i32 to index
      %get3A_114 = arith.constant 48 : index
      %get3A_115 = tpu.vector_load %arg9[%get3A_113, %get3A_114] {strides = array<i32>} : memref<200x64xf32, #tpu.memory_space<vmem>>, vector<1x16xf32>,
      %get3A_116 = vector.shape_cast %get3A_115 : vector<1x16xf32> to vector<16xf32>
      %swap3A_117 = arith.index_cast %add3A_87 : i32 to index
      %swap3A_118 = arith.constant 48 : index
      %swap3A_119 = tpu.vector_load %arg7[%swap3A_117, %swap3A_118] {strides = array<i32>} : memref<200x64xf32, #tpu.memory_space<vmem>>, vector<1x16xf32>,
      %swap3A_120 = vector.shape_cast %swap3A_119 : vector<1x16xf32> to vector<16xf32>
      %swap3A_121 = vector.shape_cast %get3A_116 : vector<16xf32> to vector<1x16xf32>
      tpu.vector_store %arg7[%swap3A_117, %swap3A_118], %swap3A_121 {add = true, strides = array<i32>} : memref<200x64xf32, #tpu.memory_space<vmem>>, vector<1x16xf32>,
      %scan3A_122 = arith.constant 1 : i32
      %scan3A_123 = arith.addi %scan3A_83, %scan3A_122 : i32
      %mul3A_124 = arith.constant 1 : i32
      %mul3A_125 = arith.muli %scan3A_123, %mul3A_124 : i32
      %add3A_126 = arith.constant 0 : i32
      %add3A_127 = arith.addi %add3A_126, %mul3A_125 : i32
      %get3A_128 = arith.index_cast %add3A_127 : i32 to index
      %get3A_129 = arith.constant 0 : index
      %get3A_130 = tpu.vector_load %arg9[%get3A_128, %get3A_129] {strides = array<i32>} : memref<200x64xf32, #tpu.memory_space<vmem>>, vector<1x16xf32>,
      %get3A_131 = vector.shape_cast %get3A_130 : vector<1x16xf32> to vector<16xf32>
      %swap3A_132 = arith.index_cast %add3A_127 : i32 to index
      %swap3A_133 = arith.constant 0 : index
      %swap3A_134 = tpu.vector_load %arg7[%swap3A_132, %swap3A_133] {strides = array<i32>} : memref<200x64xf32, #tpu.memory_space<vmem>>, vector<1x16xf32>,
      %swap3A_135 = vector.shape_cast %swap3A_134 : vector<1x16xf32> to vector<16xf32>
      %swap3A_136 = vector.shape_cast %get3A_131 : vector<16xf32> to vector<1x16xf32>
      tpu.vector_store %arg7[%swap3A_132, %swap3A_133], %swap3A_136 {add = true, strides = array<i32>} : memref<200x64xf32, #tpu.memory_space<vmem>>, vector<1x16xf32>,
      %get3A_137 = arith.index_cast %add3A_127 : i32 to index
      %get3A_138 = arith.constant 16 : index
      %get3A_139 = tpu.vector_load %arg9[%get3A_137, %get3A_138] {strides = array<i32>} : memref<200x64xf32, #tpu.memory_space<vmem>>, vector<1x16xf32>,
      %get3A_140 = vector.shape_cast %get3A_139 : vector<1x16xf32> to vector<16xf32>
      %swap3A_141 = arith.index_cast %add3A_127 : i32 to index
      %swap3A_142 = arith.constant 16 : index
      %swap3A_143 = tpu.vector_load %arg7[%swap3A_141, %swap3A_142] {strides = array<i32>} : memref<200x64xf32, #tpu.memory_space<vmem>>, vector<1x16xf32>,
      %swap3A_144 = vector.shape_cast %swap3A_143 : vector<1x16xf32> to vector<16xf32>
      %swap3A_145 = vector.shape_cast %get3A_140 : vector<16xf32> to vector<1x16xf32>
      tpu.vector_store %arg7[%swap3A_141, %swap3A_142], %swap3A_145 {add = true, strides = array<i32>} : memref<200x64xf32, #tpu.memory_space<vmem>>, vector<1x16xf32>,
      %get3A_146 = arith.index_cast %add3A_127 : i32 to index
      %get3A_147 = arith.constant 32 : index
      %get3A_148 = tpu.vector_load %arg9[%get3A_146, %get3A_147] {strides = array<i32>} : memref<200x64xf32, #tpu.memory_space<vmem>>, vector<1x16xf32>,
      %get3A_149 = vector.shape_cast %get3A_148 : vector<1x16xf32> to vector<16xf32>
      %swap3A_150 = arith.index_cast %add3A_127 : i32 to index
      %swap3A_151 = arith.constant 32 : index
      %swap3A_152 = tpu.vector_load %arg7[%swap3A_150, %swap3A_151] {strides = array<i32>} : memref<200x64xf32, #tpu.memory_space<vmem>>, vector<1x16xf32>,
      %swap3A_153 = vector.shape_cast %swap3A_152 : vector<1x16xf32> to vector<16xf32>
      %swap3A_154 = vector.shape_cast %get3A_149 : vector<16xf32> to vector<1x16xf32>
      tpu.vector_store %arg7[%swap3A_150, %swap3A_151], %swap3A_154 {add = true, strides = array<i32>} : memref<200x64xf32, #tpu.memory_space<vmem>>, vector<1x16xf32>,
      %get3A_155 = arith.index_cast %add3A_127 : i32 to index
      %get3A_156 = arith.constant 48 : index
      %get3A_157 = tpu.vector_load %arg9[%get3A_155, %get3A_156] {strides = array<i32>} : memref<200x64xf32, #tpu.memory_space<vmem>>, vector<1x16xf32>,
      %get3A_158 = vector.shape_cast %get3A_157 : vector<1x16xf32> to vector<16xf32>
      %swap3A_159 = arith.index_cast %add3A_127 : i32 to index
      %swap3A_160 = arith.constant 48 : index
      %swap3A_161 = tpu.vector_load %arg7[%swap3A_159, %swap3A_160] {strides = array<i32>} : memref<200x64xf32, #tpu.memory_space<vmem>>, vector<1x16xf32>,
      %swap3A_162 = vector.shape_cast %swap3A_161 : vector<1x16xf32> to vector<16xf32>
      %swap3A_163 = vector.shape_cast %get3A_158 : vector<16xf32> to vector<1x16xf32>
      tpu.vector_store %arg7[%swap3A_159, %swap3A_160], %swap3A_163 {add = true, strides = array<i32>} : memref<200x64xf32, #tpu.memory_space<vmem>>, vector<1x16xf32>,
      %scan3A_164 = arith.constant 2 : i32
      %scan3A_165 = arith.addi %scan3A_83, %scan3A_164 : i32
      %mul3A_166 = arith.constant 1 : i32
      %mul3A_167 = arith.muli %scan3A_165, %mul3A_166 : i32
      %add3A_168 = arith.constant 0 : i32
      %add3A_169 = arith.addi %add3A_168, %mul3A_167 : i32
      %get3A_170 = arith.index_cast %add3A_169 : i32 to index
      %get3A_171 = arith.constant 0 : index
      %get3A_172 = tpu.vector_load %arg9[%get3A_170, %get3A_171] {strides = array<i32>} : memref<200x64xf32, #tpu.memory_space<vmem>>, vector<1x16xf32>,
      %get3A_173 = vector.shape_cast %get3A_172 : vector<1x16xf32> to vector<16xf32>
      %swap3A_174 = arith.index_cast %add3A_169 : i32 to index
      %swap3A_175 = arith.constant 0 : index
      %swap3A_176 = tpu.vector_load %arg7[%swap3A_174, %swap3A_175] {strides = array<i32>} : memref<200x64xf32, #tpu.memory_space<vmem>>, vector<1x16xf32>,
      %swap3A_177 = vector.shape_cast %swap3A_176 : vector<1x16xf32> to vector<16xf32>
      %swap3A_178 = vector.shape_cast %get3A_173 : vector<16xf32> to vector<1x16xf32>
      tpu.vector_store %arg7[%swap3A_174, %swap3A_175], %swap3A_178 {add = true, strides = array<i32>} : memref<200x64xf32, #tpu.memory_space<vmem>>, vector<1x16xf32>,
      %get3A_179 = arith.index_cast %add3A_169 : i32 to index
      %get3A_180 = arith.constant 16 : index
      %get3A_181 = tpu.vector_load %arg9[%get3A_179, %get3A_180] {strides = array<i32>} : memref<200x64xf32, #tpu.memory_space<vmem>>, vector<1x16xf32>,
      %get3A_182 = vector.shape_cast %get3A_181 : vector<1x16xf32> to vector<16xf32>
      %swap3A_183 = arith.index_cast %add3A_169 : i32 to index
      %swap3A_184 = arith.constant 16 : index
      %swap3A_185 = tpu.vector_load %arg7[%swap3A_183, %swap3A_184] {strides = array<i32>} : memref<200x64xf32, #tpu.memory_space<vmem>>, vector<1x16xf32>,
      %swap3A_186 = vector.shape_cast %swap3A_185 : vector<1x16xf32> to vector<16xf32>
      %swap3A_187 = vector.shape_cast %get3A_182 : vector<16xf32> to vector<1x16xf32>
      tpu.vector_store %arg7[%swap3A_183, %swap3A_184], %swap3A_187 {add = true, strides = array<i32>} : memref<200x64xf32, #tpu.memory_space<vmem>>, vector<1x16xf32>,
      %get3A_188 = arith.index_cast %add3A_169 : i32 to index
      %get3A_189 = arith.constant 32 : index
      %get3A_190 = tpu.vector_load %arg9[%get3A_188, %get3A_189] {strides = array<i32>} : memref<200x64xf32, #tpu.memory_space<vmem>>, vector<1x16xf32>,
      %get3A_191 = vector.shape_cast %get3A_190 : vector<1x16xf32> to vector<16xf32>
      %swap3A_192 = arith.index_cast %add3A_169 : i32 to index
      %swap3A_193 = arith.constant 32 : index
      %swap3A_194 = tpu.vector_load %arg7[%swap3A_192, %swap3A_193] {strides = array<i32>} : memref<200x64xf32, #tpu.memory_space<vmem>>, vector<1x16xf32>,
      %swap3A_195 = vector.shape_cast %swap3A_194 : vector<1x16xf32> to vector<16xf32>
      %swap3A_196 = vector.shape_cast %get3A_191 : vector<16xf32> to vector<1x16xf32>
      tpu.vector_store %arg7[%swap3A_192, %swap3A_193], %swap3A_196 {add = true, strides = array<i32>} : memref<200x64xf32, #tpu.memory_space<vmem>>, vector<1x16xf32>,
      %get3A_197 = arith.index_cast %add3A_169 : i32 to index
      %get3A_198 = arith.constant 48 : index
      %get3A_199 = tpu.vector_load %arg9[%get3A_197, %get3A_198] {strides = array<i32>} : memref<200x64xf32, #tpu.memory_space<vmem>>, vector<1x16xf32>,
      %get3A_200 = vector.shape_cast %get3A_199 : vector<1x16xf32> to vector<16xf32>
      %swap3A_201 = arith.index_cast %add3A_169 : i32 to index
      %swap3A_202 = arith.constant 48 : index
      %swap3A_203 = tpu.vector_load %arg7[%swap3A_201, %swap3A_202] {strides = array<i32>} : memref<200x64xf32, #tpu.memory_space<vmem>>, vector<1x16xf32>,
      %swap3A_204 = vector.shape_cast %swap3A_203 : vector<1x16xf32> to vector<16xf32>
      %swap3A_205 = vector.shape_cast %get3A_200 : vector<16xf32> to vector<1x16xf32>
      tpu.vector_store %arg7[%swap3A_201, %swap3A_202], %swap3A_205 {add = true, strides = array<i32>} : memref<200x64xf32, #tpu.memory_space<vmem>>, vector<1x16xf32>,
      %scan3A_206 = arith.constant 3 : i32
      %scan3A_207 = arith.addi %scan3A_83, %scan3A_206 : i32
      %mul3A_208 = arith.constant 1 : i32
      %mul3A_209 = arith.muli %scan3A_207, %mul3A_208 : i32
      %add3A_210 = arith.constant 0 : i32
      %add3A_211 = arith.addi %add3A_210, %mul3A_209 : i32
      %get3A_212 = arith.index_cast %add3A_211 : i32 to index
      %get3A_213 = arith.constant 0 : index
      %get3A_214 = tpu.vector_load %arg9[%get3A_212, %get3A_213] {strides = array<i32>} : memref<200x64xf32, #tpu.memory_space<vmem>>, vector<1x16xf32>,
      %get3A_215 = vector.shape_cast %get3A_214 : vector<1x16xf32> to vector<16xf32>
      %swap3A_216 = arith.index_cast %add3A_211 : i32 to index
      %swap3A_217 = arith.constant 0 : index
      %swap3A_218 = tpu.vector_load %arg7[%swap3A_216, %swap3A_217] {strides = array<i32>} : memref<200x64xf32, #tpu.memory_space<vmem>>, vector<1x16xf32>,
      %swap3A_219 = vector.shape_cast %swap3A_218 : vector<1x16xf32> to vector<16xf32>
      %swap3A_220 = vector.shape_cast %get3A_215 : vector<16xf32> to vector<1x16xf32>
      tpu.vector_store %arg7[%swap3A_216, %swap3A_217], %swap3A_220 {add = true, strides = array<i32>} : memref<200x64xf32, #tpu.memory_space<vmem>>, vector<1x16xf32>,
      %get3A_221 = arith.index_cast %add3A_211 : i32 to index
      %get3A_222 = arith.constant 16 : index
      %get3A_223 = tpu.vector_load %arg9[%get3A_221, %get3A_222] {strides = array<i32>} : memref<200x64xf32, #tpu.memory_space<vmem>>, vector<1x16xf32>,
      %get3A_224 = vector.shape_cast %get3A_223 : vector<1x16xf32> to vector<16xf32>
      %swap3A_225 = arith.index_cast %add3A_211 : i32 to index
      %swap3A_226 = arith.constant 16 : index
      %swap3A_227 = tpu.vector_load %arg7[%swap3A_225, %swap3A_226] {strides = array<i32>} : memref<200x64xf32, #tpu.memory_space<vmem>>, vector<1x16xf32>,
      %swap3A_228 = vector.shape_cast %swap3A_227 : vector<1x16xf32> to vector<16xf32>
      %swap3A_229 = vector.shape_cast %get3A_224 : vector<16xf32> to vector<1x16xf32>
      tpu.vector_store %arg7[%swap3A_225, %swap3A_226], %swap3A_229 {add = true, strides = array<i32>} : memref<200x64xf32, #tpu.memory_space<vmem>>, vector<1x16xf32>,
      %get3A_230 = arith.index_cast %add3A_211 : i32 to index
      %get3A_231 = arith.constant 32 : index
      %get3A_232 = tpu.vector_load %arg9[%get3A_230, %get3A_231] {strides = array<i32>} : memref<200x64xf32, #tpu.memory_space<vmem>>, vector<1x16xf32>,
      %get3A_233 = vector.shape_cast %get3A_232 : vector<1x16xf32> to vector<16xf32>
      %swap3A_234 = arith.index_cast %add3A_211 : i32 to index
      %swap3A_235 = arith.constant 32 : index
      %swap3A_236 = tpu.vector_load %arg7[%swap3A_234, %swap3A_235] {strides = array<i32>} : memref<200x64xf32, #tpu.memory_space<vmem>>, vector<1x16xf32>,
      %swap3A_237 = vector.shape_cast %swap3A_236 : vector<1x16xf32> to vector<16xf32>
      %swap3A_238 = vector.shape_cast %get3A_233 : vector<16xf32> to vector<1x16xf32>
      tpu.vector_store %arg7[%swap3A_234, %swap3A_235], %swap3A_238 {add = true, strides = array<i32>} : memref<200x64xf32, #tpu.memory_space<vmem>>, vector<1x16xf32>,
      %get3A_239 = arith.index_cast %add3A_211 : i32 to index
      %get3A_240 = arith.constant 48 : index
      %get3A_241 = tpu.vector_load %arg9[%get3A_239, %get3A_240] {strides = array<i32>} : memref<200x64xf32, #tpu.memory_space<vmem>>, vector<1x16xf32>,
      %get3A_242 = vector.shape_cast %get3A_241 : vector<1x16xf32> to vector<16xf32>
      %swap3A_243 = arith.index_cast %add3A_211 : i32 to index
      %swap3A_244 = arith.constant 48 : index
      %swap3A_245 = tpu.vector_load %arg7[%swap3A_243, %swap3A_244] {strides = array<i32>} : memref<200x64xf32, #tpu.memory_space<vmem>>, vector<1x16xf32>,
      %swap3A_246 = vector.shape_cast %swap3A_245 : vector<1x16xf32> to vector<16xf32>
      %swap3A_247 = vector.shape_cast %get3A_242 : vector<16xf32> to vector<1x16xf32>
      tpu.vector_store %arg7[%swap3A_243, %swap3A_244], %swap3A_247 {add = true, strides = array<i32>} : memref<200x64xf32, #tpu.memory_space<vmem>>, vector<1x16xf32>,
    }
    %scan3A_57 = arith.constant 200 : i32
    %add3A_58 = arith.constant 25200 : i32
    %add3A_59 = arith.addi %mul3A_2, %add3A_58 : i32
    "tpu.region"() ({
      %run_scoped3A = tpu.sem_alloc : memref<!tpu.dma_semaphore, #tpu.memory_space<semaphore_mem>>
      %dma_start3A_83 = arith.constant 0 : i32
      %dma_start3A_84 = tpu.memref_slice %arg5[%add3A_59, %dma_start3A_83] : memref<819200x64xf32, #tpu.memory_space<hbm>> -> memref<200x64xf32, #tpu.memory_space<hbm>>
      %dma_start3A_85 = arith.constant 0 : i32
      %dma_start3A_86 = tpu.memref_slice %arg5[%add3A_59, %dma_start3A_85] : memref<819200x64xf32, #tpu.memory_space<hbm>> -> memref<200x64xf32, #tpu.memory_space<hbm>>
      tpu.enqueue_dma source(%arg7 : memref<200x64xf32, #tpu.memory_space<vmem>>) target(%dma_start3A_86 : memref<200x64xf32, #tpu.memory_space<hbm>>) target_semaphore(%run_scoped3A : memref<!tpu.dma_semaphore, #tpu.memory_space<semaphore_mem>>)
      %dma_wait3A_87 = arith.constant 0 : i32
      %dma_wait3A_88 = tpu.memref_slice %arg5[%add3A_59, %dma_wait3A_87] : memref<819200x64xf32, #tpu.memory_space<hbm>> -> memref<200x64xf32, #tpu.memory_space<hbm>>
      %dma_wait3A_89 = arith.constant 0 : i32
      %dma_wait3A_90 = tpu.memref_slice %arg5[%add3A_59, %dma_wait3A_89] : memref<819200x64xf32, #tpu.memory_space<hbm>> -> memref<200x64xf32, #tpu.memory_space<hbm>>
      tpu.wait_dma2 semaphore(%run_scoped3A : memref<!tpu.dma_semaphore, #tpu.memory_space<semaphore_mem>>) src(%arg7 : memref<200x64xf32, #tpu.memory_space<vmem>>) dst(%dma_wait3A_90 : memref<200x64xf32, #tpu.memory_space<hbm>>)
      tpu.yield
    }) : () -> ()
    %dma_wait3A_60 = arith.constant 0 : i32
    %dma_wait3A_61 = arith.constant 0 : i32
    %dma_wait3A_62 = tpu.memref_slice %arg8[%dma_wait3A_60, %dma_wait3A_61] : memref<200x64xf32, #tpu.memory_space<vmem>> -> memref<104x64xf32, #tpu.memory_space<vmem>>
    %dma_wait3A_63 = arith.constant 0 : i32
    %dma_wait3A_64 = tpu.memref_slice %arg6[%dma_wait3A_63] : memref<25600xi32, #tpu.memory_space<vmem>> -> memref<104xi32, #tpu.memory_space<vmem>>
    %dma_wait3A_65 = arith.constant 0 : i32
    %dma_wait3A_66 = arith.constant 0 : i32
    %dma_wait3A_67 = tpu.memref_slice %arg4[%dma_wait3A_65, %dma_wait3A_66] : memref<1000000x64xf32, #tpu.memory_space<hbm>> -> memref<1000000x64xf32, #tpu.memory_space<hbm>>
    tpu.wait_indirect_dma semaphore(%arg11 : memref<!tpu.dma_semaphore, #tpu.memory_space<semaphore_mem>>) src(%dma_wait3A_67 : memref<1000000x64xf32, #tpu.memory_space<hbm>>) dst(%dma_wait3A_62 : memref<104x64xf32, #tpu.memory_space<vmem>>)
    %dma_wait3A_68 = arith.constant 104 : i32
    %dma_wait3A_69 = arith.constant 0 : i32
    %dma_wait3A_70 = tpu.memref_slice %arg8[%dma_wait3A_68, %dma_wait3A_69] : memref<200x64xf32, #tpu.memory_space<vmem>> -> memref<96x64xf32, #tpu.memory_space<vmem>>
    %dma_wait3A_71 = arith.constant 104 : i32
    %dma_wait3A_72 = tpu.memref_slice %arg6[%dma_wait3A_71] : memref<25600xi32, #tpu.memory_space<vmem>> -> memref<96xi32, #tpu.memory_space<vmem>>
    %dma_wait3A_73 = arith.constant 0 : i32
    %dma_wait3A_74 = arith.constant 0 : i32
    %dma_wait3A_75 = tpu.memref_slice %arg4[%dma_wait3A_73, %dma_wait3A_74] : memref<1000000x64xf32, #tpu.memory_space<hbm>> -> memref<1000000x64xf32, #tpu.memory_space<hbm>>
    tpu.wait_indirect_dma semaphore(%arg11 : memref<!tpu.dma_semaphore, #tpu.memory_space<semaphore_mem>>) src(%dma_wait3A_75 : memref<1000000x64xf32, #tpu.memory_space<hbm>>) dst(%dma_wait3A_70 : memref<96x64xf32, #tpu.memory_space<vmem>>)
    %scan3A_76 = arith.constant 0 : i32
    %scan3A_77 = arith.constant 200 : i32
    %scan3A_78 = arith.addi %scan3A_76, %scan3A_77 : i32
    %scan3A_79 = arith.constant 4 : i32
    scf.for %scan3A_83 = %scan3A_76 to %scan3A_78 step %scan3A_79  : i32 {
      %mul3A_84 = arith.constant 1 : i32
      %mul3A_85 = arith.muli %scan3A_83, %mul3A_84 : i32
      %add3A_86 = arith.constant 0 : i32
      %add3A_87 = arith.addi %add3A_86, %mul3A_85 : i32
      %get3A = arith.index_cast %add3A_87 : i32 to index
      %get3A_88 = arith.constant 0 : index
      %get3A_89 = tpu.vector_load %arg9[%get3A, %get3A_88] {strides = array<i32>} : memref<200x64xf32, #tpu.memory_space<vmem>>, vector<1x16xf32>,
      %get3A_90 = vector.shape_cast %get3A_89 : vector<1x16xf32> to vector<16xf32>
      %swap3A = arith.index_cast %add3A_87 : i32 to index
      %swap3A_91 = arith.constant 0 : index
      %swap3A_92 = tpu.vector_load %arg8[%swap3A, %swap3A_91] {strides = array<i32>} : memref<200x64xf32, #tpu.memory_space<vmem>>, vector<1x16xf32>,
      %swap3A_93 = vector.shape_cast %swap3A_92 : vector<1x16xf32> to vector<16xf32>
      %swap3A_94 = vector.shape_cast %get3A_90 : vector<16xf32> to vector<1x16xf32>
      tpu.vector_store %arg8[%swap3A, %swap3A_91], %swap3A_94 {add = true, strides = array<i32>} : memref<200x64xf32, #tpu.memory_space<vmem>>, vector<1x16xf32>,
      %get3A_95 = arith.index_cast %add3A_87 : i32 to index
      %get3A_96 = arith.constant 16 : index
      %get3A_97 = tpu.vector_load %arg9[%get3A_95, %get3A_96] {strides = array<i32>} : memref<200x64xf32, #tpu.memory_space<vmem>>, vector<1x16xf32>,
      %get3A_98 = vector.shape_cast %get3A_97 : vector<1x16xf32> to vector<16xf32>
      %swap3A_99 = arith.index_cast %add3A_87 : i32 to index
      %swap3A_100 = arith.constant 16 : index
      %swap3A_101 = tpu.vector_load %arg8[%swap3A_99, %swap3A_100] {strides = array<i32>} : memref<200x64xf32, #tpu.memory_space<vmem>>, vector<1x16xf32>,
      %swap3A_102 = vector.shape_cast %swap3A_101 : vector<1x16xf32> to vector<16xf32>
      %swap3A_103 = vector.shape_cast %get3A_98 : vector<16xf32> to vector<1x16xf32>
      tpu.vector_store %arg8[%swap3A_99, %swap3A_100], %swap3A_103 {add = true, strides = array<i32>} : memref<200x64xf32, #tpu.memory_space<vmem>>, vector<1x16xf32>,
      %get3A_104 = arith.index_cast %add3A_87 : i32 to index
      %get3A_105 = arith.constant 32 : index
      %get3A_106 = tpu.vector_load %arg9[%get3A_104, %get3A_105] {strides = array<i32>} : memref<200x64xf32, #tpu.memory_space<vmem>>, vector<1x16xf32>,
      %get3A_107 = vector.shape_cast %get3A_106 : vector<1x16xf32> to vector<16xf32>
      %swap3A_108 = arith.index_cast %add3A_87 : i32 to index
      %swap3A_109 = arith.constant 32 : index
      %swap3A_110 = tpu.vector_load %arg8[%swap3A_108, %swap3A_109] {strides = array<i32>} : memref<200x64xf32, #tpu.memory_space<vmem>>, vector<1x16xf32>,
      %swap3A_111 = vector.shape_cast %swap3A_110 : vector<1x16xf32> to vector<16xf32>
      %swap3A_112 = vector.shape_cast %get3A_107 : vector<16xf32> to vector<1x16xf32>
      tpu.vector_store %arg8[%swap3A_108, %swap3A_109], %swap3A_112 {add = true, strides = array<i32>} : memref<200x64xf32, #tpu.memory_space<vmem>>, vector<1x16xf32>,
      %get3A_113 = arith.index_cast %add3A_87 : i32 to index
      %get3A_114 = arith.constant 48 : index
      %get3A_115 = tpu.vector_load %arg9[%get3A_113, %get3A_114] {strides = array<i32>} : memref<200x64xf32, #tpu.memory_space<vmem>>, vector<1x16xf32>,
      %get3A_116 = vector.shape_cast %get3A_115 : vector<1x16xf32> to vector<16xf32>
      %swap3A_117 = arith.index_cast %add3A_87 : i32 to index
      %swap3A_118 = arith.constant 48 : index
      %swap3A_119 = tpu.vector_load %arg8[%swap3A_117, %swap3A_118] {strides = array<i32>} : memref<200x64xf32, #tpu.memory_space<vmem>>, vector<1x16xf32>,
      %swap3A_120 = vector.shape_cast %swap3A_119 : vector<1x16xf32> to vector<16xf32>
      %swap3A_121 = vector.shape_cast %get3A_116 : vector<16xf32> to vector<1x16xf32>
      tpu.vector_store %arg8[%swap3A_117, %swap3A_118], %swap3A_121 {add = true, strides = array<i32>} : memref<200x64xf32, #tpu.memory_space<vmem>>, vector<1x16xf32>,
      %scan3A_122 = arith.constant 1 : i32
      %scan3A_123 = arith.addi %scan3A_83, %scan3A_122 : i32
      %mul3A_124 = arith.constant 1 : i32
      %mul3A_125 = arith.muli %scan3A_123, %mul3A_124 : i32
      %add3A_126 = arith.constant 0 : i32
      %add3A_127 = arith.addi %add3A_126, %mul3A_125 : i32
      %get3A_128 = arith.index_cast %add3A_127 : i32 to index
      %get3A_129 = arith.constant 0 : index
      %get3A_130 = tpu.vector_load %arg9[%get3A_128, %get3A_129] {strides = array<i32>} : memref<200x64xf32, #tpu.memory_space<vmem>>, vector<1x16xf32>,
      %get3A_131 = vector.shape_cast %get3A_130 : vector<1x16xf32> to vector<16xf32>
      %swap3A_132 = arith.index_cast %add3A_127 : i32 to index
      %swap3A_133 = arith.constant 0 : index
      %swap3A_134 = tpu.vector_load %arg8[%swap3A_132, %swap3A_133] {strides = array<i32>} : memref<200x64xf32, #tpu.memory_space<vmem>>, vector<1x16xf32>,
      %swap3A_135 = vector.shape_cast %swap3A_134 : vector<1x16xf32> to vector<16xf32>
      %swap3A_136 = vector.shape_cast %get3A_131 : vector<16xf32> to vector<1x16xf32>
      tpu.vector_store %arg8[%swap3A_132, %swap3A_133], %swap3A_136 {add = true, strides = array<i32>} : memref<200x64xf32, #tpu.memory_space<vmem>>, vector<1x16xf32>,
      %get3A_137 = arith.index_cast %add3A_127 : i32 to index
      %get3A_138 = arith.constant 16 : index
      %get3A_139 = tpu.vector_load %arg9[%get3A_137, %get3A_138] {strides = array<i32>} : memref<200x64xf32, #tpu.memory_space<vmem>>, vector<1x16xf32>,
      %get3A_140 = vector.shape_cast %get3A_139 : vector<1x16xf32> to vector<16xf32>
      %swap3A_141 = arith.index_cast %add3A_127 : i32 to index
      %swap3A_142 = arith.constant 16 : index
      %swap3A_143 = tpu.vector_load %arg8[%swap3A_141, %swap3A_142] {strides = array<i32>} : memref<200x64xf32, #tpu.memory_space<vmem>>, vector<1x16xf32>,
      %swap3A_144 = vector.shape_cast %swap3A_143 : vector<1x16xf32> to vector<16xf32>
      %swap3A_145 = vector.shape_cast %get3A_140 : vector<16xf32> to vector<1x16xf32>
      tpu.vector_store %arg8[%swap3A_141, %swap3A_142], %swap3A_145 {add = true, strides = array<i32>} : memref<200x64xf32, #tpu.memory_space<vmem>>, vector<1x16xf32>,
      %get3A_146 = arith.index_cast %add3A_127 : i32 to index
      %get3A_147 = arith.constant 32 : index
      %get3A_148 = tpu.vector_load %arg9[%get3A_146, %get3A_147] {strides = array<i32>} : memref<200x64xf32, #tpu.memory_space<vmem>>, vector<1x16xf32>,
      %get3A_149 = vector.shape_cast %get3A_148 : vector<1x16xf32> to vector<16xf32>
      %swap3A_150 = arith.index_cast %add3A_127 : i32 to index
      %swap3A_151 = arith.constant 32 : index
      %swap3A_152 = tpu.vector_load %arg8[%swap3A_150, %swap3A_151] {strides = array<i32>} : memref<200x64xf32, #tpu.memory_space<vmem>>, vector<1x16xf32>,
      %swap3A_153 = vector.shape_cast %swap3A_152 : vector<1x16xf32> to vector<16xf32>
      %swap3A_154 = vector.shape_cast %get3A_149 : vector<16xf32> to vector<1x16xf32>
      tpu.vector_store %arg8[%swap3A_150, %swap3A_151], %swap3A_154 {add = true, strides = array<i32>} : memref<200x64xf32, #tpu.memory_space<vmem>>, vector<1x16xf32>,
      %get3A_155 = arith.index_cast %add3A_127 : i32 to index
      %get3A_156 = arith.constant 48 : index
      %get3A_157 = tpu.vector_load %arg9[%get3A_155, %get3A_156] {strides = array<i32>} : memref<200x64xf32, #tpu.memory_space<vmem>>, vector<1x16xf32>,
      %get3A_158 = vector.shape_cast %get3A_157 : vector<1x16xf32> to vector<16xf32>
      %swap3A_159 = arith.index_cast %add3A_127 : i32 to index
      %swap3A_160 = arith.constant 48 : index
      %swap3A_161 = tpu.vector_load %arg8[%swap3A_159, %swap3A_160] {strides = array<i32>} : memref<200x64xf32, #tpu.memory_space<vmem>>, vector<1x16xf32>,
      %swap3A_162 = vector.shape_cast %swap3A_161 : vector<1x16xf32> to vector<16xf32>
      %swap3A_163 = vector.shape_cast %get3A_158 : vector<16xf32> to vector<1x16xf32>
      tpu.vector_store %arg8[%swap3A_159, %swap3A_160], %swap3A_163 {add = true, strides = array<i32>} : memref<200x64xf32, #tpu.memory_space<vmem>>, vector<1x16xf32>,
      %scan3A_164 = arith.constant 2 : i32
      %scan3A_165 = arith.addi %scan3A_83, %scan3A_164 : i32
      %mul3A_166 = arith.constant 1 : i32
      %mul3A_167 = arith.muli %scan3A_165, %mul3A_166 : i32
      %add3A_168 = arith.constant 0 : i32
      %add3A_169 = arith.addi %add3A_168, %mul3A_167 : i32
      %get3A_170 = arith.index_cast %add3A_169 : i32 to index
      %get3A_171 = arith.constant 0 : index
      %get3A_172 = tpu.vector_load %arg9[%get3A_170, %get3A_171] {strides = array<i32>} : memref<200x64xf32, #tpu.memory_space<vmem>>, vector<1x16xf32>,
      %get3A_173 = vector.shape_cast %get3A_172 : vector<1x16xf32> to vector<16xf32>
      %swap3A_174 = arith.index_cast %add3A_169 : i32 to index
      %swap3A_175 = arith.constant 0 : index
      %swap3A_176 = tpu.vector_load %arg8[%swap3A_174, %swap3A_175] {strides = array<i32>} : memref<200x64xf32, #tpu.memory_space<vmem>>, vector<1x16xf32>,
      %swap3A_177 = vector.shape_cast %swap3A_176 : vector<1x16xf32> to vector<16xf32>
      %swap3A_178 = vector.shape_cast %get3A_173 : vector<16xf32> to vector<1x16xf32>
      tpu.vector_store %arg8[%swap3A_174, %swap3A_175], %swap3A_178 {add = true, strides = array<i32>} : memref<200x64xf32, #tpu.memory_space<vmem>>, vector<1x16xf32>,
      %get3A_179 = arith.index_cast %add3A_169 : i32 to index
      %get3A_180 = arith.constant 16 : index
      %get3A_181 = tpu.vector_load %arg9[%get3A_179, %get3A_180] {strides = array<i32>} : memref<200x64xf32, #tpu.memory_space<vmem>>, vector<1x16xf32>,
      %get3A_182 = vector.shape_cast %get3A_181 : vector<1x16xf32> to vector<16xf32>
      %swap3A_183 = arith.index_cast %add3A_169 : i32 to index
      %swap3A_184 = arith.constant 16 : index
      %swap3A_185 = tpu.vector_load %arg8[%swap3A_183, %swap3A_184] {strides = array<i32>} : memref<200x64xf32, #tpu.memory_space<vmem>>, vector<1x16xf32>,
      %swap3A_186 = vector.shape_cast %swap3A_185 : vector<1x16xf32> to vector<16xf32>
      %swap3A_187 = vector.shape_cast %get3A_182 : vector<16xf32> to vector<1x16xf32>
      tpu.vector_store %arg8[%swap3A_183, %swap3A_184], %swap3A_187 {add = true, strides = array<i32>} : memref<200x64xf32, #tpu.memory_space<vmem>>, vector<1x16xf32>,
      %get3A_188 = arith.index_cast %add3A_169 : i32 to index
      %get3A_189 = arith.constant 32 : index
      %get3A_190 = tpu.vector_load %arg9[%get3A_188, %get3A_189] {strides = array<i32>} : memref<200x64xf32, #tpu.memory_space<vmem>>, vector<1x16xf32>,
      %get3A_191 = vector.shape_cast %get3A_190 : vector<1x16xf32> to vector<16xf32>
      %swap3A_192 = arith.index_cast %add3A_169 : i32 to index
      %swap3A_193 = arith.constant 32 : index
      %swap3A_194 = tpu.vector_load %arg8[%swap3A_192, %swap3A_193] {strides = array<i32>} : memref<200x64xf32, #tpu.memory_space<vmem>>, vector<1x16xf32>,
      %swap3A_195 = vector.shape_cast %swap3A_194 : vector<1x16xf32> to vector<16xf32>
      %swap3A_196 = vector.shape_cast %get3A_191 : vector<16xf32> to vector<1x16xf32>
      tpu.vector_store %arg8[%swap3A_192, %swap3A_193], %swap3A_196 {add = true, strides = array<i32>} : memref<200x64xf32, #tpu.memory_space<vmem>>, vector<1x16xf32>,
      %get3A_197 = arith.index_cast %add3A_169 : i32 to index
      %get3A_198 = arith.constant 48 : index
      %get3A_199 = tpu.vector_load %arg9[%get3A_197, %get3A_198] {strides = array<i32>} : memref<200x64xf32, #tpu.memory_space<vmem>>, vector<1x16xf32>,
      %get3A_200 = vector.shape_cast %get3A_199 : vector<1x16xf32> to vector<16xf32>
      %swap3A_201 = arith.index_cast %add3A_169 : i32 to index
      %swap3A_202 = arith.constant 48 : index
      %swap3A_203 = tpu.vector_load %arg8[%swap3A_201, %swap3A_202] {strides = array<i32>} : memref<200x64xf32, #tpu.memory_space<vmem>>, vector<1x16xf32>,
      %swap3A_204 = vector.shape_cast %swap3A_203 : vector<1x16xf32> to vector<16xf32>
      %swap3A_205 = vector.shape_cast %get3A_200 : vector<16xf32> to vector<1x16xf32>
      tpu.vector_store %arg8[%swap3A_201, %swap3A_202], %swap3A_205 {add = true, strides = array<i32>} : memref<200x64xf32, #tpu.memory_space<vmem>>, vector<1x16xf32>,
      %scan3A_206 = arith.constant 3 : i32
      %scan3A_207 = arith.addi %scan3A_83, %scan3A_206 : i32
      %mul3A_208 = arith.constant 1 : i32
      %mul3A_209 = arith.muli %scan3A_207, %mul3A_208 : i32
      %add3A_210 = arith.constant 0 : i32
      %add3A_211 = arith.addi %add3A_210, %mul3A_209 : i32
      %get3A_212 = arith.index_cast %add3A_211 : i32 to index
      %get3A_213 = arith.constant 0 : index
      %get3A_214 = tpu.vector_load %arg9[%get3A_212, %get3A_213] {strides = array<i32>} : memref<200x64xf32, #tpu.memory_space<vmem>>, vector<1x16xf32>,
      %get3A_215 = vector.shape_cast %get3A_214 : vector<1x16xf32> to vector<16xf32>
      %swap3A_216 = arith.index_cast %add3A_211 : i32 to index
      %swap3A_217 = arith.constant 0 : index
      %swap3A_218 = tpu.vector_load %arg8[%swap3A_216, %swap3A_217] {strides = array<i32>} : memref<200x64xf32, #tpu.memory_space<vmem>>, vector<1x16xf32>,
      %swap3A_219 = vector.shape_cast %swap3A_218 : vector<1x16xf32> to vector<16xf32>
      %swap3A_220 = vector.shape_cast %get3A_215 : vector<16xf32> to vector<1x16xf32>
      tpu.vector_store %arg8[%swap3A_216, %swap3A_217], %swap3A_220 {add = true, strides = array<i32>} : memref<200x64xf32, #tpu.memory_space<vmem>>, vector<1x16xf32>,
      %get3A_221 = arith.index_cast %add3A_211 : i32 to index
      %get3A_222 = arith.constant 16 : index
      %get3A_223 = tpu.vector_load %arg9[%get3A_221, %get3A_222] {strides = array<i32>} : memref<200x64xf32, #tpu.memory_space<vmem>>, vector<1x16xf32>,
      %get3A_224 = vector.shape_cast %get3A_223 : vector<1x16xf32> to vector<16xf32>
      %swap3A_225 = arith.index_cast %add3A_211 : i32 to index
      %swap3A_226 = arith.constant 16 : index
      %swap3A_227 = tpu.vector_load %arg8[%swap3A_225, %swap3A_226] {strides = array<i32>} : memref<200x64xf32, #tpu.memory_space<vmem>>, vector<1x16xf32>,
      %swap3A_228 = vector.shape_cast %swap3A_227 : vector<1x16xf32> to vector<16xf32>
      %swap3A_229 = vector.shape_cast %get3A_224 : vector<16xf32> to vector<1x16xf32>
      tpu.vector_store %arg8[%swap3A_225, %swap3A_226], %swap3A_229 {add = true, strides = array<i32>} : memref<200x64xf32, #tpu.memory_space<vmem>>, vector<1x16xf32>,
      %get3A_230 = arith.index_cast %add3A_211 : i32 to index
      %get3A_231 = arith.constant 32 : index
      %get3A_232 = tpu.vector_load %arg9[%get3A_230, %get3A_231] {strides = array<i32>} : memref<200x64xf32, #tpu.memory_space<vmem>>, vector<1x16xf32>,
      %get3A_233 = vector.shape_cast %get3A_232 : vector<1x16xf32> to vector<16xf32>
      %swap3A_234 = arith.index_cast %add3A_211 : i32 to index
      %swap3A_235 = arith.constant 32 : index
      %swap3A_236 = tpu.vector_load %arg8[%swap3A_234, %swap3A_235] {strides = array<i32>} : memref<200x64xf32, #tpu.memory_space<vmem>>, vector<1x16xf32>,
      %swap3A_237 = vector.shape_cast %swap3A_236 : vector<1x16xf32> to vector<16xf32>
      %swap3A_238 = vector.shape_cast %get3A_233 : vector<16xf32> to vector<1x16xf32>
      tpu.vector_store %arg8[%swap3A_234, %swap3A_235], %swap3A_238 {add = true, strides = array<i32>} : memref<200x64xf32, #tpu.memory_space<vmem>>, vector<1x16xf32>,
      %get3A_239 = arith.index_cast %add3A_211 : i32 to index
      %get3A_240 = arith.constant 48 : index
      %get3A_241 = tpu.vector_load %arg9[%get3A_239, %get3A_240] {strides = array<i32>} : memref<200x64xf32, #tpu.memory_space<vmem>>, vector<1x16xf32>,
      %get3A_242 = vector.shape_cast %get3A_241 : vector<1x16xf32> to vector<16xf32>
      %swap3A_243 = arith.index_cast %add3A_211 : i32 to index
      %swap3A_244 = arith.constant 48 : index
      %swap3A_245 = tpu.vector_load %arg8[%swap3A_243, %swap3A_244] {strides = array<i32>} : memref<200x64xf32, #tpu.memory_space<vmem>>, vector<1x16xf32>,
      %swap3A_246 = vector.shape_cast %swap3A_245 : vector<1x16xf32> to vector<16xf32>
      %swap3A_247 = vector.shape_cast %get3A_242 : vector<16xf32> to vector<1x16xf32>
      tpu.vector_store %arg8[%swap3A_243, %swap3A_244], %swap3A_247 {add = true, strides = array<i32>} : memref<200x64xf32, #tpu.memory_space<vmem>>, vector<1x16xf32>,
    }
    %scan3A_80 = arith.constant 200 : i32
    %add3A_81 = arith.constant 25400 : i32
    %add3A_82 = arith.addi %mul3A_2, %add3A_81 : i32
    "tpu.region"() ({
      %run_scoped3A = tpu.sem_alloc : memref<!tpu.dma_semaphore, #tpu.memory_space<semaphore_mem>>
      %dma_start3A_83 = arith.constant 0 : i32
      %dma_start3A_84 = tpu.memref_slice %arg5[%add3A_82, %dma_start3A_83] : memref<819200x64xf32, #tpu.memory_space<hbm>> -> memref<200x64xf32, #tpu.memory_space<hbm>>
      %dma_start3A_85 = arith.constant 0 : i32
      %dma_start3A_86 = tpu.memref_slice %arg5[%add3A_82, %dma_start3A_85] : memref<819200x64xf32, #tpu.memory_space<hbm>> -> memref<200x64xf32, #tpu.memory_space<hbm>>
      tpu.enqueue_dma source(%arg8 : memref<200x64xf32, #tpu.memory_space<vmem>>) target(%dma_start3A_86 : memref<200x64xf32, #tpu.memory_space<hbm>>) target_semaphore(%run_scoped3A : memref<!tpu.dma_semaphore, #tpu.memory_space<semaphore_mem>>)
      %dma_wait3A_87 = arith.constant 0 : i32
      %dma_wait3A_88 = tpu.memref_slice %arg5[%add3A_82, %dma_wait3A_87] : memref<819200x64xf32, #tpu.memory_space<hbm>> -> memref<200x64xf32, #tpu.memory_space<hbm>>
      %dma_wait3A_89 = arith.constant 0 : i32
      %dma_wait3A_90 = tpu.memref_slice %arg5[%add3A_82, %dma_wait3A_89] : memref<819200x64xf32, #tpu.memory_space<hbm>> -> memref<200x64xf32, #tpu.memory_space<hbm>>
      tpu.wait_dma2 semaphore(%run_scoped3A : memref<!tpu.dma_semaphore, #tpu.memory_space<semaphore_mem>>) src(%arg8 : memref<200x64xf32, #tpu.memory_space<vmem>>) dst(%dma_wait3A_90 : memref<200x64xf32, #tpu.memory_space<hbm>>)
      tpu.yield
    }) : () -> ()
    return
  }
}

module attributes {stable_mosaic.version = 14 : i64} {
  func.func @body(%arg0: i32, %arg1: memref<128x100x128xf32, #tpu.memory_space<vmem>>, %arg2: memref<200x64x128xf32, #tpu.memory_space<vmem>>) attributes {dimension_semantics = [#tpu.dimension_semantics<arbitrary>], iteration_bounds = array<i64: 32>, scalar_prefetch = 0 : i64, scratch_operands = 0 : i64, tpu.core_type = #tpu.core_type<tc>, window_params = [{transform_indices = @transform_0, window_bounds = array<i64: 128, 100, 128>}, {transform_indices = @transform_1, window_bounds = array<i64: 200, 64, 128>}]} {
    %get3A = arith.constant 0 : index
    %get3A_0 = arith.constant 0 : index
    %get3A_1 = arith.constant 0 : index
    %get3A_2 = vector.load %arg1[%get3A, %get3A_0, %get3A_1] : memref<128x100x128xf32, #tpu.memory_space<vmem>>, vector<128x1x64xf32>
    %get3A_3 = vector.shape_cast %get3A_2 : vector<128x1x64xf32> to vector<128x64xf32>
    %transpose3A = tpu.transpose %get3A_3, [1, 0] : vector<128x64xf32> -> vector<64x128xf32>
    %swap3A = arith.constant 0 : index
    %swap3A_4 = arith.constant 0 : index
    %swap3A_5 = arith.constant 0 : index
    %swap3A_6 = vector.load %arg2[%swap3A, %swap3A_4, %swap3A_5] : memref<200x64x128xf32, #tpu.memory_space<vmem>>, vector<1x64x128xf32>
    %swap3A_7 = vector.shape_cast %swap3A_6 : vector<1x64x128xf32> to vector<64x128xf32>
    %swap3A_8 = vector.shape_cast %transpose3A : vector<64x128xf32> to vector<1x64x128xf32>
    tpu.vector_store %arg2[%swap3A, %swap3A_4, %swap3A_5], %swap3A_8 {strides = array<i32>} : memref<200x64x128xf32, #tpu.memory_space<vmem>>, vector<1x64x128xf32>,
    %get3A_9 = arith.constant 0 : index
    %get3A_10 = arith.constant 0 : index
    %get3A_11 = arith.constant 64 : index
    %get3A_12 = vector.load %arg1[%get3A_9, %get3A_10, %get3A_11] : memref<128x100x128xf32, #tpu.memory_space<vmem>>, vector<128x1x64xf32>
    %get3A_13 = vector.shape_cast %get3A_12 : vector<128x1x64xf32> to vector<128x64xf32>
    %transpose3A_14 = tpu.transpose %get3A_13, [1, 0] : vector<128x64xf32> -> vector<64x128xf32>
    %swap3A_15 = arith.constant 1 : index
    %swap3A_16 = arith.constant 0 : index
    %swap3A_17 = arith.constant 0 : index
    %swap3A_18 = vector.load %arg2[%swap3A_15, %swap3A_16, %swap3A_17] : memref<200x64x128xf32, #tpu.memory_space<vmem>>, vector<1x64x128xf32>
    %swap3A_19 = vector.shape_cast %swap3A_18 : vector<1x64x128xf32> to vector<64x128xf32>
    %swap3A_20 = vector.shape_cast %transpose3A_14 : vector<64x128xf32> to vector<1x64x128xf32>
    tpu.vector_store %arg2[%swap3A_15, %swap3A_16, %swap3A_17], %swap3A_20 {strides = array<i32>} : memref<200x64x128xf32, #tpu.memory_space<vmem>>, vector<1x64x128xf32>,
    %get3A_21 = arith.constant 0 : index
    %get3A_22 = arith.constant 1 : index
    %get3A_23 = arith.constant 0 : index
    %get3A_24 = vector.load %arg1[%get3A_21, %get3A_22, %get3A_23] : memref<128x100x128xf32, #tpu.memory_space<vmem>>, vector<128x1x64xf32>
    %get3A_25 = vector.shape_cast %get3A_24 : vector<128x1x64xf32> to vector<128x64xf32>
    %transpose3A_26 = tpu.transpose %get3A_25, [1, 0] : vector<128x64xf32> -> vector<64x128xf32>
    %swap3A_27 = arith.constant 2 : index
    %swap3A_28 = arith.constant 0 : index
    %swap3A_29 = arith.constant 0 : index
    %swap3A_30 = vector.load %arg2[%swap3A_27, %swap3A_28, %swap3A_29] : memref<200x64x128xf32, #tpu.memory_space<vmem>>, vector<1x64x128xf32>
    %swap3A_31 = vector.shape_cast %swap3A_30 : vector<1x64x128xf32> to vector<64x128xf32>
    %swap3A_32 = vector.shape_cast %transpose3A_26 : vector<64x128xf32> to vector<1x64x128xf32>
    tpu.vector_store %arg2[%swap3A_27, %swap3A_28, %swap3A_29], %swap3A_32 {strides = array<i32>} : memref<200x64x128xf32, #tpu.memory_space<vmem>>, vector<1x64x128xf32>,
    %get3A_33 = arith.constant 0 : index
    %get3A_34 = arith.constant 1 : index
    %get3A_35 = arith.constant 64 : index
    %get3A_36 = vector.load %arg1[%get3A_33, %get3A_34, %get3A_35] : memref<128x100x128xf32, #tpu.memory_space<vmem>>, vector<128x1x64xf32>
    %get3A_37 = vector.shape_cast %get3A_36 : vector<128x1x64xf32> to vector<128x64xf32>
    %transpose3A_38 = tpu.transpose %get3A_37, [1, 0] : vector<128x64xf32> -> vector<64x128xf32>
    %swap3A_39 = arith.constant 3 : index
    %swap3A_40 = arith.constant 0 : index
    %swap3A_41 = arith.constant 0 : index
    %swap3A_42 = vector.load %arg2[%swap3A_39, %swap3A_40, %swap3A_41] : memref<200x64x128xf32, #tpu.memory_space<vmem>>, vector<1x64x128xf32>
    %swap3A_43 = vector.shape_cast %swap3A_42 : vector<1x64x128xf32> to vector<64x128xf32>
    %swap3A_44 = vector.shape_cast %transpose3A_38 : vector<64x128xf32> to vector<1x64x128xf32>
    tpu.vector_store %arg2[%swap3A_39, %swap3A_40, %swap3A_41], %swap3A_44 {strides = array<i32>} : memref<200x64x128xf32, #tpu.memory_space<vmem>>, vector<1x64x128xf32>,
    %get3A_45 = arith.constant 0 : index
    %get3A_46 = arith.constant 2 : index
    %get3A_47 = arith.constant 0 : index
    %get3A_48 = vector.load %arg1[%get3A_45, %get3A_46, %get3A_47] : memref<128x100x128xf32, #tpu.memory_space<vmem>>, vector<128x1x64xf32>
    %get3A_49 = vector.shape_cast %get3A_48 : vector<128x1x64xf32> to vector<128x64xf32>
    %transpose3A_50 = tpu.transpose %get3A_49, [1, 0] : vector<128x64xf32> -> vector<64x128xf32>
    %swap3A_51 = arith.constant 4 : index
    %swap3A_52 = arith.constant 0 : index
    %swap3A_53 = arith.constant 0 : index
    %swap3A_54 = vector.load %arg2[%swap3A_51, %swap3A_52, %swap3A_53] : memref<200x64x128xf32, #tpu.memory_space<vmem>>, vector<1x64x128xf32>
    %swap3A_55 = vector.shape_cast %swap3A_54 : vector<1x64x128xf32> to vector<64x128xf32>
    %swap3A_56 = vector.shape_cast %transpose3A_50 : vector<64x128xf32> to vector<1x64x128xf32>
    tpu.vector_store %arg2[%swap3A_51, %swap3A_52, %swap3A_53], %swap3A_56 {strides = array<i32>} : memref<200x64x128xf32, #tpu.memory_space<vmem>>, vector<1x64x128xf32>,
    %get3A_57 = arith.constant 0 : index
    %get3A_58 = arith.constant 2 : index
    %get3A_59 = arith.constant 64 : index
    %get3A_60 = vector.load %arg1[%get3A_57, %get3A_58, %get3A_59] : memref<128x100x128xf32, #tpu.memory_space<vmem>>, vector<128x1x64xf32>
    %get3A_61 = vector.shape_cast %get3A_60 : vector<128x1x64xf32> to vector<128x64xf32>
    %transpose3A_62 = tpu.transpose %get3A_61, [1, 0] : vector<128x64xf32> -> vector<64x128xf32>
    %swap3A_63 = arith.constant 5 : index
    %swap3A_64 = arith.constant 0 : index
    %swap3A_65 = arith.constant 0 : index
    %swap3A_66 = vector.load %arg2[%swap3A_63, %swap3A_64, %swap3A_65] : memref<200x64x128xf32, #tpu.memory_space<vmem>>, vector<1x64x128xf32>
    %swap3A_67 = vector.shape_cast %swap3A_66 : vector<1x64x128xf32> to vector<64x128xf32>
    %swap3A_68 = vector.shape_cast %transpose3A_62 : vector<64x128xf32> to vector<1x64x128xf32>
    tpu.vector_store %arg2[%swap3A_63, %swap3A_64, %swap3A_65], %swap3A_68 {strides = array<i32>} : memref<200x64x128xf32, #tpu.memory_space<vmem>>, vector<1x64x128xf32>,
    %get3A_69 = arith.constant 0 : index
    %get3A_70 = arith.constant 3 : index
    %get3A_71 = arith.constant 0 : index
    %get3A_72 = vector.load %arg1[%get3A_69, %get3A_70, %get3A_71] : memref<128x100x128xf32, #tpu.memory_space<vmem>>, vector<128x1x64xf32>
    %get3A_73 = vector.shape_cast %get3A_72 : vector<128x1x64xf32> to vector<128x64xf32>
    %transpose3A_74 = tpu.transpose %get3A_73, [1, 0] : vector<128x64xf32> -> vector<64x128xf32>
    %swap3A_75 = arith.constant 6 : index
    %swap3A_76 = arith.constant 0 : index
    %swap3A_77 = arith.constant 0 : index
    %swap3A_78 = vector.load %arg2[%swap3A_75, %swap3A_76, %swap3A_77] : memref<200x64x128xf32, #tpu.memory_space<vmem>>, vector<1x64x128xf32>
    %swap3A_79 = vector.shape_cast %swap3A_78 : vector<1x64x128xf32> to vector<64x128xf32>
    %swap3A_80 = vector.shape_cast %transpose3A_74 : vector<64x128xf32> to vector<1x64x128xf32>
    tpu.vector_store %arg2[%swap3A_75, %swap3A_76, %swap3A_77], %swap3A_80 {strides = array<i32>} : memref<200x64x128xf32, #tpu.memory_space<vmem>>, vector<1x64x128xf32>,
    %get3A_81 = arith.constant 0 : index
    %get3A_82 = arith.constant 3 : index
    %get3A_83 = arith.constant 64 : index
    %get3A_84 = vector.load %arg1[%get3A_81, %get3A_82, %get3A_83] : memref<128x100x128xf32, #tpu.memory_space<vmem>>, vector<128x1x64xf32>
    %get3A_85 = vector.shape_cast %get3A_84 : vector<128x1x64xf32> to vector<128x64xf32>
    %transpose3A_86 = tpu.transpose %get3A_85, [1, 0] : vector<128x64xf32> -> vector<64x128xf32>
    %swap3A_87 = arith.constant 7 : index
    %swap3A_88 = arith.constant 0 : index
    %swap3A_89 = arith.constant 0 : index
    %swap3A_90 = vector.load %arg2[%swap3A_87, %swap3A_88, %swap3A_89] : memref<200x64x128xf32, #tpu.memory_space<vmem>>, vector<1x64x128xf32>
    %swap3A_91 = vector.shape_cast %swap3A_90 : vector<1x64x128xf32> to vector<64x128xf32>
    %swap3A_92 = vector.shape_cast %transpose3A_86 : vector<64x128xf32> to vector<1x64x128xf32>
    tpu.vector_store %arg2[%swap3A_87, %swap3A_88, %swap3A_89], %swap3A_92 {strides = array<i32>} : memref<200x64x128xf32, #tpu.memory_space<vmem>>, vector<1x64x128xf32>,
    %get3A_93 = arith.constant 0 : index
    %get3A_94 = arith.constant 4 : index
    %get3A_95 = arith.constant 0 : index
    %get3A_96 = vector.load %arg1[%get3A_93, %get3A_94, %get3A_95] : memref<128x100x128xf32, #tpu.memory_space<vmem>>, vector<128x1x64xf32>
    %get3A_97 = vector.shape_cast %get3A_96 : vector<128x1x64xf32> to vector<128x64xf32>
    %transpose3A_98 = tpu.transpose %get3A_97, [1, 0] : vector<128x64xf32> -> vector<64x128xf32>
    %swap3A_99 = arith.constant 8 : index
    %swap3A_100 = arith.constant 0 : index
    %swap3A_101 = arith.constant 0 : index
    %swap3A_102 = vector.load %arg2[%swap3A_99, %swap3A_100, %swap3A_101] : memref<200x64x128xf32, #tpu.memory_space<vmem>>, vector<1x64x128xf32>
    %swap3A_103 = vector.shape_cast %swap3A_102 : vector<1x64x128xf32> to vector<64x128xf32>
    %swap3A_104 = vector.shape_cast %transpose3A_98 : vector<64x128xf32> to vector<1x64x128xf32>
    tpu.vector_store %arg2[%swap3A_99, %swap3A_100, %swap3A_101], %swap3A_104 {strides = array<i32>} : memref<200x64x128xf32, #tpu.memory_space<vmem>>, vector<1x64x128xf32>,
    %get3A_105 = arith.constant 0 : index
    %get3A_106 = arith.constant 4 : index
    %get3A_107 = arith.constant 64 : index
    %get3A_108 = vector.load %arg1[%get3A_105, %get3A_106, %get3A_107] : memref<128x100x128xf32, #tpu.memory_space<vmem>>, vector<128x1x64xf32>
    %get3A_109 = vector.shape_cast %get3A_108 : vector<128x1x64xf32> to vector<128x64xf32>
    %transpose3A_110 = tpu.transpose %get3A_109, [1, 0] : vector<128x64xf32> -> vector<64x128xf32>
    %swap3A_111 = arith.constant 9 : index
    %swap3A_112 = arith.constant 0 : index
    %swap3A_113 = arith.constant 0 : index
    %swap3A_114 = vector.load %arg2[%swap3A_111, %swap3A_112, %swap3A_113] : memref<200x64x128xf32, #tpu.memory_space<vmem>>, vector<1x64x128xf32>
    %swap3A_115 = vector.shape_cast %swap3A_114 : vector<1x64x128xf32> to vector<64x128xf32>
    %swap3A_116 = vector.shape_cast %transpose3A_110 : vector<64x128xf32> to vector<1x64x128xf32>
    tpu.vector_store %arg2[%swap3A_111, %swap3A_112, %swap3A_113], %swap3A_116 {strides = array<i32>} : memref<200x64x128xf32, #tpu.memory_space<vmem>>, vector<1x64x128xf32>,
    %get3A_117 = arith.constant 0 : index
    %get3A_118 = arith.constant 5 : index
    %get3A_119 = arith.constant 0 : index
    %get3A_120 = vector.load %arg1[%get3A_117, %get3A_118, %get3A_119] : memref<128x100x128xf32, #tpu.memory_space<vmem>>, vector<128x1x64xf32>
    %get3A_121 = vector.shape_cast %get3A_120 : vector<128x1x64xf32> to vector<128x64xf32>
    %transpose3A_122 = tpu.transpose %get3A_121, [1, 0] : vector<128x64xf32> -> vector<64x128xf32>
    %swap3A_123 = arith.constant 10 : index
    %swap3A_124 = arith.constant 0 : index
    %swap3A_125 = arith.constant 0 : index
    %swap3A_126 = vector.load %arg2[%swap3A_123, %swap3A_124, %swap3A_125] : memref<200x64x128xf32, #tpu.memory_space<vmem>>, vector<1x64x128xf32>
    %swap3A_127 = vector.shape_cast %swap3A_126 : vector<1x64x128xf32> to vector<64x128xf32>
    %swap3A_128 = vector.shape_cast %transpose3A_122 : vector<64x128xf32> to vector<1x64x128xf32>
    tpu.vector_store %arg2[%swap3A_123, %swap3A_124, %swap3A_125], %swap3A_128 {strides = array<i32>} : memref<200x64x128xf32, #tpu.memory_space<vmem>>, vector<1x64x128xf32>,
    %get3A_129 = arith.constant 0 : index
    %get3A_130 = arith.constant 5 : index
    %get3A_131 = arith.constant 64 : index
    %get3A_132 = vector.load %arg1[%get3A_129, %get3A_130, %get3A_131] : memref<128x100x128xf32, #tpu.memory_space<vmem>>, vector<128x1x64xf32>
    %get3A_133 = vector.shape_cast %get3A_132 : vector<128x1x64xf32> to vector<128x64xf32>
    %transpose3A_134 = tpu.transpose %get3A_133, [1, 0] : vector<128x64xf32> -> vector<64x128xf32>
    %swap3A_135 = arith.constant 11 : index
    %swap3A_136 = arith.constant 0 : index
    %swap3A_137 = arith.constant 0 : index
    %swap3A_138 = vector.load %arg2[%swap3A_135, %swap3A_136, %swap3A_137] : memref<200x64x128xf32, #tpu.memory_space<vmem>>, vector<1x64x128xf32>
    %swap3A_139 = vector.shape_cast %swap3A_138 : vector<1x64x128xf32> to vector<64x128xf32>
    %swap3A_140 = vector.shape_cast %transpose3A_134 : vector<64x128xf32> to vector<1x64x128xf32>
    tpu.vector_store %arg2[%swap3A_135, %swap3A_136, %swap3A_137], %swap3A_140 {strides = array<i32>} : memref<200x64x128xf32, #tpu.memory_space<vmem>>, vector<1x64x128xf32>,
    %get3A_141 = arith.constant 0 : index
    %get3A_142 = arith.constant 6 : index
    %get3A_143 = arith.constant 0 : index
    %get3A_144 = vector.load %arg1[%get3A_141, %get3A_142, %get3A_143] : memref<128x100x128xf32, #tpu.memory_space<vmem>>, vector<128x1x64xf32>
    %get3A_145 = vector.shape_cast %get3A_144 : vector<128x1x64xf32> to vector<128x64xf32>
    %transpose3A_146 = tpu.transpose %get3A_145, [1, 0] : vector<128x64xf32> -> vector<64x128xf32>
    %swap3A_147 = arith.constant 12 : index
    %swap3A_148 = arith.constant 0 : index
    %swap3A_149 = arith.constant 0 : index
    %swap3A_150 = vector.load %arg2[%swap3A_147, %swap3A_148, %swap3A_149] : memref<200x64x128xf32, #tpu.memory_space<vmem>>, vector<1x64x128xf32>
    %swap3A_151 = vector.shape_cast %swap3A_150 : vector<1x64x128xf32> to vector<64x128xf32>
    %swap3A_152 = vector.shape_cast %transpose3A_146 : vector<64x128xf32> to vector<1x64x128xf32>
    tpu.vector_store %arg2[%swap3A_147, %swap3A_148, %swap3A_149], %swap3A_152 {strides = array<i32>} : memref<200x64x128xf32, #tpu.memory_space<vmem>>, vector<1x64x128xf32>,
    %get3A_153 = arith.constant 0 : index
    %get3A_154 = arith.constant 6 : index
    %get3A_155 = arith.constant 64 : index
    %get3A_156 = vector.load %arg1[%get3A_153, %get3A_154, %get3A_155] : memref<128x100x128xf32, #tpu.memory_space<vmem>>, vector<128x1x64xf32>
    %get3A_157 = vector.shape_cast %get3A_156 : vector<128x1x64xf32> to vector<128x64xf32>
    %transpose3A_158 = tpu.transpose %get3A_157, [1, 0] : vector<128x64xf32> -> vector<64x128xf32>
    %swap3A_159 = arith.constant 13 : index
    %swap3A_160 = arith.constant 0 : index
    %swap3A_161 = arith.constant 0 : index
    %swap3A_162 = vector.load %arg2[%swap3A_159, %swap3A_160, %swap3A_161] : memref<200x64x128xf32, #tpu.memory_space<vmem>>, vector<1x64x128xf32>
    %swap3A_163 = vector.shape_cast %swap3A_162 : vector<1x64x128xf32> to vector<64x128xf32>
    %swap3A_164 = vector.shape_cast %transpose3A_158 : vector<64x128xf32> to vector<1x64x128xf32>
    tpu.vector_store %arg2[%swap3A_159, %swap3A_160, %swap3A_161], %swap3A_164 {strides = array<i32>} : memref<200x64x128xf32, #tpu.memory_space<vmem>>, vector<1x64x128xf32>,
    %get3A_165 = arith.constant 0 : index
    %get3A_166 = arith.constant 7 : index
    %get3A_167 = arith.constant 0 : index
    %get3A_168 = vector.load %arg1[%get3A_165, %get3A_166, %get3A_167] : memref<128x100x128xf32, #tpu.memory_space<vmem>>, vector<128x1x64xf32>
    %get3A_169 = vector.shape_cast %get3A_168 : vector<128x1x64xf32> to vector<128x64xf32>
    %transpose3A_170 = tpu.transpose %get3A_169, [1, 0] : vector<128x64xf32> -> vector<64x128xf32>
    %swap3A_171 = arith.constant 14 : index
    %swap3A_172 = arith.constant 0 : index
    %swap3A_173 = arith.constant 0 : index
    %swap3A_174 = vector.load %arg2[%swap3A_171, %swap3A_172, %swap3A_173] : memref<200x64x128xf32, #tpu.memory_space<vmem>>, vector<1x64x128xf32>
    %swap3A_175 = vector.shape_cast %swap3A_174 : vector<1x64x128xf32> to vector<64x128xf32>
    %swap3A_176 = vector.shape_cast %transpose3A_170 : vector<64x128xf32> to vector<1x64x128xf32>
    tpu.vector_store %arg2[%swap3A_171, %swap3A_172, %swap3A_173], %swap3A_176 {strides = array<i32>} : memref<200x64x128xf32, #tpu.memory_space<vmem>>, vector<1x64x128xf32>,
    %get3A_177 = arith.constant 0 : index
    %get3A_178 = arith.constant 7 : index
    %get3A_179 = arith.constant 64 : index
    %get3A_180 = vector.load %arg1[%get3A_177, %get3A_178, %get3A_179] : memref<128x100x128xf32, #tpu.memory_space<vmem>>, vector<128x1x64xf32>
    %get3A_181 = vector.shape_cast %get3A_180 : vector<128x1x64xf32> to vector<128x64xf32>
    %transpose3A_182 = tpu.transpose %get3A_181, [1, 0] : vector<128x64xf32> -> vector<64x128xf32>
    %swap3A_183 = arith.constant 15 : index
    %swap3A_184 = arith.constant 0 : index
    %swap3A_185 = arith.constant 0 : index
    %swap3A_186 = vector.load %arg2[%swap3A_183, %swap3A_184, %swap3A_185] : memref<200x64x128xf32, #tpu.memory_space<vmem>>, vector<1x64x128xf32>
    %swap3A_187 = vector.shape_cast %swap3A_186 : vector<1x64x128xf32> to vector<64x128xf32>
    %swap3A_188 = vector.shape_cast %transpose3A_182 : vector<64x128xf32> to vector<1x64x128xf32>
    tpu.vector_store %arg2[%swap3A_183, %swap3A_184, %swap3A_185], %swap3A_188 {strides = array<i32>} : memref<200x64x128xf32, #tpu.memory_space<vmem>>, vector<1x64x128xf32>,
    %get3A_189 = arith.constant 0 : index
    %get3A_190 = arith.constant 8 : index
    %get3A_191 = arith.constant 0 : index
    %get3A_192 = vector.load %arg1[%get3A_189, %get3A_190, %get3A_191] : memref<128x100x128xf32, #tpu.memory_space<vmem>>, vector<128x1x64xf32>
    %get3A_193 = vector.shape_cast %get3A_192 : vector<128x1x64xf32> to vector<128x64xf32>
    %transpose3A_194 = tpu.transpose %get3A_193, [1, 0] : vector<128x64xf32> -> vector<64x128xf32>
    %swap3A_195 = arith.constant 16 : index
    %swap3A_196 = arith.constant 0 : index
    %swap3A_197 = arith.constant 0 : index
    %swap3A_198 = vector.load %arg2[%swap3A_195, %swap3A_196, %swap3A_197] : memref<200x64x128xf32, #tpu.memory_space<vmem>>, vector<1x64x128xf32>
    %swap3A_199 = vector.shape_cast %swap3A_198 : vector<1x64x128xf32> to vector<64x128xf32>
    %swap3A_200 = vector.shape_cast %transpose3A_194 : vector<64x128xf32> to vector<1x64x128xf32>
    tpu.vector_store %arg2[%swap3A_195, %swap3A_196, %swap3A_197], %swap3A_200 {strides = array<i32>} : memref<200x64x128xf32, #tpu.memory_space<vmem>>, vector<1x64x128xf32>,
    %get3A_201 = arith.constant 0 : index
    %get3A_202 = arith.constant 8 : index
    %get3A_203 = arith.constant 64 : index
    %get3A_204 = vector.load %arg1[%get3A_201, %get3A_202, %get3A_203] : memref<128x100x128xf32, #tpu.memory_space<vmem>>, vector<128x1x64xf32>
    %get3A_205 = vector.shape_cast %get3A_204 : vector<128x1x64xf32> to vector<128x64xf32>
    %transpose3A_206 = tpu.transpose %get3A_205, [1, 0] : vector<128x64xf32> -> vector<64x128xf32>
    %swap3A_207 = arith.constant 17 : index
    %swap3A_208 = arith.constant 0 : index
    %swap3A_209 = arith.constant 0 : index
    %swap3A_210 = vector.load %arg2[%swap3A_207, %swap3A_208, %swap3A_209] : memref<200x64x128xf32, #tpu.memory_space<vmem>>, vector<1x64x128xf32>
    %swap3A_211 = vector.shape_cast %swap3A_210 : vector<1x64x128xf32> to vector<64x128xf32>
    %swap3A_212 = vector.shape_cast %transpose3A_206 : vector<64x128xf32> to vector<1x64x128xf32>
    tpu.vector_store %arg2[%swap3A_207, %swap3A_208, %swap3A_209], %swap3A_212 {strides = array<i32>} : memref<200x64x128xf32, #tpu.memory_space<vmem>>, vector<1x64x128xf32>,
    %get3A_213 = arith.constant 0 : index
    %get3A_214 = arith.constant 9 : index
    %get3A_215 = arith.constant 0 : index
    %get3A_216 = vector.load %arg1[%get3A_213, %get3A_214, %get3A_215] : memref<128x100x128xf32, #tpu.memory_space<vmem>>, vector<128x1x64xf32>
    %get3A_217 = vector.shape_cast %get3A_216 : vector<128x1x64xf32> to vector<128x64xf32>
    %transpose3A_218 = tpu.transpose %get3A_217, [1, 0] : vector<128x64xf32> -> vector<64x128xf32>
    %swap3A_219 = arith.constant 18 : index
    %swap3A_220 = arith.constant 0 : index
    %swap3A_221 = arith.constant 0 : index
    %swap3A_222 = vector.load %arg2[%swap3A_219, %swap3A_220, %swap3A_221] : memref<200x64x128xf32, #tpu.memory_space<vmem>>, vector<1x64x128xf32>
    %swap3A_223 = vector.shape_cast %swap3A_222 : vector<1x64x128xf32> to vector<64x128xf32>
    %swap3A_224 = vector.shape_cast %transpose3A_218 : vector<64x128xf32> to vector<1x64x128xf32>
    tpu.vector_store %arg2[%swap3A_219, %swap3A_220, %swap3A_221], %swap3A_224 {strides = array<i32>} : memref<200x64x128xf32, #tpu.memory_space<vmem>>, vector<1x64x128xf32>,
    %get3A_225 = arith.constant 0 : index
    %get3A_226 = arith.constant 9 : index
    %get3A_227 = arith.constant 64 : index
    %get3A_228 = vector.load %arg1[%get3A_225, %get3A_226, %get3A_227] : memref<128x100x128xf32, #tpu.memory_space<vmem>>, vector<128x1x64xf32>
    %get3A_229 = vector.shape_cast %get3A_228 : vector<128x1x64xf32> to vector<128x64xf32>
    %transpose3A_230 = tpu.transpose %get3A_229, [1, 0] : vector<128x64xf32> -> vector<64x128xf32>
    %swap3A_231 = arith.constant 19 : index
    %swap3A_232 = arith.constant 0 : index
    %swap3A_233 = arith.constant 0 : index
    %swap3A_234 = vector.load %arg2[%swap3A_231, %swap3A_232, %swap3A_233] : memref<200x64x128xf32, #tpu.memory_space<vmem>>, vector<1x64x128xf32>
    %swap3A_235 = vector.shape_cast %swap3A_234 : vector<1x64x128xf32> to vector<64x128xf32>
    %swap3A_236 = vector.shape_cast %transpose3A_230 : vector<64x128xf32> to vector<1x64x128xf32>
    tpu.vector_store %arg2[%swap3A_231, %swap3A_232, %swap3A_233], %swap3A_236 {strides = array<i32>} : memref<200x64x128xf32, #tpu.memory_space<vmem>>, vector<1x64x128xf32>,
    %get3A_237 = arith.constant 0 : index
    %get3A_238 = arith.constant 10 : index
    %get3A_239 = arith.constant 0 : index
    %get3A_240 = vector.load %arg1[%get3A_237, %get3A_238, %get3A_239] : memref<128x100x128xf32, #tpu.memory_space<vmem>>, vector<128x1x64xf32>
    %get3A_241 = vector.shape_cast %get3A_240 : vector<128x1x64xf32> to vector<128x64xf32>
    %transpose3A_242 = tpu.transpose %get3A_241, [1, 0] : vector<128x64xf32> -> vector<64x128xf32>
    %swap3A_243 = arith.constant 20 : index
    %swap3A_244 = arith.constant 0 : index
    %swap3A_245 = arith.constant 0 : index
    %swap3A_246 = vector.load %arg2[%swap3A_243, %swap3A_244, %swap3A_245] : memref<200x64x128xf32, #tpu.memory_space<vmem>>, vector<1x64x128xf32>
    %swap3A_247 = vector.shape_cast %swap3A_246 : vector<1x64x128xf32> to vector<64x128xf32>
    %swap3A_248 = vector.shape_cast %transpose3A_242 : vector<64x128xf32> to vector<1x64x128xf32>
    tpu.vector_store %arg2[%swap3A_243, %swap3A_244, %swap3A_245], %swap3A_248 {strides = array<i32>} : memref<200x64x128xf32, #tpu.memory_space<vmem>>, vector<1x64x128xf32>,
    %get3A_249 = arith.constant 0 : index
    %get3A_250 = arith.constant 10 : index
    %get3A_251 = arith.constant 64 : index
    %get3A_252 = vector.load %arg1[%get3A_249, %get3A_250, %get3A_251] : memref<128x100x128xf32, #tpu.memory_space<vmem>>, vector<128x1x64xf32>
    %get3A_253 = vector.shape_cast %get3A_252 : vector<128x1x64xf32> to vector<128x64xf32>
    %transpose3A_254 = tpu.transpose %get3A_253, [1, 0] : vector<128x64xf32> -> vector<64x128xf32>
    %swap3A_255 = arith.constant 21 : index
    %swap3A_256 = arith.constant 0 : index
    %swap3A_257 = arith.constant 0 : index
    %swap3A_258 = vector.load %arg2[%swap3A_255, %swap3A_256, %swap3A_257] : memref<200x64x128xf32, #tpu.memory_space<vmem>>, vector<1x64x128xf32>
    %swap3A_259 = vector.shape_cast %swap3A_258 : vector<1x64x128xf32> to vector<64x128xf32>
    %swap3A_260 = vector.shape_cast %transpose3A_254 : vector<64x128xf32> to vector<1x64x128xf32>
    tpu.vector_store %arg2[%swap3A_255, %swap3A_256, %swap3A_257], %swap3A_260 {strides = array<i32>} : memref<200x64x128xf32, #tpu.memory_space<vmem>>, vector<1x64x128xf32>,
    %get3A_261 = arith.constant 0 : index
    %get3A_262 = arith.constant 11 : index
    %get3A_263 = arith.constant 0 : index
    %get3A_264 = vector.load %arg1[%get3A_261, %get3A_262, %get3A_263] : memref<128x100x128xf32, #tpu.memory_space<vmem>>, vector<128x1x64xf32>
    %get3A_265 = vector.shape_cast %get3A_264 : vector<128x1x64xf32> to vector<128x64xf32>
    %transpose3A_266 = tpu.transpose %get3A_265, [1, 0] : vector<128x64xf32> -> vector<64x128xf32>
    %swap3A_267 = arith.constant 22 : index
    %swap3A_268 = arith.constant 0 : index
    %swap3A_269 = arith.constant 0 : index
    %swap3A_270 = vector.load %arg2[%swap3A_267, %swap3A_268, %swap3A_269] : memref<200x64x128xf32, #tpu.memory_space<vmem>>, vector<1x64x128xf32>
    %swap3A_271 = vector.shape_cast %swap3A_270 : vector<1x64x128xf32> to vector<64x128xf32>
    %swap3A_272 = vector.shape_cast %transpose3A_266 : vector<64x128xf32> to vector<1x64x128xf32>
    tpu.vector_store %arg2[%swap3A_267, %swap3A_268, %swap3A_269], %swap3A_272 {strides = array<i32>} : memref<200x64x128xf32, #tpu.memory_space<vmem>>, vector<1x64x128xf32>,
    %get3A_273 = arith.constant 0 : index
    %get3A_274 = arith.constant 11 : index
    %get3A_275 = arith.constant 64 : index
    %get3A_276 = vector.load %arg1[%get3A_273, %get3A_274, %get3A_275] : memref<128x100x128xf32, #tpu.memory_space<vmem>>, vector<128x1x64xf32>
    %get3A_277 = vector.shape_cast %get3A_276 : vector<128x1x64xf32> to vector<128x64xf32>
    %transpose3A_278 = tpu.transpose %get3A_277, [1, 0] : vector<128x64xf32> -> vector<64x128xf32>
    %swap3A_279 = arith.constant 23 : index
    %swap3A_280 = arith.constant 0 : index
    %swap3A_281 = arith.constant 0 : index
    %swap3A_282 = vector.load %arg2[%swap3A_279, %swap3A_280, %swap3A_281] : memref<200x64x128xf32, #tpu.memory_space<vmem>>, vector<1x64x128xf32>
    %swap3A_283 = vector.shape_cast %swap3A_282 : vector<1x64x128xf32> to vector<64x128xf32>
    %swap3A_284 = vector.shape_cast %transpose3A_278 : vector<64x128xf32> to vector<1x64x128xf32>
    tpu.vector_store %arg2[%swap3A_279, %swap3A_280, %swap3A_281], %swap3A_284 {strides = array<i32>} : memref<200x64x128xf32, #tpu.memory_space<vmem>>, vector<1x64x128xf32>,
    %get3A_285 = arith.constant 0 : index
    %get3A_286 = arith.constant 12 : index
    %get3A_287 = arith.constant 0 : index
    %get3A_288 = vector.load %arg1[%get3A_285, %get3A_286, %get3A_287] : memref<128x100x128xf32, #tpu.memory_space<vmem>>, vector<128x1x64xf32>
    %get3A_289 = vector.shape_cast %get3A_288 : vector<128x1x64xf32> to vector<128x64xf32>
    %transpose3A_290 = tpu.transpose %get3A_289, [1, 0] : vector<128x64xf32> -> vector<64x128xf32>
    %swap3A_291 = arith.constant 24 : index
    %swap3A_292 = arith.constant 0 : index
    %swap3A_293 = arith.constant 0 : index
    %swap3A_294 = vector.load %arg2[%swap3A_291, %swap3A_292, %swap3A_293] : memref<200x64x128xf32, #tpu.memory_space<vmem>>, vector<1x64x128xf32>
    %swap3A_295 = vector.shape_cast %swap3A_294 : vector<1x64x128xf32> to vector<64x128xf32>
    %swap3A_296 = vector.shape_cast %transpose3A_290 : vector<64x128xf32> to vector<1x64x128xf32>
    tpu.vector_store %arg2[%swap3A_291, %swap3A_292, %swap3A_293], %swap3A_296 {strides = array<i32>} : memref<200x64x128xf32, #tpu.memory_space<vmem>>, vector<1x64x128xf32>,
    %get3A_297 = arith.constant 0 : index
    %get3A_298 = arith.constant 12 : index
    %get3A_299 = arith.constant 64 : index
    %get3A_300 = vector.load %arg1[%get3A_297, %get3A_298, %get3A_299] : memref<128x100x128xf32, #tpu.memory_space<vmem>>, vector<128x1x64xf32>
    %get3A_301 = vector.shape_cast %get3A_300 : vector<128x1x64xf32> to vector<128x64xf32>
    %transpose3A_302 = tpu.transpose %get3A_301, [1, 0] : vector<128x64xf32> -> vector<64x128xf32>
    %swap3A_303 = arith.constant 25 : index
    %swap3A_304 = arith.constant 0 : index
    %swap3A_305 = arith.constant 0 : index
    %swap3A_306 = vector.load %arg2[%swap3A_303, %swap3A_304, %swap3A_305] : memref<200x64x128xf32, #tpu.memory_space<vmem>>, vector<1x64x128xf32>
    %swap3A_307 = vector.shape_cast %swap3A_306 : vector<1x64x128xf32> to vector<64x128xf32>
    %swap3A_308 = vector.shape_cast %transpose3A_302 : vector<64x128xf32> to vector<1x64x128xf32>
    tpu.vector_store %arg2[%swap3A_303, %swap3A_304, %swap3A_305], %swap3A_308 {strides = array<i32>} : memref<200x64x128xf32, #tpu.memory_space<vmem>>, vector<1x64x128xf32>,
    %get3A_309 = arith.constant 0 : index
    %get3A_310 = arith.constant 13 : index
    %get3A_311 = arith.constant 0 : index
    %get3A_312 = vector.load %arg1[%get3A_309, %get3A_310, %get3A_311] : memref<128x100x128xf32, #tpu.memory_space<vmem>>, vector<128x1x64xf32>
    %get3A_313 = vector.shape_cast %get3A_312 : vector<128x1x64xf32> to vector<128x64xf32>
    %transpose3A_314 = tpu.transpose %get3A_313, [1, 0] : vector<128x64xf32> -> vector<64x128xf32>
    %swap3A_315 = arith.constant 26 : index
    %swap3A_316 = arith.constant 0 : index
    %swap3A_317 = arith.constant 0 : index
    %swap3A_318 = vector.load %arg2[%swap3A_315, %swap3A_316, %swap3A_317] : memref<200x64x128xf32, #tpu.memory_space<vmem>>, vector<1x64x128xf32>
    %swap3A_319 = vector.shape_cast %swap3A_318 : vector<1x64x128xf32> to vector<64x128xf32>
    %swap3A_320 = vector.shape_cast %transpose3A_314 : vector<64x128xf32> to vector<1x64x128xf32>
    tpu.vector_store %arg2[%swap3A_315, %swap3A_316, %swap3A_317], %swap3A_320 {strides = array<i32>} : memref<200x64x128xf32, #tpu.memory_space<vmem>>, vector<1x64x128xf32>,
    %get3A_321 = arith.constant 0 : index
    %get3A_322 = arith.constant 13 : index
    %get3A_323 = arith.constant 64 : index
    %get3A_324 = vector.load %arg1[%get3A_321, %get3A_322, %get3A_323] : memref<128x100x128xf32, #tpu.memory_space<vmem>>, vector<128x1x64xf32>
    %get3A_325 = vector.shape_cast %get3A_324 : vector<128x1x64xf32> to vector<128x64xf32>
    %transpose3A_326 = tpu.transpose %get3A_325, [1, 0] : vector<128x64xf32> -> vector<64x128xf32>
    %swap3A_327 = arith.constant 27 : index
    %swap3A_328 = arith.constant 0 : index
    %swap3A_329 = arith.constant 0 : index
    %swap3A_330 = vector.load %arg2[%swap3A_327, %swap3A_328, %swap3A_329] : memref<200x64x128xf32, #tpu.memory_space<vmem>>, vector<1x64x128xf32>
    %swap3A_331 = vector.shape_cast %swap3A_330 : vector<1x64x128xf32> to vector<64x128xf32>
    %swap3A_332 = vector.shape_cast %transpose3A_326 : vector<64x128xf32> to vector<1x64x128xf32>
    tpu.vector_store %arg2[%swap3A_327, %swap3A_328, %swap3A_329], %swap3A_332 {strides = array<i32>} : memref<200x64x128xf32, #tpu.memory_space<vmem>>, vector<1x64x128xf32>,
    %get3A_333 = arith.constant 0 : index
    %get3A_334 = arith.constant 14 : index
    %get3A_335 = arith.constant 0 : index
    %get3A_336 = vector.load %arg1[%get3A_333, %get3A_334, %get3A_335] : memref<128x100x128xf32, #tpu.memory_space<vmem>>, vector<128x1x64xf32>
    %get3A_337 = vector.shape_cast %get3A_336 : vector<128x1x64xf32> to vector<128x64xf32>
    %transpose3A_338 = tpu.transpose %get3A_337, [1, 0] : vector<128x64xf32> -> vector<64x128xf32>
    %swap3A_339 = arith.constant 28 : index
    %swap3A_340 = arith.constant 0 : index
    %swap3A_341 = arith.constant 0 : index
    %swap3A_342 = vector.load %arg2[%swap3A_339, %swap3A_340, %swap3A_341] : memref<200x64x128xf32, #tpu.memory_space<vmem>>, vector<1x64x128xf32>
    %swap3A_343 = vector.shape_cast %swap3A_342 : vector<1x64x128xf32> to vector<64x128xf32>
    %swap3A_344 = vector.shape_cast %transpose3A_338 : vector<64x128xf32> to vector<1x64x128xf32>
    tpu.vector_store %arg2[%swap3A_339, %swap3A_340, %swap3A_341], %swap3A_344 {strides = array<i32>} : memref<200x64x128xf32, #tpu.memory_space<vmem>>, vector<1x64x128xf32>,
    %get3A_345 = arith.constant 0 : index
    %get3A_346 = arith.constant 14 : index
    %get3A_347 = arith.constant 64 : index
    %get3A_348 = vector.load %arg1[%get3A_345, %get3A_346, %get3A_347] : memref<128x100x128xf32, #tpu.memory_space<vmem>>, vector<128x1x64xf32>
    %get3A_349 = vector.shape_cast %get3A_348 : vector<128x1x64xf32> to vector<128x64xf32>
    %transpose3A_350 = tpu.transpose %get3A_349, [1, 0] : vector<128x64xf32> -> vector<64x128xf32>
    %swap3A_351 = arith.constant 29 : index
    %swap3A_352 = arith.constant 0 : index
    %swap3A_353 = arith.constant 0 : index
    %swap3A_354 = vector.load %arg2[%swap3A_351, %swap3A_352, %swap3A_353] : memref<200x64x128xf32, #tpu.memory_space<vmem>>, vector<1x64x128xf32>
    %swap3A_355 = vector.shape_cast %swap3A_354 : vector<1x64x128xf32> to vector<64x128xf32>
    %swap3A_356 = vector.shape_cast %transpose3A_350 : vector<64x128xf32> to vector<1x64x128xf32>
    tpu.vector_store %arg2[%swap3A_351, %swap3A_352, %swap3A_353], %swap3A_356 {strides = array<i32>} : memref<200x64x128xf32, #tpu.memory_space<vmem>>, vector<1x64x128xf32>,
    %get3A_357 = arith.constant 0 : index
    %get3A_358 = arith.constant 15 : index
    %get3A_359 = arith.constant 0 : index
    %get3A_360 = vector.load %arg1[%get3A_357, %get3A_358, %get3A_359] : memref<128x100x128xf32, #tpu.memory_space<vmem>>, vector<128x1x64xf32>
    %get3A_361 = vector.shape_cast %get3A_360 : vector<128x1x64xf32> to vector<128x64xf32>
    %transpose3A_362 = tpu.transpose %get3A_361, [1, 0] : vector<128x64xf32> -> vector<64x128xf32>
    %swap3A_363 = arith.constant 30 : index
    %swap3A_364 = arith.constant 0 : index
    %swap3A_365 = arith.constant 0 : index
    %swap3A_366 = vector.load %arg2[%swap3A_363, %swap3A_364, %swap3A_365] : memref<200x64x128xf32, #tpu.memory_space<vmem>>, vector<1x64x128xf32>
    %swap3A_367 = vector.shape_cast %swap3A_366 : vector<1x64x128xf32> to vector<64x128xf32>
    %swap3A_368 = vector.shape_cast %transpose3A_362 : vector<64x128xf32> to vector<1x64x128xf32>
    tpu.vector_store %arg2[%swap3A_363, %swap3A_364, %swap3A_365], %swap3A_368 {strides = array<i32>} : memref<200x64x128xf32, #tpu.memory_space<vmem>>, vector<1x64x128xf32>,
    %get3A_369 = arith.constant 0 : index
    %get3A_370 = arith.constant 15 : index
    %get3A_371 = arith.constant 64 : index
    %get3A_372 = vector.load %arg1[%get3A_369, %get3A_370, %get3A_371] : memref<128x100x128xf32, #tpu.memory_space<vmem>>, vector<128x1x64xf32>
    %get3A_373 = vector.shape_cast %get3A_372 : vector<128x1x64xf32> to vector<128x64xf32>
    %transpose3A_374 = tpu.transpose %get3A_373, [1, 0] : vector<128x64xf32> -> vector<64x128xf32>
    %swap3A_375 = arith.constant 31 : index
    %swap3A_376 = arith.constant 0 : index
    %swap3A_377 = arith.constant 0 : index
    %swap3A_378 = vector.load %arg2[%swap3A_375, %swap3A_376, %swap3A_377] : memref<200x64x128xf32, #tpu.memory_space<vmem>>, vector<1x64x128xf32>
    %swap3A_379 = vector.shape_cast %swap3A_378 : vector<1x64x128xf32> to vector<64x128xf32>
    %swap3A_380 = vector.shape_cast %transpose3A_374 : vector<64x128xf32> to vector<1x64x128xf32>
    tpu.vector_store %arg2[%swap3A_375, %swap3A_376, %swap3A_377], %swap3A_380 {strides = array<i32>} : memref<200x64x128xf32, #tpu.memory_space<vmem>>, vector<1x64x128xf32>,
    %get3A_381 = arith.constant 0 : index
    %get3A_382 = arith.constant 16 : index
    %get3A_383 = arith.constant 0 : index
    %get3A_384 = vector.load %arg1[%get3A_381, %get3A_382, %get3A_383] : memref<128x100x128xf32, #tpu.memory_space<vmem>>, vector<128x1x64xf32>
    %get3A_385 = vector.shape_cast %get3A_384 : vector<128x1x64xf32> to vector<128x64xf32>
    %transpose3A_386 = tpu.transpose %get3A_385, [1, 0] : vector<128x64xf32> -> vector<64x128xf32>
    %swap3A_387 = arith.constant 32 : index
    %swap3A_388 = arith.constant 0 : index
    %swap3A_389 = arith.constant 0 : index
    %swap3A_390 = vector.load %arg2[%swap3A_387, %swap3A_388, %swap3A_389] : memref<200x64x128xf32, #tpu.memory_space<vmem>>, vector<1x64x128xf32>
    %swap3A_391 = vector.shape_cast %swap3A_390 : vector<1x64x128xf32> to vector<64x128xf32>
    %swap3A_392 = vector.shape_cast %transpose3A_386 : vector<64x128xf32> to vector<1x64x128xf32>
    tpu.vector_store %arg2[%swap3A_387, %swap3A_388, %swap3A_389], %swap3A_392 {strides = array<i32>} : memref<200x64x128xf32, #tpu.memory_space<vmem>>, vector<1x64x128xf32>,
    %get3A_393 = arith.constant 0 : index
    %get3A_394 = arith.constant 16 : index
    %get3A_395 = arith.constant 64 : index
    %get3A_396 = vector.load %arg1[%get3A_393, %get3A_394, %get3A_395] : memref<128x100x128xf32, #tpu.memory_space<vmem>>, vector<128x1x64xf32>
    %get3A_397 = vector.shape_cast %get3A_396 : vector<128x1x64xf32> to vector<128x64xf32>
    %transpose3A_398 = tpu.transpose %get3A_397, [1, 0] : vector<128x64xf32> -> vector<64x128xf32>
    %swap3A_399 = arith.constant 33 : index
    %swap3A_400 = arith.constant 0 : index
    %swap3A_401 = arith.constant 0 : index
    %swap3A_402 = vector.load %arg2[%swap3A_399, %swap3A_400, %swap3A_401] : memref<200x64x128xf32, #tpu.memory_space<vmem>>, vector<1x64x128xf32>
    %swap3A_403 = vector.shape_cast %swap3A_402 : vector<1x64x128xf32> to vector<64x128xf32>
    %swap3A_404 = vector.shape_cast %transpose3A_398 : vector<64x128xf32> to vector<1x64x128xf32>
    tpu.vector_store %arg2[%swap3A_399, %swap3A_400, %swap3A_401], %swap3A_404 {strides = array<i32>} : memref<200x64x128xf32, #tpu.memory_space<vmem>>, vector<1x64x128xf32>,
    %get3A_405 = arith.constant 0 : index
    %get3A_406 = arith.constant 17 : index
    %get3A_407 = arith.constant 0 : index
    %get3A_408 = vector.load %arg1[%get3A_405, %get3A_406, %get3A_407] : memref<128x100x128xf32, #tpu.memory_space<vmem>>, vector<128x1x64xf32>
    %get3A_409 = vector.shape_cast %get3A_408 : vector<128x1x64xf32> to vector<128x64xf32>
    %transpose3A_410 = tpu.transpose %get3A_409, [1, 0] : vector<128x64xf32> -> vector<64x128xf32>
    %swap3A_411 = arith.constant 34 : index
    %swap3A_412 = arith.constant 0 : index
    %swap3A_413 = arith.constant 0 : index
    %swap3A_414 = vector.load %arg2[%swap3A_411, %swap3A_412, %swap3A_413] : memref<200x64x128xf32, #tpu.memory_space<vmem>>, vector<1x64x128xf32>
    %swap3A_415 = vector.shape_cast %swap3A_414 : vector<1x64x128xf32> to vector<64x128xf32>
    %swap3A_416 = vector.shape_cast %transpose3A_410 : vector<64x128xf32> to vector<1x64x128xf32>
    tpu.vector_store %arg2[%swap3A_411, %swap3A_412, %swap3A_413], %swap3A_416 {strides = array<i32>} : memref<200x64x128xf32, #tpu.memory_space<vmem>>, vector<1x64x128xf32>,
    %get3A_417 = arith.constant 0 : index
    %get3A_418 = arith.constant 17 : index
    %get3A_419 = arith.constant 64 : index
    %get3A_420 = vector.load %arg1[%get3A_417, %get3A_418, %get3A_419] : memref<128x100x128xf32, #tpu.memory_space<vmem>>, vector<128x1x64xf32>
    %get3A_421 = vector.shape_cast %get3A_420 : vector<128x1x64xf32> to vector<128x64xf32>
    %transpose3A_422 = tpu.transpose %get3A_421, [1, 0] : vector<128x64xf32> -> vector<64x128xf32>
    %swap3A_423 = arith.constant 35 : index
    %swap3A_424 = arith.constant 0 : index
    %swap3A_425 = arith.constant 0 : index
    %swap3A_426 = vector.load %arg2[%swap3A_423, %swap3A_424, %swap3A_425] : memref<200x64x128xf32, #tpu.memory_space<vmem>>, vector<1x64x128xf32>
    %swap3A_427 = vector.shape_cast %swap3A_426 : vector<1x64x128xf32> to vector<64x128xf32>
    %swap3A_428 = vector.shape_cast %transpose3A_422 : vector<64x128xf32> to vector<1x64x128xf32>
    tpu.vector_store %arg2[%swap3A_423, %swap3A_424, %swap3A_425], %swap3A_428 {strides = array<i32>} : memref<200x64x128xf32, #tpu.memory_space<vmem>>, vector<1x64x128xf32>,
    %get3A_429 = arith.constant 0 : index
    %get3A_430 = arith.constant 18 : index
    %get3A_431 = arith.constant 0 : index
    %get3A_432 = vector.load %arg1[%get3A_429, %get3A_430, %get3A_431] : memref<128x100x128xf32, #tpu.memory_space<vmem>>, vector<128x1x64xf32>
    %get3A_433 = vector.shape_cast %get3A_432 : vector<128x1x64xf32> to vector<128x64xf32>
    %transpose3A_434 = tpu.transpose %get3A_433, [1, 0] : vector<128x64xf32> -> vector<64x128xf32>
    %swap3A_435 = arith.constant 36 : index
    %swap3A_436 = arith.constant 0 : index
    %swap3A_437 = arith.constant 0 : index
    %swap3A_438 = vector.load %arg2[%swap3A_435, %swap3A_436, %swap3A_437] : memref<200x64x128xf32, #tpu.memory_space<vmem>>, vector<1x64x128xf32>
    %swap3A_439 = vector.shape_cast %swap3A_438 : vector<1x64x128xf32> to vector<64x128xf32>
    %swap3A_440 = vector.shape_cast %transpose3A_434 : vector<64x128xf32> to vector<1x64x128xf32>
    tpu.vector_store %arg2[%swap3A_435, %swap3A_436, %swap3A_437], %swap3A_440 {strides = array<i32>} : memref<200x64x128xf32, #tpu.memory_space<vmem>>, vector<1x64x128xf32>,
    %get3A_441 = arith.constant 0 : index
    %get3A_442 = arith.constant 18 : index
    %get3A_443 = arith.constant 64 : index
    %get3A_444 = vector.load %arg1[%get3A_441, %get3A_442, %get3A_443] : memref<128x100x128xf32, #tpu.memory_space<vmem>>, vector<128x1x64xf32>
    %get3A_445 = vector.shape_cast %get3A_444 : vector<128x1x64xf32> to vector<128x64xf32>
    %transpose3A_446 = tpu.transpose %get3A_445, [1, 0] : vector<128x64xf32> -> vector<64x128xf32>
    %swap3A_447 = arith.constant 37 : index
    %swap3A_448 = arith.constant 0 : index
    %swap3A_449 = arith.constant 0 : index
    %swap3A_450 = vector.load %arg2[%swap3A_447, %swap3A_448, %swap3A_449] : memref<200x64x128xf32, #tpu.memory_space<vmem>>, vector<1x64x128xf32>
    %swap3A_451 = vector.shape_cast %swap3A_450 : vector<1x64x128xf32> to vector<64x128xf32>
    %swap3A_452 = vector.shape_cast %transpose3A_446 : vector<64x128xf32> to vector<1x64x128xf32>
    tpu.vector_store %arg2[%swap3A_447, %swap3A_448, %swap3A_449], %swap3A_452 {strides = array<i32>} : memref<200x64x128xf32, #tpu.memory_space<vmem>>, vector<1x64x128xf32>,
    %get3A_453 = arith.constant 0 : index
    %get3A_454 = arith.constant 19 : index
    %get3A_455 = arith.constant 0 : index
    %get3A_456 = vector.load %arg1[%get3A_453, %get3A_454, %get3A_455] : memref<128x100x128xf32, #tpu.memory_space<vmem>>, vector<128x1x64xf32>
    %get3A_457 = vector.shape_cast %get3A_456 : vector<128x1x64xf32> to vector<128x64xf32>
    %transpose3A_458 = tpu.transpose %get3A_457, [1, 0] : vector<128x64xf32> -> vector<64x128xf32>
    %swap3A_459 = arith.constant 38 : index
    %swap3A_460 = arith.constant 0 : index
    %swap3A_461 = arith.constant 0 : index
    %swap3A_462 = vector.load %arg2[%swap3A_459, %swap3A_460, %swap3A_461] : memref<200x64x128xf32, #tpu.memory_space<vmem>>, vector<1x64x128xf32>
    %swap3A_463 = vector.shape_cast %swap3A_462 : vector<1x64x128xf32> to vector<64x128xf32>
    %swap3A_464 = vector.shape_cast %transpose3A_458 : vector<64x128xf32> to vector<1x64x128xf32>
    tpu.vector_store %arg2[%swap3A_459, %swap3A_460, %swap3A_461], %swap3A_464 {strides = array<i32>} : memref<200x64x128xf32, #tpu.memory_space<vmem>>, vector<1x64x128xf32>,
    %get3A_465 = arith.constant 0 : index
    %get3A_466 = arith.constant 19 : index
    %get3A_467 = arith.constant 64 : index
    %get3A_468 = vector.load %arg1[%get3A_465, %get3A_466, %get3A_467] : memref<128x100x128xf32, #tpu.memory_space<vmem>>, vector<128x1x64xf32>
    %get3A_469 = vector.shape_cast %get3A_468 : vector<128x1x64xf32> to vector<128x64xf32>
    %transpose3A_470 = tpu.transpose %get3A_469, [1, 0] : vector<128x64xf32> -> vector<64x128xf32>
    %swap3A_471 = arith.constant 39 : index
    %swap3A_472 = arith.constant 0 : index
    %swap3A_473 = arith.constant 0 : index
    %swap3A_474 = vector.load %arg2[%swap3A_471, %swap3A_472, %swap3A_473] : memref<200x64x128xf32, #tpu.memory_space<vmem>>, vector<1x64x128xf32>
    %swap3A_475 = vector.shape_cast %swap3A_474 : vector<1x64x128xf32> to vector<64x128xf32>
    %swap3A_476 = vector.shape_cast %transpose3A_470 : vector<64x128xf32> to vector<1x64x128xf32>
    tpu.vector_store %arg2[%swap3A_471, %swap3A_472, %swap3A_473], %swap3A_476 {strides = array<i32>} : memref<200x64x128xf32, #tpu.memory_space<vmem>>, vector<1x64x128xf32>,
    %get3A_477 = arith.constant 0 : index
    %get3A_478 = arith.constant 20 : index
    %get3A_479 = arith.constant 0 : index
    %get3A_480 = vector.load %arg1[%get3A_477, %get3A_478, %get3A_479] : memref<128x100x128xf32, #tpu.memory_space<vmem>>, vector<128x1x64xf32>
    %get3A_481 = vector.shape_cast %get3A_480 : vector<128x1x64xf32> to vector<128x64xf32>
    %transpose3A_482 = tpu.transpose %get3A_481, [1, 0] : vector<128x64xf32> -> vector<64x128xf32>
    %swap3A_483 = arith.constant 40 : index
    %swap3A_484 = arith.constant 0 : index
    %swap3A_485 = arith.constant 0 : index
    %swap3A_486 = vector.load %arg2[%swap3A_483, %swap3A_484, %swap3A_485] : memref<200x64x128xf32, #tpu.memory_space<vmem>>, vector<1x64x128xf32>
    %swap3A_487 = vector.shape_cast %swap3A_486 : vector<1x64x128xf32> to vector<64x128xf32>
    %swap3A_488 = vector.shape_cast %transpose3A_482 : vector<64x128xf32> to vector<1x64x128xf32>
    tpu.vector_store %arg2[%swap3A_483, %swap3A_484, %swap3A_485], %swap3A_488 {strides = array<i32>} : memref<200x64x128xf32, #tpu.memory_space<vmem>>, vector<1x64x128xf32>,
    %get3A_489 = arith.constant 0 : index
    %get3A_490 = arith.constant 20 : index
    %get3A_491 = arith.constant 64 : index
    %get3A_492 = vector.load %arg1[%get3A_489, %get3A_490, %get3A_491] : memref<128x100x128xf32, #tpu.memory_space<vmem>>, vector<128x1x64xf32>
    %get3A_493 = vector.shape_cast %get3A_492 : vector<128x1x64xf32> to vector<128x64xf32>
    %transpose3A_494 = tpu.transpose %get3A_493, [1, 0] : vector<128x64xf32> -> vector<64x128xf32>
    %swap3A_495 = arith.constant 41 : index
    %swap3A_496 = arith.constant 0 : index
    %swap3A_497 = arith.constant 0 : index
    %swap3A_498 = vector.load %arg2[%swap3A_495, %swap3A_496, %swap3A_497] : memref<200x64x128xf32, #tpu.memory_space<vmem>>, vector<1x64x128xf32>
    %swap3A_499 = vector.shape_cast %swap3A_498 : vector<1x64x128xf32> to vector<64x128xf32>
    %swap3A_500 = vector.shape_cast %transpose3A_494 : vector<64x128xf32> to vector<1x64x128xf32>
    tpu.vector_store %arg2[%swap3A_495, %swap3A_496, %swap3A_497], %swap3A_500 {strides = array<i32>} : memref<200x64x128xf32, #tpu.memory_space<vmem>>, vector<1x64x128xf32>,
    %get3A_501 = arith.constant 0 : index
    %get3A_502 = arith.constant 21 : index
    %get3A_503 = arith.constant 0 : index
    %get3A_504 = vector.load %arg1[%get3A_501, %get3A_502, %get3A_503] : memref<128x100x128xf32, #tpu.memory_space<vmem>>, vector<128x1x64xf32>
    %get3A_505 = vector.shape_cast %get3A_504 : vector<128x1x64xf32> to vector<128x64xf32>
    %transpose3A_506 = tpu.transpose %get3A_505, [1, 0] : vector<128x64xf32> -> vector<64x128xf32>
    %swap3A_507 = arith.constant 42 : index
    %swap3A_508 = arith.constant 0 : index
    %swap3A_509 = arith.constant 0 : index
    %swap3A_510 = vector.load %arg2[%swap3A_507, %swap3A_508, %swap3A_509] : memref<200x64x128xf32, #tpu.memory_space<vmem>>, vector<1x64x128xf32>
    %swap3A_511 = vector.shape_cast %swap3A_510 : vector<1x64x128xf32> to vector<64x128xf32>
    %swap3A_512 = vector.shape_cast %transpose3A_506 : vector<64x128xf32> to vector<1x64x128xf32>
    tpu.vector_store %arg2[%swap3A_507, %swap3A_508, %swap3A_509], %swap3A_512 {strides = array<i32>} : memref<200x64x128xf32, #tpu.memory_space<vmem>>, vector<1x64x128xf32>,
    %get3A_513 = arith.constant 0 : index
    %get3A_514 = arith.constant 21 : index
    %get3A_515 = arith.constant 64 : index
    %get3A_516 = vector.load %arg1[%get3A_513, %get3A_514, %get3A_515] : memref<128x100x128xf32, #tpu.memory_space<vmem>>, vector<128x1x64xf32>
    %get3A_517 = vector.shape_cast %get3A_516 : vector<128x1x64xf32> to vector<128x64xf32>
    %transpose3A_518 = tpu.transpose %get3A_517, [1, 0] : vector<128x64xf32> -> vector<64x128xf32>
    %swap3A_519 = arith.constant 43 : index
    %swap3A_520 = arith.constant 0 : index
    %swap3A_521 = arith.constant 0 : index
    %swap3A_522 = vector.load %arg2[%swap3A_519, %swap3A_520, %swap3A_521] : memref<200x64x128xf32, #tpu.memory_space<vmem>>, vector<1x64x128xf32>
    %swap3A_523 = vector.shape_cast %swap3A_522 : vector<1x64x128xf32> to vector<64x128xf32>
    %swap3A_524 = vector.shape_cast %transpose3A_518 : vector<64x128xf32> to vector<1x64x128xf32>
    tpu.vector_store %arg2[%swap3A_519, %swap3A_520, %swap3A_521], %swap3A_524 {strides = array<i32>} : memref<200x64x128xf32, #tpu.memory_space<vmem>>, vector<1x64x128xf32>,
    %get3A_525 = arith.constant 0 : index
    %get3A_526 = arith.constant 22 : index
    %get3A_527 = arith.constant 0 : index
    %get3A_528 = vector.load %arg1[%get3A_525, %get3A_526, %get3A_527] : memref<128x100x128xf32, #tpu.memory_space<vmem>>, vector<128x1x64xf32>
    %get3A_529 = vector.shape_cast %get3A_528 : vector<128x1x64xf32> to vector<128x64xf32>
    %transpose3A_530 = tpu.transpose %get3A_529, [1, 0] : vector<128x64xf32> -> vector<64x128xf32>
    %swap3A_531 = arith.constant 44 : index
    %swap3A_532 = arith.constant 0 : index
    %swap3A_533 = arith.constant 0 : index
    %swap3A_534 = vector.load %arg2[%swap3A_531, %swap3A_532, %swap3A_533] : memref<200x64x128xf32, #tpu.memory_space<vmem>>, vector<1x64x128xf32>
    %swap3A_535 = vector.shape_cast %swap3A_534 : vector<1x64x128xf32> to vector<64x128xf32>
    %swap3A_536 = vector.shape_cast %transpose3A_530 : vector<64x128xf32> to vector<1x64x128xf32>
    tpu.vector_store %arg2[%swap3A_531, %swap3A_532, %swap3A_533], %swap3A_536 {strides = array<i32>} : memref<200x64x128xf32, #tpu.memory_space<vmem>>, vector<1x64x128xf32>,
    %get3A_537 = arith.constant 0 : index
    %get3A_538 = arith.constant 22 : index
    %get3A_539 = arith.constant 64 : index
    %get3A_540 = vector.load %arg1[%get3A_537, %get3A_538, %get3A_539] : memref<128x100x128xf32, #tpu.memory_space<vmem>>, vector<128x1x64xf32>
    %get3A_541 = vector.shape_cast %get3A_540 : vector<128x1x64xf32> to vector<128x64xf32>
    %transpose3A_542 = tpu.transpose %get3A_541, [1, 0] : vector<128x64xf32> -> vector<64x128xf32>
    %swap3A_543 = arith.constant 45 : index
    %swap3A_544 = arith.constant 0 : index
    %swap3A_545 = arith.constant 0 : index
    %swap3A_546 = vector.load %arg2[%swap3A_543, %swap3A_544, %swap3A_545] : memref<200x64x128xf32, #tpu.memory_space<vmem>>, vector<1x64x128xf32>
    %swap3A_547 = vector.shape_cast %swap3A_546 : vector<1x64x128xf32> to vector<64x128xf32>
    %swap3A_548 = vector.shape_cast %transpose3A_542 : vector<64x128xf32> to vector<1x64x128xf32>
    tpu.vector_store %arg2[%swap3A_543, %swap3A_544, %swap3A_545], %swap3A_548 {strides = array<i32>} : memref<200x64x128xf32, #tpu.memory_space<vmem>>, vector<1x64x128xf32>,
    %get3A_549 = arith.constant 0 : index
    %get3A_550 = arith.constant 23 : index
    %get3A_551 = arith.constant 0 : index
    %get3A_552 = vector.load %arg1[%get3A_549, %get3A_550, %get3A_551] : memref<128x100x128xf32, #tpu.memory_space<vmem>>, vector<128x1x64xf32>
    %get3A_553 = vector.shape_cast %get3A_552 : vector<128x1x64xf32> to vector<128x64xf32>
    %transpose3A_554 = tpu.transpose %get3A_553, [1, 0] : vector<128x64xf32> -> vector<64x128xf32>
    %swap3A_555 = arith.constant 46 : index
    %swap3A_556 = arith.constant 0 : index
    %swap3A_557 = arith.constant 0 : index
    %swap3A_558 = vector.load %arg2[%swap3A_555, %swap3A_556, %swap3A_557] : memref<200x64x128xf32, #tpu.memory_space<vmem>>, vector<1x64x128xf32>
    %swap3A_559 = vector.shape_cast %swap3A_558 : vector<1x64x128xf32> to vector<64x128xf32>
    %swap3A_560 = vector.shape_cast %transpose3A_554 : vector<64x128xf32> to vector<1x64x128xf32>
    tpu.vector_store %arg2[%swap3A_555, %swap3A_556, %swap3A_557], %swap3A_560 {strides = array<i32>} : memref<200x64x128xf32, #tpu.memory_space<vmem>>, vector<1x64x128xf32>,
    %get3A_561 = arith.constant 0 : index
    %get3A_562 = arith.constant 23 : index
    %get3A_563 = arith.constant 64 : index
    %get3A_564 = vector.load %arg1[%get3A_561, %get3A_562, %get3A_563] : memref<128x100x128xf32, #tpu.memory_space<vmem>>, vector<128x1x64xf32>
    %get3A_565 = vector.shape_cast %get3A_564 : vector<128x1x64xf32> to vector<128x64xf32>
    %transpose3A_566 = tpu.transpose %get3A_565, [1, 0] : vector<128x64xf32> -> vector<64x128xf32>
    %swap3A_567 = arith.constant 47 : index
    %swap3A_568 = arith.constant 0 : index
    %swap3A_569 = arith.constant 0 : index
    %swap3A_570 = vector.load %arg2[%swap3A_567, %swap3A_568, %swap3A_569] : memref<200x64x128xf32, #tpu.memory_space<vmem>>, vector<1x64x128xf32>
    %swap3A_571 = vector.shape_cast %swap3A_570 : vector<1x64x128xf32> to vector<64x128xf32>
    %swap3A_572 = vector.shape_cast %transpose3A_566 : vector<64x128xf32> to vector<1x64x128xf32>
    tpu.vector_store %arg2[%swap3A_567, %swap3A_568, %swap3A_569], %swap3A_572 {strides = array<i32>} : memref<200x64x128xf32, #tpu.memory_space<vmem>>, vector<1x64x128xf32>,
    %get3A_573 = arith.constant 0 : index
    %get3A_574 = arith.constant 24 : index
    %get3A_575 = arith.constant 0 : index
    %get3A_576 = vector.load %arg1[%get3A_573, %get3A_574, %get3A_575] : memref<128x100x128xf32, #tpu.memory_space<vmem>>, vector<128x1x64xf32>
    %get3A_577 = vector.shape_cast %get3A_576 : vector<128x1x64xf32> to vector<128x64xf32>
    %transpose3A_578 = tpu.transpose %get3A_577, [1, 0] : vector<128x64xf32> -> vector<64x128xf32>
    %swap3A_579 = arith.constant 48 : index
    %swap3A_580 = arith.constant 0 : index
    %swap3A_581 = arith.constant 0 : index
    %swap3A_582 = vector.load %arg2[%swap3A_579, %swap3A_580, %swap3A_581] : memref<200x64x128xf32, #tpu.memory_space<vmem>>, vector<1x64x128xf32>
    %swap3A_583 = vector.shape_cast %swap3A_582 : vector<1x64x128xf32> to vector<64x128xf32>
    %swap3A_584 = vector.shape_cast %transpose3A_578 : vector<64x128xf32> to vector<1x64x128xf32>
    tpu.vector_store %arg2[%swap3A_579, %swap3A_580, %swap3A_581], %swap3A_584 {strides = array<i32>} : memref<200x64x128xf32, #tpu.memory_space<vmem>>, vector<1x64x128xf32>,
    %get3A_585 = arith.constant 0 : index
    %get3A_586 = arith.constant 24 : index
    %get3A_587 = arith.constant 64 : index
    %get3A_588 = vector.load %arg1[%get3A_585, %get3A_586, %get3A_587] : memref<128x100x128xf32, #tpu.memory_space<vmem>>, vector<128x1x64xf32>
    %get3A_589 = vector.shape_cast %get3A_588 : vector<128x1x64xf32> to vector<128x64xf32>
    %transpose3A_590 = tpu.transpose %get3A_589, [1, 0] : vector<128x64xf32> -> vector<64x128xf32>
    %swap3A_591 = arith.constant 49 : index
    %swap3A_592 = arith.constant 0 : index
    %swap3A_593 = arith.constant 0 : index
    %swap3A_594 = vector.load %arg2[%swap3A_591, %swap3A_592, %swap3A_593] : memref<200x64x128xf32, #tpu.memory_space<vmem>>, vector<1x64x128xf32>
    %swap3A_595 = vector.shape_cast %swap3A_594 : vector<1x64x128xf32> to vector<64x128xf32>
    %swap3A_596 = vector.shape_cast %transpose3A_590 : vector<64x128xf32> to vector<1x64x128xf32>
    tpu.vector_store %arg2[%swap3A_591, %swap3A_592, %swap3A_593], %swap3A_596 {strides = array<i32>} : memref<200x64x128xf32, #tpu.memory_space<vmem>>, vector<1x64x128xf32>,
    %get3A_597 = arith.constant 0 : index
    %get3A_598 = arith.constant 25 : index
    %get3A_599 = arith.constant 0 : index
    %get3A_600 = vector.load %arg1[%get3A_597, %get3A_598, %get3A_599] : memref<128x100x128xf32, #tpu.memory_space<vmem>>, vector<128x1x64xf32>
    %get3A_601 = vector.shape_cast %get3A_600 : vector<128x1x64xf32> to vector<128x64xf32>
    %transpose3A_602 = tpu.transpose %get3A_601, [1, 0] : vector<128x64xf32> -> vector<64x128xf32>
    %swap3A_603 = arith.constant 50 : index
    %swap3A_604 = arith.constant 0 : index
    %swap3A_605 = arith.constant 0 : index
    %swap3A_606 = vector.load %arg2[%swap3A_603, %swap3A_604, %swap3A_605] : memref<200x64x128xf32, #tpu.memory_space<vmem>>, vector<1x64x128xf32>
    %swap3A_607 = vector.shape_cast %swap3A_606 : vector<1x64x128xf32> to vector<64x128xf32>
    %swap3A_608 = vector.shape_cast %transpose3A_602 : vector<64x128xf32> to vector<1x64x128xf32>
    tpu.vector_store %arg2[%swap3A_603, %swap3A_604, %swap3A_605], %swap3A_608 {strides = array<i32>} : memref<200x64x128xf32, #tpu.memory_space<vmem>>, vector<1x64x128xf32>,
    %get3A_609 = arith.constant 0 : index
    %get3A_610 = arith.constant 25 : index
    %get3A_611 = arith.constant 64 : index
    %get3A_612 = vector.load %arg1[%get3A_609, %get3A_610, %get3A_611] : memref<128x100x128xf32, #tpu.memory_space<vmem>>, vector<128x1x64xf32>
    %get3A_613 = vector.shape_cast %get3A_612 : vector<128x1x64xf32> to vector<128x64xf32>
    %transpose3A_614 = tpu.transpose %get3A_613, [1, 0] : vector<128x64xf32> -> vector<64x128xf32>
    %swap3A_615 = arith.constant 51 : index
    %swap3A_616 = arith.constant 0 : index
    %swap3A_617 = arith.constant 0 : index
    %swap3A_618 = vector.load %arg2[%swap3A_615, %swap3A_616, %swap3A_617] : memref<200x64x128xf32, #tpu.memory_space<vmem>>, vector<1x64x128xf32>
    %swap3A_619 = vector.shape_cast %swap3A_618 : vector<1x64x128xf32> to vector<64x128xf32>
    %swap3A_620 = vector.shape_cast %transpose3A_614 : vector<64x128xf32> to vector<1x64x128xf32>
    tpu.vector_store %arg2[%swap3A_615, %swap3A_616, %swap3A_617], %swap3A_620 {strides = array<i32>} : memref<200x64x128xf32, #tpu.memory_space<vmem>>, vector<1x64x128xf32>,
    %get3A_621 = arith.constant 0 : index
    %get3A_622 = arith.constant 26 : index
    %get3A_623 = arith.constant 0 : index
    %get3A_624 = vector.load %arg1[%get3A_621, %get3A_622, %get3A_623] : memref<128x100x128xf32, #tpu.memory_space<vmem>>, vector<128x1x64xf32>
    %get3A_625 = vector.shape_cast %get3A_624 : vector<128x1x64xf32> to vector<128x64xf32>
    %transpose3A_626 = tpu.transpose %get3A_625, [1, 0] : vector<128x64xf32> -> vector<64x128xf32>
    %swap3A_627 = arith.constant 52 : index
    %swap3A_628 = arith.constant 0 : index
    %swap3A_629 = arith.constant 0 : index
    %swap3A_630 = vector.load %arg2[%swap3A_627, %swap3A_628, %swap3A_629] : memref<200x64x128xf32, #tpu.memory_space<vmem>>, vector<1x64x128xf32>
    %swap3A_631 = vector.shape_cast %swap3A_630 : vector<1x64x128xf32> to vector<64x128xf32>
    %swap3A_632 = vector.shape_cast %transpose3A_626 : vector<64x128xf32> to vector<1x64x128xf32>
    tpu.vector_store %arg2[%swap3A_627, %swap3A_628, %swap3A_629], %swap3A_632 {strides = array<i32>} : memref<200x64x128xf32, #tpu.memory_space<vmem>>, vector<1x64x128xf32>,
    %get3A_633 = arith.constant 0 : index
    %get3A_634 = arith.constant 26 : index
    %get3A_635 = arith.constant 64 : index
    %get3A_636 = vector.load %arg1[%get3A_633, %get3A_634, %get3A_635] : memref<128x100x128xf32, #tpu.memory_space<vmem>>, vector<128x1x64xf32>
    %get3A_637 = vector.shape_cast %get3A_636 : vector<128x1x64xf32> to vector<128x64xf32>
    %transpose3A_638 = tpu.transpose %get3A_637, [1, 0] : vector<128x64xf32> -> vector<64x128xf32>
    %swap3A_639 = arith.constant 53 : index
    %swap3A_640 = arith.constant 0 : index
    %swap3A_641 = arith.constant 0 : index
    %swap3A_642 = vector.load %arg2[%swap3A_639, %swap3A_640, %swap3A_641] : memref<200x64x128xf32, #tpu.memory_space<vmem>>, vector<1x64x128xf32>
    %swap3A_643 = vector.shape_cast %swap3A_642 : vector<1x64x128xf32> to vector<64x128xf32>
    %swap3A_644 = vector.shape_cast %transpose3A_638 : vector<64x128xf32> to vector<1x64x128xf32>
    tpu.vector_store %arg2[%swap3A_639, %swap3A_640, %swap3A_641], %swap3A_644 {strides = array<i32>} : memref<200x64x128xf32, #tpu.memory_space<vmem>>, vector<1x64x128xf32>,
    %get3A_645 = arith.constant 0 : index
    %get3A_646 = arith.constant 27 : index
    %get3A_647 = arith.constant 0 : index
    %get3A_648 = vector.load %arg1[%get3A_645, %get3A_646, %get3A_647] : memref<128x100x128xf32, #tpu.memory_space<vmem>>, vector<128x1x64xf32>
    %get3A_649 = vector.shape_cast %get3A_648 : vector<128x1x64xf32> to vector<128x64xf32>
    %transpose3A_650 = tpu.transpose %get3A_649, [1, 0] : vector<128x64xf32> -> vector<64x128xf32>
    %swap3A_651 = arith.constant 54 : index
    %swap3A_652 = arith.constant 0 : index
    %swap3A_653 = arith.constant 0 : index
    %swap3A_654 = vector.load %arg2[%swap3A_651, %swap3A_652, %swap3A_653] : memref<200x64x128xf32, #tpu.memory_space<vmem>>, vector<1x64x128xf32>
    %swap3A_655 = vector.shape_cast %swap3A_654 : vector<1x64x128xf32> to vector<64x128xf32>
    %swap3A_656 = vector.shape_cast %transpose3A_650 : vector<64x128xf32> to vector<1x64x128xf32>
    tpu.vector_store %arg2[%swap3A_651, %swap3A_652, %swap3A_653], %swap3A_656 {strides = array<i32>} : memref<200x64x128xf32, #tpu.memory_space<vmem>>, vector<1x64x128xf32>,
    %get3A_657 = arith.constant 0 : index
    %get3A_658 = arith.constant 27 : index
    %get3A_659 = arith.constant 64 : index
    %get3A_660 = vector.load %arg1[%get3A_657, %get3A_658, %get3A_659] : memref<128x100x128xf32, #tpu.memory_space<vmem>>, vector<128x1x64xf32>
    %get3A_661 = vector.shape_cast %get3A_660 : vector<128x1x64xf32> to vector<128x64xf32>
    %transpose3A_662 = tpu.transpose %get3A_661, [1, 0] : vector<128x64xf32> -> vector<64x128xf32>
    %swap3A_663 = arith.constant 55 : index
    %swap3A_664 = arith.constant 0 : index
    %swap3A_665 = arith.constant 0 : index
    %swap3A_666 = vector.load %arg2[%swap3A_663, %swap3A_664, %swap3A_665] : memref<200x64x128xf32, #tpu.memory_space<vmem>>, vector<1x64x128xf32>
    %swap3A_667 = vector.shape_cast %swap3A_666 : vector<1x64x128xf32> to vector<64x128xf32>
    %swap3A_668 = vector.shape_cast %transpose3A_662 : vector<64x128xf32> to vector<1x64x128xf32>
    tpu.vector_store %arg2[%swap3A_663, %swap3A_664, %swap3A_665], %swap3A_668 {strides = array<i32>} : memref<200x64x128xf32, #tpu.memory_space<vmem>>, vector<1x64x128xf32>,
    %get3A_669 = arith.constant 0 : index
    %get3A_670 = arith.constant 28 : index
    %get3A_671 = arith.constant 0 : index
    %get3A_672 = vector.load %arg1[%get3A_669, %get3A_670, %get3A_671] : memref<128x100x128xf32, #tpu.memory_space<vmem>>, vector<128x1x64xf32>
    %get3A_673 = vector.shape_cast %get3A_672 : vector<128x1x64xf32> to vector<128x64xf32>
    %transpose3A_674 = tpu.transpose %get3A_673, [1, 0] : vector<128x64xf32> -> vector<64x128xf32>
    %swap3A_675 = arith.constant 56 : index
    %swap3A_676 = arith.constant 0 : index
    %swap3A_677 = arith.constant 0 : index
    %swap3A_678 = vector.load %arg2[%swap3A_675, %swap3A_676, %swap3A_677] : memref<200x64x128xf32, #tpu.memory_space<vmem>>, vector<1x64x128xf32>
    %swap3A_679 = vector.shape_cast %swap3A_678 : vector<1x64x128xf32> to vector<64x128xf32>
    %swap3A_680 = vector.shape_cast %transpose3A_674 : vector<64x128xf32> to vector<1x64x128xf32>
    tpu.vector_store %arg2[%swap3A_675, %swap3A_676, %swap3A_677], %swap3A_680 {strides = array<i32>} : memref<200x64x128xf32, #tpu.memory_space<vmem>>, vector<1x64x128xf32>,
    %get3A_681 = arith.constant 0 : index
    %get3A_682 = arith.constant 28 : index
    %get3A_683 = arith.constant 64 : index
    %get3A_684 = vector.load %arg1[%get3A_681, %get3A_682, %get3A_683] : memref<128x100x128xf32, #tpu.memory_space<vmem>>, vector<128x1x64xf32>
    %get3A_685 = vector.shape_cast %get3A_684 : vector<128x1x64xf32> to vector<128x64xf32>
    %transpose3A_686 = tpu.transpose %get3A_685, [1, 0] : vector<128x64xf32> -> vector<64x128xf32>
    %swap3A_687 = arith.constant 57 : index
    %swap3A_688 = arith.constant 0 : index
    %swap3A_689 = arith.constant 0 : index
    %swap3A_690 = vector.load %arg2[%swap3A_687, %swap3A_688, %swap3A_689] : memref<200x64x128xf32, #tpu.memory_space<vmem>>, vector<1x64x128xf32>
    %swap3A_691 = vector.shape_cast %swap3A_690 : vector<1x64x128xf32> to vector<64x128xf32>
    %swap3A_692 = vector.shape_cast %transpose3A_686 : vector<64x128xf32> to vector<1x64x128xf32>
    tpu.vector_store %arg2[%swap3A_687, %swap3A_688, %swap3A_689], %swap3A_692 {strides = array<i32>} : memref<200x64x128xf32, #tpu.memory_space<vmem>>, vector<1x64x128xf32>,
    %get3A_693 = arith.constant 0 : index
    %get3A_694 = arith.constant 29 : index
    %get3A_695 = arith.constant 0 : index
    %get3A_696 = vector.load %arg1[%get3A_693, %get3A_694, %get3A_695] : memref<128x100x128xf32, #tpu.memory_space<vmem>>, vector<128x1x64xf32>
    %get3A_697 = vector.shape_cast %get3A_696 : vector<128x1x64xf32> to vector<128x64xf32>
    %transpose3A_698 = tpu.transpose %get3A_697, [1, 0] : vector<128x64xf32> -> vector<64x128xf32>
    %swap3A_699 = arith.constant 58 : index
    %swap3A_700 = arith.constant 0 : index
    %swap3A_701 = arith.constant 0 : index
    %swap3A_702 = vector.load %arg2[%swap3A_699, %swap3A_700, %swap3A_701] : memref<200x64x128xf32, #tpu.memory_space<vmem>>, vector<1x64x128xf32>
    %swap3A_703 = vector.shape_cast %swap3A_702 : vector<1x64x128xf32> to vector<64x128xf32>
    %swap3A_704 = vector.shape_cast %transpose3A_698 : vector<64x128xf32> to vector<1x64x128xf32>
    tpu.vector_store %arg2[%swap3A_699, %swap3A_700, %swap3A_701], %swap3A_704 {strides = array<i32>} : memref<200x64x128xf32, #tpu.memory_space<vmem>>, vector<1x64x128xf32>,
    %get3A_705 = arith.constant 0 : index
    %get3A_706 = arith.constant 29 : index
    %get3A_707 = arith.constant 64 : index
    %get3A_708 = vector.load %arg1[%get3A_705, %get3A_706, %get3A_707] : memref<128x100x128xf32, #tpu.memory_space<vmem>>, vector<128x1x64xf32>
    %get3A_709 = vector.shape_cast %get3A_708 : vector<128x1x64xf32> to vector<128x64xf32>
    %transpose3A_710 = tpu.transpose %get3A_709, [1, 0] : vector<128x64xf32> -> vector<64x128xf32>
    %swap3A_711 = arith.constant 59 : index
    %swap3A_712 = arith.constant 0 : index
    %swap3A_713 = arith.constant 0 : index
    %swap3A_714 = vector.load %arg2[%swap3A_711, %swap3A_712, %swap3A_713] : memref<200x64x128xf32, #tpu.memory_space<vmem>>, vector<1x64x128xf32>
    %swap3A_715 = vector.shape_cast %swap3A_714 : vector<1x64x128xf32> to vector<64x128xf32>
    %swap3A_716 = vector.shape_cast %transpose3A_710 : vector<64x128xf32> to vector<1x64x128xf32>
    tpu.vector_store %arg2[%swap3A_711, %swap3A_712, %swap3A_713], %swap3A_716 {strides = array<i32>} : memref<200x64x128xf32, #tpu.memory_space<vmem>>, vector<1x64x128xf32>,
    %get3A_717 = arith.constant 0 : index
    %get3A_718 = arith.constant 30 : index
    %get3A_719 = arith.constant 0 : index
    %get3A_720 = vector.load %arg1[%get3A_717, %get3A_718, %get3A_719] : memref<128x100x128xf32, #tpu.memory_space<vmem>>, vector<128x1x64xf32>
    %get3A_721 = vector.shape_cast %get3A_720 : vector<128x1x64xf32> to vector<128x64xf32>
    %transpose3A_722 = tpu.transpose %get3A_721, [1, 0] : vector<128x64xf32> -> vector<64x128xf32>
    %swap3A_723 = arith.constant 60 : index
    %swap3A_724 = arith.constant 0 : index
    %swap3A_725 = arith.constant 0 : index
    %swap3A_726 = vector.load %arg2[%swap3A_723, %swap3A_724, %swap3A_725] : memref<200x64x128xf32, #tpu.memory_space<vmem>>, vector<1x64x128xf32>
    %swap3A_727 = vector.shape_cast %swap3A_726 : vector<1x64x128xf32> to vector<64x128xf32>
    %swap3A_728 = vector.shape_cast %transpose3A_722 : vector<64x128xf32> to vector<1x64x128xf32>
    tpu.vector_store %arg2[%swap3A_723, %swap3A_724, %swap3A_725], %swap3A_728 {strides = array<i32>} : memref<200x64x128xf32, #tpu.memory_space<vmem>>, vector<1x64x128xf32>,
    %get3A_729 = arith.constant 0 : index
    %get3A_730 = arith.constant 30 : index
    %get3A_731 = arith.constant 64 : index
    %get3A_732 = vector.load %arg1[%get3A_729, %get3A_730, %get3A_731] : memref<128x100x128xf32, #tpu.memory_space<vmem>>, vector<128x1x64xf32>
    %get3A_733 = vector.shape_cast %get3A_732 : vector<128x1x64xf32> to vector<128x64xf32>
    %transpose3A_734 = tpu.transpose %get3A_733, [1, 0] : vector<128x64xf32> -> vector<64x128xf32>
    %swap3A_735 = arith.constant 61 : index
    %swap3A_736 = arith.constant 0 : index
    %swap3A_737 = arith.constant 0 : index
    %swap3A_738 = vector.load %arg2[%swap3A_735, %swap3A_736, %swap3A_737] : memref<200x64x128xf32, #tpu.memory_space<vmem>>, vector<1x64x128xf32>
    %swap3A_739 = vector.shape_cast %swap3A_738 : vector<1x64x128xf32> to vector<64x128xf32>
    %swap3A_740 = vector.shape_cast %transpose3A_734 : vector<64x128xf32> to vector<1x64x128xf32>
    tpu.vector_store %arg2[%swap3A_735, %swap3A_736, %swap3A_737], %swap3A_740 {strides = array<i32>} : memref<200x64x128xf32, #tpu.memory_space<vmem>>, vector<1x64x128xf32>,
    %get3A_741 = arith.constant 0 : index
    %get3A_742 = arith.constant 31 : index
    %get3A_743 = arith.constant 0 : index
    %get3A_744 = vector.load %arg1[%get3A_741, %get3A_742, %get3A_743] : memref<128x100x128xf32, #tpu.memory_space<vmem>>, vector<128x1x64xf32>
    %get3A_745 = vector.shape_cast %get3A_744 : vector<128x1x64xf32> to vector<128x64xf32>
    %transpose3A_746 = tpu.transpose %get3A_745, [1, 0] : vector<128x64xf32> -> vector<64x128xf32>
    %swap3A_747 = arith.constant 62 : index
    %swap3A_748 = arith.constant 0 : index
    %swap3A_749 = arith.constant 0 : index
    %swap3A_750 = vector.load %arg2[%swap3A_747, %swap3A_748, %swap3A_749] : memref<200x64x128xf32, #tpu.memory_space<vmem>>, vector<1x64x128xf32>
    %swap3A_751 = vector.shape_cast %swap3A_750 : vector<1x64x128xf32> to vector<64x128xf32>
    %swap3A_752 = vector.shape_cast %transpose3A_746 : vector<64x128xf32> to vector<1x64x128xf32>
    tpu.vector_store %arg2[%swap3A_747, %swap3A_748, %swap3A_749], %swap3A_752 {strides = array<i32>} : memref<200x64x128xf32, #tpu.memory_space<vmem>>, vector<1x64x128xf32>,
    %get3A_753 = arith.constant 0 : index
    %get3A_754 = arith.constant 31 : index
    %get3A_755 = arith.constant 64 : index
    %get3A_756 = vector.load %arg1[%get3A_753, %get3A_754, %get3A_755] : memref<128x100x128xf32, #tpu.memory_space<vmem>>, vector<128x1x64xf32>
    %get3A_757 = vector.shape_cast %get3A_756 : vector<128x1x64xf32> to vector<128x64xf32>
    %transpose3A_758 = tpu.transpose %get3A_757, [1, 0] : vector<128x64xf32> -> vector<64x128xf32>
    %swap3A_759 = arith.constant 63 : index
    %swap3A_760 = arith.constant 0 : index
    %swap3A_761 = arith.constant 0 : index
    %swap3A_762 = vector.load %arg2[%swap3A_759, %swap3A_760, %swap3A_761] : memref<200x64x128xf32, #tpu.memory_space<vmem>>, vector<1x64x128xf32>
    %swap3A_763 = vector.shape_cast %swap3A_762 : vector<1x64x128xf32> to vector<64x128xf32>
    %swap3A_764 = vector.shape_cast %transpose3A_758 : vector<64x128xf32> to vector<1x64x128xf32>
    tpu.vector_store %arg2[%swap3A_759, %swap3A_760, %swap3A_761], %swap3A_764 {strides = array<i32>} : memref<200x64x128xf32, #tpu.memory_space<vmem>>, vector<1x64x128xf32>,
    %get3A_765 = arith.constant 0 : index
    %get3A_766 = arith.constant 32 : index
    %get3A_767 = arith.constant 0 : index
    %get3A_768 = vector.load %arg1[%get3A_765, %get3A_766, %get3A_767] : memref<128x100x128xf32, #tpu.memory_space<vmem>>, vector<128x1x64xf32>
    %get3A_769 = vector.shape_cast %get3A_768 : vector<128x1x64xf32> to vector<128x64xf32>
    %transpose3A_770 = tpu.transpose %get3A_769, [1, 0] : vector<128x64xf32> -> vector<64x128xf32>
    %swap3A_771 = arith.constant 64 : index
    %swap3A_772 = arith.constant 0 : index
    %swap3A_773 = arith.constant 0 : index
    %swap3A_774 = vector.load %arg2[%swap3A_771, %swap3A_772, %swap3A_773] : memref<200x64x128xf32, #tpu.memory_space<vmem>>, vector<1x64x128xf32>
    %swap3A_775 = vector.shape_cast %swap3A_774 : vector<1x64x128xf32> to vector<64x128xf32>
    %swap3A_776 = vector.shape_cast %transpose3A_770 : vector<64x128xf32> to vector<1x64x128xf32>
    tpu.vector_store %arg2[%swap3A_771, %swap3A_772, %swap3A_773], %swap3A_776 {strides = array<i32>} : memref<200x64x128xf32, #tpu.memory_space<vmem>>, vector<1x64x128xf32>,
    %get3A_777 = arith.constant 0 : index
    %get3A_778 = arith.constant 32 : index
    %get3A_779 = arith.constant 64 : index
    %get3A_780 = vector.load %arg1[%get3A_777, %get3A_778, %get3A_779] : memref<128x100x128xf32, #tpu.memory_space<vmem>>, vector<128x1x64xf32>
    %get3A_781 = vector.shape_cast %get3A_780 : vector<128x1x64xf32> to vector<128x64xf32>
    %transpose3A_782 = tpu.transpose %get3A_781, [1, 0] : vector<128x64xf32> -> vector<64x128xf32>
    %swap3A_783 = arith.constant 65 : index
    %swap3A_784 = arith.constant 0 : index
    %swap3A_785 = arith.constant 0 : index
    %swap3A_786 = vector.load %arg2[%swap3A_783, %swap3A_784, %swap3A_785] : memref<200x64x128xf32, #tpu.memory_space<vmem>>, vector<1x64x128xf32>
    %swap3A_787 = vector.shape_cast %swap3A_786 : vector<1x64x128xf32> to vector<64x128xf32>
    %swap3A_788 = vector.shape_cast %transpose3A_782 : vector<64x128xf32> to vector<1x64x128xf32>
    tpu.vector_store %arg2[%swap3A_783, %swap3A_784, %swap3A_785], %swap3A_788 {strides = array<i32>} : memref<200x64x128xf32, #tpu.memory_space<vmem>>, vector<1x64x128xf32>,
    %get3A_789 = arith.constant 0 : index
    %get3A_790 = arith.constant 33 : index
    %get3A_791 = arith.constant 0 : index
    %get3A_792 = vector.load %arg1[%get3A_789, %get3A_790, %get3A_791] : memref<128x100x128xf32, #tpu.memory_space<vmem>>, vector<128x1x64xf32>
    %get3A_793 = vector.shape_cast %get3A_792 : vector<128x1x64xf32> to vector<128x64xf32>
    %transpose3A_794 = tpu.transpose %get3A_793, [1, 0] : vector<128x64xf32> -> vector<64x128xf32>
    %swap3A_795 = arith.constant 66 : index
    %swap3A_796 = arith.constant 0 : index
    %swap3A_797 = arith.constant 0 : index
    %swap3A_798 = vector.load %arg2[%swap3A_795, %swap3A_796, %swap3A_797] : memref<200x64x128xf32, #tpu.memory_space<vmem>>, vector<1x64x128xf32>
    %swap3A_799 = vector.shape_cast %swap3A_798 : vector<1x64x128xf32> to vector<64x128xf32>
    %swap3A_800 = vector.shape_cast %transpose3A_794 : vector<64x128xf32> to vector<1x64x128xf32>
    tpu.vector_store %arg2[%swap3A_795, %swap3A_796, %swap3A_797], %swap3A_800 {strides = array<i32>} : memref<200x64x128xf32, #tpu.memory_space<vmem>>, vector<1x64x128xf32>,
    %get3A_801 = arith.constant 0 : index
    %get3A_802 = arith.constant 33 : index
    %get3A_803 = arith.constant 64 : index
    %get3A_804 = vector.load %arg1[%get3A_801, %get3A_802, %get3A_803] : memref<128x100x128xf32, #tpu.memory_space<vmem>>, vector<128x1x64xf32>
    %get3A_805 = vector.shape_cast %get3A_804 : vector<128x1x64xf32> to vector<128x64xf32>
    %transpose3A_806 = tpu.transpose %get3A_805, [1, 0] : vector<128x64xf32> -> vector<64x128xf32>
    %swap3A_807 = arith.constant 67 : index
    %swap3A_808 = arith.constant 0 : index
    %swap3A_809 = arith.constant 0 : index
    %swap3A_810 = vector.load %arg2[%swap3A_807, %swap3A_808, %swap3A_809] : memref<200x64x128xf32, #tpu.memory_space<vmem>>, vector<1x64x128xf32>
    %swap3A_811 = vector.shape_cast %swap3A_810 : vector<1x64x128xf32> to vector<64x128xf32>
    %swap3A_812 = vector.shape_cast %transpose3A_806 : vector<64x128xf32> to vector<1x64x128xf32>
    tpu.vector_store %arg2[%swap3A_807, %swap3A_808, %swap3A_809], %swap3A_812 {strides = array<i32>} : memref<200x64x128xf32, #tpu.memory_space<vmem>>, vector<1x64x128xf32>,
    %get3A_813 = arith.constant 0 : index
    %get3A_814 = arith.constant 34 : index
    %get3A_815 = arith.constant 0 : index
    %get3A_816 = vector.load %arg1[%get3A_813, %get3A_814, %get3A_815] : memref<128x100x128xf32, #tpu.memory_space<vmem>>, vector<128x1x64xf32>
    %get3A_817 = vector.shape_cast %get3A_816 : vector<128x1x64xf32> to vector<128x64xf32>
    %transpose3A_818 = tpu.transpose %get3A_817, [1, 0] : vector<128x64xf32> -> vector<64x128xf32>
    %swap3A_819 = arith.constant 68 : index
    %swap3A_820 = arith.constant 0 : index
    %swap3A_821 = arith.constant 0 : index
    %swap3A_822 = vector.load %arg2[%swap3A_819, %swap3A_820, %swap3A_821] : memref<200x64x128xf32, #tpu.memory_space<vmem>>, vector<1x64x128xf32>
    %swap3A_823 = vector.shape_cast %swap3A_822 : vector<1x64x128xf32> to vector<64x128xf32>
    %swap3A_824 = vector.shape_cast %transpose3A_818 : vector<64x128xf32> to vector<1x64x128xf32>
    tpu.vector_store %arg2[%swap3A_819, %swap3A_820, %swap3A_821], %swap3A_824 {strides = array<i32>} : memref<200x64x128xf32, #tpu.memory_space<vmem>>, vector<1x64x128xf32>,
    %get3A_825 = arith.constant 0 : index
    %get3A_826 = arith.constant 34 : index
    %get3A_827 = arith.constant 64 : index
    %get3A_828 = vector.load %arg1[%get3A_825, %get3A_826, %get3A_827] : memref<128x100x128xf32, #tpu.memory_space<vmem>>, vector<128x1x64xf32>
    %get3A_829 = vector.shape_cast %get3A_828 : vector<128x1x64xf32> to vector<128x64xf32>
    %transpose3A_830 = tpu.transpose %get3A_829, [1, 0] : vector<128x64xf32> -> vector<64x128xf32>
    %swap3A_831 = arith.constant 69 : index
    %swap3A_832 = arith.constant 0 : index
    %swap3A_833 = arith.constant 0 : index
    %swap3A_834 = vector.load %arg2[%swap3A_831, %swap3A_832, %swap3A_833] : memref<200x64x128xf32, #tpu.memory_space<vmem>>, vector<1x64x128xf32>
    %swap3A_835 = vector.shape_cast %swap3A_834 : vector<1x64x128xf32> to vector<64x128xf32>
    %swap3A_836 = vector.shape_cast %transpose3A_830 : vector<64x128xf32> to vector<1x64x128xf32>
    tpu.vector_store %arg2[%swap3A_831, %swap3A_832, %swap3A_833], %swap3A_836 {strides = array<i32>} : memref<200x64x128xf32, #tpu.memory_space<vmem>>, vector<1x64x128xf32>,
    %get3A_837 = arith.constant 0 : index
    %get3A_838 = arith.constant 35 : index
    %get3A_839 = arith.constant 0 : index
    %get3A_840 = vector.load %arg1[%get3A_837, %get3A_838, %get3A_839] : memref<128x100x128xf32, #tpu.memory_space<vmem>>, vector<128x1x64xf32>
    %get3A_841 = vector.shape_cast %get3A_840 : vector<128x1x64xf32> to vector<128x64xf32>
    %transpose3A_842 = tpu.transpose %get3A_841, [1, 0] : vector<128x64xf32> -> vector<64x128xf32>
    %swap3A_843 = arith.constant 70 : index
    %swap3A_844 = arith.constant 0 : index
    %swap3A_845 = arith.constant 0 : index
    %swap3A_846 = vector.load %arg2[%swap3A_843, %swap3A_844, %swap3A_845] : memref<200x64x128xf32, #tpu.memory_space<vmem>>, vector<1x64x128xf32>
    %swap3A_847 = vector.shape_cast %swap3A_846 : vector<1x64x128xf32> to vector<64x128xf32>
    %swap3A_848 = vector.shape_cast %transpose3A_842 : vector<64x128xf32> to vector<1x64x128xf32>
    tpu.vector_store %arg2[%swap3A_843, %swap3A_844, %swap3A_845], %swap3A_848 {strides = array<i32>} : memref<200x64x128xf32, #tpu.memory_space<vmem>>, vector<1x64x128xf32>,
    %get3A_849 = arith.constant 0 : index
    %get3A_850 = arith.constant 35 : index
    %get3A_851 = arith.constant 64 : index
    %get3A_852 = vector.load %arg1[%get3A_849, %get3A_850, %get3A_851] : memref<128x100x128xf32, #tpu.memory_space<vmem>>, vector<128x1x64xf32>
    %get3A_853 = vector.shape_cast %get3A_852 : vector<128x1x64xf32> to vector<128x64xf32>
    %transpose3A_854 = tpu.transpose %get3A_853, [1, 0] : vector<128x64xf32> -> vector<64x128xf32>
    %swap3A_855 = arith.constant 71 : index
    %swap3A_856 = arith.constant 0 : index
    %swap3A_857 = arith.constant 0 : index
    %swap3A_858 = vector.load %arg2[%swap3A_855, %swap3A_856, %swap3A_857] : memref<200x64x128xf32, #tpu.memory_space<vmem>>, vector<1x64x128xf32>
    %swap3A_859 = vector.shape_cast %swap3A_858 : vector<1x64x128xf32> to vector<64x128xf32>
    %swap3A_860 = vector.shape_cast %transpose3A_854 : vector<64x128xf32> to vector<1x64x128xf32>
    tpu.vector_store %arg2[%swap3A_855, %swap3A_856, %swap3A_857], %swap3A_860 {strides = array<i32>} : memref<200x64x128xf32, #tpu.memory_space<vmem>>, vector<1x64x128xf32>,
    %get3A_861 = arith.constant 0 : index
    %get3A_862 = arith.constant 36 : index
    %get3A_863 = arith.constant 0 : index
    %get3A_864 = vector.load %arg1[%get3A_861, %get3A_862, %get3A_863] : memref<128x100x128xf32, #tpu.memory_space<vmem>>, vector<128x1x64xf32>
    %get3A_865 = vector.shape_cast %get3A_864 : vector<128x1x64xf32> to vector<128x64xf32>
    %transpose3A_866 = tpu.transpose %get3A_865, [1, 0] : vector<128x64xf32> -> vector<64x128xf32>
    %swap3A_867 = arith.constant 72 : index
    %swap3A_868 = arith.constant 0 : index
    %swap3A_869 = arith.constant 0 : index
    %swap3A_870 = vector.load %arg2[%swap3A_867, %swap3A_868, %swap3A_869] : memref<200x64x128xf32, #tpu.memory_space<vmem>>, vector<1x64x128xf32>
    %swap3A_871 = vector.shape_cast %swap3A_870 : vector<1x64x128xf32> to vector<64x128xf32>
    %swap3A_872 = vector.shape_cast %transpose3A_866 : vector<64x128xf32> to vector<1x64x128xf32>
    tpu.vector_store %arg2[%swap3A_867, %swap3A_868, %swap3A_869], %swap3A_872 {strides = array<i32>} : memref<200x64x128xf32, #tpu.memory_space<vmem>>, vector<1x64x128xf32>,
    %get3A_873 = arith.constant 0 : index
    %get3A_874 = arith.constant 36 : index
    %get3A_875 = arith.constant 64 : index
    %get3A_876 = vector.load %arg1[%get3A_873, %get3A_874, %get3A_875] : memref<128x100x128xf32, #tpu.memory_space<vmem>>, vector<128x1x64xf32>
    %get3A_877 = vector.shape_cast %get3A_876 : vector<128x1x64xf32> to vector<128x64xf32>
    %transpose3A_878 = tpu.transpose %get3A_877, [1, 0] : vector<128x64xf32> -> vector<64x128xf32>
    %swap3A_879 = arith.constant 73 : index
    %swap3A_880 = arith.constant 0 : index
    %swap3A_881 = arith.constant 0 : index
    %swap3A_882 = vector.load %arg2[%swap3A_879, %swap3A_880, %swap3A_881] : memref<200x64x128xf32, #tpu.memory_space<vmem>>, vector<1x64x128xf32>
    %swap3A_883 = vector.shape_cast %swap3A_882 : vector<1x64x128xf32> to vector<64x128xf32>
    %swap3A_884 = vector.shape_cast %transpose3A_878 : vector<64x128xf32> to vector<1x64x128xf32>
    tpu.vector_store %arg2[%swap3A_879, %swap3A_880, %swap3A_881], %swap3A_884 {strides = array<i32>} : memref<200x64x128xf32, #tpu.memory_space<vmem>>, vector<1x64x128xf32>,
    %get3A_885 = arith.constant 0 : index
    %get3A_886 = arith.constant 37 : index
    %get3A_887 = arith.constant 0 : index
    %get3A_888 = vector.load %arg1[%get3A_885, %get3A_886, %get3A_887] : memref<128x100x128xf32, #tpu.memory_space<vmem>>, vector<128x1x64xf32>
    %get3A_889 = vector.shape_cast %get3A_888 : vector<128x1x64xf32> to vector<128x64xf32>
    %transpose3A_890 = tpu.transpose %get3A_889, [1, 0] : vector<128x64xf32> -> vector<64x128xf32>
    %swap3A_891 = arith.constant 74 : index
    %swap3A_892 = arith.constant 0 : index
    %swap3A_893 = arith.constant 0 : index
    %swap3A_894 = vector.load %arg2[%swap3A_891, %swap3A_892, %swap3A_893] : memref<200x64x128xf32, #tpu.memory_space<vmem>>, vector<1x64x128xf32>
    %swap3A_895 = vector.shape_cast %swap3A_894 : vector<1x64x128xf32> to vector<64x128xf32>
    %swap3A_896 = vector.shape_cast %transpose3A_890 : vector<64x128xf32> to vector<1x64x128xf32>
    tpu.vector_store %arg2[%swap3A_891, %swap3A_892, %swap3A_893], %swap3A_896 {strides = array<i32>} : memref<200x64x128xf32, #tpu.memory_space<vmem>>, vector<1x64x128xf32>,
    %get3A_897 = arith.constant 0 : index
    %get3A_898 = arith.constant 37 : index
    %get3A_899 = arith.constant 64 : index
    %get3A_900 = vector.load %arg1[%get3A_897, %get3A_898, %get3A_899] : memref<128x100x128xf32, #tpu.memory_space<vmem>>, vector<128x1x64xf32>
    %get3A_901 = vector.shape_cast %get3A_900 : vector<128x1x64xf32> to vector<128x64xf32>
    %transpose3A_902 = tpu.transpose %get3A_901, [1, 0] : vector<128x64xf32> -> vector<64x128xf32>
    %swap3A_903 = arith.constant 75 : index
    %swap3A_904 = arith.constant 0 : index
    %swap3A_905 = arith.constant 0 : index
    %swap3A_906 = vector.load %arg2[%swap3A_903, %swap3A_904, %swap3A_905] : memref<200x64x128xf32, #tpu.memory_space<vmem>>, vector<1x64x128xf32>
    %swap3A_907 = vector.shape_cast %swap3A_906 : vector<1x64x128xf32> to vector<64x128xf32>
    %swap3A_908 = vector.shape_cast %transpose3A_902 : vector<64x128xf32> to vector<1x64x128xf32>
    tpu.vector_store %arg2[%swap3A_903, %swap3A_904, %swap3A_905], %swap3A_908 {strides = array<i32>} : memref<200x64x128xf32, #tpu.memory_space<vmem>>, vector<1x64x128xf32>,
    %get3A_909 = arith.constant 0 : index
    %get3A_910 = arith.constant 38 : index
    %get3A_911 = arith.constant 0 : index
    %get3A_912 = vector.load %arg1[%get3A_909, %get3A_910, %get3A_911] : memref<128x100x128xf32, #tpu.memory_space<vmem>>, vector<128x1x64xf32>
    %get3A_913 = vector.shape_cast %get3A_912 : vector<128x1x64xf32> to vector<128x64xf32>
    %transpose3A_914 = tpu.transpose %get3A_913, [1, 0] : vector<128x64xf32> -> vector<64x128xf32>
    %swap3A_915 = arith.constant 76 : index
    %swap3A_916 = arith.constant 0 : index
    %swap3A_917 = arith.constant 0 : index
    %swap3A_918 = vector.load %arg2[%swap3A_915, %swap3A_916, %swap3A_917] : memref<200x64x128xf32, #tpu.memory_space<vmem>>, vector<1x64x128xf32>
    %swap3A_919 = vector.shape_cast %swap3A_918 : vector<1x64x128xf32> to vector<64x128xf32>
    %swap3A_920 = vector.shape_cast %transpose3A_914 : vector<64x128xf32> to vector<1x64x128xf32>
    tpu.vector_store %arg2[%swap3A_915, %swap3A_916, %swap3A_917], %swap3A_920 {strides = array<i32>} : memref<200x64x128xf32, #tpu.memory_space<vmem>>, vector<1x64x128xf32>,
    %get3A_921 = arith.constant 0 : index
    %get3A_922 = arith.constant 38 : index
    %get3A_923 = arith.constant 64 : index
    %get3A_924 = vector.load %arg1[%get3A_921, %get3A_922, %get3A_923] : memref<128x100x128xf32, #tpu.memory_space<vmem>>, vector<128x1x64xf32>
    %get3A_925 = vector.shape_cast %get3A_924 : vector<128x1x64xf32> to vector<128x64xf32>
    %transpose3A_926 = tpu.transpose %get3A_925, [1, 0] : vector<128x64xf32> -> vector<64x128xf32>
    %swap3A_927 = arith.constant 77 : index
    %swap3A_928 = arith.constant 0 : index
    %swap3A_929 = arith.constant 0 : index
    %swap3A_930 = vector.load %arg2[%swap3A_927, %swap3A_928, %swap3A_929] : memref<200x64x128xf32, #tpu.memory_space<vmem>>, vector<1x64x128xf32>
    %swap3A_931 = vector.shape_cast %swap3A_930 : vector<1x64x128xf32> to vector<64x128xf32>
    %swap3A_932 = vector.shape_cast %transpose3A_926 : vector<64x128xf32> to vector<1x64x128xf32>
    tpu.vector_store %arg2[%swap3A_927, %swap3A_928, %swap3A_929], %swap3A_932 {strides = array<i32>} : memref<200x64x128xf32, #tpu.memory_space<vmem>>, vector<1x64x128xf32>,
    %get3A_933 = arith.constant 0 : index
    %get3A_934 = arith.constant 39 : index
    %get3A_935 = arith.constant 0 : index
    %get3A_936 = vector.load %arg1[%get3A_933, %get3A_934, %get3A_935] : memref<128x100x128xf32, #tpu.memory_space<vmem>>, vector<128x1x64xf32>
    %get3A_937 = vector.shape_cast %get3A_936 : vector<128x1x64xf32> to vector<128x64xf32>
    %transpose3A_938 = tpu.transpose %get3A_937, [1, 0] : vector<128x64xf32> -> vector<64x128xf32>
    %swap3A_939 = arith.constant 78 : index
    %swap3A_940 = arith.constant 0 : index
    %swap3A_941 = arith.constant 0 : index
    %swap3A_942 = vector.load %arg2[%swap3A_939, %swap3A_940, %swap3A_941] : memref<200x64x128xf32, #tpu.memory_space<vmem>>, vector<1x64x128xf32>
    %swap3A_943 = vector.shape_cast %swap3A_942 : vector<1x64x128xf32> to vector<64x128xf32>
    %swap3A_944 = vector.shape_cast %transpose3A_938 : vector<64x128xf32> to vector<1x64x128xf32>
    tpu.vector_store %arg2[%swap3A_939, %swap3A_940, %swap3A_941], %swap3A_944 {strides = array<i32>} : memref<200x64x128xf32, #tpu.memory_space<vmem>>, vector<1x64x128xf32>,
    %get3A_945 = arith.constant 0 : index
    %get3A_946 = arith.constant 39 : index
    %get3A_947 = arith.constant 64 : index
    %get3A_948 = vector.load %arg1[%get3A_945, %get3A_946, %get3A_947] : memref<128x100x128xf32, #tpu.memory_space<vmem>>, vector<128x1x64xf32>
    %get3A_949 = vector.shape_cast %get3A_948 : vector<128x1x64xf32> to vector<128x64xf32>
    %transpose3A_950 = tpu.transpose %get3A_949, [1, 0] : vector<128x64xf32> -> vector<64x128xf32>
    %swap3A_951 = arith.constant 79 : index
    %swap3A_952 = arith.constant 0 : index
    %swap3A_953 = arith.constant 0 : index
    %swap3A_954 = vector.load %arg2[%swap3A_951, %swap3A_952, %swap3A_953] : memref<200x64x128xf32, #tpu.memory_space<vmem>>, vector<1x64x128xf32>
    %swap3A_955 = vector.shape_cast %swap3A_954 : vector<1x64x128xf32> to vector<64x128xf32>
    %swap3A_956 = vector.shape_cast %transpose3A_950 : vector<64x128xf32> to vector<1x64x128xf32>
    tpu.vector_store %arg2[%swap3A_951, %swap3A_952, %swap3A_953], %swap3A_956 {strides = array<i32>} : memref<200x64x128xf32, #tpu.memory_space<vmem>>, vector<1x64x128xf32>,
    %get3A_957 = arith.constant 0 : index
    %get3A_958 = arith.constant 40 : index
    %get3A_959 = arith.constant 0 : index
    %get3A_960 = vector.load %arg1[%get3A_957, %get3A_958, %get3A_959] : memref<128x100x128xf32, #tpu.memory_space<vmem>>, vector<128x1x64xf32>
    %get3A_961 = vector.shape_cast %get3A_960 : vector<128x1x64xf32> to vector<128x64xf32>
    %transpose3A_962 = tpu.transpose %get3A_961, [1, 0] : vector<128x64xf32> -> vector<64x128xf32>
    %swap3A_963 = arith.constant 80 : index
    %swap3A_964 = arith.constant 0 : index
    %swap3A_965 = arith.constant 0 : index
    %swap3A_966 = vector.load %arg2[%swap3A_963, %swap3A_964, %swap3A_965] : memref<200x64x128xf32, #tpu.memory_space<vmem>>, vector<1x64x128xf32>
    %swap3A_967 = vector.shape_cast %swap3A_966 : vector<1x64x128xf32> to vector<64x128xf32>
    %swap3A_968 = vector.shape_cast %transpose3A_962 : vector<64x128xf32> to vector<1x64x128xf32>
    tpu.vector_store %arg2[%swap3A_963, %swap3A_964, %swap3A_965], %swap3A_968 {strides = array<i32>} : memref<200x64x128xf32, #tpu.memory_space<vmem>>, vector<1x64x128xf32>,
    %get3A_969 = arith.constant 0 : index
    %get3A_970 = arith.constant 40 : index
    %get3A_971 = arith.constant 64 : index
    %get3A_972 = vector.load %arg1[%get3A_969, %get3A_970, %get3A_971] : memref<128x100x128xf32, #tpu.memory_space<vmem>>, vector<128x1x64xf32>
    %get3A_973 = vector.shape_cast %get3A_972 : vector<128x1x64xf32> to vector<128x64xf32>
    %transpose3A_974 = tpu.transpose %get3A_973, [1, 0] : vector<128x64xf32> -> vector<64x128xf32>
    %swap3A_975 = arith.constant 81 : index
    %swap3A_976 = arith.constant 0 : index
    %swap3A_977 = arith.constant 0 : index
    %swap3A_978 = vector.load %arg2[%swap3A_975, %swap3A_976, %swap3A_977] : memref<200x64x128xf32, #tpu.memory_space<vmem>>, vector<1x64x128xf32>
    %swap3A_979 = vector.shape_cast %swap3A_978 : vector<1x64x128xf32> to vector<64x128xf32>
    %swap3A_980 = vector.shape_cast %transpose3A_974 : vector<64x128xf32> to vector<1x64x128xf32>
    tpu.vector_store %arg2[%swap3A_975, %swap3A_976, %swap3A_977], %swap3A_980 {strides = array<i32>} : memref<200x64x128xf32, #tpu.memory_space<vmem>>, vector<1x64x128xf32>,
    %get3A_981 = arith.constant 0 : index
    %get3A_982 = arith.constant 41 : index
    %get3A_983 = arith.constant 0 : index
    %get3A_984 = vector.load %arg1[%get3A_981, %get3A_982, %get3A_983] : memref<128x100x128xf32, #tpu.memory_space<vmem>>, vector<128x1x64xf32>
    %get3A_985 = vector.shape_cast %get3A_984 : vector<128x1x64xf32> to vector<128x64xf32>
    %transpose3A_986 = tpu.transpose %get3A_985, [1, 0] : vector<128x64xf32> -> vector<64x128xf32>
    %swap3A_987 = arith.constant 82 : index
    %swap3A_988 = arith.constant 0 : index
    %swap3A_989 = arith.constant 0 : index
    %swap3A_990 = vector.load %arg2[%swap3A_987, %swap3A_988, %swap3A_989] : memref<200x64x128xf32, #tpu.memory_space<vmem>>, vector<1x64x128xf32>
    %swap3A_991 = vector.shape_cast %swap3A_990 : vector<1x64x128xf32> to vector<64x128xf32>
    %swap3A_992 = vector.shape_cast %transpose3A_986 : vector<64x128xf32> to vector<1x64x128xf32>
    tpu.vector_store %arg2[%swap3A_987, %swap3A_988, %swap3A_989], %swap3A_992 {strides = array<i32>} : memref<200x64x128xf32, #tpu.memory_space<vmem>>, vector<1x64x128xf32>,
    %get3A_993 = arith.constant 0 : index
    %get3A_994 = arith.constant 41 : index
    %get3A_995 = arith.constant 64 : index
    %get3A_996 = vector.load %arg1[%get3A_993, %get3A_994, %get3A_995] : memref<128x100x128xf32, #tpu.memory_space<vmem>>, vector<128x1x64xf32>
    %get3A_997 = vector.shape_cast %get3A_996 : vector<128x1x64xf32> to vector<128x64xf32>
    %transpose3A_998 = tpu.transpose %get3A_997, [1, 0] : vector<128x64xf32> -> vector<64x128xf32>
    %swap3A_999 = arith.constant 83 : index
    %swap3A_1000 = arith.constant 0 : index
    %swap3A_1001 = arith.constant 0 : index
    %swap3A_1002 = vector.load %arg2[%swap3A_999, %swap3A_1000, %swap3A_1001] : memref<200x64x128xf32, #tpu.memory_space<vmem>>, vector<1x64x128xf32>
    %swap3A_1003 = vector.shape_cast %swap3A_1002 : vector<1x64x128xf32> to vector<64x128xf32>
    %swap3A_1004 = vector.shape_cast %transpose3A_998 : vector<64x128xf32> to vector<1x64x128xf32>
    tpu.vector_store %arg2[%swap3A_999, %swap3A_1000, %swap3A_1001], %swap3A_1004 {strides = array<i32>} : memref<200x64x128xf32, #tpu.memory_space<vmem>>, vector<1x64x128xf32>,
    %get3A_1005 = arith.constant 0 : index
    %get3A_1006 = arith.constant 42 : index
    %get3A_1007 = arith.constant 0 : index
    %get3A_1008 = vector.load %arg1[%get3A_1005, %get3A_1006, %get3A_1007] : memref<128x100x128xf32, #tpu.memory_space<vmem>>, vector<128x1x64xf32>
    %get3A_1009 = vector.shape_cast %get3A_1008 : vector<128x1x64xf32> to vector<128x64xf32>
    %transpose3A_1010 = tpu.transpose %get3A_1009, [1, 0] : vector<128x64xf32> -> vector<64x128xf32>
    %swap3A_1011 = arith.constant 84 : index
    %swap3A_1012 = arith.constant 0 : index
    %swap3A_1013 = arith.constant 0 : index
    %swap3A_1014 = vector.load %arg2[%swap3A_1011, %swap3A_1012, %swap3A_1013] : memref<200x64x128xf32, #tpu.memory_space<vmem>>, vector<1x64x128xf32>
    %swap3A_1015 = vector.shape_cast %swap3A_1014 : vector<1x64x128xf32> to vector<64x128xf32>
    %swap3A_1016 = vector.shape_cast %transpose3A_1010 : vector<64x128xf32> to vector<1x64x128xf32>
    tpu.vector_store %arg2[%swap3A_1011, %swap3A_1012, %swap3A_1013], %swap3A_1016 {strides = array<i32>} : memref<200x64x128xf32, #tpu.memory_space<vmem>>, vector<1x64x128xf32>,
    %get3A_1017 = arith.constant 0 : index
    %get3A_1018 = arith.constant 42 : index
    %get3A_1019 = arith.constant 64 : index
    %get3A_1020 = vector.load %arg1[%get3A_1017, %get3A_1018, %get3A_1019] : memref<128x100x128xf32, #tpu.memory_space<vmem>>, vector<128x1x64xf32>
    %get3A_1021 = vector.shape_cast %get3A_1020 : vector<128x1x64xf32> to vector<128x64xf32>
    %transpose3A_1022 = tpu.transpose %get3A_1021, [1, 0] : vector<128x64xf32> -> vector<64x128xf32>
    %swap3A_1023 = arith.constant 85 : index
    %swap3A_1024 = arith.constant 0 : index
    %swap3A_1025 = arith.constant 0 : index
    %swap3A_1026 = vector.load %arg2[%swap3A_1023, %swap3A_1024, %swap3A_1025] : memref<200x64x128xf32, #tpu.memory_space<vmem>>, vector<1x64x128xf32>
    %swap3A_1027 = vector.shape_cast %swap3A_1026 : vector<1x64x128xf32> to vector<64x128xf32>
    %swap3A_1028 = vector.shape_cast %transpose3A_1022 : vector<64x128xf32> to vector<1x64x128xf32>
    tpu.vector_store %arg2[%swap3A_1023, %swap3A_1024, %swap3A_1025], %swap3A_1028 {strides = array<i32>} : memref<200x64x128xf32, #tpu.memory_space<vmem>>, vector<1x64x128xf32>,
    %get3A_1029 = arith.constant 0 : index
    %get3A_1030 = arith.constant 43 : index
    %get3A_1031 = arith.constant 0 : index
    %get3A_1032 = vector.load %arg1[%get3A_1029, %get3A_1030, %get3A_1031] : memref<128x100x128xf32, #tpu.memory_space<vmem>>, vector<128x1x64xf32>
    %get3A_1033 = vector.shape_cast %get3A_1032 : vector<128x1x64xf32> to vector<128x64xf32>
    %transpose3A_1034 = tpu.transpose %get3A_1033, [1, 0] : vector<128x64xf32> -> vector<64x128xf32>
    %swap3A_1035 = arith.constant 86 : index
    %swap3A_1036 = arith.constant 0 : index
    %swap3A_1037 = arith.constant 0 : index
    %swap3A_1038 = vector.load %arg2[%swap3A_1035, %swap3A_1036, %swap3A_1037] : memref<200x64x128xf32, #tpu.memory_space<vmem>>, vector<1x64x128xf32>
    %swap3A_1039 = vector.shape_cast %swap3A_1038 : vector<1x64x128xf32> to vector<64x128xf32>
    %swap3A_1040 = vector.shape_cast %transpose3A_1034 : vector<64x128xf32> to vector<1x64x128xf32>
    tpu.vector_store %arg2[%swap3A_1035, %swap3A_1036, %swap3A_1037], %swap3A_1040 {strides = array<i32>} : memref<200x64x128xf32, #tpu.memory_space<vmem>>, vector<1x64x128xf32>,
    %get3A_1041 = arith.constant 0 : index
    %get3A_1042 = arith.constant 43 : index
    %get3A_1043 = arith.constant 64 : index
    %get3A_1044 = vector.load %arg1[%get3A_1041, %get3A_1042, %get3A_1043] : memref<128x100x128xf32, #tpu.memory_space<vmem>>, vector<128x1x64xf32>
    %get3A_1045 = vector.shape_cast %get3A_1044 : vector<128x1x64xf32> to vector<128x64xf32>
    %transpose3A_1046 = tpu.transpose %get3A_1045, [1, 0] : vector<128x64xf32> -> vector<64x128xf32>
    %swap3A_1047 = arith.constant 87 : index
    %swap3A_1048 = arith.constant 0 : index
    %swap3A_1049 = arith.constant 0 : index
    %swap3A_1050 = vector.load %arg2[%swap3A_1047, %swap3A_1048, %swap3A_1049] : memref<200x64x128xf32, #tpu.memory_space<vmem>>, vector<1x64x128xf32>
    %swap3A_1051 = vector.shape_cast %swap3A_1050 : vector<1x64x128xf32> to vector<64x128xf32>
    %swap3A_1052 = vector.shape_cast %transpose3A_1046 : vector<64x128xf32> to vector<1x64x128xf32>
    tpu.vector_store %arg2[%swap3A_1047, %swap3A_1048, %swap3A_1049], %swap3A_1052 {strides = array<i32>} : memref<200x64x128xf32, #tpu.memory_space<vmem>>, vector<1x64x128xf32>,
    %get3A_1053 = arith.constant 0 : index
    %get3A_1054 = arith.constant 44 : index
    %get3A_1055 = arith.constant 0 : index
    %get3A_1056 = vector.load %arg1[%get3A_1053, %get3A_1054, %get3A_1055] : memref<128x100x128xf32, #tpu.memory_space<vmem>>, vector<128x1x64xf32>
    %get3A_1057 = vector.shape_cast %get3A_1056 : vector<128x1x64xf32> to vector<128x64xf32>
    %transpose3A_1058 = tpu.transpose %get3A_1057, [1, 0] : vector<128x64xf32> -> vector<64x128xf32>
    %swap3A_1059 = arith.constant 88 : index
    %swap3A_1060 = arith.constant 0 : index
    %swap3A_1061 = arith.constant 0 : index
    %swap3A_1062 = vector.load %arg2[%swap3A_1059, %swap3A_1060, %swap3A_1061] : memref<200x64x128xf32, #tpu.memory_space<vmem>>, vector<1x64x128xf32>
    %swap3A_1063 = vector.shape_cast %swap3A_1062 : vector<1x64x128xf32> to vector<64x128xf32>
    %swap3A_1064 = vector.shape_cast %transpose3A_1058 : vector<64x128xf32> to vector<1x64x128xf32>
    tpu.vector_store %arg2[%swap3A_1059, %swap3A_1060, %swap3A_1061], %swap3A_1064 {strides = array<i32>} : memref<200x64x128xf32, #tpu.memory_space<vmem>>, vector<1x64x128xf32>,
    %get3A_1065 = arith.constant 0 : index
    %get3A_1066 = arith.constant 44 : index
    %get3A_1067 = arith.constant 64 : index
    %get3A_1068 = vector.load %arg1[%get3A_1065, %get3A_1066, %get3A_1067] : memref<128x100x128xf32, #tpu.memory_space<vmem>>, vector<128x1x64xf32>
    %get3A_1069 = vector.shape_cast %get3A_1068 : vector<128x1x64xf32> to vector<128x64xf32>
    %transpose3A_1070 = tpu.transpose %get3A_1069, [1, 0] : vector<128x64xf32> -> vector<64x128xf32>
    %swap3A_1071 = arith.constant 89 : index
    %swap3A_1072 = arith.constant 0 : index
    %swap3A_1073 = arith.constant 0 : index
    %swap3A_1074 = vector.load %arg2[%swap3A_1071, %swap3A_1072, %swap3A_1073] : memref<200x64x128xf32, #tpu.memory_space<vmem>>, vector<1x64x128xf32>
    %swap3A_1075 = vector.shape_cast %swap3A_1074 : vector<1x64x128xf32> to vector<64x128xf32>
    %swap3A_1076 = vector.shape_cast %transpose3A_1070 : vector<64x128xf32> to vector<1x64x128xf32>
    tpu.vector_store %arg2[%swap3A_1071, %swap3A_1072, %swap3A_1073], %swap3A_1076 {strides = array<i32>} : memref<200x64x128xf32, #tpu.memory_space<vmem>>, vector<1x64x128xf32>,
    %get3A_1077 = arith.constant 0 : index
    %get3A_1078 = arith.constant 45 : index
    %get3A_1079 = arith.constant 0 : index
    %get3A_1080 = vector.load %arg1[%get3A_1077, %get3A_1078, %get3A_1079] : memref<128x100x128xf32, #tpu.memory_space<vmem>>, vector<128x1x64xf32>
    %get3A_1081 = vector.shape_cast %get3A_1080 : vector<128x1x64xf32> to vector<128x64xf32>
    %transpose3A_1082 = tpu.transpose %get3A_1081, [1, 0] : vector<128x64xf32> -> vector<64x128xf32>
    %swap3A_1083 = arith.constant 90 : index
    %swap3A_1084 = arith.constant 0 : index
    %swap3A_1085 = arith.constant 0 : index
    %swap3A_1086 = vector.load %arg2[%swap3A_1083, %swap3A_1084, %swap3A_1085] : memref<200x64x128xf32, #tpu.memory_space<vmem>>, vector<1x64x128xf32>
    %swap3A_1087 = vector.shape_cast %swap3A_1086 : vector<1x64x128xf32> to vector<64x128xf32>
    %swap3A_1088 = vector.shape_cast %transpose3A_1082 : vector<64x128xf32> to vector<1x64x128xf32>
    tpu.vector_store %arg2[%swap3A_1083, %swap3A_1084, %swap3A_1085], %swap3A_1088 {strides = array<i32>} : memref<200x64x128xf32, #tpu.memory_space<vmem>>, vector<1x64x128xf32>,
    %get3A_1089 = arith.constant 0 : index
    %get3A_1090 = arith.constant 45 : index
    %get3A_1091 = arith.constant 64 : index
    %get3A_1092 = vector.load %arg1[%get3A_1089, %get3A_1090, %get3A_1091] : memref<128x100x128xf32, #tpu.memory_space<vmem>>, vector<128x1x64xf32>
    %get3A_1093 = vector.shape_cast %get3A_1092 : vector<128x1x64xf32> to vector<128x64xf32>
    %transpose3A_1094 = tpu.transpose %get3A_1093, [1, 0] : vector<128x64xf32> -> vector<64x128xf32>
    %swap3A_1095 = arith.constant 91 : index
    %swap3A_1096 = arith.constant 0 : index
    %swap3A_1097 = arith.constant 0 : index
    %swap3A_1098 = vector.load %arg2[%swap3A_1095, %swap3A_1096, %swap3A_1097] : memref<200x64x128xf32, #tpu.memory_space<vmem>>, vector<1x64x128xf32>
    %swap3A_1099 = vector.shape_cast %swap3A_1098 : vector<1x64x128xf32> to vector<64x128xf32>
    %swap3A_1100 = vector.shape_cast %transpose3A_1094 : vector<64x128xf32> to vector<1x64x128xf32>
    tpu.vector_store %arg2[%swap3A_1095, %swap3A_1096, %swap3A_1097], %swap3A_1100 {strides = array<i32>} : memref<200x64x128xf32, #tpu.memory_space<vmem>>, vector<1x64x128xf32>,
    %get3A_1101 = arith.constant 0 : index
    %get3A_1102 = arith.constant 46 : index
    %get3A_1103 = arith.constant 0 : index
    %get3A_1104 = vector.load %arg1[%get3A_1101, %get3A_1102, %get3A_1103] : memref<128x100x128xf32, #tpu.memory_space<vmem>>, vector<128x1x64xf32>
    %get3A_1105 = vector.shape_cast %get3A_1104 : vector<128x1x64xf32> to vector<128x64xf32>
    %transpose3A_1106 = tpu.transpose %get3A_1105, [1, 0] : vector<128x64xf32> -> vector<64x128xf32>
    %swap3A_1107 = arith.constant 92 : index
    %swap3A_1108 = arith.constant 0 : index
    %swap3A_1109 = arith.constant 0 : index
    %swap3A_1110 = vector.load %arg2[%swap3A_1107, %swap3A_1108, %swap3A_1109] : memref<200x64x128xf32, #tpu.memory_space<vmem>>, vector<1x64x128xf32>
    %swap3A_1111 = vector.shape_cast %swap3A_1110 : vector<1x64x128xf32> to vector<64x128xf32>
    %swap3A_1112 = vector.shape_cast %transpose3A_1106 : vector<64x128xf32> to vector<1x64x128xf32>
    tpu.vector_store %arg2[%swap3A_1107, %swap3A_1108, %swap3A_1109], %swap3A_1112 {strides = array<i32>} : memref<200x64x128xf32, #tpu.memory_space<vmem>>, vector<1x64x128xf32>,
    %get3A_1113 = arith.constant 0 : index
    %get3A_1114 = arith.constant 46 : index
    %get3A_1115 = arith.constant 64 : index
    %get3A_1116 = vector.load %arg1[%get3A_1113, %get3A_1114, %get3A_1115] : memref<128x100x128xf32, #tpu.memory_space<vmem>>, vector<128x1x64xf32>
    %get3A_1117 = vector.shape_cast %get3A_1116 : vector<128x1x64xf32> to vector<128x64xf32>
    %transpose3A_1118 = tpu.transpose %get3A_1117, [1, 0] : vector<128x64xf32> -> vector<64x128xf32>
    %swap3A_1119 = arith.constant 93 : index
    %swap3A_1120 = arith.constant 0 : index
    %swap3A_1121 = arith.constant 0 : index
    %swap3A_1122 = vector.load %arg2[%swap3A_1119, %swap3A_1120, %swap3A_1121] : memref<200x64x128xf32, #tpu.memory_space<vmem>>, vector<1x64x128xf32>
    %swap3A_1123 = vector.shape_cast %swap3A_1122 : vector<1x64x128xf32> to vector<64x128xf32>
    %swap3A_1124 = vector.shape_cast %transpose3A_1118 : vector<64x128xf32> to vector<1x64x128xf32>
    tpu.vector_store %arg2[%swap3A_1119, %swap3A_1120, %swap3A_1121], %swap3A_1124 {strides = array<i32>} : memref<200x64x128xf32, #tpu.memory_space<vmem>>, vector<1x64x128xf32>,
    %get3A_1125 = arith.constant 0 : index
    %get3A_1126 = arith.constant 47 : index
    %get3A_1127 = arith.constant 0 : index
    %get3A_1128 = vector.load %arg1[%get3A_1125, %get3A_1126, %get3A_1127] : memref<128x100x128xf32, #tpu.memory_space<vmem>>, vector<128x1x64xf32>
    %get3A_1129 = vector.shape_cast %get3A_1128 : vector<128x1x64xf32> to vector<128x64xf32>
    %transpose3A_1130 = tpu.transpose %get3A_1129, [1, 0] : vector<128x64xf32> -> vector<64x128xf32>
    %swap3A_1131 = arith.constant 94 : index
    %swap3A_1132 = arith.constant 0 : index
    %swap3A_1133 = arith.constant 0 : index
    %swap3A_1134 = vector.load %arg2[%swap3A_1131, %swap3A_1132, %swap3A_1133] : memref<200x64x128xf32, #tpu.memory_space<vmem>>, vector<1x64x128xf32>
    %swap3A_1135 = vector.shape_cast %swap3A_1134 : vector<1x64x128xf32> to vector<64x128xf32>
    %swap3A_1136 = vector.shape_cast %transpose3A_1130 : vector<64x128xf32> to vector<1x64x128xf32>
    tpu.vector_store %arg2[%swap3A_1131, %swap3A_1132, %swap3A_1133], %swap3A_1136 {strides = array<i32>} : memref<200x64x128xf32, #tpu.memory_space<vmem>>, vector<1x64x128xf32>,
    %get3A_1137 = arith.constant 0 : index
    %get3A_1138 = arith.constant 47 : index
    %get3A_1139 = arith.constant 64 : index
    %get3A_1140 = vector.load %arg1[%get3A_1137, %get3A_1138, %get3A_1139] : memref<128x100x128xf32, #tpu.memory_space<vmem>>, vector<128x1x64xf32>
    %get3A_1141 = vector.shape_cast %get3A_1140 : vector<128x1x64xf32> to vector<128x64xf32>
    %transpose3A_1142 = tpu.transpose %get3A_1141, [1, 0] : vector<128x64xf32> -> vector<64x128xf32>
    %swap3A_1143 = arith.constant 95 : index
    %swap3A_1144 = arith.constant 0 : index
    %swap3A_1145 = arith.constant 0 : index
    %swap3A_1146 = vector.load %arg2[%swap3A_1143, %swap3A_1144, %swap3A_1145] : memref<200x64x128xf32, #tpu.memory_space<vmem>>, vector<1x64x128xf32>
    %swap3A_1147 = vector.shape_cast %swap3A_1146 : vector<1x64x128xf32> to vector<64x128xf32>
    %swap3A_1148 = vector.shape_cast %transpose3A_1142 : vector<64x128xf32> to vector<1x64x128xf32>
    tpu.vector_store %arg2[%swap3A_1143, %swap3A_1144, %swap3A_1145], %swap3A_1148 {strides = array<i32>} : memref<200x64x128xf32, #tpu.memory_space<vmem>>, vector<1x64x128xf32>,
    %get3A_1149 = arith.constant 0 : index
    %get3A_1150 = arith.constant 48 : index
    %get3A_1151 = arith.constant 0 : index
    %get3A_1152 = vector.load %arg1[%get3A_1149, %get3A_1150, %get3A_1151] : memref<128x100x128xf32, #tpu.memory_space<vmem>>, vector<128x1x64xf32>
    %get3A_1153 = vector.shape_cast %get3A_1152 : vector<128x1x64xf32> to vector<128x64xf32>
    %transpose3A_1154 = tpu.transpose %get3A_1153, [1, 0] : vector<128x64xf32> -> vector<64x128xf32>
    %swap3A_1155 = arith.constant 96 : index
    %swap3A_1156 = arith.constant 0 : index
    %swap3A_1157 = arith.constant 0 : index
    %swap3A_1158 = vector.load %arg2[%swap3A_1155, %swap3A_1156, %swap3A_1157] : memref<200x64x128xf32, #tpu.memory_space<vmem>>, vector<1x64x128xf32>
    %swap3A_1159 = vector.shape_cast %swap3A_1158 : vector<1x64x128xf32> to vector<64x128xf32>
    %swap3A_1160 = vector.shape_cast %transpose3A_1154 : vector<64x128xf32> to vector<1x64x128xf32>
    tpu.vector_store %arg2[%swap3A_1155, %swap3A_1156, %swap3A_1157], %swap3A_1160 {strides = array<i32>} : memref<200x64x128xf32, #tpu.memory_space<vmem>>, vector<1x64x128xf32>,
    %get3A_1161 = arith.constant 0 : index
    %get3A_1162 = arith.constant 48 : index
    %get3A_1163 = arith.constant 64 : index
    %get3A_1164 = vector.load %arg1[%get3A_1161, %get3A_1162, %get3A_1163] : memref<128x100x128xf32, #tpu.memory_space<vmem>>, vector<128x1x64xf32>
    %get3A_1165 = vector.shape_cast %get3A_1164 : vector<128x1x64xf32> to vector<128x64xf32>
    %transpose3A_1166 = tpu.transpose %get3A_1165, [1, 0] : vector<128x64xf32> -> vector<64x128xf32>
    %swap3A_1167 = arith.constant 97 : index
    %swap3A_1168 = arith.constant 0 : index
    %swap3A_1169 = arith.constant 0 : index
    %swap3A_1170 = vector.load %arg2[%swap3A_1167, %swap3A_1168, %swap3A_1169] : memref<200x64x128xf32, #tpu.memory_space<vmem>>, vector<1x64x128xf32>
    %swap3A_1171 = vector.shape_cast %swap3A_1170 : vector<1x64x128xf32> to vector<64x128xf32>
    %swap3A_1172 = vector.shape_cast %transpose3A_1166 : vector<64x128xf32> to vector<1x64x128xf32>
    tpu.vector_store %arg2[%swap3A_1167, %swap3A_1168, %swap3A_1169], %swap3A_1172 {strides = array<i32>} : memref<200x64x128xf32, #tpu.memory_space<vmem>>, vector<1x64x128xf32>,
    %get3A_1173 = arith.constant 0 : index
    %get3A_1174 = arith.constant 49 : index
    %get3A_1175 = arith.constant 0 : index
    %get3A_1176 = vector.load %arg1[%get3A_1173, %get3A_1174, %get3A_1175] : memref<128x100x128xf32, #tpu.memory_space<vmem>>, vector<128x1x64xf32>
    %get3A_1177 = vector.shape_cast %get3A_1176 : vector<128x1x64xf32> to vector<128x64xf32>
    %transpose3A_1178 = tpu.transpose %get3A_1177, [1, 0] : vector<128x64xf32> -> vector<64x128xf32>
    %swap3A_1179 = arith.constant 98 : index
    %swap3A_1180 = arith.constant 0 : index
    %swap3A_1181 = arith.constant 0 : index
    %swap3A_1182 = vector.load %arg2[%swap3A_1179, %swap3A_1180, %swap3A_1181] : memref<200x64x128xf32, #tpu.memory_space<vmem>>, vector<1x64x128xf32>
    %swap3A_1183 = vector.shape_cast %swap3A_1182 : vector<1x64x128xf32> to vector<64x128xf32>
    %swap3A_1184 = vector.shape_cast %transpose3A_1178 : vector<64x128xf32> to vector<1x64x128xf32>
    tpu.vector_store %arg2[%swap3A_1179, %swap3A_1180, %swap3A_1181], %swap3A_1184 {strides = array<i32>} : memref<200x64x128xf32, #tpu.memory_space<vmem>>, vector<1x64x128xf32>,
    %get3A_1185 = arith.constant 0 : index
    %get3A_1186 = arith.constant 49 : index
    %get3A_1187 = arith.constant 64 : index
    %get3A_1188 = vector.load %arg1[%get3A_1185, %get3A_1186, %get3A_1187] : memref<128x100x128xf32, #tpu.memory_space<vmem>>, vector<128x1x64xf32>
    %get3A_1189 = vector.shape_cast %get3A_1188 : vector<128x1x64xf32> to vector<128x64xf32>
    %transpose3A_1190 = tpu.transpose %get3A_1189, [1, 0] : vector<128x64xf32> -> vector<64x128xf32>
    %swap3A_1191 = arith.constant 99 : index
    %swap3A_1192 = arith.constant 0 : index
    %swap3A_1193 = arith.constant 0 : index
    %swap3A_1194 = vector.load %arg2[%swap3A_1191, %swap3A_1192, %swap3A_1193] : memref<200x64x128xf32, #tpu.memory_space<vmem>>, vector<1x64x128xf32>
    %swap3A_1195 = vector.shape_cast %swap3A_1194 : vector<1x64x128xf32> to vector<64x128xf32>
    %swap3A_1196 = vector.shape_cast %transpose3A_1190 : vector<64x128xf32> to vector<1x64x128xf32>
    tpu.vector_store %arg2[%swap3A_1191, %swap3A_1192, %swap3A_1193], %swap3A_1196 {strides = array<i32>} : memref<200x64x128xf32, #tpu.memory_space<vmem>>, vector<1x64x128xf32>,
    %get3A_1197 = arith.constant 0 : index
    %get3A_1198 = arith.constant 50 : index
    %get3A_1199 = arith.constant 0 : index
    %get3A_1200 = vector.load %arg1[%get3A_1197, %get3A_1198, %get3A_1199] : memref<128x100x128xf32, #tpu.memory_space<vmem>>, vector<128x1x64xf32>
    %get3A_1201 = vector.shape_cast %get3A_1200 : vector<128x1x64xf32> to vector<128x64xf32>
    %transpose3A_1202 = tpu.transpose %get3A_1201, [1, 0] : vector<128x64xf32> -> vector<64x128xf32>
    %swap3A_1203 = arith.constant 100 : index
    %swap3A_1204 = arith.constant 0 : index
    %swap3A_1205 = arith.constant 0 : index
    %swap3A_1206 = vector.load %arg2[%swap3A_1203, %swap3A_1204, %swap3A_1205] : memref<200x64x128xf32, #tpu.memory_space<vmem>>, vector<1x64x128xf32>
    %swap3A_1207 = vector.shape_cast %swap3A_1206 : vector<1x64x128xf32> to vector<64x128xf32>
    %swap3A_1208 = vector.shape_cast %transpose3A_1202 : vector<64x128xf32> to vector<1x64x128xf32>
    tpu.vector_store %arg2[%swap3A_1203, %swap3A_1204, %swap3A_1205], %swap3A_1208 {strides = array<i32>} : memref<200x64x128xf32, #tpu.memory_space<vmem>>, vector<1x64x128xf32>,
    %get3A_1209 = arith.constant 0 : index
    %get3A_1210 = arith.constant 50 : index
    %get3A_1211 = arith.constant 64 : index
    %get3A_1212 = vector.load %arg1[%get3A_1209, %get3A_1210, %get3A_1211] : memref<128x100x128xf32, #tpu.memory_space<vmem>>, vector<128x1x64xf32>
    %get3A_1213 = vector.shape_cast %get3A_1212 : vector<128x1x64xf32> to vector<128x64xf32>
    %transpose3A_1214 = tpu.transpose %get3A_1213, [1, 0] : vector<128x64xf32> -> vector<64x128xf32>
    %swap3A_1215 = arith.constant 101 : index
    %swap3A_1216 = arith.constant 0 : index
    %swap3A_1217 = arith.constant 0 : index
    %swap3A_1218 = vector.load %arg2[%swap3A_1215, %swap3A_1216, %swap3A_1217] : memref<200x64x128xf32, #tpu.memory_space<vmem>>, vector<1x64x128xf32>
    %swap3A_1219 = vector.shape_cast %swap3A_1218 : vector<1x64x128xf32> to vector<64x128xf32>
    %swap3A_1220 = vector.shape_cast %transpose3A_1214 : vector<64x128xf32> to vector<1x64x128xf32>
    tpu.vector_store %arg2[%swap3A_1215, %swap3A_1216, %swap3A_1217], %swap3A_1220 {strides = array<i32>} : memref<200x64x128xf32, #tpu.memory_space<vmem>>, vector<1x64x128xf32>,
    %get3A_1221 = arith.constant 0 : index
    %get3A_1222 = arith.constant 51 : index
    %get3A_1223 = arith.constant 0 : index
    %get3A_1224 = vector.load %arg1[%get3A_1221, %get3A_1222, %get3A_1223] : memref<128x100x128xf32, #tpu.memory_space<vmem>>, vector<128x1x64xf32>
    %get3A_1225 = vector.shape_cast %get3A_1224 : vector<128x1x64xf32> to vector<128x64xf32>
    %transpose3A_1226 = tpu.transpose %get3A_1225, [1, 0] : vector<128x64xf32> -> vector<64x128xf32>
    %swap3A_1227 = arith.constant 102 : index
    %swap3A_1228 = arith.constant 0 : index
    %swap3A_1229 = arith.constant 0 : index
    %swap3A_1230 = vector.load %arg2[%swap3A_1227, %swap3A_1228, %swap3A_1229] : memref<200x64x128xf32, #tpu.memory_space<vmem>>, vector<1x64x128xf32>
    %swap3A_1231 = vector.shape_cast %swap3A_1230 : vector<1x64x128xf32> to vector<64x128xf32>
    %swap3A_1232 = vector.shape_cast %transpose3A_1226 : vector<64x128xf32> to vector<1x64x128xf32>
    tpu.vector_store %arg2[%swap3A_1227, %swap3A_1228, %swap3A_1229], %swap3A_1232 {strides = array<i32>} : memref<200x64x128xf32, #tpu.memory_space<vmem>>, vector<1x64x128xf32>,
    %get3A_1233 = arith.constant 0 : index
    %get3A_1234 = arith.constant 51 : index
    %get3A_1235 = arith.constant 64 : index
    %get3A_1236 = vector.load %arg1[%get3A_1233, %get3A_1234, %get3A_1235] : memref<128x100x128xf32, #tpu.memory_space<vmem>>, vector<128x1x64xf32>
    %get3A_1237 = vector.shape_cast %get3A_1236 : vector<128x1x64xf32> to vector<128x64xf32>
    %transpose3A_1238 = tpu.transpose %get3A_1237, [1, 0] : vector<128x64xf32> -> vector<64x128xf32>
    %swap3A_1239 = arith.constant 103 : index
    %swap3A_1240 = arith.constant 0 : index
    %swap3A_1241 = arith.constant 0 : index
    %swap3A_1242 = vector.load %arg2[%swap3A_1239, %swap3A_1240, %swap3A_1241] : memref<200x64x128xf32, #tpu.memory_space<vmem>>, vector<1x64x128xf32>
    %swap3A_1243 = vector.shape_cast %swap3A_1242 : vector<1x64x128xf32> to vector<64x128xf32>
    %swap3A_1244 = vector.shape_cast %transpose3A_1238 : vector<64x128xf32> to vector<1x64x128xf32>
    tpu.vector_store %arg2[%swap3A_1239, %swap3A_1240, %swap3A_1241], %swap3A_1244 {strides = array<i32>} : memref<200x64x128xf32, #tpu.memory_space<vmem>>, vector<1x64x128xf32>,
    %get3A_1245 = arith.constant 0 : index
    %get3A_1246 = arith.constant 52 : index
    %get3A_1247 = arith.constant 0 : index
    %get3A_1248 = vector.load %arg1[%get3A_1245, %get3A_1246, %get3A_1247] : memref<128x100x128xf32, #tpu.memory_space<vmem>>, vector<128x1x64xf32>
    %get3A_1249 = vector.shape_cast %get3A_1248 : vector<128x1x64xf32> to vector<128x64xf32>
    %transpose3A_1250 = tpu.transpose %get3A_1249, [1, 0] : vector<128x64xf32> -> vector<64x128xf32>
    %swap3A_1251 = arith.constant 104 : index
    %swap3A_1252 = arith.constant 0 : index
    %swap3A_1253 = arith.constant 0 : index
    %swap3A_1254 = vector.load %arg2[%swap3A_1251, %swap3A_1252, %swap3A_1253] : memref<200x64x128xf32, #tpu.memory_space<vmem>>, vector<1x64x128xf32>
    %swap3A_1255 = vector.shape_cast %swap3A_1254 : vector<1x64x128xf32> to vector<64x128xf32>
    %swap3A_1256 = vector.shape_cast %transpose3A_1250 : vector<64x128xf32> to vector<1x64x128xf32>
    tpu.vector_store %arg2[%swap3A_1251, %swap3A_1252, %swap3A_1253], %swap3A_1256 {strides = array<i32>} : memref<200x64x128xf32, #tpu.memory_space<vmem>>, vector<1x64x128xf32>,
    %get3A_1257 = arith.constant 0 : index
    %get3A_1258 = arith.constant 52 : index
    %get3A_1259 = arith.constant 64 : index
    %get3A_1260 = vector.load %arg1[%get3A_1257, %get3A_1258, %get3A_1259] : memref<128x100x128xf32, #tpu.memory_space<vmem>>, vector<128x1x64xf32>
    %get3A_1261 = vector.shape_cast %get3A_1260 : vector<128x1x64xf32> to vector<128x64xf32>
    %transpose3A_1262 = tpu.transpose %get3A_1261, [1, 0] : vector<128x64xf32> -> vector<64x128xf32>
    %swap3A_1263 = arith.constant 105 : index
    %swap3A_1264 = arith.constant 0 : index
    %swap3A_1265 = arith.constant 0 : index
    %swap3A_1266 = vector.load %arg2[%swap3A_1263, %swap3A_1264, %swap3A_1265] : memref<200x64x128xf32, #tpu.memory_space<vmem>>, vector<1x64x128xf32>
    %swap3A_1267 = vector.shape_cast %swap3A_1266 : vector<1x64x128xf32> to vector<64x128xf32>
    %swap3A_1268 = vector.shape_cast %transpose3A_1262 : vector<64x128xf32> to vector<1x64x128xf32>
    tpu.vector_store %arg2[%swap3A_1263, %swap3A_1264, %swap3A_1265], %swap3A_1268 {strides = array<i32>} : memref<200x64x128xf32, #tpu.memory_space<vmem>>, vector<1x64x128xf32>,
    %get3A_1269 = arith.constant 0 : index
    %get3A_1270 = arith.constant 53 : index
    %get3A_1271 = arith.constant 0 : index
    %get3A_1272 = vector.load %arg1[%get3A_1269, %get3A_1270, %get3A_1271] : memref<128x100x128xf32, #tpu.memory_space<vmem>>, vector<128x1x64xf32>
    %get3A_1273 = vector.shape_cast %get3A_1272 : vector<128x1x64xf32> to vector<128x64xf32>
    %transpose3A_1274 = tpu.transpose %get3A_1273, [1, 0] : vector<128x64xf32> -> vector<64x128xf32>
    %swap3A_1275 = arith.constant 106 : index
    %swap3A_1276 = arith.constant 0 : index
    %swap3A_1277 = arith.constant 0 : index
    %swap3A_1278 = vector.load %arg2[%swap3A_1275, %swap3A_1276, %swap3A_1277] : memref<200x64x128xf32, #tpu.memory_space<vmem>>, vector<1x64x128xf32>
    %swap3A_1279 = vector.shape_cast %swap3A_1278 : vector<1x64x128xf32> to vector<64x128xf32>
    %swap3A_1280 = vector.shape_cast %transpose3A_1274 : vector<64x128xf32> to vector<1x64x128xf32>
    tpu.vector_store %arg2[%swap3A_1275, %swap3A_1276, %swap3A_1277], %swap3A_1280 {strides = array<i32>} : memref<200x64x128xf32, #tpu.memory_space<vmem>>, vector<1x64x128xf32>,
    %get3A_1281 = arith.constant 0 : index
    %get3A_1282 = arith.constant 53 : index
    %get3A_1283 = arith.constant 64 : index
    %get3A_1284 = vector.load %arg1[%get3A_1281, %get3A_1282, %get3A_1283] : memref<128x100x128xf32, #tpu.memory_space<vmem>>, vector<128x1x64xf32>
    %get3A_1285 = vector.shape_cast %get3A_1284 : vector<128x1x64xf32> to vector<128x64xf32>
    %transpose3A_1286 = tpu.transpose %get3A_1285, [1, 0] : vector<128x64xf32> -> vector<64x128xf32>
    %swap3A_1287 = arith.constant 107 : index
    %swap3A_1288 = arith.constant 0 : index
    %swap3A_1289 = arith.constant 0 : index
    %swap3A_1290 = vector.load %arg2[%swap3A_1287, %swap3A_1288, %swap3A_1289] : memref<200x64x128xf32, #tpu.memory_space<vmem>>, vector<1x64x128xf32>
    %swap3A_1291 = vector.shape_cast %swap3A_1290 : vector<1x64x128xf32> to vector<64x128xf32>
    %swap3A_1292 = vector.shape_cast %transpose3A_1286 : vector<64x128xf32> to vector<1x64x128xf32>
    tpu.vector_store %arg2[%swap3A_1287, %swap3A_1288, %swap3A_1289], %swap3A_1292 {strides = array<i32>} : memref<200x64x128xf32, #tpu.memory_space<vmem>>, vector<1x64x128xf32>,
    %get3A_1293 = arith.constant 0 : index
    %get3A_1294 = arith.constant 54 : index
    %get3A_1295 = arith.constant 0 : index
    %get3A_1296 = vector.load %arg1[%get3A_1293, %get3A_1294, %get3A_1295] : memref<128x100x128xf32, #tpu.memory_space<vmem>>, vector<128x1x64xf32>
    %get3A_1297 = vector.shape_cast %get3A_1296 : vector<128x1x64xf32> to vector<128x64xf32>
    %transpose3A_1298 = tpu.transpose %get3A_1297, [1, 0] : vector<128x64xf32> -> vector<64x128xf32>
    %swap3A_1299 = arith.constant 108 : index
    %swap3A_1300 = arith.constant 0 : index
    %swap3A_1301 = arith.constant 0 : index
    %swap3A_1302 = vector.load %arg2[%swap3A_1299, %swap3A_1300, %swap3A_1301] : memref<200x64x128xf32, #tpu.memory_space<vmem>>, vector<1x64x128xf32>
    %swap3A_1303 = vector.shape_cast %swap3A_1302 : vector<1x64x128xf32> to vector<64x128xf32>
    %swap3A_1304 = vector.shape_cast %transpose3A_1298 : vector<64x128xf32> to vector<1x64x128xf32>
    tpu.vector_store %arg2[%swap3A_1299, %swap3A_1300, %swap3A_1301], %swap3A_1304 {strides = array<i32>} : memref<200x64x128xf32, #tpu.memory_space<vmem>>, vector<1x64x128xf32>,
    %get3A_1305 = arith.constant 0 : index
    %get3A_1306 = arith.constant 54 : index
    %get3A_1307 = arith.constant 64 : index
    %get3A_1308 = vector.load %arg1[%get3A_1305, %get3A_1306, %get3A_1307] : memref<128x100x128xf32, #tpu.memory_space<vmem>>, vector<128x1x64xf32>
    %get3A_1309 = vector.shape_cast %get3A_1308 : vector<128x1x64xf32> to vector<128x64xf32>
    %transpose3A_1310 = tpu.transpose %get3A_1309, [1, 0] : vector<128x64xf32> -> vector<64x128xf32>
    %swap3A_1311 = arith.constant 109 : index
    %swap3A_1312 = arith.constant 0 : index
    %swap3A_1313 = arith.constant 0 : index
    %swap3A_1314 = vector.load %arg2[%swap3A_1311, %swap3A_1312, %swap3A_1313] : memref<200x64x128xf32, #tpu.memory_space<vmem>>, vector<1x64x128xf32>
    %swap3A_1315 = vector.shape_cast %swap3A_1314 : vector<1x64x128xf32> to vector<64x128xf32>
    %swap3A_1316 = vector.shape_cast %transpose3A_1310 : vector<64x128xf32> to vector<1x64x128xf32>
    tpu.vector_store %arg2[%swap3A_1311, %swap3A_1312, %swap3A_1313], %swap3A_1316 {strides = array<i32>} : memref<200x64x128xf32, #tpu.memory_space<vmem>>, vector<1x64x128xf32>,
    %get3A_1317 = arith.constant 0 : index
    %get3A_1318 = arith.constant 55 : index
    %get3A_1319 = arith.constant 0 : index
    %get3A_1320 = vector.load %arg1[%get3A_1317, %get3A_1318, %get3A_1319] : memref<128x100x128xf32, #tpu.memory_space<vmem>>, vector<128x1x64xf32>
    %get3A_1321 = vector.shape_cast %get3A_1320 : vector<128x1x64xf32> to vector<128x64xf32>
    %transpose3A_1322 = tpu.transpose %get3A_1321, [1, 0] : vector<128x64xf32> -> vector<64x128xf32>
    %swap3A_1323 = arith.constant 110 : index
    %swap3A_1324 = arith.constant 0 : index
    %swap3A_1325 = arith.constant 0 : index
    %swap3A_1326 = vector.load %arg2[%swap3A_1323, %swap3A_1324, %swap3A_1325] : memref<200x64x128xf32, #tpu.memory_space<vmem>>, vector<1x64x128xf32>
    %swap3A_1327 = vector.shape_cast %swap3A_1326 : vector<1x64x128xf32> to vector<64x128xf32>
    %swap3A_1328 = vector.shape_cast %transpose3A_1322 : vector<64x128xf32> to vector<1x64x128xf32>
    tpu.vector_store %arg2[%swap3A_1323, %swap3A_1324, %swap3A_1325], %swap3A_1328 {strides = array<i32>} : memref<200x64x128xf32, #tpu.memory_space<vmem>>, vector<1x64x128xf32>,
    %get3A_1329 = arith.constant 0 : index
    %get3A_1330 = arith.constant 55 : index
    %get3A_1331 = arith.constant 64 : index
    %get3A_1332 = vector.load %arg1[%get3A_1329, %get3A_1330, %get3A_1331] : memref<128x100x128xf32, #tpu.memory_space<vmem>>, vector<128x1x64xf32>
    %get3A_1333 = vector.shape_cast %get3A_1332 : vector<128x1x64xf32> to vector<128x64xf32>
    %transpose3A_1334 = tpu.transpose %get3A_1333, [1, 0] : vector<128x64xf32> -> vector<64x128xf32>
    %swap3A_1335 = arith.constant 111 : index
    %swap3A_1336 = arith.constant 0 : index
    %swap3A_1337 = arith.constant 0 : index
    %swap3A_1338 = vector.load %arg2[%swap3A_1335, %swap3A_1336, %swap3A_1337] : memref<200x64x128xf32, #tpu.memory_space<vmem>>, vector<1x64x128xf32>
    %swap3A_1339 = vector.shape_cast %swap3A_1338 : vector<1x64x128xf32> to vector<64x128xf32>
    %swap3A_1340 = vector.shape_cast %transpose3A_1334 : vector<64x128xf32> to vector<1x64x128xf32>
    tpu.vector_store %arg2[%swap3A_1335, %swap3A_1336, %swap3A_1337], %swap3A_1340 {strides = array<i32>} : memref<200x64x128xf32, #tpu.memory_space<vmem>>, vector<1x64x128xf32>,
    %get3A_1341 = arith.constant 0 : index
    %get3A_1342 = arith.constant 56 : index
    %get3A_1343 = arith.constant 0 : index
    %get3A_1344 = vector.load %arg1[%get3A_1341, %get3A_1342, %get3A_1343] : memref<128x100x128xf32, #tpu.memory_space<vmem>>, vector<128x1x64xf32>
    %get3A_1345 = vector.shape_cast %get3A_1344 : vector<128x1x64xf32> to vector<128x64xf32>
    %transpose3A_1346 = tpu.transpose %get3A_1345, [1, 0] : vector<128x64xf32> -> vector<64x128xf32>
    %swap3A_1347 = arith.constant 112 : index
    %swap3A_1348 = arith.constant 0 : index
    %swap3A_1349 = arith.constant 0 : index
    %swap3A_1350 = vector.load %arg2[%swap3A_1347, %swap3A_1348, %swap3A_1349] : memref<200x64x128xf32, #tpu.memory_space<vmem>>, vector<1x64x128xf32>
    %swap3A_1351 = vector.shape_cast %swap3A_1350 : vector<1x64x128xf32> to vector<64x128xf32>
    %swap3A_1352 = vector.shape_cast %transpose3A_1346 : vector<64x128xf32> to vector<1x64x128xf32>
    tpu.vector_store %arg2[%swap3A_1347, %swap3A_1348, %swap3A_1349], %swap3A_1352 {strides = array<i32>} : memref<200x64x128xf32, #tpu.memory_space<vmem>>, vector<1x64x128xf32>,
    %get3A_1353 = arith.constant 0 : index
    %get3A_1354 = arith.constant 56 : index
    %get3A_1355 = arith.constant 64 : index
    %get3A_1356 = vector.load %arg1[%get3A_1353, %get3A_1354, %get3A_1355] : memref<128x100x128xf32, #tpu.memory_space<vmem>>, vector<128x1x64xf32>
    %get3A_1357 = vector.shape_cast %get3A_1356 : vector<128x1x64xf32> to vector<128x64xf32>
    %transpose3A_1358 = tpu.transpose %get3A_1357, [1, 0] : vector<128x64xf32> -> vector<64x128xf32>
    %swap3A_1359 = arith.constant 113 : index
    %swap3A_1360 = arith.constant 0 : index
    %swap3A_1361 = arith.constant 0 : index
    %swap3A_1362 = vector.load %arg2[%swap3A_1359, %swap3A_1360, %swap3A_1361] : memref<200x64x128xf32, #tpu.memory_space<vmem>>, vector<1x64x128xf32>
    %swap3A_1363 = vector.shape_cast %swap3A_1362 : vector<1x64x128xf32> to vector<64x128xf32>
    %swap3A_1364 = vector.shape_cast %transpose3A_1358 : vector<64x128xf32> to vector<1x64x128xf32>
    tpu.vector_store %arg2[%swap3A_1359, %swap3A_1360, %swap3A_1361], %swap3A_1364 {strides = array<i32>} : memref<200x64x128xf32, #tpu.memory_space<vmem>>, vector<1x64x128xf32>,
    %get3A_1365 = arith.constant 0 : index
    %get3A_1366 = arith.constant 57 : index
    %get3A_1367 = arith.constant 0 : index
    %get3A_1368 = vector.load %arg1[%get3A_1365, %get3A_1366, %get3A_1367] : memref<128x100x128xf32, #tpu.memory_space<vmem>>, vector<128x1x64xf32>
    %get3A_1369 = vector.shape_cast %get3A_1368 : vector<128x1x64xf32> to vector<128x64xf32>
    %transpose3A_1370 = tpu.transpose %get3A_1369, [1, 0] : vector<128x64xf32> -> vector<64x128xf32>
    %swap3A_1371 = arith.constant 114 : index
    %swap3A_1372 = arith.constant 0 : index
    %swap3A_1373 = arith.constant 0 : index
    %swap3A_1374 = vector.load %arg2[%swap3A_1371, %swap3A_1372, %swap3A_1373] : memref<200x64x128xf32, #tpu.memory_space<vmem>>, vector<1x64x128xf32>
    %swap3A_1375 = vector.shape_cast %swap3A_1374 : vector<1x64x128xf32> to vector<64x128xf32>
    %swap3A_1376 = vector.shape_cast %transpose3A_1370 : vector<64x128xf32> to vector<1x64x128xf32>
    tpu.vector_store %arg2[%swap3A_1371, %swap3A_1372, %swap3A_1373], %swap3A_1376 {strides = array<i32>} : memref<200x64x128xf32, #tpu.memory_space<vmem>>, vector<1x64x128xf32>,
    %get3A_1377 = arith.constant 0 : index
    %get3A_1378 = arith.constant 57 : index
    %get3A_1379 = arith.constant 64 : index
    %get3A_1380 = vector.load %arg1[%get3A_1377, %get3A_1378, %get3A_1379] : memref<128x100x128xf32, #tpu.memory_space<vmem>>, vector<128x1x64xf32>
    %get3A_1381 = vector.shape_cast %get3A_1380 : vector<128x1x64xf32> to vector<128x64xf32>
    %transpose3A_1382 = tpu.transpose %get3A_1381, [1, 0] : vector<128x64xf32> -> vector<64x128xf32>
    %swap3A_1383 = arith.constant 115 : index
    %swap3A_1384 = arith.constant 0 : index
    %swap3A_1385 = arith.constant 0 : index
    %swap3A_1386 = vector.load %arg2[%swap3A_1383, %swap3A_1384, %swap3A_1385] : memref<200x64x128xf32, #tpu.memory_space<vmem>>, vector<1x64x128xf32>
    %swap3A_1387 = vector.shape_cast %swap3A_1386 : vector<1x64x128xf32> to vector<64x128xf32>
    %swap3A_1388 = vector.shape_cast %transpose3A_1382 : vector<64x128xf32> to vector<1x64x128xf32>
    tpu.vector_store %arg2[%swap3A_1383, %swap3A_1384, %swap3A_1385], %swap3A_1388 {strides = array<i32>} : memref<200x64x128xf32, #tpu.memory_space<vmem>>, vector<1x64x128xf32>,
    %get3A_1389 = arith.constant 0 : index
    %get3A_1390 = arith.constant 58 : index
    %get3A_1391 = arith.constant 0 : index
    %get3A_1392 = vector.load %arg1[%get3A_1389, %get3A_1390, %get3A_1391] : memref<128x100x128xf32, #tpu.memory_space<vmem>>, vector<128x1x64xf32>
    %get3A_1393 = vector.shape_cast %get3A_1392 : vector<128x1x64xf32> to vector<128x64xf32>
    %transpose3A_1394 = tpu.transpose %get3A_1393, [1, 0] : vector<128x64xf32> -> vector<64x128xf32>
    %swap3A_1395 = arith.constant 116 : index
    %swap3A_1396 = arith.constant 0 : index
    %swap3A_1397 = arith.constant 0 : index
    %swap3A_1398 = vector.load %arg2[%swap3A_1395, %swap3A_1396, %swap3A_1397] : memref<200x64x128xf32, #tpu.memory_space<vmem>>, vector<1x64x128xf32>
    %swap3A_1399 = vector.shape_cast %swap3A_1398 : vector<1x64x128xf32> to vector<64x128xf32>
    %swap3A_1400 = vector.shape_cast %transpose3A_1394 : vector<64x128xf32> to vector<1x64x128xf32>
    tpu.vector_store %arg2[%swap3A_1395, %swap3A_1396, %swap3A_1397], %swap3A_1400 {strides = array<i32>} : memref<200x64x128xf32, #tpu.memory_space<vmem>>, vector<1x64x128xf32>,
    %get3A_1401 = arith.constant 0 : index
    %get3A_1402 = arith.constant 58 : index
    %get3A_1403 = arith.constant 64 : index
    %get3A_1404 = vector.load %arg1[%get3A_1401, %get3A_1402, %get3A_1403] : memref<128x100x128xf32, #tpu.memory_space<vmem>>, vector<128x1x64xf32>
    %get3A_1405 = vector.shape_cast %get3A_1404 : vector<128x1x64xf32> to vector<128x64xf32>
    %transpose3A_1406 = tpu.transpose %get3A_1405, [1, 0] : vector<128x64xf32> -> vector<64x128xf32>
    %swap3A_1407 = arith.constant 117 : index
    %swap3A_1408 = arith.constant 0 : index
    %swap3A_1409 = arith.constant 0 : index
    %swap3A_1410 = vector.load %arg2[%swap3A_1407, %swap3A_1408, %swap3A_1409] : memref<200x64x128xf32, #tpu.memory_space<vmem>>, vector<1x64x128xf32>
    %swap3A_1411 = vector.shape_cast %swap3A_1410 : vector<1x64x128xf32> to vector<64x128xf32>
    %swap3A_1412 = vector.shape_cast %transpose3A_1406 : vector<64x128xf32> to vector<1x64x128xf32>
    tpu.vector_store %arg2[%swap3A_1407, %swap3A_1408, %swap3A_1409], %swap3A_1412 {strides = array<i32>} : memref<200x64x128xf32, #tpu.memory_space<vmem>>, vector<1x64x128xf32>,
    %get3A_1413 = arith.constant 0 : index
    %get3A_1414 = arith.constant 59 : index
    %get3A_1415 = arith.constant 0 : index
    %get3A_1416 = vector.load %arg1[%get3A_1413, %get3A_1414, %get3A_1415] : memref<128x100x128xf32, #tpu.memory_space<vmem>>, vector<128x1x64xf32>
    %get3A_1417 = vector.shape_cast %get3A_1416 : vector<128x1x64xf32> to vector<128x64xf32>
    %transpose3A_1418 = tpu.transpose %get3A_1417, [1, 0] : vector<128x64xf32> -> vector<64x128xf32>
    %swap3A_1419 = arith.constant 118 : index
    %swap3A_1420 = arith.constant 0 : index
    %swap3A_1421 = arith.constant 0 : index
    %swap3A_1422 = vector.load %arg2[%swap3A_1419, %swap3A_1420, %swap3A_1421] : memref<200x64x128xf32, #tpu.memory_space<vmem>>, vector<1x64x128xf32>
    %swap3A_1423 = vector.shape_cast %swap3A_1422 : vector<1x64x128xf32> to vector<64x128xf32>
    %swap3A_1424 = vector.shape_cast %transpose3A_1418 : vector<64x128xf32> to vector<1x64x128xf32>
    tpu.vector_store %arg2[%swap3A_1419, %swap3A_1420, %swap3A_1421], %swap3A_1424 {strides = array<i32>} : memref<200x64x128xf32, #tpu.memory_space<vmem>>, vector<1x64x128xf32>,
    %get3A_1425 = arith.constant 0 : index
    %get3A_1426 = arith.constant 59 : index
    %get3A_1427 = arith.constant 64 : index
    %get3A_1428 = vector.load %arg1[%get3A_1425, %get3A_1426, %get3A_1427] : memref<128x100x128xf32, #tpu.memory_space<vmem>>, vector<128x1x64xf32>
    %get3A_1429 = vector.shape_cast %get3A_1428 : vector<128x1x64xf32> to vector<128x64xf32>
    %transpose3A_1430 = tpu.transpose %get3A_1429, [1, 0] : vector<128x64xf32> -> vector<64x128xf32>
    %swap3A_1431 = arith.constant 119 : index
    %swap3A_1432 = arith.constant 0 : index
    %swap3A_1433 = arith.constant 0 : index
    %swap3A_1434 = vector.load %arg2[%swap3A_1431, %swap3A_1432, %swap3A_1433] : memref<200x64x128xf32, #tpu.memory_space<vmem>>, vector<1x64x128xf32>
    %swap3A_1435 = vector.shape_cast %swap3A_1434 : vector<1x64x128xf32> to vector<64x128xf32>
    %swap3A_1436 = vector.shape_cast %transpose3A_1430 : vector<64x128xf32> to vector<1x64x128xf32>
    tpu.vector_store %arg2[%swap3A_1431, %swap3A_1432, %swap3A_1433], %swap3A_1436 {strides = array<i32>} : memref<200x64x128xf32, #tpu.memory_space<vmem>>, vector<1x64x128xf32>,
    %get3A_1437 = arith.constant 0 : index
    %get3A_1438 = arith.constant 60 : index
    %get3A_1439 = arith.constant 0 : index
    %get3A_1440 = vector.load %arg1[%get3A_1437, %get3A_1438, %get3A_1439] : memref<128x100x128xf32, #tpu.memory_space<vmem>>, vector<128x1x64xf32>
    %get3A_1441 = vector.shape_cast %get3A_1440 : vector<128x1x64xf32> to vector<128x64xf32>
    %transpose3A_1442 = tpu.transpose %get3A_1441, [1, 0] : vector<128x64xf32> -> vector<64x128xf32>
    %swap3A_1443 = arith.constant 120 : index
    %swap3A_1444 = arith.constant 0 : index
    %swap3A_1445 = arith.constant 0 : index
    %swap3A_1446 = vector.load %arg2[%swap3A_1443, %swap3A_1444, %swap3A_1445] : memref<200x64x128xf32, #tpu.memory_space<vmem>>, vector<1x64x128xf32>
    %swap3A_1447 = vector.shape_cast %swap3A_1446 : vector<1x64x128xf32> to vector<64x128xf32>
    %swap3A_1448 = vector.shape_cast %transpose3A_1442 : vector<64x128xf32> to vector<1x64x128xf32>
    tpu.vector_store %arg2[%swap3A_1443, %swap3A_1444, %swap3A_1445], %swap3A_1448 {strides = array<i32>} : memref<200x64x128xf32, #tpu.memory_space<vmem>>, vector<1x64x128xf32>,
    %get3A_1449 = arith.constant 0 : index
    %get3A_1450 = arith.constant 60 : index
    %get3A_1451 = arith.constant 64 : index
    %get3A_1452 = vector.load %arg1[%get3A_1449, %get3A_1450, %get3A_1451] : memref<128x100x128xf32, #tpu.memory_space<vmem>>, vector<128x1x64xf32>
    %get3A_1453 = vector.shape_cast %get3A_1452 : vector<128x1x64xf32> to vector<128x64xf32>
    %transpose3A_1454 = tpu.transpose %get3A_1453, [1, 0] : vector<128x64xf32> -> vector<64x128xf32>
    %swap3A_1455 = arith.constant 121 : index
    %swap3A_1456 = arith.constant 0 : index
    %swap3A_1457 = arith.constant 0 : index
    %swap3A_1458 = vector.load %arg2[%swap3A_1455, %swap3A_1456, %swap3A_1457] : memref<200x64x128xf32, #tpu.memory_space<vmem>>, vector<1x64x128xf32>
    %swap3A_1459 = vector.shape_cast %swap3A_1458 : vector<1x64x128xf32> to vector<64x128xf32>
    %swap3A_1460 = vector.shape_cast %transpose3A_1454 : vector<64x128xf32> to vector<1x64x128xf32>
    tpu.vector_store %arg2[%swap3A_1455, %swap3A_1456, %swap3A_1457], %swap3A_1460 {strides = array<i32>} : memref<200x64x128xf32, #tpu.memory_space<vmem>>, vector<1x64x128xf32>,
    %get3A_1461 = arith.constant 0 : index
    %get3A_1462 = arith.constant 61 : index
    %get3A_1463 = arith.constant 0 : index
    %get3A_1464 = vector.load %arg1[%get3A_1461, %get3A_1462, %get3A_1463] : memref<128x100x128xf32, #tpu.memory_space<vmem>>, vector<128x1x64xf32>
    %get3A_1465 = vector.shape_cast %get3A_1464 : vector<128x1x64xf32> to vector<128x64xf32>
    %transpose3A_1466 = tpu.transpose %get3A_1465, [1, 0] : vector<128x64xf32> -> vector<64x128xf32>
    %swap3A_1467 = arith.constant 122 : index
    %swap3A_1468 = arith.constant 0 : index
    %swap3A_1469 = arith.constant 0 : index
    %swap3A_1470 = vector.load %arg2[%swap3A_1467, %swap3A_1468, %swap3A_1469] : memref<200x64x128xf32, #tpu.memory_space<vmem>>, vector<1x64x128xf32>
    %swap3A_1471 = vector.shape_cast %swap3A_1470 : vector<1x64x128xf32> to vector<64x128xf32>
    %swap3A_1472 = vector.shape_cast %transpose3A_1466 : vector<64x128xf32> to vector<1x64x128xf32>
    tpu.vector_store %arg2[%swap3A_1467, %swap3A_1468, %swap3A_1469], %swap3A_1472 {strides = array<i32>} : memref<200x64x128xf32, #tpu.memory_space<vmem>>, vector<1x64x128xf32>,
    %get3A_1473 = arith.constant 0 : index
    %get3A_1474 = arith.constant 61 : index
    %get3A_1475 = arith.constant 64 : index
    %get3A_1476 = vector.load %arg1[%get3A_1473, %get3A_1474, %get3A_1475] : memref<128x100x128xf32, #tpu.memory_space<vmem>>, vector<128x1x64xf32>
    %get3A_1477 = vector.shape_cast %get3A_1476 : vector<128x1x64xf32> to vector<128x64xf32>
    %transpose3A_1478 = tpu.transpose %get3A_1477, [1, 0] : vector<128x64xf32> -> vector<64x128xf32>
    %swap3A_1479 = arith.constant 123 : index
    %swap3A_1480 = arith.constant 0 : index
    %swap3A_1481 = arith.constant 0 : index
    %swap3A_1482 = vector.load %arg2[%swap3A_1479, %swap3A_1480, %swap3A_1481] : memref<200x64x128xf32, #tpu.memory_space<vmem>>, vector<1x64x128xf32>
    %swap3A_1483 = vector.shape_cast %swap3A_1482 : vector<1x64x128xf32> to vector<64x128xf32>
    %swap3A_1484 = vector.shape_cast %transpose3A_1478 : vector<64x128xf32> to vector<1x64x128xf32>
    tpu.vector_store %arg2[%swap3A_1479, %swap3A_1480, %swap3A_1481], %swap3A_1484 {strides = array<i32>} : memref<200x64x128xf32, #tpu.memory_space<vmem>>, vector<1x64x128xf32>,
    %get3A_1485 = arith.constant 0 : index
    %get3A_1486 = arith.constant 62 : index
    %get3A_1487 = arith.constant 0 : index
    %get3A_1488 = vector.load %arg1[%get3A_1485, %get3A_1486, %get3A_1487] : memref<128x100x128xf32, #tpu.memory_space<vmem>>, vector<128x1x64xf32>
    %get3A_1489 = vector.shape_cast %get3A_1488 : vector<128x1x64xf32> to vector<128x64xf32>
    %transpose3A_1490 = tpu.transpose %get3A_1489, [1, 0] : vector<128x64xf32> -> vector<64x128xf32>
    %swap3A_1491 = arith.constant 124 : index
    %swap3A_1492 = arith.constant 0 : index
    %swap3A_1493 = arith.constant 0 : index
    %swap3A_1494 = vector.load %arg2[%swap3A_1491, %swap3A_1492, %swap3A_1493] : memref<200x64x128xf32, #tpu.memory_space<vmem>>, vector<1x64x128xf32>
    %swap3A_1495 = vector.shape_cast %swap3A_1494 : vector<1x64x128xf32> to vector<64x128xf32>
    %swap3A_1496 = vector.shape_cast %transpose3A_1490 : vector<64x128xf32> to vector<1x64x128xf32>
    tpu.vector_store %arg2[%swap3A_1491, %swap3A_1492, %swap3A_1493], %swap3A_1496 {strides = array<i32>} : memref<200x64x128xf32, #tpu.memory_space<vmem>>, vector<1x64x128xf32>,
    %get3A_1497 = arith.constant 0 : index
    %get3A_1498 = arith.constant 62 : index
    %get3A_1499 = arith.constant 64 : index
    %get3A_1500 = vector.load %arg1[%get3A_1497, %get3A_1498, %get3A_1499] : memref<128x100x128xf32, #tpu.memory_space<vmem>>, vector<128x1x64xf32>
    %get3A_1501 = vector.shape_cast %get3A_1500 : vector<128x1x64xf32> to vector<128x64xf32>
    %transpose3A_1502 = tpu.transpose %get3A_1501, [1, 0] : vector<128x64xf32> -> vector<64x128xf32>
    %swap3A_1503 = arith.constant 125 : index
    %swap3A_1504 = arith.constant 0 : index
    %swap3A_1505 = arith.constant 0 : index
    %swap3A_1506 = vector.load %arg2[%swap3A_1503, %swap3A_1504, %swap3A_1505] : memref<200x64x128xf32, #tpu.memory_space<vmem>>, vector<1x64x128xf32>
    %swap3A_1507 = vector.shape_cast %swap3A_1506 : vector<1x64x128xf32> to vector<64x128xf32>
    %swap3A_1508 = vector.shape_cast %transpose3A_1502 : vector<64x128xf32> to vector<1x64x128xf32>
    tpu.vector_store %arg2[%swap3A_1503, %swap3A_1504, %swap3A_1505], %swap3A_1508 {strides = array<i32>} : memref<200x64x128xf32, #tpu.memory_space<vmem>>, vector<1x64x128xf32>,
    %get3A_1509 = arith.constant 0 : index
    %get3A_1510 = arith.constant 63 : index
    %get3A_1511 = arith.constant 0 : index
    %get3A_1512 = vector.load %arg1[%get3A_1509, %get3A_1510, %get3A_1511] : memref<128x100x128xf32, #tpu.memory_space<vmem>>, vector<128x1x64xf32>
    %get3A_1513 = vector.shape_cast %get3A_1512 : vector<128x1x64xf32> to vector<128x64xf32>
    %transpose3A_1514 = tpu.transpose %get3A_1513, [1, 0] : vector<128x64xf32> -> vector<64x128xf32>
    %swap3A_1515 = arith.constant 126 : index
    %swap3A_1516 = arith.constant 0 : index
    %swap3A_1517 = arith.constant 0 : index
    %swap3A_1518 = vector.load %arg2[%swap3A_1515, %swap3A_1516, %swap3A_1517] : memref<200x64x128xf32, #tpu.memory_space<vmem>>, vector<1x64x128xf32>
    %swap3A_1519 = vector.shape_cast %swap3A_1518 : vector<1x64x128xf32> to vector<64x128xf32>
    %swap3A_1520 = vector.shape_cast %transpose3A_1514 : vector<64x128xf32> to vector<1x64x128xf32>
    tpu.vector_store %arg2[%swap3A_1515, %swap3A_1516, %swap3A_1517], %swap3A_1520 {strides = array<i32>} : memref<200x64x128xf32, #tpu.memory_space<vmem>>, vector<1x64x128xf32>,
    %get3A_1521 = arith.constant 0 : index
    %get3A_1522 = arith.constant 63 : index
    %get3A_1523 = arith.constant 64 : index
    %get3A_1524 = vector.load %arg1[%get3A_1521, %get3A_1522, %get3A_1523] : memref<128x100x128xf32, #tpu.memory_space<vmem>>, vector<128x1x64xf32>
    %get3A_1525 = vector.shape_cast %get3A_1524 : vector<128x1x64xf32> to vector<128x64xf32>
    %transpose3A_1526 = tpu.transpose %get3A_1525, [1, 0] : vector<128x64xf32> -> vector<64x128xf32>
    %swap3A_1527 = arith.constant 127 : index
    %swap3A_1528 = arith.constant 0 : index
    %swap3A_1529 = arith.constant 0 : index
    %swap3A_1530 = vector.load %arg2[%swap3A_1527, %swap3A_1528, %swap3A_1529] : memref<200x64x128xf32, #tpu.memory_space<vmem>>, vector<1x64x128xf32>
    %swap3A_1531 = vector.shape_cast %swap3A_1530 : vector<1x64x128xf32> to vector<64x128xf32>
    %swap3A_1532 = vector.shape_cast %transpose3A_1526 : vector<64x128xf32> to vector<1x64x128xf32>
    tpu.vector_store %arg2[%swap3A_1527, %swap3A_1528, %swap3A_1529], %swap3A_1532 {strides = array<i32>} : memref<200x64x128xf32, #tpu.memory_space<vmem>>, vector<1x64x128xf32>,
    %get3A_1533 = arith.constant 0 : index
    %get3A_1534 = arith.constant 64 : index
    %get3A_1535 = arith.constant 0 : index
    %get3A_1536 = vector.load %arg1[%get3A_1533, %get3A_1534, %get3A_1535] : memref<128x100x128xf32, #tpu.memory_space<vmem>>, vector<128x1x64xf32>
    %get3A_1537 = vector.shape_cast %get3A_1536 : vector<128x1x64xf32> to vector<128x64xf32>
    %transpose3A_1538 = tpu.transpose %get3A_1537, [1, 0] : vector<128x64xf32> -> vector<64x128xf32>
    %swap3A_1539 = arith.constant 128 : index
    %swap3A_1540 = arith.constant 0 : index
    %swap3A_1541 = arith.constant 0 : index
    %swap3A_1542 = vector.load %arg2[%swap3A_1539, %swap3A_1540, %swap3A_1541] : memref<200x64x128xf32, #tpu.memory_space<vmem>>, vector<1x64x128xf32>
    %swap3A_1543 = vector.shape_cast %swap3A_1542 : vector<1x64x128xf32> to vector<64x128xf32>
    %swap3A_1544 = vector.shape_cast %transpose3A_1538 : vector<64x128xf32> to vector<1x64x128xf32>
    tpu.vector_store %arg2[%swap3A_1539, %swap3A_1540, %swap3A_1541], %swap3A_1544 {strides = array<i32>} : memref<200x64x128xf32, #tpu.memory_space<vmem>>, vector<1x64x128xf32>,
    %get3A_1545 = arith.constant 0 : index
    %get3A_1546 = arith.constant 64 : index
    %get3A_1547 = arith.constant 64 : index
    %get3A_1548 = vector.load %arg1[%get3A_1545, %get3A_1546, %get3A_1547] : memref<128x100x128xf32, #tpu.memory_space<vmem>>, vector<128x1x64xf32>
    %get3A_1549 = vector.shape_cast %get3A_1548 : vector<128x1x64xf32> to vector<128x64xf32>
    %transpose3A_1550 = tpu.transpose %get3A_1549, [1, 0] : vector<128x64xf32> -> vector<64x128xf32>
    %swap3A_1551 = arith.constant 129 : index
    %swap3A_1552 = arith.constant 0 : index
    %swap3A_1553 = arith.constant 0 : index
    %swap3A_1554 = vector.load %arg2[%swap3A_1551, %swap3A_1552, %swap3A_1553] : memref<200x64x128xf32, #tpu.memory_space<vmem>>, vector<1x64x128xf32>
    %swap3A_1555 = vector.shape_cast %swap3A_1554 : vector<1x64x128xf32> to vector<64x128xf32>
    %swap3A_1556 = vector.shape_cast %transpose3A_1550 : vector<64x128xf32> to vector<1x64x128xf32>
    tpu.vector_store %arg2[%swap3A_1551, %swap3A_1552, %swap3A_1553], %swap3A_1556 {strides = array<i32>} : memref<200x64x128xf32, #tpu.memory_space<vmem>>, vector<1x64x128xf32>,
    %get3A_1557 = arith.constant 0 : index
    %get3A_1558 = arith.constant 65 : index
    %get3A_1559 = arith.constant 0 : index
    %get3A_1560 = vector.load %arg1[%get3A_1557, %get3A_1558, %get3A_1559] : memref<128x100x128xf32, #tpu.memory_space<vmem>>, vector<128x1x64xf32>
    %get3A_1561 = vector.shape_cast %get3A_1560 : vector<128x1x64xf32> to vector<128x64xf32>
    %transpose3A_1562 = tpu.transpose %get3A_1561, [1, 0] : vector<128x64xf32> -> vector<64x128xf32>
    %swap3A_1563 = arith.constant 130 : index
    %swap3A_1564 = arith.constant 0 : index
    %swap3A_1565 = arith.constant 0 : index
    %swap3A_1566 = vector.load %arg2[%swap3A_1563, %swap3A_1564, %swap3A_1565] : memref<200x64x128xf32, #tpu.memory_space<vmem>>, vector<1x64x128xf32>
    %swap3A_1567 = vector.shape_cast %swap3A_1566 : vector<1x64x128xf32> to vector<64x128xf32>
    %swap3A_1568 = vector.shape_cast %transpose3A_1562 : vector<64x128xf32> to vector<1x64x128xf32>
    tpu.vector_store %arg2[%swap3A_1563, %swap3A_1564, %swap3A_1565], %swap3A_1568 {strides = array<i32>} : memref<200x64x128xf32, #tpu.memory_space<vmem>>, vector<1x64x128xf32>,
    %get3A_1569 = arith.constant 0 : index
    %get3A_1570 = arith.constant 65 : index
    %get3A_1571 = arith.constant 64 : index
    %get3A_1572 = vector.load %arg1[%get3A_1569, %get3A_1570, %get3A_1571] : memref<128x100x128xf32, #tpu.memory_space<vmem>>, vector<128x1x64xf32>
    %get3A_1573 = vector.shape_cast %get3A_1572 : vector<128x1x64xf32> to vector<128x64xf32>
    %transpose3A_1574 = tpu.transpose %get3A_1573, [1, 0] : vector<128x64xf32> -> vector<64x128xf32>
    %swap3A_1575 = arith.constant 131 : index
    %swap3A_1576 = arith.constant 0 : index
    %swap3A_1577 = arith.constant 0 : index
    %swap3A_1578 = vector.load %arg2[%swap3A_1575, %swap3A_1576, %swap3A_1577] : memref<200x64x128xf32, #tpu.memory_space<vmem>>, vector<1x64x128xf32>
    %swap3A_1579 = vector.shape_cast %swap3A_1578 : vector<1x64x128xf32> to vector<64x128xf32>
    %swap3A_1580 = vector.shape_cast %transpose3A_1574 : vector<64x128xf32> to vector<1x64x128xf32>
    tpu.vector_store %arg2[%swap3A_1575, %swap3A_1576, %swap3A_1577], %swap3A_1580 {strides = array<i32>} : memref<200x64x128xf32, #tpu.memory_space<vmem>>, vector<1x64x128xf32>,
    %get3A_1581 = arith.constant 0 : index
    %get3A_1582 = arith.constant 66 : index
    %get3A_1583 = arith.constant 0 : index
    %get3A_1584 = vector.load %arg1[%get3A_1581, %get3A_1582, %get3A_1583] : memref<128x100x128xf32, #tpu.memory_space<vmem>>, vector<128x1x64xf32>
    %get3A_1585 = vector.shape_cast %get3A_1584 : vector<128x1x64xf32> to vector<128x64xf32>
    %transpose3A_1586 = tpu.transpose %get3A_1585, [1, 0] : vector<128x64xf32> -> vector<64x128xf32>
    %swap3A_1587 = arith.constant 132 : index
    %swap3A_1588 = arith.constant 0 : index
    %swap3A_1589 = arith.constant 0 : index
    %swap3A_1590 = vector.load %arg2[%swap3A_1587, %swap3A_1588, %swap3A_1589] : memref<200x64x128xf32, #tpu.memory_space<vmem>>, vector<1x64x128xf32>
    %swap3A_1591 = vector.shape_cast %swap3A_1590 : vector<1x64x128xf32> to vector<64x128xf32>
    %swap3A_1592 = vector.shape_cast %transpose3A_1586 : vector<64x128xf32> to vector<1x64x128xf32>
    tpu.vector_store %arg2[%swap3A_1587, %swap3A_1588, %swap3A_1589], %swap3A_1592 {strides = array<i32>} : memref<200x64x128xf32, #tpu.memory_space<vmem>>, vector<1x64x128xf32>,
    %get3A_1593 = arith.constant 0 : index
    %get3A_1594 = arith.constant 66 : index
    %get3A_1595 = arith.constant 64 : index
    %get3A_1596 = vector.load %arg1[%get3A_1593, %get3A_1594, %get3A_1595] : memref<128x100x128xf32, #tpu.memory_space<vmem>>, vector<128x1x64xf32>
    %get3A_1597 = vector.shape_cast %get3A_1596 : vector<128x1x64xf32> to vector<128x64xf32>
    %transpose3A_1598 = tpu.transpose %get3A_1597, [1, 0] : vector<128x64xf32> -> vector<64x128xf32>
    %swap3A_1599 = arith.constant 133 : index
    %swap3A_1600 = arith.constant 0 : index
    %swap3A_1601 = arith.constant 0 : index
    %swap3A_1602 = vector.load %arg2[%swap3A_1599, %swap3A_1600, %swap3A_1601] : memref<200x64x128xf32, #tpu.memory_space<vmem>>, vector<1x64x128xf32>
    %swap3A_1603 = vector.shape_cast %swap3A_1602 : vector<1x64x128xf32> to vector<64x128xf32>
    %swap3A_1604 = vector.shape_cast %transpose3A_1598 : vector<64x128xf32> to vector<1x64x128xf32>
    tpu.vector_store %arg2[%swap3A_1599, %swap3A_1600, %swap3A_1601], %swap3A_1604 {strides = array<i32>} : memref<200x64x128xf32, #tpu.memory_space<vmem>>, vector<1x64x128xf32>,
    %get3A_1605 = arith.constant 0 : index
    %get3A_1606 = arith.constant 67 : index
    %get3A_1607 = arith.constant 0 : index
    %get3A_1608 = vector.load %arg1[%get3A_1605, %get3A_1606, %get3A_1607] : memref<128x100x128xf32, #tpu.memory_space<vmem>>, vector<128x1x64xf32>
    %get3A_1609 = vector.shape_cast %get3A_1608 : vector<128x1x64xf32> to vector<128x64xf32>
    %transpose3A_1610 = tpu.transpose %get3A_1609, [1, 0] : vector<128x64xf32> -> vector<64x128xf32>
    %swap3A_1611 = arith.constant 134 : index
    %swap3A_1612 = arith.constant 0 : index
    %swap3A_1613 = arith.constant 0 : index
    %swap3A_1614 = vector.load %arg2[%swap3A_1611, %swap3A_1612, %swap3A_1613] : memref<200x64x128xf32, #tpu.memory_space<vmem>>, vector<1x64x128xf32>
    %swap3A_1615 = vector.shape_cast %swap3A_1614 : vector<1x64x128xf32> to vector<64x128xf32>
    %swap3A_1616 = vector.shape_cast %transpose3A_1610 : vector<64x128xf32> to vector<1x64x128xf32>
    tpu.vector_store %arg2[%swap3A_1611, %swap3A_1612, %swap3A_1613], %swap3A_1616 {strides = array<i32>} : memref<200x64x128xf32, #tpu.memory_space<vmem>>, vector<1x64x128xf32>,
    %get3A_1617 = arith.constant 0 : index
    %get3A_1618 = arith.constant 67 : index
    %get3A_1619 = arith.constant 64 : index
    %get3A_1620 = vector.load %arg1[%get3A_1617, %get3A_1618, %get3A_1619] : memref<128x100x128xf32, #tpu.memory_space<vmem>>, vector<128x1x64xf32>
    %get3A_1621 = vector.shape_cast %get3A_1620 : vector<128x1x64xf32> to vector<128x64xf32>
    %transpose3A_1622 = tpu.transpose %get3A_1621, [1, 0] : vector<128x64xf32> -> vector<64x128xf32>
    %swap3A_1623 = arith.constant 135 : index
    %swap3A_1624 = arith.constant 0 : index
    %swap3A_1625 = arith.constant 0 : index
    %swap3A_1626 = vector.load %arg2[%swap3A_1623, %swap3A_1624, %swap3A_1625] : memref<200x64x128xf32, #tpu.memory_space<vmem>>, vector<1x64x128xf32>
    %swap3A_1627 = vector.shape_cast %swap3A_1626 : vector<1x64x128xf32> to vector<64x128xf32>
    %swap3A_1628 = vector.shape_cast %transpose3A_1622 : vector<64x128xf32> to vector<1x64x128xf32>
    tpu.vector_store %arg2[%swap3A_1623, %swap3A_1624, %swap3A_1625], %swap3A_1628 {strides = array<i32>} : memref<200x64x128xf32, #tpu.memory_space<vmem>>, vector<1x64x128xf32>,
    %get3A_1629 = arith.constant 0 : index
    %get3A_1630 = arith.constant 68 : index
    %get3A_1631 = arith.constant 0 : index
    %get3A_1632 = vector.load %arg1[%get3A_1629, %get3A_1630, %get3A_1631] : memref<128x100x128xf32, #tpu.memory_space<vmem>>, vector<128x1x64xf32>
    %get3A_1633 = vector.shape_cast %get3A_1632 : vector<128x1x64xf32> to vector<128x64xf32>
    %transpose3A_1634 = tpu.transpose %get3A_1633, [1, 0] : vector<128x64xf32> -> vector<64x128xf32>
    %swap3A_1635 = arith.constant 136 : index
    %swap3A_1636 = arith.constant 0 : index
    %swap3A_1637 = arith.constant 0 : index
    %swap3A_1638 = vector.load %arg2[%swap3A_1635, %swap3A_1636, %swap3A_1637] : memref<200x64x128xf32, #tpu.memory_space<vmem>>, vector<1x64x128xf32>
    %swap3A_1639 = vector.shape_cast %swap3A_1638 : vector<1x64x128xf32> to vector<64x128xf32>
    %swap3A_1640 = vector.shape_cast %transpose3A_1634 : vector<64x128xf32> to vector<1x64x128xf32>
    tpu.vector_store %arg2[%swap3A_1635, %swap3A_1636, %swap3A_1637], %swap3A_1640 {strides = array<i32>} : memref<200x64x128xf32, #tpu.memory_space<vmem>>, vector<1x64x128xf32>,
    %get3A_1641 = arith.constant 0 : index
    %get3A_1642 = arith.constant 68 : index
    %get3A_1643 = arith.constant 64 : index
    %get3A_1644 = vector.load %arg1[%get3A_1641, %get3A_1642, %get3A_1643] : memref<128x100x128xf32, #tpu.memory_space<vmem>>, vector<128x1x64xf32>
    %get3A_1645 = vector.shape_cast %get3A_1644 : vector<128x1x64xf32> to vector<128x64xf32>
    %transpose3A_1646 = tpu.transpose %get3A_1645, [1, 0] : vector<128x64xf32> -> vector<64x128xf32>
    %swap3A_1647 = arith.constant 137 : index
    %swap3A_1648 = arith.constant 0 : index
    %swap3A_1649 = arith.constant 0 : index
    %swap3A_1650 = vector.load %arg2[%swap3A_1647, %swap3A_1648, %swap3A_1649] : memref<200x64x128xf32, #tpu.memory_space<vmem>>, vector<1x64x128xf32>
    %swap3A_1651 = vector.shape_cast %swap3A_1650 : vector<1x64x128xf32> to vector<64x128xf32>
    %swap3A_1652 = vector.shape_cast %transpose3A_1646 : vector<64x128xf32> to vector<1x64x128xf32>
    tpu.vector_store %arg2[%swap3A_1647, %swap3A_1648, %swap3A_1649], %swap3A_1652 {strides = array<i32>} : memref<200x64x128xf32, #tpu.memory_space<vmem>>, vector<1x64x128xf32>,
    %get3A_1653 = arith.constant 0 : index
    %get3A_1654 = arith.constant 69 : index
    %get3A_1655 = arith.constant 0 : index
    %get3A_1656 = vector.load %arg1[%get3A_1653, %get3A_1654, %get3A_1655] : memref<128x100x128xf32, #tpu.memory_space<vmem>>, vector<128x1x64xf32>
    %get3A_1657 = vector.shape_cast %get3A_1656 : vector<128x1x64xf32> to vector<128x64xf32>
    %transpose3A_1658 = tpu.transpose %get3A_1657, [1, 0] : vector<128x64xf32> -> vector<64x128xf32>
    %swap3A_1659 = arith.constant 138 : index
    %swap3A_1660 = arith.constant 0 : index
    %swap3A_1661 = arith.constant 0 : index
    %swap3A_1662 = vector.load %arg2[%swap3A_1659, %swap3A_1660, %swap3A_1661] : memref<200x64x128xf32, #tpu.memory_space<vmem>>, vector<1x64x128xf32>
    %swap3A_1663 = vector.shape_cast %swap3A_1662 : vector<1x64x128xf32> to vector<64x128xf32>
    %swap3A_1664 = vector.shape_cast %transpose3A_1658 : vector<64x128xf32> to vector<1x64x128xf32>
    tpu.vector_store %arg2[%swap3A_1659, %swap3A_1660, %swap3A_1661], %swap3A_1664 {strides = array<i32>} : memref<200x64x128xf32, #tpu.memory_space<vmem>>, vector<1x64x128xf32>,
    %get3A_1665 = arith.constant 0 : index
    %get3A_1666 = arith.constant 69 : index
    %get3A_1667 = arith.constant 64 : index
    %get3A_1668 = vector.load %arg1[%get3A_1665, %get3A_1666, %get3A_1667] : memref<128x100x128xf32, #tpu.memory_space<vmem>>, vector<128x1x64xf32>
    %get3A_1669 = vector.shape_cast %get3A_1668 : vector<128x1x64xf32> to vector<128x64xf32>
    %transpose3A_1670 = tpu.transpose %get3A_1669, [1, 0] : vector<128x64xf32> -> vector<64x128xf32>
    %swap3A_1671 = arith.constant 139 : index
    %swap3A_1672 = arith.constant 0 : index
    %swap3A_1673 = arith.constant 0 : index
    %swap3A_1674 = vector.load %arg2[%swap3A_1671, %swap3A_1672, %swap3A_1673] : memref<200x64x128xf32, #tpu.memory_space<vmem>>, vector<1x64x128xf32>
    %swap3A_1675 = vector.shape_cast %swap3A_1674 : vector<1x64x128xf32> to vector<64x128xf32>
    %swap3A_1676 = vector.shape_cast %transpose3A_1670 : vector<64x128xf32> to vector<1x64x128xf32>
    tpu.vector_store %arg2[%swap3A_1671, %swap3A_1672, %swap3A_1673], %swap3A_1676 {strides = array<i32>} : memref<200x64x128xf32, #tpu.memory_space<vmem>>, vector<1x64x128xf32>,
    %get3A_1677 = arith.constant 0 : index
    %get3A_1678 = arith.constant 70 : index
    %get3A_1679 = arith.constant 0 : index
    %get3A_1680 = vector.load %arg1[%get3A_1677, %get3A_1678, %get3A_1679] : memref<128x100x128xf32, #tpu.memory_space<vmem>>, vector<128x1x64xf32>
    %get3A_1681 = vector.shape_cast %get3A_1680 : vector<128x1x64xf32> to vector<128x64xf32>
    %transpose3A_1682 = tpu.transpose %get3A_1681, [1, 0] : vector<128x64xf32> -> vector<64x128xf32>
    %swap3A_1683 = arith.constant 140 : index
    %swap3A_1684 = arith.constant 0 : index
    %swap3A_1685 = arith.constant 0 : index
    %swap3A_1686 = vector.load %arg2[%swap3A_1683, %swap3A_1684, %swap3A_1685] : memref<200x64x128xf32, #tpu.memory_space<vmem>>, vector<1x64x128xf32>
    %swap3A_1687 = vector.shape_cast %swap3A_1686 : vector<1x64x128xf32> to vector<64x128xf32>
    %swap3A_1688 = vector.shape_cast %transpose3A_1682 : vector<64x128xf32> to vector<1x64x128xf32>
    tpu.vector_store %arg2[%swap3A_1683, %swap3A_1684, %swap3A_1685], %swap3A_1688 {strides = array<i32>} : memref<200x64x128xf32, #tpu.memory_space<vmem>>, vector<1x64x128xf32>,
    %get3A_1689 = arith.constant 0 : index
    %get3A_1690 = arith.constant 70 : index
    %get3A_1691 = arith.constant 64 : index
    %get3A_1692 = vector.load %arg1[%get3A_1689, %get3A_1690, %get3A_1691] : memref<128x100x128xf32, #tpu.memory_space<vmem>>, vector<128x1x64xf32>
    %get3A_1693 = vector.shape_cast %get3A_1692 : vector<128x1x64xf32> to vector<128x64xf32>
    %transpose3A_1694 = tpu.transpose %get3A_1693, [1, 0] : vector<128x64xf32> -> vector<64x128xf32>
    %swap3A_1695 = arith.constant 141 : index
    %swap3A_1696 = arith.constant 0 : index
    %swap3A_1697 = arith.constant 0 : index
    %swap3A_1698 = vector.load %arg2[%swap3A_1695, %swap3A_1696, %swap3A_1697] : memref<200x64x128xf32, #tpu.memory_space<vmem>>, vector<1x64x128xf32>
    %swap3A_1699 = vector.shape_cast %swap3A_1698 : vector<1x64x128xf32> to vector<64x128xf32>
    %swap3A_1700 = vector.shape_cast %transpose3A_1694 : vector<64x128xf32> to vector<1x64x128xf32>
    tpu.vector_store %arg2[%swap3A_1695, %swap3A_1696, %swap3A_1697], %swap3A_1700 {strides = array<i32>} : memref<200x64x128xf32, #tpu.memory_space<vmem>>, vector<1x64x128xf32>,
    %get3A_1701 = arith.constant 0 : index
    %get3A_1702 = arith.constant 71 : index
    %get3A_1703 = arith.constant 0 : index
    %get3A_1704 = vector.load %arg1[%get3A_1701, %get3A_1702, %get3A_1703] : memref<128x100x128xf32, #tpu.memory_space<vmem>>, vector<128x1x64xf32>
    %get3A_1705 = vector.shape_cast %get3A_1704 : vector<128x1x64xf32> to vector<128x64xf32>
    %transpose3A_1706 = tpu.transpose %get3A_1705, [1, 0] : vector<128x64xf32> -> vector<64x128xf32>
    %swap3A_1707 = arith.constant 142 : index
    %swap3A_1708 = arith.constant 0 : index
    %swap3A_1709 = arith.constant 0 : index
    %swap3A_1710 = vector.load %arg2[%swap3A_1707, %swap3A_1708, %swap3A_1709] : memref<200x64x128xf32, #tpu.memory_space<vmem>>, vector<1x64x128xf32>
    %swap3A_1711 = vector.shape_cast %swap3A_1710 : vector<1x64x128xf32> to vector<64x128xf32>
    %swap3A_1712 = vector.shape_cast %transpose3A_1706 : vector<64x128xf32> to vector<1x64x128xf32>
    tpu.vector_store %arg2[%swap3A_1707, %swap3A_1708, %swap3A_1709], %swap3A_1712 {strides = array<i32>} : memref<200x64x128xf32, #tpu.memory_space<vmem>>, vector<1x64x128xf32>,
    %get3A_1713 = arith.constant 0 : index
    %get3A_1714 = arith.constant 71 : index
    %get3A_1715 = arith.constant 64 : index
    %get3A_1716 = vector.load %arg1[%get3A_1713, %get3A_1714, %get3A_1715] : memref<128x100x128xf32, #tpu.memory_space<vmem>>, vector<128x1x64xf32>
    %get3A_1717 = vector.shape_cast %get3A_1716 : vector<128x1x64xf32> to vector<128x64xf32>
    %transpose3A_1718 = tpu.transpose %get3A_1717, [1, 0] : vector<128x64xf32> -> vector<64x128xf32>
    %swap3A_1719 = arith.constant 143 : index
    %swap3A_1720 = arith.constant 0 : index
    %swap3A_1721 = arith.constant 0 : index
    %swap3A_1722 = vector.load %arg2[%swap3A_1719, %swap3A_1720, %swap3A_1721] : memref<200x64x128xf32, #tpu.memory_space<vmem>>, vector<1x64x128xf32>
    %swap3A_1723 = vector.shape_cast %swap3A_1722 : vector<1x64x128xf32> to vector<64x128xf32>
    %swap3A_1724 = vector.shape_cast %transpose3A_1718 : vector<64x128xf32> to vector<1x64x128xf32>
    tpu.vector_store %arg2[%swap3A_1719, %swap3A_1720, %swap3A_1721], %swap3A_1724 {strides = array<i32>} : memref<200x64x128xf32, #tpu.memory_space<vmem>>, vector<1x64x128xf32>,
    %get3A_1725 = arith.constant 0 : index
    %get3A_1726 = arith.constant 72 : index
    %get3A_1727 = arith.constant 0 : index
    %get3A_1728 = vector.load %arg1[%get3A_1725, %get3A_1726, %get3A_1727] : memref<128x100x128xf32, #tpu.memory_space<vmem>>, vector<128x1x64xf32>
    %get3A_1729 = vector.shape_cast %get3A_1728 : vector<128x1x64xf32> to vector<128x64xf32>
    %transpose3A_1730 = tpu.transpose %get3A_1729, [1, 0] : vector<128x64xf32> -> vector<64x128xf32>
    %swap3A_1731 = arith.constant 144 : index
    %swap3A_1732 = arith.constant 0 : index
    %swap3A_1733 = arith.constant 0 : index
    %swap3A_1734 = vector.load %arg2[%swap3A_1731, %swap3A_1732, %swap3A_1733] : memref<200x64x128xf32, #tpu.memory_space<vmem>>, vector<1x64x128xf32>
    %swap3A_1735 = vector.shape_cast %swap3A_1734 : vector<1x64x128xf32> to vector<64x128xf32>
    %swap3A_1736 = vector.shape_cast %transpose3A_1730 : vector<64x128xf32> to vector<1x64x128xf32>
    tpu.vector_store %arg2[%swap3A_1731, %swap3A_1732, %swap3A_1733], %swap3A_1736 {strides = array<i32>} : memref<200x64x128xf32, #tpu.memory_space<vmem>>, vector<1x64x128xf32>,
    %get3A_1737 = arith.constant 0 : index
    %get3A_1738 = arith.constant 72 : index
    %get3A_1739 = arith.constant 64 : index
    %get3A_1740 = vector.load %arg1[%get3A_1737, %get3A_1738, %get3A_1739] : memref<128x100x128xf32, #tpu.memory_space<vmem>>, vector<128x1x64xf32>
    %get3A_1741 = vector.shape_cast %get3A_1740 : vector<128x1x64xf32> to vector<128x64xf32>
    %transpose3A_1742 = tpu.transpose %get3A_1741, [1, 0] : vector<128x64xf32> -> vector<64x128xf32>
    %swap3A_1743 = arith.constant 145 : index
    %swap3A_1744 = arith.constant 0 : index
    %swap3A_1745 = arith.constant 0 : index
    %swap3A_1746 = vector.load %arg2[%swap3A_1743, %swap3A_1744, %swap3A_1745] : memref<200x64x128xf32, #tpu.memory_space<vmem>>, vector<1x64x128xf32>
    %swap3A_1747 = vector.shape_cast %swap3A_1746 : vector<1x64x128xf32> to vector<64x128xf32>
    %swap3A_1748 = vector.shape_cast %transpose3A_1742 : vector<64x128xf32> to vector<1x64x128xf32>
    tpu.vector_store %arg2[%swap3A_1743, %swap3A_1744, %swap3A_1745], %swap3A_1748 {strides = array<i32>} : memref<200x64x128xf32, #tpu.memory_space<vmem>>, vector<1x64x128xf32>,
    %get3A_1749 = arith.constant 0 : index
    %get3A_1750 = arith.constant 73 : index
    %get3A_1751 = arith.constant 0 : index
    %get3A_1752 = vector.load %arg1[%get3A_1749, %get3A_1750, %get3A_1751] : memref<128x100x128xf32, #tpu.memory_space<vmem>>, vector<128x1x64xf32>
    %get3A_1753 = vector.shape_cast %get3A_1752 : vector<128x1x64xf32> to vector<128x64xf32>
    %transpose3A_1754 = tpu.transpose %get3A_1753, [1, 0] : vector<128x64xf32> -> vector<64x128xf32>
    %swap3A_1755 = arith.constant 146 : index
    %swap3A_1756 = arith.constant 0 : index
    %swap3A_1757 = arith.constant 0 : index
    %swap3A_1758 = vector.load %arg2[%swap3A_1755, %swap3A_1756, %swap3A_1757] : memref<200x64x128xf32, #tpu.memory_space<vmem>>, vector<1x64x128xf32>
    %swap3A_1759 = vector.shape_cast %swap3A_1758 : vector<1x64x128xf32> to vector<64x128xf32>
    %swap3A_1760 = vector.shape_cast %transpose3A_1754 : vector<64x128xf32> to vector<1x64x128xf32>
    tpu.vector_store %arg2[%swap3A_1755, %swap3A_1756, %swap3A_1757], %swap3A_1760 {strides = array<i32>} : memref<200x64x128xf32, #tpu.memory_space<vmem>>, vector<1x64x128xf32>,
    %get3A_1761 = arith.constant 0 : index
    %get3A_1762 = arith.constant 73 : index
    %get3A_1763 = arith.constant 64 : index
    %get3A_1764 = vector.load %arg1[%get3A_1761, %get3A_1762, %get3A_1763] : memref<128x100x128xf32, #tpu.memory_space<vmem>>, vector<128x1x64xf32>
    %get3A_1765 = vector.shape_cast %get3A_1764 : vector<128x1x64xf32> to vector<128x64xf32>
    %transpose3A_1766 = tpu.transpose %get3A_1765, [1, 0] : vector<128x64xf32> -> vector<64x128xf32>
    %swap3A_1767 = arith.constant 147 : index
    %swap3A_1768 = arith.constant 0 : index
    %swap3A_1769 = arith.constant 0 : index
    %swap3A_1770 = vector.load %arg2[%swap3A_1767, %swap3A_1768, %swap3A_1769] : memref<200x64x128xf32, #tpu.memory_space<vmem>>, vector<1x64x128xf32>
    %swap3A_1771 = vector.shape_cast %swap3A_1770 : vector<1x64x128xf32> to vector<64x128xf32>
    %swap3A_1772 = vector.shape_cast %transpose3A_1766 : vector<64x128xf32> to vector<1x64x128xf32>
    tpu.vector_store %arg2[%swap3A_1767, %swap3A_1768, %swap3A_1769], %swap3A_1772 {strides = array<i32>} : memref<200x64x128xf32, #tpu.memory_space<vmem>>, vector<1x64x128xf32>,
    %get3A_1773 = arith.constant 0 : index
    %get3A_1774 = arith.constant 74 : index
    %get3A_1775 = arith.constant 0 : index
    %get3A_1776 = vector.load %arg1[%get3A_1773, %get3A_1774, %get3A_1775] : memref<128x100x128xf32, #tpu.memory_space<vmem>>, vector<128x1x64xf32>
    %get3A_1777 = vector.shape_cast %get3A_1776 : vector<128x1x64xf32> to vector<128x64xf32>
    %transpose3A_1778 = tpu.transpose %get3A_1777, [1, 0] : vector<128x64xf32> -> vector<64x128xf32>
    %swap3A_1779 = arith.constant 148 : index
    %swap3A_1780 = arith.constant 0 : index
    %swap3A_1781 = arith.constant 0 : index
    %swap3A_1782 = vector.load %arg2[%swap3A_1779, %swap3A_1780, %swap3A_1781] : memref<200x64x128xf32, #tpu.memory_space<vmem>>, vector<1x64x128xf32>
    %swap3A_1783 = vector.shape_cast %swap3A_1782 : vector<1x64x128xf32> to vector<64x128xf32>
    %swap3A_1784 = vector.shape_cast %transpose3A_1778 : vector<64x128xf32> to vector<1x64x128xf32>
    tpu.vector_store %arg2[%swap3A_1779, %swap3A_1780, %swap3A_1781], %swap3A_1784 {strides = array<i32>} : memref<200x64x128xf32, #tpu.memory_space<vmem>>, vector<1x64x128xf32>,
    %get3A_1785 = arith.constant 0 : index
    %get3A_1786 = arith.constant 74 : index
    %get3A_1787 = arith.constant 64 : index
    %get3A_1788 = vector.load %arg1[%get3A_1785, %get3A_1786, %get3A_1787] : memref<128x100x128xf32, #tpu.memory_space<vmem>>, vector<128x1x64xf32>
    %get3A_1789 = vector.shape_cast %get3A_1788 : vector<128x1x64xf32> to vector<128x64xf32>
    %transpose3A_1790 = tpu.transpose %get3A_1789, [1, 0] : vector<128x64xf32> -> vector<64x128xf32>
    %swap3A_1791 = arith.constant 149 : index
    %swap3A_1792 = arith.constant 0 : index
    %swap3A_1793 = arith.constant 0 : index
    %swap3A_1794 = vector.load %arg2[%swap3A_1791, %swap3A_1792, %swap3A_1793] : memref<200x64x128xf32, #tpu.memory_space<vmem>>, vector<1x64x128xf32>
    %swap3A_1795 = vector.shape_cast %swap3A_1794 : vector<1x64x128xf32> to vector<64x128xf32>
    %swap3A_1796 = vector.shape_cast %transpose3A_1790 : vector<64x128xf32> to vector<1x64x128xf32>
    tpu.vector_store %arg2[%swap3A_1791, %swap3A_1792, %swap3A_1793], %swap3A_1796 {strides = array<i32>} : memref<200x64x128xf32, #tpu.memory_space<vmem>>, vector<1x64x128xf32>,
    %get3A_1797 = arith.constant 0 : index
    %get3A_1798 = arith.constant 75 : index
    %get3A_1799 = arith.constant 0 : index
    %get3A_1800 = vector.load %arg1[%get3A_1797, %get3A_1798, %get3A_1799] : memref<128x100x128xf32, #tpu.memory_space<vmem>>, vector<128x1x64xf32>
    %get3A_1801 = vector.shape_cast %get3A_1800 : vector<128x1x64xf32> to vector<128x64xf32>
    %transpose3A_1802 = tpu.transpose %get3A_1801, [1, 0] : vector<128x64xf32> -> vector<64x128xf32>
    %swap3A_1803 = arith.constant 150 : index
    %swap3A_1804 = arith.constant 0 : index
    %swap3A_1805 = arith.constant 0 : index
    %swap3A_1806 = vector.load %arg2[%swap3A_1803, %swap3A_1804, %swap3A_1805] : memref<200x64x128xf32, #tpu.memory_space<vmem>>, vector<1x64x128xf32>
    %swap3A_1807 = vector.shape_cast %swap3A_1806 : vector<1x64x128xf32> to vector<64x128xf32>
    %swap3A_1808 = vector.shape_cast %transpose3A_1802 : vector<64x128xf32> to vector<1x64x128xf32>
    tpu.vector_store %arg2[%swap3A_1803, %swap3A_1804, %swap3A_1805], %swap3A_1808 {strides = array<i32>} : memref<200x64x128xf32, #tpu.memory_space<vmem>>, vector<1x64x128xf32>,
    %get3A_1809 = arith.constant 0 : index
    %get3A_1810 = arith.constant 75 : index
    %get3A_1811 = arith.constant 64 : index
    %get3A_1812 = vector.load %arg1[%get3A_1809, %get3A_1810, %get3A_1811] : memref<128x100x128xf32, #tpu.memory_space<vmem>>, vector<128x1x64xf32>
    %get3A_1813 = vector.shape_cast %get3A_1812 : vector<128x1x64xf32> to vector<128x64xf32>
    %transpose3A_1814 = tpu.transpose %get3A_1813, [1, 0] : vector<128x64xf32> -> vector<64x128xf32>
    %swap3A_1815 = arith.constant 151 : index
    %swap3A_1816 = arith.constant 0 : index
    %swap3A_1817 = arith.constant 0 : index
    %swap3A_1818 = vector.load %arg2[%swap3A_1815, %swap3A_1816, %swap3A_1817] : memref<200x64x128xf32, #tpu.memory_space<vmem>>, vector<1x64x128xf32>
    %swap3A_1819 = vector.shape_cast %swap3A_1818 : vector<1x64x128xf32> to vector<64x128xf32>
    %swap3A_1820 = vector.shape_cast %transpose3A_1814 : vector<64x128xf32> to vector<1x64x128xf32>
    tpu.vector_store %arg2[%swap3A_1815, %swap3A_1816, %swap3A_1817], %swap3A_1820 {strides = array<i32>} : memref<200x64x128xf32, #tpu.memory_space<vmem>>, vector<1x64x128xf32>,
    %get3A_1821 = arith.constant 0 : index
    %get3A_1822 = arith.constant 76 : index
    %get3A_1823 = arith.constant 0 : index
    %get3A_1824 = vector.load %arg1[%get3A_1821, %get3A_1822, %get3A_1823] : memref<128x100x128xf32, #tpu.memory_space<vmem>>, vector<128x1x64xf32>
    %get3A_1825 = vector.shape_cast %get3A_1824 : vector<128x1x64xf32> to vector<128x64xf32>
    %transpose3A_1826 = tpu.transpose %get3A_1825, [1, 0] : vector<128x64xf32> -> vector<64x128xf32>
    %swap3A_1827 = arith.constant 152 : index
    %swap3A_1828 = arith.constant 0 : index
    %swap3A_1829 = arith.constant 0 : index
    %swap3A_1830 = vector.load %arg2[%swap3A_1827, %swap3A_1828, %swap3A_1829] : memref<200x64x128xf32, #tpu.memory_space<vmem>>, vector<1x64x128xf32>
    %swap3A_1831 = vector.shape_cast %swap3A_1830 : vector<1x64x128xf32> to vector<64x128xf32>
    %swap3A_1832 = vector.shape_cast %transpose3A_1826 : vector<64x128xf32> to vector<1x64x128xf32>
    tpu.vector_store %arg2[%swap3A_1827, %swap3A_1828, %swap3A_1829], %swap3A_1832 {strides = array<i32>} : memref<200x64x128xf32, #tpu.memory_space<vmem>>, vector<1x64x128xf32>,
    %get3A_1833 = arith.constant 0 : index
    %get3A_1834 = arith.constant 76 : index
    %get3A_1835 = arith.constant 64 : index
    %get3A_1836 = vector.load %arg1[%get3A_1833, %get3A_1834, %get3A_1835] : memref<128x100x128xf32, #tpu.memory_space<vmem>>, vector<128x1x64xf32>
    %get3A_1837 = vector.shape_cast %get3A_1836 : vector<128x1x64xf32> to vector<128x64xf32>
    %transpose3A_1838 = tpu.transpose %get3A_1837, [1, 0] : vector<128x64xf32> -> vector<64x128xf32>
    %swap3A_1839 = arith.constant 153 : index
    %swap3A_1840 = arith.constant 0 : index
    %swap3A_1841 = arith.constant 0 : index
    %swap3A_1842 = vector.load %arg2[%swap3A_1839, %swap3A_1840, %swap3A_1841] : memref<200x64x128xf32, #tpu.memory_space<vmem>>, vector<1x64x128xf32>
    %swap3A_1843 = vector.shape_cast %swap3A_1842 : vector<1x64x128xf32> to vector<64x128xf32>
    %swap3A_1844 = vector.shape_cast %transpose3A_1838 : vector<64x128xf32> to vector<1x64x128xf32>
    tpu.vector_store %arg2[%swap3A_1839, %swap3A_1840, %swap3A_1841], %swap3A_1844 {strides = array<i32>} : memref<200x64x128xf32, #tpu.memory_space<vmem>>, vector<1x64x128xf32>,
    %get3A_1845 = arith.constant 0 : index
    %get3A_1846 = arith.constant 77 : index
    %get3A_1847 = arith.constant 0 : index
    %get3A_1848 = vector.load %arg1[%get3A_1845, %get3A_1846, %get3A_1847] : memref<128x100x128xf32, #tpu.memory_space<vmem>>, vector<128x1x64xf32>
    %get3A_1849 = vector.shape_cast %get3A_1848 : vector<128x1x64xf32> to vector<128x64xf32>
    %transpose3A_1850 = tpu.transpose %get3A_1849, [1, 0] : vector<128x64xf32> -> vector<64x128xf32>
    %swap3A_1851 = arith.constant 154 : index
    %swap3A_1852 = arith.constant 0 : index
    %swap3A_1853 = arith.constant 0 : index
    %swap3A_1854 = vector.load %arg2[%swap3A_1851, %swap3A_1852, %swap3A_1853] : memref<200x64x128xf32, #tpu.memory_space<vmem>>, vector<1x64x128xf32>
    %swap3A_1855 = vector.shape_cast %swap3A_1854 : vector<1x64x128xf32> to vector<64x128xf32>
    %swap3A_1856 = vector.shape_cast %transpose3A_1850 : vector<64x128xf32> to vector<1x64x128xf32>
    tpu.vector_store %arg2[%swap3A_1851, %swap3A_1852, %swap3A_1853], %swap3A_1856 {strides = array<i32>} : memref<200x64x128xf32, #tpu.memory_space<vmem>>, vector<1x64x128xf32>,
    %get3A_1857 = arith.constant 0 : index
    %get3A_1858 = arith.constant 77 : index
    %get3A_1859 = arith.constant 64 : index
    %get3A_1860 = vector.load %arg1[%get3A_1857, %get3A_1858, %get3A_1859] : memref<128x100x128xf32, #tpu.memory_space<vmem>>, vector<128x1x64xf32>
    %get3A_1861 = vector.shape_cast %get3A_1860 : vector<128x1x64xf32> to vector<128x64xf32>
    %transpose3A_1862 = tpu.transpose %get3A_1861, [1, 0] : vector<128x64xf32> -> vector<64x128xf32>
    %swap3A_1863 = arith.constant 155 : index
    %swap3A_1864 = arith.constant 0 : index
    %swap3A_1865 = arith.constant 0 : index
    %swap3A_1866 = vector.load %arg2[%swap3A_1863, %swap3A_1864, %swap3A_1865] : memref<200x64x128xf32, #tpu.memory_space<vmem>>, vector<1x64x128xf32>
    %swap3A_1867 = vector.shape_cast %swap3A_1866 : vector<1x64x128xf32> to vector<64x128xf32>
    %swap3A_1868 = vector.shape_cast %transpose3A_1862 : vector<64x128xf32> to vector<1x64x128xf32>
    tpu.vector_store %arg2[%swap3A_1863, %swap3A_1864, %swap3A_1865], %swap3A_1868 {strides = array<i32>} : memref<200x64x128xf32, #tpu.memory_space<vmem>>, vector<1x64x128xf32>,
    %get3A_1869 = arith.constant 0 : index
    %get3A_1870 = arith.constant 78 : index
    %get3A_1871 = arith.constant 0 : index
    %get3A_1872 = vector.load %arg1[%get3A_1869, %get3A_1870, %get3A_1871] : memref<128x100x128xf32, #tpu.memory_space<vmem>>, vector<128x1x64xf32>
    %get3A_1873 = vector.shape_cast %get3A_1872 : vector<128x1x64xf32> to vector<128x64xf32>
    %transpose3A_1874 = tpu.transpose %get3A_1873, [1, 0] : vector<128x64xf32> -> vector<64x128xf32>
    %swap3A_1875 = arith.constant 156 : index
    %swap3A_1876 = arith.constant 0 : index
    %swap3A_1877 = arith.constant 0 : index
    %swap3A_1878 = vector.load %arg2[%swap3A_1875, %swap3A_1876, %swap3A_1877] : memref<200x64x128xf32, #tpu.memory_space<vmem>>, vector<1x64x128xf32>
    %swap3A_1879 = vector.shape_cast %swap3A_1878 : vector<1x64x128xf32> to vector<64x128xf32>
    %swap3A_1880 = vector.shape_cast %transpose3A_1874 : vector<64x128xf32> to vector<1x64x128xf32>
    tpu.vector_store %arg2[%swap3A_1875, %swap3A_1876, %swap3A_1877], %swap3A_1880 {strides = array<i32>} : memref<200x64x128xf32, #tpu.memory_space<vmem>>, vector<1x64x128xf32>,
    %get3A_1881 = arith.constant 0 : index
    %get3A_1882 = arith.constant 78 : index
    %get3A_1883 = arith.constant 64 : index
    %get3A_1884 = vector.load %arg1[%get3A_1881, %get3A_1882, %get3A_1883] : memref<128x100x128xf32, #tpu.memory_space<vmem>>, vector<128x1x64xf32>
    %get3A_1885 = vector.shape_cast %get3A_1884 : vector<128x1x64xf32> to vector<128x64xf32>
    %transpose3A_1886 = tpu.transpose %get3A_1885, [1, 0] : vector<128x64xf32> -> vector<64x128xf32>
    %swap3A_1887 = arith.constant 157 : index
    %swap3A_1888 = arith.constant 0 : index
    %swap3A_1889 = arith.constant 0 : index
    %swap3A_1890 = vector.load %arg2[%swap3A_1887, %swap3A_1888, %swap3A_1889] : memref<200x64x128xf32, #tpu.memory_space<vmem>>, vector<1x64x128xf32>
    %swap3A_1891 = vector.shape_cast %swap3A_1890 : vector<1x64x128xf32> to vector<64x128xf32>
    %swap3A_1892 = vector.shape_cast %transpose3A_1886 : vector<64x128xf32> to vector<1x64x128xf32>
    tpu.vector_store %arg2[%swap3A_1887, %swap3A_1888, %swap3A_1889], %swap3A_1892 {strides = array<i32>} : memref<200x64x128xf32, #tpu.memory_space<vmem>>, vector<1x64x128xf32>,
    %get3A_1893 = arith.constant 0 : index
    %get3A_1894 = arith.constant 79 : index
    %get3A_1895 = arith.constant 0 : index
    %get3A_1896 = vector.load %arg1[%get3A_1893, %get3A_1894, %get3A_1895] : memref<128x100x128xf32, #tpu.memory_space<vmem>>, vector<128x1x64xf32>
    %get3A_1897 = vector.shape_cast %get3A_1896 : vector<128x1x64xf32> to vector<128x64xf32>
    %transpose3A_1898 = tpu.transpose %get3A_1897, [1, 0] : vector<128x64xf32> -> vector<64x128xf32>
    %swap3A_1899 = arith.constant 158 : index
    %swap3A_1900 = arith.constant 0 : index
    %swap3A_1901 = arith.constant 0 : index
    %swap3A_1902 = vector.load %arg2[%swap3A_1899, %swap3A_1900, %swap3A_1901] : memref<200x64x128xf32, #tpu.memory_space<vmem>>, vector<1x64x128xf32>
    %swap3A_1903 = vector.shape_cast %swap3A_1902 : vector<1x64x128xf32> to vector<64x128xf32>
    %swap3A_1904 = vector.shape_cast %transpose3A_1898 : vector<64x128xf32> to vector<1x64x128xf32>
    tpu.vector_store %arg2[%swap3A_1899, %swap3A_1900, %swap3A_1901], %swap3A_1904 {strides = array<i32>} : memref<200x64x128xf32, #tpu.memory_space<vmem>>, vector<1x64x128xf32>,
    %get3A_1905 = arith.constant 0 : index
    %get3A_1906 = arith.constant 79 : index
    %get3A_1907 = arith.constant 64 : index
    %get3A_1908 = vector.load %arg1[%get3A_1905, %get3A_1906, %get3A_1907] : memref<128x100x128xf32, #tpu.memory_space<vmem>>, vector<128x1x64xf32>
    %get3A_1909 = vector.shape_cast %get3A_1908 : vector<128x1x64xf32> to vector<128x64xf32>
    %transpose3A_1910 = tpu.transpose %get3A_1909, [1, 0] : vector<128x64xf32> -> vector<64x128xf32>
    %swap3A_1911 = arith.constant 159 : index
    %swap3A_1912 = arith.constant 0 : index
    %swap3A_1913 = arith.constant 0 : index
    %swap3A_1914 = vector.load %arg2[%swap3A_1911, %swap3A_1912, %swap3A_1913] : memref<200x64x128xf32, #tpu.memory_space<vmem>>, vector<1x64x128xf32>
    %swap3A_1915 = vector.shape_cast %swap3A_1914 : vector<1x64x128xf32> to vector<64x128xf32>
    %swap3A_1916 = vector.shape_cast %transpose3A_1910 : vector<64x128xf32> to vector<1x64x128xf32>
    tpu.vector_store %arg2[%swap3A_1911, %swap3A_1912, %swap3A_1913], %swap3A_1916 {strides = array<i32>} : memref<200x64x128xf32, #tpu.memory_space<vmem>>, vector<1x64x128xf32>,
    %get3A_1917 = arith.constant 0 : index
    %get3A_1918 = arith.constant 80 : index
    %get3A_1919 = arith.constant 0 : index
    %get3A_1920 = vector.load %arg1[%get3A_1917, %get3A_1918, %get3A_1919] : memref<128x100x128xf32, #tpu.memory_space<vmem>>, vector<128x1x64xf32>
    %get3A_1921 = vector.shape_cast %get3A_1920 : vector<128x1x64xf32> to vector<128x64xf32>
    %transpose3A_1922 = tpu.transpose %get3A_1921, [1, 0] : vector<128x64xf32> -> vector<64x128xf32>
    %swap3A_1923 = arith.constant 160 : index
    %swap3A_1924 = arith.constant 0 : index
    %swap3A_1925 = arith.constant 0 : index
    %swap3A_1926 = vector.load %arg2[%swap3A_1923, %swap3A_1924, %swap3A_1925] : memref<200x64x128xf32, #tpu.memory_space<vmem>>, vector<1x64x128xf32>
    %swap3A_1927 = vector.shape_cast %swap3A_1926 : vector<1x64x128xf32> to vector<64x128xf32>
    %swap3A_1928 = vector.shape_cast %transpose3A_1922 : vector<64x128xf32> to vector<1x64x128xf32>
    tpu.vector_store %arg2[%swap3A_1923, %swap3A_1924, %swap3A_1925], %swap3A_1928 {strides = array<i32>} : memref<200x64x128xf32, #tpu.memory_space<vmem>>, vector<1x64x128xf32>,
    %get3A_1929 = arith.constant 0 : index
    %get3A_1930 = arith.constant 80 : index
    %get3A_1931 = arith.constant 64 : index
    %get3A_1932 = vector.load %arg1[%get3A_1929, %get3A_1930, %get3A_1931] : memref<128x100x128xf32, #tpu.memory_space<vmem>>, vector<128x1x64xf32>
    %get3A_1933 = vector.shape_cast %get3A_1932 : vector<128x1x64xf32> to vector<128x64xf32>
    %transpose3A_1934 = tpu.transpose %get3A_1933, [1, 0] : vector<128x64xf32> -> vector<64x128xf32>
    %swap3A_1935 = arith.constant 161 : index
    %swap3A_1936 = arith.constant 0 : index
    %swap3A_1937 = arith.constant 0 : index
    %swap3A_1938 = vector.load %arg2[%swap3A_1935, %swap3A_1936, %swap3A_1937] : memref<200x64x128xf32, #tpu.memory_space<vmem>>, vector<1x64x128xf32>
    %swap3A_1939 = vector.shape_cast %swap3A_1938 : vector<1x64x128xf32> to vector<64x128xf32>
    %swap3A_1940 = vector.shape_cast %transpose3A_1934 : vector<64x128xf32> to vector<1x64x128xf32>
    tpu.vector_store %arg2[%swap3A_1935, %swap3A_1936, %swap3A_1937], %swap3A_1940 {strides = array<i32>} : memref<200x64x128xf32, #tpu.memory_space<vmem>>, vector<1x64x128xf32>,
    %get3A_1941 = arith.constant 0 : index
    %get3A_1942 = arith.constant 81 : index
    %get3A_1943 = arith.constant 0 : index
    %get3A_1944 = vector.load %arg1[%get3A_1941, %get3A_1942, %get3A_1943] : memref<128x100x128xf32, #tpu.memory_space<vmem>>, vector<128x1x64xf32>
    %get3A_1945 = vector.shape_cast %get3A_1944 : vector<128x1x64xf32> to vector<128x64xf32>
    %transpose3A_1946 = tpu.transpose %get3A_1945, [1, 0] : vector<128x64xf32> -> vector<64x128xf32>
    %swap3A_1947 = arith.constant 162 : index
    %swap3A_1948 = arith.constant 0 : index
    %swap3A_1949 = arith.constant 0 : index
    %swap3A_1950 = vector.load %arg2[%swap3A_1947, %swap3A_1948, %swap3A_1949] : memref<200x64x128xf32, #tpu.memory_space<vmem>>, vector<1x64x128xf32>
    %swap3A_1951 = vector.shape_cast %swap3A_1950 : vector<1x64x128xf32> to vector<64x128xf32>
    %swap3A_1952 = vector.shape_cast %transpose3A_1946 : vector<64x128xf32> to vector<1x64x128xf32>
    tpu.vector_store %arg2[%swap3A_1947, %swap3A_1948, %swap3A_1949], %swap3A_1952 {strides = array<i32>} : memref<200x64x128xf32, #tpu.memory_space<vmem>>, vector<1x64x128xf32>,
    %get3A_1953 = arith.constant 0 : index
    %get3A_1954 = arith.constant 81 : index
    %get3A_1955 = arith.constant 64 : index
    %get3A_1956 = vector.load %arg1[%get3A_1953, %get3A_1954, %get3A_1955] : memref<128x100x128xf32, #tpu.memory_space<vmem>>, vector<128x1x64xf32>
    %get3A_1957 = vector.shape_cast %get3A_1956 : vector<128x1x64xf32> to vector<128x64xf32>
    %transpose3A_1958 = tpu.transpose %get3A_1957, [1, 0] : vector<128x64xf32> -> vector<64x128xf32>
    %swap3A_1959 = arith.constant 163 : index
    %swap3A_1960 = arith.constant 0 : index
    %swap3A_1961 = arith.constant 0 : index
    %swap3A_1962 = vector.load %arg2[%swap3A_1959, %swap3A_1960, %swap3A_1961] : memref<200x64x128xf32, #tpu.memory_space<vmem>>, vector<1x64x128xf32>
    %swap3A_1963 = vector.shape_cast %swap3A_1962 : vector<1x64x128xf32> to vector<64x128xf32>
    %swap3A_1964 = vector.shape_cast %transpose3A_1958 : vector<64x128xf32> to vector<1x64x128xf32>
    tpu.vector_store %arg2[%swap3A_1959, %swap3A_1960, %swap3A_1961], %swap3A_1964 {strides = array<i32>} : memref<200x64x128xf32, #tpu.memory_space<vmem>>, vector<1x64x128xf32>,
    %get3A_1965 = arith.constant 0 : index
    %get3A_1966 = arith.constant 82 : index
    %get3A_1967 = arith.constant 0 : index
    %get3A_1968 = vector.load %arg1[%get3A_1965, %get3A_1966, %get3A_1967] : memref<128x100x128xf32, #tpu.memory_space<vmem>>, vector<128x1x64xf32>
    %get3A_1969 = vector.shape_cast %get3A_1968 : vector<128x1x64xf32> to vector<128x64xf32>
    %transpose3A_1970 = tpu.transpose %get3A_1969, [1, 0] : vector<128x64xf32> -> vector<64x128xf32>
    %swap3A_1971 = arith.constant 164 : index
    %swap3A_1972 = arith.constant 0 : index
    %swap3A_1973 = arith.constant 0 : index
    %swap3A_1974 = vector.load %arg2[%swap3A_1971, %swap3A_1972, %swap3A_1973] : memref<200x64x128xf32, #tpu.memory_space<vmem>>, vector<1x64x128xf32>
    %swap3A_1975 = vector.shape_cast %swap3A_1974 : vector<1x64x128xf32> to vector<64x128xf32>
    %swap3A_1976 = vector.shape_cast %transpose3A_1970 : vector<64x128xf32> to vector<1x64x128xf32>
    tpu.vector_store %arg2[%swap3A_1971, %swap3A_1972, %swap3A_1973], %swap3A_1976 {strides = array<i32>} : memref<200x64x128xf32, #tpu.memory_space<vmem>>, vector<1x64x128xf32>,
    %get3A_1977 = arith.constant 0 : index
    %get3A_1978 = arith.constant 82 : index
    %get3A_1979 = arith.constant 64 : index
    %get3A_1980 = vector.load %arg1[%get3A_1977, %get3A_1978, %get3A_1979] : memref<128x100x128xf32, #tpu.memory_space<vmem>>, vector<128x1x64xf32>
    %get3A_1981 = vector.shape_cast %get3A_1980 : vector<128x1x64xf32> to vector<128x64xf32>
    %transpose3A_1982 = tpu.transpose %get3A_1981, [1, 0] : vector<128x64xf32> -> vector<64x128xf32>
    %swap3A_1983 = arith.constant 165 : index
    %swap3A_1984 = arith.constant 0 : index
    %swap3A_1985 = arith.constant 0 : index
    %swap3A_1986 = vector.load %arg2[%swap3A_1983, %swap3A_1984, %swap3A_1985] : memref<200x64x128xf32, #tpu.memory_space<vmem>>, vector<1x64x128xf32>
    %swap3A_1987 = vector.shape_cast %swap3A_1986 : vector<1x64x128xf32> to vector<64x128xf32>
    %swap3A_1988 = vector.shape_cast %transpose3A_1982 : vector<64x128xf32> to vector<1x64x128xf32>
    tpu.vector_store %arg2[%swap3A_1983, %swap3A_1984, %swap3A_1985], %swap3A_1988 {strides = array<i32>} : memref<200x64x128xf32, #tpu.memory_space<vmem>>, vector<1x64x128xf32>,
    %get3A_1989 = arith.constant 0 : index
    %get3A_1990 = arith.constant 83 : index
    %get3A_1991 = arith.constant 0 : index
    %get3A_1992 = vector.load %arg1[%get3A_1989, %get3A_1990, %get3A_1991] : memref<128x100x128xf32, #tpu.memory_space<vmem>>, vector<128x1x64xf32>
    %get3A_1993 = vector.shape_cast %get3A_1992 : vector<128x1x64xf32> to vector<128x64xf32>
    %transpose3A_1994 = tpu.transpose %get3A_1993, [1, 0] : vector<128x64xf32> -> vector<64x128xf32>
    %swap3A_1995 = arith.constant 166 : index
    %swap3A_1996 = arith.constant 0 : index
    %swap3A_1997 = arith.constant 0 : index
    %swap3A_1998 = vector.load %arg2[%swap3A_1995, %swap3A_1996, %swap3A_1997] : memref<200x64x128xf32, #tpu.memory_space<vmem>>, vector<1x64x128xf32>
    %swap3A_1999 = vector.shape_cast %swap3A_1998 : vector<1x64x128xf32> to vector<64x128xf32>
    %swap3A_2000 = vector.shape_cast %transpose3A_1994 : vector<64x128xf32> to vector<1x64x128xf32>
    tpu.vector_store %arg2[%swap3A_1995, %swap3A_1996, %swap3A_1997], %swap3A_2000 {strides = array<i32>} : memref<200x64x128xf32, #tpu.memory_space<vmem>>, vector<1x64x128xf32>,
    %get3A_2001 = arith.constant 0 : index
    %get3A_2002 = arith.constant 83 : index
    %get3A_2003 = arith.constant 64 : index
    %get3A_2004 = vector.load %arg1[%get3A_2001, %get3A_2002, %get3A_2003] : memref<128x100x128xf32, #tpu.memory_space<vmem>>, vector<128x1x64xf32>
    %get3A_2005 = vector.shape_cast %get3A_2004 : vector<128x1x64xf32> to vector<128x64xf32>
    %transpose3A_2006 = tpu.transpose %get3A_2005, [1, 0] : vector<128x64xf32> -> vector<64x128xf32>
    %swap3A_2007 = arith.constant 167 : index
    %swap3A_2008 = arith.constant 0 : index
    %swap3A_2009 = arith.constant 0 : index
    %swap3A_2010 = vector.load %arg2[%swap3A_2007, %swap3A_2008, %swap3A_2009] : memref<200x64x128xf32, #tpu.memory_space<vmem>>, vector<1x64x128xf32>
    %swap3A_2011 = vector.shape_cast %swap3A_2010 : vector<1x64x128xf32> to vector<64x128xf32>
    %swap3A_2012 = vector.shape_cast %transpose3A_2006 : vector<64x128xf32> to vector<1x64x128xf32>
    tpu.vector_store %arg2[%swap3A_2007, %swap3A_2008, %swap3A_2009], %swap3A_2012 {strides = array<i32>} : memref<200x64x128xf32, #tpu.memory_space<vmem>>, vector<1x64x128xf32>,
    %get3A_2013 = arith.constant 0 : index
    %get3A_2014 = arith.constant 84 : index
    %get3A_2015 = arith.constant 0 : index
    %get3A_2016 = vector.load %arg1[%get3A_2013, %get3A_2014, %get3A_2015] : memref<128x100x128xf32, #tpu.memory_space<vmem>>, vector<128x1x64xf32>
    %get3A_2017 = vector.shape_cast %get3A_2016 : vector<128x1x64xf32> to vector<128x64xf32>
    %transpose3A_2018 = tpu.transpose %get3A_2017, [1, 0] : vector<128x64xf32> -> vector<64x128xf32>
    %swap3A_2019 = arith.constant 168 : index
    %swap3A_2020 = arith.constant 0 : index
    %swap3A_2021 = arith.constant 0 : index
    %swap3A_2022 = vector.load %arg2[%swap3A_2019, %swap3A_2020, %swap3A_2021] : memref<200x64x128xf32, #tpu.memory_space<vmem>>, vector<1x64x128xf32>
    %swap3A_2023 = vector.shape_cast %swap3A_2022 : vector<1x64x128xf32> to vector<64x128xf32>
    %swap3A_2024 = vector.shape_cast %transpose3A_2018 : vector<64x128xf32> to vector<1x64x128xf32>
    tpu.vector_store %arg2[%swap3A_2019, %swap3A_2020, %swap3A_2021], %swap3A_2024 {strides = array<i32>} : memref<200x64x128xf32, #tpu.memory_space<vmem>>, vector<1x64x128xf32>,
    %get3A_2025 = arith.constant 0 : index
    %get3A_2026 = arith.constant 84 : index
    %get3A_2027 = arith.constant 64 : index
    %get3A_2028 = vector.load %arg1[%get3A_2025, %get3A_2026, %get3A_2027] : memref<128x100x128xf32, #tpu.memory_space<vmem>>, vector<128x1x64xf32>
    %get3A_2029 = vector.shape_cast %get3A_2028 : vector<128x1x64xf32> to vector<128x64xf32>
    %transpose3A_2030 = tpu.transpose %get3A_2029, [1, 0] : vector<128x64xf32> -> vector<64x128xf32>
    %swap3A_2031 = arith.constant 169 : index
    %swap3A_2032 = arith.constant 0 : index
    %swap3A_2033 = arith.constant 0 : index
    %swap3A_2034 = vector.load %arg2[%swap3A_2031, %swap3A_2032, %swap3A_2033] : memref<200x64x128xf32, #tpu.memory_space<vmem>>, vector<1x64x128xf32>
    %swap3A_2035 = vector.shape_cast %swap3A_2034 : vector<1x64x128xf32> to vector<64x128xf32>
    %swap3A_2036 = vector.shape_cast %transpose3A_2030 : vector<64x128xf32> to vector<1x64x128xf32>
    tpu.vector_store %arg2[%swap3A_2031, %swap3A_2032, %swap3A_2033], %swap3A_2036 {strides = array<i32>} : memref<200x64x128xf32, #tpu.memory_space<vmem>>, vector<1x64x128xf32>,
    %get3A_2037 = arith.constant 0 : index
    %get3A_2038 = arith.constant 85 : index
    %get3A_2039 = arith.constant 0 : index
    %get3A_2040 = vector.load %arg1[%get3A_2037, %get3A_2038, %get3A_2039] : memref<128x100x128xf32, #tpu.memory_space<vmem>>, vector<128x1x64xf32>
    %get3A_2041 = vector.shape_cast %get3A_2040 : vector<128x1x64xf32> to vector<128x64xf32>
    %transpose3A_2042 = tpu.transpose %get3A_2041, [1, 0] : vector<128x64xf32> -> vector<64x128xf32>
    %swap3A_2043 = arith.constant 170 : index
    %swap3A_2044 = arith.constant 0 : index
    %swap3A_2045 = arith.constant 0 : index
    %swap3A_2046 = vector.load %arg2[%swap3A_2043, %swap3A_2044, %swap3A_2045] : memref<200x64x128xf32, #tpu.memory_space<vmem>>, vector<1x64x128xf32>
    %swap3A_2047 = vector.shape_cast %swap3A_2046 : vector<1x64x128xf32> to vector<64x128xf32>
    %swap3A_2048 = vector.shape_cast %transpose3A_2042 : vector<64x128xf32> to vector<1x64x128xf32>
    tpu.vector_store %arg2[%swap3A_2043, %swap3A_2044, %swap3A_2045], %swap3A_2048 {strides = array<i32>} : memref<200x64x128xf32, #tpu.memory_space<vmem>>, vector<1x64x128xf32>,
    %get3A_2049 = arith.constant 0 : index
    %get3A_2050 = arith.constant 85 : index
    %get3A_2051 = arith.constant 64 : index
    %get3A_2052 = vector.load %arg1[%get3A_2049, %get3A_2050, %get3A_2051] : memref<128x100x128xf32, #tpu.memory_space<vmem>>, vector<128x1x64xf32>
    %get3A_2053 = vector.shape_cast %get3A_2052 : vector<128x1x64xf32> to vector<128x64xf32>
    %transpose3A_2054 = tpu.transpose %get3A_2053, [1, 0] : vector<128x64xf32> -> vector<64x128xf32>
    %swap3A_2055 = arith.constant 171 : index
    %swap3A_2056 = arith.constant 0 : index
    %swap3A_2057 = arith.constant 0 : index
    %swap3A_2058 = vector.load %arg2[%swap3A_2055, %swap3A_2056, %swap3A_2057] : memref<200x64x128xf32, #tpu.memory_space<vmem>>, vector<1x64x128xf32>
    %swap3A_2059 = vector.shape_cast %swap3A_2058 : vector<1x64x128xf32> to vector<64x128xf32>
    %swap3A_2060 = vector.shape_cast %transpose3A_2054 : vector<64x128xf32> to vector<1x64x128xf32>
    tpu.vector_store %arg2[%swap3A_2055, %swap3A_2056, %swap3A_2057], %swap3A_2060 {strides = array<i32>} : memref<200x64x128xf32, #tpu.memory_space<vmem>>, vector<1x64x128xf32>,
    %get3A_2061 = arith.constant 0 : index
    %get3A_2062 = arith.constant 86 : index
    %get3A_2063 = arith.constant 0 : index
    %get3A_2064 = vector.load %arg1[%get3A_2061, %get3A_2062, %get3A_2063] : memref<128x100x128xf32, #tpu.memory_space<vmem>>, vector<128x1x64xf32>
    %get3A_2065 = vector.shape_cast %get3A_2064 : vector<128x1x64xf32> to vector<128x64xf32>
    %transpose3A_2066 = tpu.transpose %get3A_2065, [1, 0] : vector<128x64xf32> -> vector<64x128xf32>
    %swap3A_2067 = arith.constant 172 : index
    %swap3A_2068 = arith.constant 0 : index
    %swap3A_2069 = arith.constant 0 : index
    %swap3A_2070 = vector.load %arg2[%swap3A_2067, %swap3A_2068, %swap3A_2069] : memref<200x64x128xf32, #tpu.memory_space<vmem>>, vector<1x64x128xf32>
    %swap3A_2071 = vector.shape_cast %swap3A_2070 : vector<1x64x128xf32> to vector<64x128xf32>
    %swap3A_2072 = vector.shape_cast %transpose3A_2066 : vector<64x128xf32> to vector<1x64x128xf32>
    tpu.vector_store %arg2[%swap3A_2067, %swap3A_2068, %swap3A_2069], %swap3A_2072 {strides = array<i32>} : memref<200x64x128xf32, #tpu.memory_space<vmem>>, vector<1x64x128xf32>,
    %get3A_2073 = arith.constant 0 : index
    %get3A_2074 = arith.constant 86 : index
    %get3A_2075 = arith.constant 64 : index
    %get3A_2076 = vector.load %arg1[%get3A_2073, %get3A_2074, %get3A_2075] : memref<128x100x128xf32, #tpu.memory_space<vmem>>, vector<128x1x64xf32>
    %get3A_2077 = vector.shape_cast %get3A_2076 : vector<128x1x64xf32> to vector<128x64xf32>
    %transpose3A_2078 = tpu.transpose %get3A_2077, [1, 0] : vector<128x64xf32> -> vector<64x128xf32>
    %swap3A_2079 = arith.constant 173 : index
    %swap3A_2080 = arith.constant 0 : index
    %swap3A_2081 = arith.constant 0 : index
    %swap3A_2082 = vector.load %arg2[%swap3A_2079, %swap3A_2080, %swap3A_2081] : memref<200x64x128xf32, #tpu.memory_space<vmem>>, vector<1x64x128xf32>
    %swap3A_2083 = vector.shape_cast %swap3A_2082 : vector<1x64x128xf32> to vector<64x128xf32>
    %swap3A_2084 = vector.shape_cast %transpose3A_2078 : vector<64x128xf32> to vector<1x64x128xf32>
    tpu.vector_store %arg2[%swap3A_2079, %swap3A_2080, %swap3A_2081], %swap3A_2084 {strides = array<i32>} : memref<200x64x128xf32, #tpu.memory_space<vmem>>, vector<1x64x128xf32>,
    %get3A_2085 = arith.constant 0 : index
    %get3A_2086 = arith.constant 87 : index
    %get3A_2087 = arith.constant 0 : index
    %get3A_2088 = vector.load %arg1[%get3A_2085, %get3A_2086, %get3A_2087] : memref<128x100x128xf32, #tpu.memory_space<vmem>>, vector<128x1x64xf32>
    %get3A_2089 = vector.shape_cast %get3A_2088 : vector<128x1x64xf32> to vector<128x64xf32>
    %transpose3A_2090 = tpu.transpose %get3A_2089, [1, 0] : vector<128x64xf32> -> vector<64x128xf32>
    %swap3A_2091 = arith.constant 174 : index
    %swap3A_2092 = arith.constant 0 : index
    %swap3A_2093 = arith.constant 0 : index
    %swap3A_2094 = vector.load %arg2[%swap3A_2091, %swap3A_2092, %swap3A_2093] : memref<200x64x128xf32, #tpu.memory_space<vmem>>, vector<1x64x128xf32>
    %swap3A_2095 = vector.shape_cast %swap3A_2094 : vector<1x64x128xf32> to vector<64x128xf32>
    %swap3A_2096 = vector.shape_cast %transpose3A_2090 : vector<64x128xf32> to vector<1x64x128xf32>
    tpu.vector_store %arg2[%swap3A_2091, %swap3A_2092, %swap3A_2093], %swap3A_2096 {strides = array<i32>} : memref<200x64x128xf32, #tpu.memory_space<vmem>>, vector<1x64x128xf32>,
    %get3A_2097 = arith.constant 0 : index
    %get3A_2098 = arith.constant 87 : index
    %get3A_2099 = arith.constant 64 : index
    %get3A_2100 = vector.load %arg1[%get3A_2097, %get3A_2098, %get3A_2099] : memref<128x100x128xf32, #tpu.memory_space<vmem>>, vector<128x1x64xf32>
    %get3A_2101 = vector.shape_cast %get3A_2100 : vector<128x1x64xf32> to vector<128x64xf32>
    %transpose3A_2102 = tpu.transpose %get3A_2101, [1, 0] : vector<128x64xf32> -> vector<64x128xf32>
    %swap3A_2103 = arith.constant 175 : index
    %swap3A_2104 = arith.constant 0 : index
    %swap3A_2105 = arith.constant 0 : index
    %swap3A_2106 = vector.load %arg2[%swap3A_2103, %swap3A_2104, %swap3A_2105] : memref<200x64x128xf32, #tpu.memory_space<vmem>>, vector<1x64x128xf32>
    %swap3A_2107 = vector.shape_cast %swap3A_2106 : vector<1x64x128xf32> to vector<64x128xf32>
    %swap3A_2108 = vector.shape_cast %transpose3A_2102 : vector<64x128xf32> to vector<1x64x128xf32>
    tpu.vector_store %arg2[%swap3A_2103, %swap3A_2104, %swap3A_2105], %swap3A_2108 {strides = array<i32>} : memref<200x64x128xf32, #tpu.memory_space<vmem>>, vector<1x64x128xf32>,
    %get3A_2109 = arith.constant 0 : index
    %get3A_2110 = arith.constant 88 : index
    %get3A_2111 = arith.constant 0 : index
    %get3A_2112 = vector.load %arg1[%get3A_2109, %get3A_2110, %get3A_2111] : memref<128x100x128xf32, #tpu.memory_space<vmem>>, vector<128x1x64xf32>
    %get3A_2113 = vector.shape_cast %get3A_2112 : vector<128x1x64xf32> to vector<128x64xf32>
    %transpose3A_2114 = tpu.transpose %get3A_2113, [1, 0] : vector<128x64xf32> -> vector<64x128xf32>
    %swap3A_2115 = arith.constant 176 : index
    %swap3A_2116 = arith.constant 0 : index
    %swap3A_2117 = arith.constant 0 : index
    %swap3A_2118 = vector.load %arg2[%swap3A_2115, %swap3A_2116, %swap3A_2117] : memref<200x64x128xf32, #tpu.memory_space<vmem>>, vector<1x64x128xf32>
    %swap3A_2119 = vector.shape_cast %swap3A_2118 : vector<1x64x128xf32> to vector<64x128xf32>
    %swap3A_2120 = vector.shape_cast %transpose3A_2114 : vector<64x128xf32> to vector<1x64x128xf32>
    tpu.vector_store %arg2[%swap3A_2115, %swap3A_2116, %swap3A_2117], %swap3A_2120 {strides = array<i32>} : memref<200x64x128xf32, #tpu.memory_space<vmem>>, vector<1x64x128xf32>,
    %get3A_2121 = arith.constant 0 : index
    %get3A_2122 = arith.constant 88 : index
    %get3A_2123 = arith.constant 64 : index
    %get3A_2124 = vector.load %arg1[%get3A_2121, %get3A_2122, %get3A_2123] : memref<128x100x128xf32, #tpu.memory_space<vmem>>, vector<128x1x64xf32>
    %get3A_2125 = vector.shape_cast %get3A_2124 : vector<128x1x64xf32> to vector<128x64xf32>
    %transpose3A_2126 = tpu.transpose %get3A_2125, [1, 0] : vector<128x64xf32> -> vector<64x128xf32>
    %swap3A_2127 = arith.constant 177 : index
    %swap3A_2128 = arith.constant 0 : index
    %swap3A_2129 = arith.constant 0 : index
    %swap3A_2130 = vector.load %arg2[%swap3A_2127, %swap3A_2128, %swap3A_2129] : memref<200x64x128xf32, #tpu.memory_space<vmem>>, vector<1x64x128xf32>
    %swap3A_2131 = vector.shape_cast %swap3A_2130 : vector<1x64x128xf32> to vector<64x128xf32>
    %swap3A_2132 = vector.shape_cast %transpose3A_2126 : vector<64x128xf32> to vector<1x64x128xf32>
    tpu.vector_store %arg2[%swap3A_2127, %swap3A_2128, %swap3A_2129], %swap3A_2132 {strides = array<i32>} : memref<200x64x128xf32, #tpu.memory_space<vmem>>, vector<1x64x128xf32>,
    %get3A_2133 = arith.constant 0 : index
    %get3A_2134 = arith.constant 89 : index
    %get3A_2135 = arith.constant 0 : index
    %get3A_2136 = vector.load %arg1[%get3A_2133, %get3A_2134, %get3A_2135] : memref<128x100x128xf32, #tpu.memory_space<vmem>>, vector<128x1x64xf32>
    %get3A_2137 = vector.shape_cast %get3A_2136 : vector<128x1x64xf32> to vector<128x64xf32>
    %transpose3A_2138 = tpu.transpose %get3A_2137, [1, 0] : vector<128x64xf32> -> vector<64x128xf32>
    %swap3A_2139 = arith.constant 178 : index
    %swap3A_2140 = arith.constant 0 : index
    %swap3A_2141 = arith.constant 0 : index
    %swap3A_2142 = vector.load %arg2[%swap3A_2139, %swap3A_2140, %swap3A_2141] : memref<200x64x128xf32, #tpu.memory_space<vmem>>, vector<1x64x128xf32>
    %swap3A_2143 = vector.shape_cast %swap3A_2142 : vector<1x64x128xf32> to vector<64x128xf32>
    %swap3A_2144 = vector.shape_cast %transpose3A_2138 : vector<64x128xf32> to vector<1x64x128xf32>
    tpu.vector_store %arg2[%swap3A_2139, %swap3A_2140, %swap3A_2141], %swap3A_2144 {strides = array<i32>} : memref<200x64x128xf32, #tpu.memory_space<vmem>>, vector<1x64x128xf32>,
    %get3A_2145 = arith.constant 0 : index
    %get3A_2146 = arith.constant 89 : index
    %get3A_2147 = arith.constant 64 : index
    %get3A_2148 = vector.load %arg1[%get3A_2145, %get3A_2146, %get3A_2147] : memref<128x100x128xf32, #tpu.memory_space<vmem>>, vector<128x1x64xf32>
    %get3A_2149 = vector.shape_cast %get3A_2148 : vector<128x1x64xf32> to vector<128x64xf32>
    %transpose3A_2150 = tpu.transpose %get3A_2149, [1, 0] : vector<128x64xf32> -> vector<64x128xf32>
    %swap3A_2151 = arith.constant 179 : index
    %swap3A_2152 = arith.constant 0 : index
    %swap3A_2153 = arith.constant 0 : index
    %swap3A_2154 = vector.load %arg2[%swap3A_2151, %swap3A_2152, %swap3A_2153] : memref<200x64x128xf32, #tpu.memory_space<vmem>>, vector<1x64x128xf32>
    %swap3A_2155 = vector.shape_cast %swap3A_2154 : vector<1x64x128xf32> to vector<64x128xf32>
    %swap3A_2156 = vector.shape_cast %transpose3A_2150 : vector<64x128xf32> to vector<1x64x128xf32>
    tpu.vector_store %arg2[%swap3A_2151, %swap3A_2152, %swap3A_2153], %swap3A_2156 {strides = array<i32>} : memref<200x64x128xf32, #tpu.memory_space<vmem>>, vector<1x64x128xf32>,
    %get3A_2157 = arith.constant 0 : index
    %get3A_2158 = arith.constant 90 : index
    %get3A_2159 = arith.constant 0 : index
    %get3A_2160 = vector.load %arg1[%get3A_2157, %get3A_2158, %get3A_2159] : memref<128x100x128xf32, #tpu.memory_space<vmem>>, vector<128x1x64xf32>
    %get3A_2161 = vector.shape_cast %get3A_2160 : vector<128x1x64xf32> to vector<128x64xf32>
    %transpose3A_2162 = tpu.transpose %get3A_2161, [1, 0] : vector<128x64xf32> -> vector<64x128xf32>
    %swap3A_2163 = arith.constant 180 : index
    %swap3A_2164 = arith.constant 0 : index
    %swap3A_2165 = arith.constant 0 : index
    %swap3A_2166 = vector.load %arg2[%swap3A_2163, %swap3A_2164, %swap3A_2165] : memref<200x64x128xf32, #tpu.memory_space<vmem>>, vector<1x64x128xf32>
    %swap3A_2167 = vector.shape_cast %swap3A_2166 : vector<1x64x128xf32> to vector<64x128xf32>
    %swap3A_2168 = vector.shape_cast %transpose3A_2162 : vector<64x128xf32> to vector<1x64x128xf32>
    tpu.vector_store %arg2[%swap3A_2163, %swap3A_2164, %swap3A_2165], %swap3A_2168 {strides = array<i32>} : memref<200x64x128xf32, #tpu.memory_space<vmem>>, vector<1x64x128xf32>,
    %get3A_2169 = arith.constant 0 : index
    %get3A_2170 = arith.constant 90 : index
    %get3A_2171 = arith.constant 64 : index
    %get3A_2172 = vector.load %arg1[%get3A_2169, %get3A_2170, %get3A_2171] : memref<128x100x128xf32, #tpu.memory_space<vmem>>, vector<128x1x64xf32>
    %get3A_2173 = vector.shape_cast %get3A_2172 : vector<128x1x64xf32> to vector<128x64xf32>
    %transpose3A_2174 = tpu.transpose %get3A_2173, [1, 0] : vector<128x64xf32> -> vector<64x128xf32>
    %swap3A_2175 = arith.constant 181 : index
    %swap3A_2176 = arith.constant 0 : index
    %swap3A_2177 = arith.constant 0 : index
    %swap3A_2178 = vector.load %arg2[%swap3A_2175, %swap3A_2176, %swap3A_2177] : memref<200x64x128xf32, #tpu.memory_space<vmem>>, vector<1x64x128xf32>
    %swap3A_2179 = vector.shape_cast %swap3A_2178 : vector<1x64x128xf32> to vector<64x128xf32>
    %swap3A_2180 = vector.shape_cast %transpose3A_2174 : vector<64x128xf32> to vector<1x64x128xf32>
    tpu.vector_store %arg2[%swap3A_2175, %swap3A_2176, %swap3A_2177], %swap3A_2180 {strides = array<i32>} : memref<200x64x128xf32, #tpu.memory_space<vmem>>, vector<1x64x128xf32>,
    %get3A_2181 = arith.constant 0 : index
    %get3A_2182 = arith.constant 91 : index
    %get3A_2183 = arith.constant 0 : index
    %get3A_2184 = vector.load %arg1[%get3A_2181, %get3A_2182, %get3A_2183] : memref<128x100x128xf32, #tpu.memory_space<vmem>>, vector<128x1x64xf32>
    %get3A_2185 = vector.shape_cast %get3A_2184 : vector<128x1x64xf32> to vector<128x64xf32>
    %transpose3A_2186 = tpu.transpose %get3A_2185, [1, 0] : vector<128x64xf32> -> vector<64x128xf32>
    %swap3A_2187 = arith.constant 182 : index
    %swap3A_2188 = arith.constant 0 : index
    %swap3A_2189 = arith.constant 0 : index
    %swap3A_2190 = vector.load %arg2[%swap3A_2187, %swap3A_2188, %swap3A_2189] : memref<200x64x128xf32, #tpu.memory_space<vmem>>, vector<1x64x128xf32>
    %swap3A_2191 = vector.shape_cast %swap3A_2190 : vector<1x64x128xf32> to vector<64x128xf32>
    %swap3A_2192 = vector.shape_cast %transpose3A_2186 : vector<64x128xf32> to vector<1x64x128xf32>
    tpu.vector_store %arg2[%swap3A_2187, %swap3A_2188, %swap3A_2189], %swap3A_2192 {strides = array<i32>} : memref<200x64x128xf32, #tpu.memory_space<vmem>>, vector<1x64x128xf32>,
    %get3A_2193 = arith.constant 0 : index
    %get3A_2194 = arith.constant 91 : index
    %get3A_2195 = arith.constant 64 : index
    %get3A_2196 = vector.load %arg1[%get3A_2193, %get3A_2194, %get3A_2195] : memref<128x100x128xf32, #tpu.memory_space<vmem>>, vector<128x1x64xf32>
    %get3A_2197 = vector.shape_cast %get3A_2196 : vector<128x1x64xf32> to vector<128x64xf32>
    %transpose3A_2198 = tpu.transpose %get3A_2197, [1, 0] : vector<128x64xf32> -> vector<64x128xf32>
    %swap3A_2199 = arith.constant 183 : index
    %swap3A_2200 = arith.constant 0 : index
    %swap3A_2201 = arith.constant 0 : index
    %swap3A_2202 = vector.load %arg2[%swap3A_2199, %swap3A_2200, %swap3A_2201] : memref<200x64x128xf32, #tpu.memory_space<vmem>>, vector<1x64x128xf32>
    %swap3A_2203 = vector.shape_cast %swap3A_2202 : vector<1x64x128xf32> to vector<64x128xf32>
    %swap3A_2204 = vector.shape_cast %transpose3A_2198 : vector<64x128xf32> to vector<1x64x128xf32>
    tpu.vector_store %arg2[%swap3A_2199, %swap3A_2200, %swap3A_2201], %swap3A_2204 {strides = array<i32>} : memref<200x64x128xf32, #tpu.memory_space<vmem>>, vector<1x64x128xf32>,
    %get3A_2205 = arith.constant 0 : index
    %get3A_2206 = arith.constant 92 : index
    %get3A_2207 = arith.constant 0 : index
    %get3A_2208 = vector.load %arg1[%get3A_2205, %get3A_2206, %get3A_2207] : memref<128x100x128xf32, #tpu.memory_space<vmem>>, vector<128x1x64xf32>
    %get3A_2209 = vector.shape_cast %get3A_2208 : vector<128x1x64xf32> to vector<128x64xf32>
    %transpose3A_2210 = tpu.transpose %get3A_2209, [1, 0] : vector<128x64xf32> -> vector<64x128xf32>
    %swap3A_2211 = arith.constant 184 : index
    %swap3A_2212 = arith.constant 0 : index
    %swap3A_2213 = arith.constant 0 : index
    %swap3A_2214 = vector.load %arg2[%swap3A_2211, %swap3A_2212, %swap3A_2213] : memref<200x64x128xf32, #tpu.memory_space<vmem>>, vector<1x64x128xf32>
    %swap3A_2215 = vector.shape_cast %swap3A_2214 : vector<1x64x128xf32> to vector<64x128xf32>
    %swap3A_2216 = vector.shape_cast %transpose3A_2210 : vector<64x128xf32> to vector<1x64x128xf32>
    tpu.vector_store %arg2[%swap3A_2211, %swap3A_2212, %swap3A_2213], %swap3A_2216 {strides = array<i32>} : memref<200x64x128xf32, #tpu.memory_space<vmem>>, vector<1x64x128xf32>,
    %get3A_2217 = arith.constant 0 : index
    %get3A_2218 = arith.constant 92 : index
    %get3A_2219 = arith.constant 64 : index
    %get3A_2220 = vector.load %arg1[%get3A_2217, %get3A_2218, %get3A_2219] : memref<128x100x128xf32, #tpu.memory_space<vmem>>, vector<128x1x64xf32>
    %get3A_2221 = vector.shape_cast %get3A_2220 : vector<128x1x64xf32> to vector<128x64xf32>
    %transpose3A_2222 = tpu.transpose %get3A_2221, [1, 0] : vector<128x64xf32> -> vector<64x128xf32>
    %swap3A_2223 = arith.constant 185 : index
    %swap3A_2224 = arith.constant 0 : index
    %swap3A_2225 = arith.constant 0 : index
    %swap3A_2226 = vector.load %arg2[%swap3A_2223, %swap3A_2224, %swap3A_2225] : memref<200x64x128xf32, #tpu.memory_space<vmem>>, vector<1x64x128xf32>
    %swap3A_2227 = vector.shape_cast %swap3A_2226 : vector<1x64x128xf32> to vector<64x128xf32>
    %swap3A_2228 = vector.shape_cast %transpose3A_2222 : vector<64x128xf32> to vector<1x64x128xf32>
    tpu.vector_store %arg2[%swap3A_2223, %swap3A_2224, %swap3A_2225], %swap3A_2228 {strides = array<i32>} : memref<200x64x128xf32, #tpu.memory_space<vmem>>, vector<1x64x128xf32>,
    %get3A_2229 = arith.constant 0 : index
    %get3A_2230 = arith.constant 93 : index
    %get3A_2231 = arith.constant 0 : index
    %get3A_2232 = vector.load %arg1[%get3A_2229, %get3A_2230, %get3A_2231] : memref<128x100x128xf32, #tpu.memory_space<vmem>>, vector<128x1x64xf32>
    %get3A_2233 = vector.shape_cast %get3A_2232 : vector<128x1x64xf32> to vector<128x64xf32>
    %transpose3A_2234 = tpu.transpose %get3A_2233, [1, 0] : vector<128x64xf32> -> vector<64x128xf32>
    %swap3A_2235 = arith.constant 186 : index
    %swap3A_2236 = arith.constant 0 : index
    %swap3A_2237 = arith.constant 0 : index
    %swap3A_2238 = vector.load %arg2[%swap3A_2235, %swap3A_2236, %swap3A_2237] : memref<200x64x128xf32, #tpu.memory_space<vmem>>, vector<1x64x128xf32>
    %swap3A_2239 = vector.shape_cast %swap3A_2238 : vector<1x64x128xf32> to vector<64x128xf32>
    %swap3A_2240 = vector.shape_cast %transpose3A_2234 : vector<64x128xf32> to vector<1x64x128xf32>
    tpu.vector_store %arg2[%swap3A_2235, %swap3A_2236, %swap3A_2237], %swap3A_2240 {strides = array<i32>} : memref<200x64x128xf32, #tpu.memory_space<vmem>>, vector<1x64x128xf32>,
    %get3A_2241 = arith.constant 0 : index
    %get3A_2242 = arith.constant 93 : index
    %get3A_2243 = arith.constant 64 : index
    %get3A_2244 = vector.load %arg1[%get3A_2241, %get3A_2242, %get3A_2243] : memref<128x100x128xf32, #tpu.memory_space<vmem>>, vector<128x1x64xf32>
    %get3A_2245 = vector.shape_cast %get3A_2244 : vector<128x1x64xf32> to vector<128x64xf32>
    %transpose3A_2246 = tpu.transpose %get3A_2245, [1, 0] : vector<128x64xf32> -> vector<64x128xf32>
    %swap3A_2247 = arith.constant 187 : index
    %swap3A_2248 = arith.constant 0 : index
    %swap3A_2249 = arith.constant 0 : index
    %swap3A_2250 = vector.load %arg2[%swap3A_2247, %swap3A_2248, %swap3A_2249] : memref<200x64x128xf32, #tpu.memory_space<vmem>>, vector<1x64x128xf32>
    %swap3A_2251 = vector.shape_cast %swap3A_2250 : vector<1x64x128xf32> to vector<64x128xf32>
    %swap3A_2252 = vector.shape_cast %transpose3A_2246 : vector<64x128xf32> to vector<1x64x128xf32>
    tpu.vector_store %arg2[%swap3A_2247, %swap3A_2248, %swap3A_2249], %swap3A_2252 {strides = array<i32>} : memref<200x64x128xf32, #tpu.memory_space<vmem>>, vector<1x64x128xf32>,
    %get3A_2253 = arith.constant 0 : index
    %get3A_2254 = arith.constant 94 : index
    %get3A_2255 = arith.constant 0 : index
    %get3A_2256 = vector.load %arg1[%get3A_2253, %get3A_2254, %get3A_2255] : memref<128x100x128xf32, #tpu.memory_space<vmem>>, vector<128x1x64xf32>
    %get3A_2257 = vector.shape_cast %get3A_2256 : vector<128x1x64xf32> to vector<128x64xf32>
    %transpose3A_2258 = tpu.transpose %get3A_2257, [1, 0] : vector<128x64xf32> -> vector<64x128xf32>
    %swap3A_2259 = arith.constant 188 : index
    %swap3A_2260 = arith.constant 0 : index
    %swap3A_2261 = arith.constant 0 : index
    %swap3A_2262 = vector.load %arg2[%swap3A_2259, %swap3A_2260, %swap3A_2261] : memref<200x64x128xf32, #tpu.memory_space<vmem>>, vector<1x64x128xf32>
    %swap3A_2263 = vector.shape_cast %swap3A_2262 : vector<1x64x128xf32> to vector<64x128xf32>
    %swap3A_2264 = vector.shape_cast %transpose3A_2258 : vector<64x128xf32> to vector<1x64x128xf32>
    tpu.vector_store %arg2[%swap3A_2259, %swap3A_2260, %swap3A_2261], %swap3A_2264 {strides = array<i32>} : memref<200x64x128xf32, #tpu.memory_space<vmem>>, vector<1x64x128xf32>,
    %get3A_2265 = arith.constant 0 : index
    %get3A_2266 = arith.constant 94 : index
    %get3A_2267 = arith.constant 64 : index
    %get3A_2268 = vector.load %arg1[%get3A_2265, %get3A_2266, %get3A_2267] : memref<128x100x128xf32, #tpu.memory_space<vmem>>, vector<128x1x64xf32>
    %get3A_2269 = vector.shape_cast %get3A_2268 : vector<128x1x64xf32> to vector<128x64xf32>
    %transpose3A_2270 = tpu.transpose %get3A_2269, [1, 0] : vector<128x64xf32> -> vector<64x128xf32>
    %swap3A_2271 = arith.constant 189 : index
    %swap3A_2272 = arith.constant 0 : index
    %swap3A_2273 = arith.constant 0 : index
    %swap3A_2274 = vector.load %arg2[%swap3A_2271, %swap3A_2272, %swap3A_2273] : memref<200x64x128xf32, #tpu.memory_space<vmem>>, vector<1x64x128xf32>
    %swap3A_2275 = vector.shape_cast %swap3A_2274 : vector<1x64x128xf32> to vector<64x128xf32>
    %swap3A_2276 = vector.shape_cast %transpose3A_2270 : vector<64x128xf32> to vector<1x64x128xf32>
    tpu.vector_store %arg2[%swap3A_2271, %swap3A_2272, %swap3A_2273], %swap3A_2276 {strides = array<i32>} : memref<200x64x128xf32, #tpu.memory_space<vmem>>, vector<1x64x128xf32>,
    %get3A_2277 = arith.constant 0 : index
    %get3A_2278 = arith.constant 95 : index
    %get3A_2279 = arith.constant 0 : index
    %get3A_2280 = vector.load %arg1[%get3A_2277, %get3A_2278, %get3A_2279] : memref<128x100x128xf32, #tpu.memory_space<vmem>>, vector<128x1x64xf32>
    %get3A_2281 = vector.shape_cast %get3A_2280 : vector<128x1x64xf32> to vector<128x64xf32>
    %transpose3A_2282 = tpu.transpose %get3A_2281, [1, 0] : vector<128x64xf32> -> vector<64x128xf32>
    %swap3A_2283 = arith.constant 190 : index
    %swap3A_2284 = arith.constant 0 : index
    %swap3A_2285 = arith.constant 0 : index
    %swap3A_2286 = vector.load %arg2[%swap3A_2283, %swap3A_2284, %swap3A_2285] : memref<200x64x128xf32, #tpu.memory_space<vmem>>, vector<1x64x128xf32>
    %swap3A_2287 = vector.shape_cast %swap3A_2286 : vector<1x64x128xf32> to vector<64x128xf32>
    %swap3A_2288 = vector.shape_cast %transpose3A_2282 : vector<64x128xf32> to vector<1x64x128xf32>
    tpu.vector_store %arg2[%swap3A_2283, %swap3A_2284, %swap3A_2285], %swap3A_2288 {strides = array<i32>} : memref<200x64x128xf32, #tpu.memory_space<vmem>>, vector<1x64x128xf32>,
    %get3A_2289 = arith.constant 0 : index
    %get3A_2290 = arith.constant 95 : index
    %get3A_2291 = arith.constant 64 : index
    %get3A_2292 = vector.load %arg1[%get3A_2289, %get3A_2290, %get3A_2291] : memref<128x100x128xf32, #tpu.memory_space<vmem>>, vector<128x1x64xf32>
    %get3A_2293 = vector.shape_cast %get3A_2292 : vector<128x1x64xf32> to vector<128x64xf32>
    %transpose3A_2294 = tpu.transpose %get3A_2293, [1, 0] : vector<128x64xf32> -> vector<64x128xf32>
    %swap3A_2295 = arith.constant 191 : index
    %swap3A_2296 = arith.constant 0 : index
    %swap3A_2297 = arith.constant 0 : index
    %swap3A_2298 = vector.load %arg2[%swap3A_2295, %swap3A_2296, %swap3A_2297] : memref<200x64x128xf32, #tpu.memory_space<vmem>>, vector<1x64x128xf32>
    %swap3A_2299 = vector.shape_cast %swap3A_2298 : vector<1x64x128xf32> to vector<64x128xf32>
    %swap3A_2300 = vector.shape_cast %transpose3A_2294 : vector<64x128xf32> to vector<1x64x128xf32>
    tpu.vector_store %arg2[%swap3A_2295, %swap3A_2296, %swap3A_2297], %swap3A_2300 {strides = array<i32>} : memref<200x64x128xf32, #tpu.memory_space<vmem>>, vector<1x64x128xf32>,
    %get3A_2301 = arith.constant 0 : index
    %get3A_2302 = arith.constant 96 : index
    %get3A_2303 = arith.constant 0 : index
    %get3A_2304 = vector.load %arg1[%get3A_2301, %get3A_2302, %get3A_2303] : memref<128x100x128xf32, #tpu.memory_space<vmem>>, vector<128x1x64xf32>
    %get3A_2305 = vector.shape_cast %get3A_2304 : vector<128x1x64xf32> to vector<128x64xf32>
    %transpose3A_2306 = tpu.transpose %get3A_2305, [1, 0] : vector<128x64xf32> -> vector<64x128xf32>
    %swap3A_2307 = arith.constant 192 : index
    %swap3A_2308 = arith.constant 0 : index
    %swap3A_2309 = arith.constant 0 : index
    %swap3A_2310 = vector.load %arg2[%swap3A_2307, %swap3A_2308, %swap3A_2309] : memref<200x64x128xf32, #tpu.memory_space<vmem>>, vector<1x64x128xf32>
    %swap3A_2311 = vector.shape_cast %swap3A_2310 : vector<1x64x128xf32> to vector<64x128xf32>
    %swap3A_2312 = vector.shape_cast %transpose3A_2306 : vector<64x128xf32> to vector<1x64x128xf32>
    tpu.vector_store %arg2[%swap3A_2307, %swap3A_2308, %swap3A_2309], %swap3A_2312 {strides = array<i32>} : memref<200x64x128xf32, #tpu.memory_space<vmem>>, vector<1x64x128xf32>,
    %get3A_2313 = arith.constant 0 : index
    %get3A_2314 = arith.constant 96 : index
    %get3A_2315 = arith.constant 64 : index
    %get3A_2316 = vector.load %arg1[%get3A_2313, %get3A_2314, %get3A_2315] : memref<128x100x128xf32, #tpu.memory_space<vmem>>, vector<128x1x64xf32>
    %get3A_2317 = vector.shape_cast %get3A_2316 : vector<128x1x64xf32> to vector<128x64xf32>
    %transpose3A_2318 = tpu.transpose %get3A_2317, [1, 0] : vector<128x64xf32> -> vector<64x128xf32>
    %swap3A_2319 = arith.constant 193 : index
    %swap3A_2320 = arith.constant 0 : index
    %swap3A_2321 = arith.constant 0 : index
    %swap3A_2322 = vector.load %arg2[%swap3A_2319, %swap3A_2320, %swap3A_2321] : memref<200x64x128xf32, #tpu.memory_space<vmem>>, vector<1x64x128xf32>
    %swap3A_2323 = vector.shape_cast %swap3A_2322 : vector<1x64x128xf32> to vector<64x128xf32>
    %swap3A_2324 = vector.shape_cast %transpose3A_2318 : vector<64x128xf32> to vector<1x64x128xf32>
    tpu.vector_store %arg2[%swap3A_2319, %swap3A_2320, %swap3A_2321], %swap3A_2324 {strides = array<i32>} : memref<200x64x128xf32, #tpu.memory_space<vmem>>, vector<1x64x128xf32>,
    %get3A_2325 = arith.constant 0 : index
    %get3A_2326 = arith.constant 97 : index
    %get3A_2327 = arith.constant 0 : index
    %get3A_2328 = vector.load %arg1[%get3A_2325, %get3A_2326, %get3A_2327] : memref<128x100x128xf32, #tpu.memory_space<vmem>>, vector<128x1x64xf32>
    %get3A_2329 = vector.shape_cast %get3A_2328 : vector<128x1x64xf32> to vector<128x64xf32>
    %transpose3A_2330 = tpu.transpose %get3A_2329, [1, 0] : vector<128x64xf32> -> vector<64x128xf32>
    %swap3A_2331 = arith.constant 194 : index
    %swap3A_2332 = arith.constant 0 : index
    %swap3A_2333 = arith.constant 0 : index
    %swap3A_2334 = vector.load %arg2[%swap3A_2331, %swap3A_2332, %swap3A_2333] : memref<200x64x128xf32, #tpu.memory_space<vmem>>, vector<1x64x128xf32>
    %swap3A_2335 = vector.shape_cast %swap3A_2334 : vector<1x64x128xf32> to vector<64x128xf32>
    %swap3A_2336 = vector.shape_cast %transpose3A_2330 : vector<64x128xf32> to vector<1x64x128xf32>
    tpu.vector_store %arg2[%swap3A_2331, %swap3A_2332, %swap3A_2333], %swap3A_2336 {strides = array<i32>} : memref<200x64x128xf32, #tpu.memory_space<vmem>>, vector<1x64x128xf32>,
    %get3A_2337 = arith.constant 0 : index
    %get3A_2338 = arith.constant 97 : index
    %get3A_2339 = arith.constant 64 : index
    %get3A_2340 = vector.load %arg1[%get3A_2337, %get3A_2338, %get3A_2339] : memref<128x100x128xf32, #tpu.memory_space<vmem>>, vector<128x1x64xf32>
    %get3A_2341 = vector.shape_cast %get3A_2340 : vector<128x1x64xf32> to vector<128x64xf32>
    %transpose3A_2342 = tpu.transpose %get3A_2341, [1, 0] : vector<128x64xf32> -> vector<64x128xf32>
    %swap3A_2343 = arith.constant 195 : index
    %swap3A_2344 = arith.constant 0 : index
    %swap3A_2345 = arith.constant 0 : index
    %swap3A_2346 = vector.load %arg2[%swap3A_2343, %swap3A_2344, %swap3A_2345] : memref<200x64x128xf32, #tpu.memory_space<vmem>>, vector<1x64x128xf32>
    %swap3A_2347 = vector.shape_cast %swap3A_2346 : vector<1x64x128xf32> to vector<64x128xf32>
    %swap3A_2348 = vector.shape_cast %transpose3A_2342 : vector<64x128xf32> to vector<1x64x128xf32>
    tpu.vector_store %arg2[%swap3A_2343, %swap3A_2344, %swap3A_2345], %swap3A_2348 {strides = array<i32>} : memref<200x64x128xf32, #tpu.memory_space<vmem>>, vector<1x64x128xf32>,
    %get3A_2349 = arith.constant 0 : index
    %get3A_2350 = arith.constant 98 : index
    %get3A_2351 = arith.constant 0 : index
    %get3A_2352 = vector.load %arg1[%get3A_2349, %get3A_2350, %get3A_2351] : memref<128x100x128xf32, #tpu.memory_space<vmem>>, vector<128x1x64xf32>
    %get3A_2353 = vector.shape_cast %get3A_2352 : vector<128x1x64xf32> to vector<128x64xf32>
    %transpose3A_2354 = tpu.transpose %get3A_2353, [1, 0] : vector<128x64xf32> -> vector<64x128xf32>
    %swap3A_2355 = arith.constant 196 : index
    %swap3A_2356 = arith.constant 0 : index
    %swap3A_2357 = arith.constant 0 : index
    %swap3A_2358 = vector.load %arg2[%swap3A_2355, %swap3A_2356, %swap3A_2357] : memref<200x64x128xf32, #tpu.memory_space<vmem>>, vector<1x64x128xf32>
    %swap3A_2359 = vector.shape_cast %swap3A_2358 : vector<1x64x128xf32> to vector<64x128xf32>
    %swap3A_2360 = vector.shape_cast %transpose3A_2354 : vector<64x128xf32> to vector<1x64x128xf32>
    tpu.vector_store %arg2[%swap3A_2355, %swap3A_2356, %swap3A_2357], %swap3A_2360 {strides = array<i32>} : memref<200x64x128xf32, #tpu.memory_space<vmem>>, vector<1x64x128xf32>,
    %get3A_2361 = arith.constant 0 : index
    %get3A_2362 = arith.constant 98 : index
    %get3A_2363 = arith.constant 64 : index
    %get3A_2364 = vector.load %arg1[%get3A_2361, %get3A_2362, %get3A_2363] : memref<128x100x128xf32, #tpu.memory_space<vmem>>, vector<128x1x64xf32>
    %get3A_2365 = vector.shape_cast %get3A_2364 : vector<128x1x64xf32> to vector<128x64xf32>
    %transpose3A_2366 = tpu.transpose %get3A_2365, [1, 0] : vector<128x64xf32> -> vector<64x128xf32>
    %swap3A_2367 = arith.constant 197 : index
    %swap3A_2368 = arith.constant 0 : index
    %swap3A_2369 = arith.constant 0 : index
    %swap3A_2370 = vector.load %arg2[%swap3A_2367, %swap3A_2368, %swap3A_2369] : memref<200x64x128xf32, #tpu.memory_space<vmem>>, vector<1x64x128xf32>
    %swap3A_2371 = vector.shape_cast %swap3A_2370 : vector<1x64x128xf32> to vector<64x128xf32>
    %swap3A_2372 = vector.shape_cast %transpose3A_2366 : vector<64x128xf32> to vector<1x64x128xf32>
    tpu.vector_store %arg2[%swap3A_2367, %swap3A_2368, %swap3A_2369], %swap3A_2372 {strides = array<i32>} : memref<200x64x128xf32, #tpu.memory_space<vmem>>, vector<1x64x128xf32>,
    %get3A_2373 = arith.constant 0 : index
    %get3A_2374 = arith.constant 99 : index
    %get3A_2375 = arith.constant 0 : index
    %get3A_2376 = vector.load %arg1[%get3A_2373, %get3A_2374, %get3A_2375] : memref<128x100x128xf32, #tpu.memory_space<vmem>>, vector<128x1x64xf32>
    %get3A_2377 = vector.shape_cast %get3A_2376 : vector<128x1x64xf32> to vector<128x64xf32>
    %transpose3A_2378 = tpu.transpose %get3A_2377, [1, 0] : vector<128x64xf32> -> vector<64x128xf32>
    %swap3A_2379 = arith.constant 198 : index
    %swap3A_2380 = arith.constant 0 : index
    %swap3A_2381 = arith.constant 0 : index
    %swap3A_2382 = vector.load %arg2[%swap3A_2379, %swap3A_2380, %swap3A_2381] : memref<200x64x128xf32, #tpu.memory_space<vmem>>, vector<1x64x128xf32>
    %swap3A_2383 = vector.shape_cast %swap3A_2382 : vector<1x64x128xf32> to vector<64x128xf32>
    %swap3A_2384 = vector.shape_cast %transpose3A_2378 : vector<64x128xf32> to vector<1x64x128xf32>
    tpu.vector_store %arg2[%swap3A_2379, %swap3A_2380, %swap3A_2381], %swap3A_2384 {strides = array<i32>} : memref<200x64x128xf32, #tpu.memory_space<vmem>>, vector<1x64x128xf32>,
    %get3A_2385 = arith.constant 0 : index
    %get3A_2386 = arith.constant 99 : index
    %get3A_2387 = arith.constant 64 : index
    %get3A_2388 = vector.load %arg1[%get3A_2385, %get3A_2386, %get3A_2387] : memref<128x100x128xf32, #tpu.memory_space<vmem>>, vector<128x1x64xf32>
    %get3A_2389 = vector.shape_cast %get3A_2388 : vector<128x1x64xf32> to vector<128x64xf32>
    %transpose3A_2390 = tpu.transpose %get3A_2389, [1, 0] : vector<128x64xf32> -> vector<64x128xf32>
    %swap3A_2391 = arith.constant 199 : index
    %swap3A_2392 = arith.constant 0 : index
    %swap3A_2393 = arith.constant 0 : index
    %swap3A_2394 = vector.load %arg2[%swap3A_2391, %swap3A_2392, %swap3A_2393] : memref<200x64x128xf32, #tpu.memory_space<vmem>>, vector<1x64x128xf32>
    %swap3A_2395 = vector.shape_cast %swap3A_2394 : vector<1x64x128xf32> to vector<64x128xf32>
    %swap3A_2396 = vector.shape_cast %transpose3A_2390 : vector<64x128xf32> to vector<1x64x128xf32>
    tpu.vector_store %arg2[%swap3A_2391, %swap3A_2392, %swap3A_2393], %swap3A_2396 {strides = array<i32>} : memref<200x64x128xf32, #tpu.memory_space<vmem>>, vector<1x64x128xf32>,
    return
  }
  func.func @transform_0(%arg0: i32) -> (i32, i32, i32) {
    %c0_i32 = arith.constant 0 : i32
    %c0_i32_0 = arith.constant 0 : i32
    %c0_i32_1 = arith.constant 0 : i32
    return %arg0, %c0_i32, %c0_i32_0 : i32, i32, i32
  }
  func.func @transform_1(%arg0: i32) -> (i32, i32, i32) {
    %c0_i32 = arith.constant 0 : i32
    %c0_i32_0 = arith.constant 0 : i32
    %c0_i32_1 = arith.constant 0 : i32
    return %c0_i32, %c0_i32_0, %arg0 : i32, i32, i32
  }
}

</mosaic_0001>

<sc_bundles>
// kernel: kernel.4.cloned.1.call-start
scs
__scs_entry_jumppad:
0x0: {  	(pc) =	sbr.rel $0x88, $3  }
0x1: {  	(tag) =	ssettag $0x0;
	lr =	simm.s32 $0x1  }
0x2: {  	[smem:$0x3F9F] =	sst lr;
	_ =	strace $0xD0000000  }
0x3: {  	_ = 	snop  }
0x4: {  	_ = 	snop  }
0x5: {  	_ = 	snop  }
0x6: {  	_ = 	snop  }
0x7: {  	_ = 	snop  }
__scs_overlays_trampoline_lowered:
0x8: {  	[smem:$0x3FAE] =	sst s0  }
0x9: {  	[smem:$0x3FAF] =	sst s1  }
0xa: {  	[smem:$0x3FB0] =	sst s2  }
0xb: {  	[smem:$0x3FB1] =	sst s3  }
0xc: {  	[smem:$0x3FB2] =	sst s4  }
0xd: {  	[smem:$0x3FB3] =	sst s5  }
0xe: {  	[smem:$0x3FB4] =	sst s6  }
0xf: {  	[smem:$0x3FB5] =	sst s7  }
0x10: {  	[smem:$0x3FB6] =	sst s8  }
0x11: {  	[smem:$0x3FB7] =	sst s9;
	s0 =	simm.s32 @!p0 $0x0  }
0x12: {  	s1 =	sld [smem:$0x3F9D];
	s0 =	simm.s32 @p0 $0x1  }
0x13: {  	[smem:$0x3FB8] =	sst s0;
	s0 =	simm.s32 @!p1 $0x0  }
0x14: {  	s2 =	sld [smem:$0x3F9C];
	s0 =	simm.s32 @p1 $0x1  }
0x15: {  	[smem:$0x3FB9] =	sst s0;
	s0 =	simm.s32 @!p2 $0x0  }
0x16: {  	s3 =	sld [smem:$0x3FDB];
	s0 =	simm.s32 @p2 $0x1  }
0x17: {  	s4 =	simm.s32 $0x1BF5;
	[smem:$0x3FBB] =	sst s0  }
0x18: {  	s0 =	sld [smem:$0x3F9E];
	_ =	swait.ge [sflag:s4], $0x0  }
0x19: {  	s7 =	sld [smem:$0x3F9F]  }
0x1a: {  	s8 =	sadd.s32 $0xFFFFE003, lr  }
0x1b: {  	s9 =	sadd.s32 $0xFFFFFEF7, lr;
	s5 =	simm.s32 $0xFFFFFFFF;
	p2 =	slt.u32 s8, $0xFFFFF086  }
0x1c: {  	p1 =	slt.u32 s9, $0xF7A;
	s5 =	simm.s32 @!p2 $0x0  }
0x1d: {  	s5 =	simm.s32 @p1 $0x1;
	p0 =	seq.s32 s7, s2  }
0x1e: {  	s7 =	smul.u32 @!p0 $0xF7A, s2;
	p2 =	seq.s32 @!p0 s5, $0x0  }
0x1f: {  	s9 =	smul.u32 $0xF7A, s1;
	s8 =	simm.s32 @!p0 $0x1BF5;
	p2 =	por !p2, p0  }
0x20: {  	[sflag:s8] =	ssyncset.s32 @!p0 $0xFFFFF086;
	s6 =	sadd.s32 @!p0 s3, s7;
	s7 =	simm.s32 @!p0 $0x108  }
0x21: {  	s3 =	sadd.s32 s3, s9;
	s6 =	sadd.s32 @!p0 $0x88, s6;
	s7 =	simm.s32 @p2 $0x1082  }
0x22: {  	[simem:s7], [sflag:s8] =	dma.local @!p0 [hbm:s6], $0xF7A  }
0x23: {  	s9 =	sor.u32 $0xD0000000, s2;
	s6 =	simm.s32 $0x108;
	_ =	swait.ge @!p0 [sflag:s8], $0x0  }
0x24: {  	s3 =	sadd.s32 $0x88, s3;
	s6 =	simm.s32 @!p1 $0x1082;
	[sflag:s4] =	ssyncset.s32 $0xFFFFF086  }
0x25: {  	[simem:s6], [sflag:s4] =	dma.local [hbm:s3], $0xF7A  }
0x26: {  	[smem:$0x3F9F] =	sst s1;
	(tag) =	ssettag s2;
	_ =	strace s9  }
0x27: {  	s1 =	sld [smem:$0x3FAF]  }
0x28: {  	s2 =	sld [smem:$0x3FB0]  }
0x29: {  	s4 =	sld [smem:$0x3FB2]  }
0x2a: {  	p0 =	seq.s32 s5, $0x0;
	s5 =	sld [smem:$0x3FB3]  }
0x2b: {  	s6 =	sld [smem:$0x3FB4]  }
0x2c: {  	s7 =	sld [smem:$0x3FB5]  }
0x2d: {  	s3 =	simm.s32 $0x108;
	s8 =	sld [smem:$0x3FB6]  }
0x2e: {  	s3 =	simm.s32 @!p0 $0x1082;
	s9 =	sld [smem:$0x3FB7]  }
0x2f: {  	lr =	sadd.s32 s0, s3;
	s0 =	sld [smem:$0x3FAE]  }
0x30: {  	s3 =	sld [smem:$0x3FB1]  }
0x31: {  	[smem:$0x3FBA] =	sst s10  }
0x32: {  	s10 =	sld [smem:$0x3FB8];
	_ =	sdelay $0x3  }
0x33: {  	p0 =	seq.s32 s10, $0x1;
	s10 =	sld [smem:$0x3FBA];
	_ =	sdelay $0x3  }
0x34: {  	[smem:$0x3FBA] =	sst s10  }
0x35: {  	s10 =	sld [smem:$0x3FB9];
	_ =	sdelay $0x3  }
0x36: {  	p1 =	seq.s32 s10, $0x1;
	s10 =	sld [smem:$0x3FBA];
	_ =	sdelay $0x3  }
0x37: {  	[smem:$0x3FBA] =	sst s10  }
0x38: {  	s10 =	sld [smem:$0x3FBB]  }
0x39: {  	_ = 	snop;
	(pc) =	sbr.ind lr, $3  }
0x3a: {  	_ = 	snop  }
0x3b: {  	_ = 	snop  }
0x3c: {  	p2 =	seq.s32 s10, $0x1;
	s10 =	sld [smem:$0x3FBA]  }
0x3d: {  	_ =	shalt  }
0x3e: {  	_ =	shalt  }
0x3f: {  	_ =	shalt  }
0x40: {  	_ =	shalt  }
0x41: {  	_ =	shalt  }
0x42: {  	_ =	shalt  }
0x43: {  	_ =	shalt  }
0x44: {  	_ =	shalt  }
0x45: {  	_ =	shalt  }
0x46: {  	_ =	shalt  }
0x47: {  	_ =	shalt  }
0x48: {  	_ =	shalt  }
0x49: {  	_ =	shalt  }
0x4a: {  	_ =	shalt  }
0x4b: {  	_ =	shalt  }
0x4c: {  	_ =	shalt  }
0x4d: {  	_ =	shalt  }
0x4e: {  	_ =	shalt  }
0x4f: {  	_ =	shalt  }
0x50: {  	_ =	shalt  }
0x51: {  	_ =	shalt  }
0x52: {  	_ =	shalt  }
0x53: {  	_ =	shalt  }
0x54: {  	_ =	shalt  }
0x55: {  	_ =	shalt  }
0x56: {  	_ =	shalt  }
0x57: {  	_ =	shalt  }
0x58: {  	_ =	shalt  }
0x59: {  	_ =	shalt  }
0x5a: {  	_ =	shalt  }
0x5b: {  	_ =	shalt  }
0x5c: {  	_ =	shalt  }
0x5d: {  	_ =	shalt  }
0x5e: {  	_ =	shalt  }
0x5f: {  	_ =	shalt  }
0x60: {  	_ =	shalt  }
0x61: {  	_ =	shalt  }
0x62: {  	_ =	shalt  }
0x63: {  	_ =	shalt  }
0x64: {  	_ =	shalt  }
0x65: {  	_ =	shalt  }
0x66: {  	_ =	shalt  }
0x67: {  	_ =	shalt  }
0x68: {  	_ =	shalt  }
0x69: {  	_ =	shalt  }
0x6a: {  	_ =	shalt  }
0x6b: {  	_ =	shalt  }
0x6c: {  	_ =	shalt  }
0x6d: {  	_ =	shalt  }
0x6e: {  	_ =	shalt  }
0x6f: {  	_ =	shalt  }
0x70: {  	_ =	shalt  }
0x71: {  	_ =	shalt  }
0x72: {  	_ =	shalt  }
0x73: {  	_ =	shalt  }
0x74: {  	_ =	shalt  }
0x75: {  	_ =	shalt  }
0x76: {  	_ =	shalt  }
0x77: {  	_ =	shalt  }
0x78: {  	_ =	shalt  }
0x79: {  	_ =	shalt  }
0x7a: {  	_ =	shalt  }
0x7b: {  	_ =	shalt  }
0x7c: {  	_ =	shalt  }
0x7d: {  	_ =	shalt  }
0x7e: {  	_ =	shalt  }
0x7f: {  	_ =	shalt  }
0x80: {  	_ =	shalt  }
0x81: {  	_ =	shalt  }
0x82: {  	_ =	shalt  }
0x83: {  	_ =	shalt  }
0x84: {  	_ =	shalt  }
0x85: {  	_ =	shalt  }
0x86: {  	_ =	shalt  }
0x87: {  	_ =	shalt  }
.Lfunc_end0:
.L_simem_size_0:
called_computation_lowered:
.L_overlay_start_0:
0x88: {  	s2 =	sld [smem:$0x3FD9]  }
0x89: {  	s3 =	sld [smem:$0x3FFE];
	_ =	sdelay $0x1  }
0x8a: {  	s1 =	srdreg.scid  }
0x8b: {  	s0 =	sand.u32 $0x1, s1  }
0x8c: {  	s17 =	sshll.u32 s0, $0xA;
	s2 =	sadd.s32 s3, s2  }
0x8d: {  	s2 =	sadd.s32 s2, s17  }
0x8e: {  	[smem:$0x3FC6] =	sst s2  }
0x8f: {  	_ = 	snop  }
0x90: {  	s2 =	sld [smem:$0x3FD0];
	(tm) =	ssettm $0x1  }
0x91: {  	s18 =	sld [smem:$0x3FFB];
	_ =	sdelay $0x3  }
0x92: {  	_ =	strace s18  }
0x93: {  	s3 =	sld [smem:$0x3FFC];
	_ =	sdelay $0x3  }
0x94: {  	_ =	strace s3  }
0x95: {  	s3 =	sld [smem:$0x3FFD];
	_ =	sdelay $0x3  }
0x96: {  	_ =	strace s3  }
0x97: {  	_ =	strace $0x8FFFFFFF  }
0x98: {  	s19 =	sld [smem:$0x3FDB];
	_ =	sdelay $0x1  }
0x99: {  	s4 =	simm.s32 $_scs_section_size  }
0x9a: {  	s5 =	simm.s32 $_size__tile_overlayer_lowered;
	s6 =	simm.s32 $_tile_overlayer_lowered  }
0x9b: {  	s22 =	simm.s32 $0x1BFF;
	s21 =	sshll.u32 s6, $0x1;
	s3 =	sadd.s32 s4, s19  }
0x9c: {  	s7 =	simm.s32 $0x0;
	s20 =	sshll.u32 s5, $0x1;
	s5 =	sadd.s32 s21, s3  }
0x9d: {  	[timem:s7], [sflag:s22] =	dma.local [hbm:s5], s20  }
0x9e: {  	_ =	swait.ge [sflag:s22], s20  }
0x9f: {  	s4 =	ssub.s32 $0x0, s20;
	[sflag:s22] =	ssyncset.done $0x0  }
0xa0: {  	[sflag:s22] =	ssyncadd.s32 s4;
	_ =	sdelay $0x1  }
0xa1: {  	s23 =	simm.s32 $0x1B8B  }
0xa2: {  	_ =	swait.ge [sflag:s23], $0x1  }
0xa3: {  	[sflag:s23] =	ssyncset.done $0x0  }
0xa4: {  	s25 =	simm.s32 $0x1B8E;
	s24 =	sld [smem:$0x3FFE];
	[sflag:s23] =	ssyncadd.s32 $0xFFFFFFFF  }
0xa5: {  	s26 =	simm.s32 $execute0_lowered;
	[smem:$0x3FD2] =	sst s25  }
0xa6: {  	s5 =	sshll.u32 s26, $0x1;
	_ =	strace $0x80000046;
	[dreg:$0x1] =	wrdreg $0xFFFFFFFF  }
0xa7: {  	s28 =	simm.s32 $_size_execute0_lowered;
	s3 =	sadd.s32 s3, s5;
	[dreg:$0x0] =	wrdreg $0x0  }
0xa8: {  	s5 =	sshll.u32 s28, $0x1;
	[dreg:$0x2] =	wrdreg s3  }
0xa9: {  	[dreg:$0x3] =	wrdreg s5  }
0xaa: {  	[dreg:$0x4] =	wrdreg $0xC0  }
0xab: {  	_ =	task [dreg:s7], $0x5FFFF  }
0xac: {  	[dreg:$0x1] =	wrdreg $0xFFFFFFFF  }
0xad: {  	[dreg:$0x0] =	wrdreg $0x60  }
0xae: {  	[dreg:$0x2] =	wrdreg s24  }
0xaf: {  	[dreg:$0x3] =	wrdreg s2  }
0xb0: {  	[dreg:$0x4] =	wrdreg $0x9  }
0xb1: {  	_ =	task.clear_ibuf [dreg:s7], $0x5FFFF;
	_ =	strace $0x90000046  }
0xb2: {  	s29 =	simm.s32 $0x9;
	_ =	strace $0x80000048  }
0xb3: {  	_ =	swait.ge [sflag:s29], $0x1  }
0xb4: {  	[sflag:s29] =	ssyncadd.s32 $0xFFFFFFFF  }
0xb5: {  	_ =	strace $0x90000048  }
0xb6: {  	_ =	sfence  }
0xb7: {  	s30 =	sld [smem:$0x0];
	_ =	sdelay $0x2  }
0xb8: {  	s31 =	sshll.u32 s1, $0xD;
	s1 =	sshrl.u32 s1, $0x2  }
0xb9: {  	s3 =	sand.u32 $0x4000, s31;
	s1 =	sadd.s32 s1, s30  }
0xba: {  	s0 =	sor.u32 s3, s0;
	s1 =	sshll.u32 s1, $0x11  }
0xbb: {  	s0 =	sor.u32 s1, s0  }
0xbc: {  	s0 =	sadd.s32 $0x8F2B, s0  }
0xbd: {  	[sflag:s0] =	ssyncadd.remote.s32 $0x1  }
0xbe: {  	_ =	sfence.sel $0xFFFF  }
0xbf: {  	[dreg:$0x0] =	wrdreg $0xFFFFFFFF;
	(pc) =	sbr.abs _section_cstart, $3  }
0xc0: {  	[dreg:$0x1] =	wrdreg $0xFFFFFFFF  }
0xc1: {  	_ =	task.clear_ibuf [dreg:s7], $0x2FFFF;
	_ =	strace $0x9FFFFFFF  }
0xc2: {  	(tm) =	ssettm $0x7FFFFFFF  }
0xc3: {  	_ =	shalt  }
tec
execute0_lowered:
.L_overlay_start_1:
0x0: {  	(tag) =	ssettag $0x1  }
0x1: {  	s1 =	srdreg.scid;
	s2 =	rddreg [dreg:$0x0]  }
0x2: {  	s0 =	stileid.u32;
	s3 =	rddreg [dreg:$0x1];
	s4 =	simm.s32 $0x0  }
0x3: {  	s12 =	simm.s32 $0x3;
	s13 =	simm.s32 $0x68;
	s14 =	simm.s32 $0x6400  }
0x4: {  	s15 =	simm.s32 $0x60;
	s16 =	simm.s32 $0x7E00;
	s17 =	simm.s32 $0x9600  }
0x5: {  	s18 =	simm.s32 $0xB000;
	s19 =	simm.s32 $0x1;
	s20 =	simm.s32 $0x2  }
0x6: {  	s21 =	simm.s32 $0x6338;
	s6 =	sand.u32 $0x1, s1;
	s31 =	sshll.u32 s0, $0x1  }
0x7: {  	s22 =	simm.s32 $0x63A0;
	s1 =	rddreg [dreg:$0x2];
	s7 =	sor.u32 s6, s31  }
0x8: {  	s23 =	simm.s32 $0x0;
	[smem:$0x7FF] =	sst s4;
	s5 =	smul.u32 $0x6400, s7  }
0x9: {  	_ =	strace $0x80000047;
	s9 =	ssub.s32 $0x2, s6;
	s7 =	smul.u32 $0x190000, s7  }
0xa: {  	s6 =	sadd.s32 $0xF42C00, s2;
	s10 =	sshrl.u32 s9, $0x1;
	s8 =	sshrl.u32 s5, $0x3  }
0xb: {  	s10 =	ssub.s32 s9, s10;
	s7 =	sshrl.u32 s7, $0x3;
	s8 =	sadd.s32 s8, s2  }
0xc: {  	s10 =	smax.u32 s10, $0x1;
	s11 =	sadd.s32 s3, s7;
	s7 =	sadd.s32 $0x800, s8  }
0xd: {  	s8 =	sadd.s32 $0x31380, s11;
	s9 =	sadd.s32 $0x319C0, s11;
	s11 =	simm.s32 $0xC800  }
.LBB2_1:
0xe: {  	[tilespmem:s11], [sflag:$0x3] =	stream.linear.gather [hbm4b:s2+s4], $0x3200, $0x38;
	[tilespmem:$0xFA00] =	vst v63  }
0xf: {  	_ =	swait.ge [sflag:s12], $0x3200  }
0x10: {  	[sflag:s12] =	ssyncset.done $0x0  }
0x11: {  	[sflag:s12] =	ssyncadd.s32 $0xFFFFCE00  }
0x12: {  	[tilespmem:s4], [sflag:$0x3] =	stream.linear.gather [hbm4b:s7+s4], $0x6400, $0x38;
	[tilespmem:$0xFA00] =	vst v63  }
0x13: {  	_ =	swait.ge [sflag:s12], $0x6400  }
0x14: {  	[sflag:s12] =	ssyncset.done $0x0  }
0x15: {  	[sflag:s12] =	ssyncadd.s32 $0xFFFF9C00  }
0x16: {  	[tilespmem:s14], [sflag:$0x1] =	stream.indirect.gather [hbm4b:s6+s13], $0x40, s4, s13, $0xb8;
	[tilespmem:$0xFA00] =	vst v63  }
0x17: {  	s24 =	simm.s32 $0x0  }
0x18: {  	[tilespmem:s16], [sflag:$0x1] =	stream.indirect.gather [hbm4b:s6+s15], $0x40, s13, s15, $0xb8;
	[tilespmem:$0xFA00] =	vst v63  }
.LBB2_2:
0x19: {  	s26 =	smul.u32 $0x190, s24;
	_ =	sdelay $0x1  }
0x1a: {  	s25 =	sadd.s32 $0xC8, s26  }
0x1b: {  	[tilespmem:s17], [sflag:$0x2] =	stream.indirect.gather [hbm4b:s6+s13], $0x40, s25, s13, $0xb8;
	[tilespmem:$0xFA00] =	vst v63  }
0x1c: {  	s28 =	sadd.s32 $0x130, s26  }
0x1d: {  	[tilespmem:s18], [sflag:$0x2] =	stream.indirect.gather [hbm4b:s6+s15], $0x40, s28, s15, $0xb8;
	[tilespmem:$0xFA00] =	vst v63  }
0x1e: {  	_ =	swait.ge [sflag:s19], $0x1A00  }
0x1f: {  	[sflag:s19] =	ssyncset.done $0x0  }
0x20: {  	[sflag:s19] =	ssyncadd.s32 $0xFFFFE600  }
0x21: {  	_ =	swait.ge [sflag:s19], $0x1800  }
0x22: {  	[sflag:s19] =	ssyncset.done $0x0  }
0x23: {  	s28 =	simm.s32 $0x0;
	[sflag:s19] =	ssyncadd.s32 $0xFFFFE800  }
0x24: {  	v0 =	vld [tilespmem:s28+$0xC8F0]  }
0x25: {  	v1 =	vld [tilespmem:s28+$0xC800]  }
0x26: {  	v2 =	vld [tilespmem:s28+$0xC810]  }
0x27: {  	v3 =	vld [tilespmem:s28+$0xC820]  }
0x28: {  	v4 =	vld [tilespmem:s28+$0xC830]  }
0x29: {  	v5 =	vld [tilespmem:s28+$0xC840]  }
0x2a: {  	v6 =	vld [tilespmem:s28+$0xC850]  }
0x2b: {  	v7 =	vld [tilespmem:s28+$0xC860]  }
0x2c: {  	v8 =	vld [tilespmem:s28+$0xC870]  }
0x2d: {  	v9 =	vld [tilespmem:s28+$0xC880]  }
0x2e: {  	v10 =	vld [tilespmem:s28+$0xC890]  }
0x2f: {  	v11 =	vld [tilespmem:s28+$0xC8A0]  }
0x30: {  	v12 =	vld [tilespmem:s28+$0xC8B0]  }
0x31: {  	v13 =	vld [tilespmem:s28+$0xC8C0]  }
0x32: {  	v14 =	vld [tilespmem:s28+$0xC8D0]  }
0x33: {  	[tilespmem:s28+$0x64F0] =	vst.add.f32.msk $0xffff, v0  }
0x34: {  	v0 =	vld [tilespmem:s28+$0xC8E0]  }
0x35: {  	[tilespmem:s28+$0x6400] =	vst.add.f32.msk $0xffff, v1  }
0x36: {  	[tilespmem:s28+$0x6410] =	vst.add.f32.msk $0xffff, v2  }
0x37: {  	[tilespmem:s28+$0x6420] =	vst.add.f32.msk $0xffff, v3  }
0x38: {  	[tilespmem:s28+$0x6430] =	vst.add.f32.msk $0xffff, v4  }
0x39: {  	[tilespmem:s28+$0x6440] =	vst.add.f32.msk $0xffff, v5  }
0x3a: {  	[tilespmem:s28+$0x6450] =	vst.add.f32.msk $0xffff, v6  }
0x3b: {  	[tilespmem:s28+$0x6460] =	vst.add.f32.msk $0xffff, v7  }
0x3c: {  	[tilespmem:s28+$0x6470] =	vst.add.f32.msk $0xffff, v8  }
0x3d: {  	[tilespmem:s28+$0x6480] =	vst.add.f32.msk $0xffff, v9  }
0x3e: {  	[tilespmem:s28+$0x6490] =	vst.add.f32.msk $0xffff, v10  }
0x3f: {  	[tilespmem:s28+$0x64A0] =	vst.add.f32.msk $0xffff, v11  }
0x40: {  	[tilespmem:s28+$0x64B0] =	vst.add.f32.msk $0xffff, v12  }
0x41: {  	[tilespmem:s28+$0x64C0] =	vst.add.f32.msk $0xffff, v13  }
0x42: {  	s29 =	simm.s32 $0x0;
	s30 =	simm.s32 $0x400;
	[tilespmem:s28+$0x64D0] =	vst.add.f32.msk $0xffff, v14  }
.LBB2_3:
0x43: {  	s29 =	sadd.s32 $0x4, s29;
	[tilespmem:s28+$0x64E0] =	vst.add.f32.msk $0xffff, v0;
	s28 =	sshra.s32 s30, $0x2  }
0x44: {  	v0 =	vld [tilespmem:s28+$0xC8F0];
	p0 =	slt.u32 s29, $0xC4  }
0x45: {  	v1 =	vld [tilespmem:s28+$0xC800]  }
0x46: {  	v2 =	vld [tilespmem:s28+$0xC810]  }
0x47: {  	v3 =	vld [tilespmem:s28+$0xC820]  }
0x48: {  	v4 =	vld [tilespmem:s28+$0xC830]  }
0x49: {  	[tilespmem:s28+$0x64F0] =	vst.add.f32.msk $0xffff, v0  }
0x4a: {  	v5 =	vld [tilespmem:s28+$0xC840]  }
0x4b: {  	v6 =	vld [tilespmem:s28+$0xC850]  }
0x4c: {  	v7 =	vld [tilespmem:s28+$0xC860]  }
0x4d: {  	v8 =	vld [tilespmem:s28+$0xC870]  }
0x4e: {  	v9 =	vld [tilespmem:s28+$0xC880]  }
0x4f: {  	v10 =	vld [tilespmem:s28+$0xC890]  }
0x50: {  	v11 =	vld [tilespmem:s28+$0xC8A0]  }
0x51: {  	v12 =	vld [tilespmem:s28+$0xC8B0]  }
0x52: {  	v13 =	vld [tilespmem:s28+$0xC8C0]  }
0x53: {  	v14 =	vld [tilespmem:s28+$0xC8D0]  }
0x54: {  	v0 =	vld [tilespmem:s28+$0xC8E0]  }
0x55: {  	[tilespmem:s28+$0x6400] =	vst.add.f32.msk $0xffff, v1  }
0x56: {  	[tilespmem:s28+$0x6410] =	vst.add.f32.msk $0xffff, v2  }
0x57: {  	[tilespmem:s28+$0x6420] =	vst.add.f32.msk $0xffff, v3  }
0x58: {  	[tilespmem:s28+$0x6430] =	vst.add.f32.msk $0xffff, v4  }
0x59: {  	[tilespmem:s28+$0x6440] =	vst.add.f32.msk $0xffff, v5  }
0x5a: {  	[tilespmem:s28+$0x6450] =	vst.add.f32.msk $0xffff, v6  }
0x5b: {  	[tilespmem:s28+$0x6460] =	vst.add.f32.msk $0xffff, v7  }
0x5c: {  	[tilespmem:s28+$0x6470] =	vst.add.f32.msk $0xffff, v8  }
0x5d: {  	[tilespmem:s28+$0x6480] =	vst.add.f32.msk $0xffff, v9  }
.Ltmp0:
0x5e: {  	[tilespmem:s28+$0x6490] =	vst.add.f32.msk $0xffff, v10;
	(pc) =	sbr.rel @p0 .LBB2_3-.Ltmp0, $4  }
0x5f: {  	[tilespmem:s28+$0x64A0] =	vst.add.f32.msk $0xffff, v11  }
0x60: {  	[tilespmem:s28+$0x64B0] =	vst.add.f32.msk $0xffff, v12  }
0x61: {  	[tilespmem:s28+$0x64C0] =	vst.add.f32.msk $0xffff, v13  }
0x62: {  	s30 =	sadd.s32 $0x400, s30;
	[tilespmem:s28+$0x64D0] =	vst.add.f32.msk $0xffff, v14  }
0x63: {  	s29 =	sadd.s32 s5, s26  }
0x64: {  	s29 =	sshll.u32 s29, $0x3  }
0x65: {  	[tilespmem:s28+$0x64E0] =	vst.add.f32.msk $0xffff, v0;
	s28 =	sadd.s32 s3, s29;
	s29 =	simm.s32 $0x0  }
0x66: {  	[hbm4b:s28+s29] =	stream.linear.scatter [tilespmem:s14], [sflag:$0x3], $0x3200, $0x38;
	[tilespmem:$0xFA00] =	vst v63  }
0x67: {  	_ =	swait.ge [sflag:s12], $0x3200  }
0x68: {  	[sflag:s12] =	ssyncset.done $0x0  }
0x69: {  	s28 =	sadd.s32 $0x190, s26;
	[sflag:s12] =	ssyncadd.s32 $0xFFFFCE00  }
0x6a: {  	[tilespmem:s14], [sflag:$0x1] =	stream.indirect.gather [hbm4b:s6+s13], $0x40, s28, s13, $0xb8;
	[tilespmem:$0xFA00] =	vst v63  }
0x6b: {  	s31 =	sadd.s32 $0x1F8, s26  }
0x6c: {  	[tilespmem:s16], [sflag:$0x1] =	stream.indirect.gather [hbm4b:s6+s15], $0x40, s31, s15, $0xb8;
	[tilespmem:$0xFA00] =	vst v63  }
0x6d: {  	_ =	swait.ge [sflag:s20], $0x1A00  }
0x6e: {  	[sflag:s20] =	ssyncset.done $0x0  }
0x6f: {  	[sflag:s20] =	ssyncadd.s32 $0xFFFFE600  }
0x70: {  	_ =	swait.ge [sflag:s20], $0x1800  }
0x71: {  	[sflag:s20] =	ssyncset.done $0x0  }
0x72: {  	s26 =	simm.s32 $0x0;
	[sflag:s20] =	ssyncadd.s32 $0xFFFFE800  }
0x73: {  	v0 =	vld [tilespmem:s26+$0xC8F0]  }
0x74: {  	v1 =	vld [tilespmem:s26+$0xC800]  }
0x75: {  	v2 =	vld [tilespmem:s26+$0xC810]  }
0x76: {  	v3 =	vld [tilespmem:s26+$0xC820]  }
0x77: {  	v4 =	vld [tilespmem:s26+$0xC830]  }
0x78: {  	v5 =	vld [tilespmem:s26+$0xC840]  }
0x79: {  	v6 =	vld [tilespmem:s26+$0xC850]  }
0x7a: {  	v7 =	vld [tilespmem:s26+$0xC860]  }
0x7b: {  	v8 =	vld [tilespmem:s26+$0xC870]  }
0x7c: {  	v9 =	vld [tilespmem:s26+$0xC880]  }
0x7d: {  	v10 =	vld [tilespmem:s26+$0xC890]  }
0x7e: {  	v11 =	vld [tilespmem:s26+$0xC8A0]  }
0x7f: {  	v12 =	vld [tilespmem:s26+$0xC8B0]  }
0x80: {  	v13 =	vld [tilespmem:s26+$0xC8C0]  }
0x81: {  	v14 =	vld [tilespmem:s26+$0xC8D0]  }
0x82: {  	[tilespmem:s26+$0x96F0] =	vst.add.f32.msk $0xffff, v0  }
0x83: {  	v0 =	vld [tilespmem:s26+$0xC8E0]  }
0x84: {  	[tilespmem:s26+$0x9600] =	vst.add.f32.msk $0xffff, v1  }
0x85: {  	[tilespmem:s26+$0x9610] =	vst.add.f32.msk $0xffff, v2  }
0x86: {  	[tilespmem:s26+$0x9620] =	vst.add.f32.msk $0xffff, v3  }
0x87: {  	[tilespmem:s26+$0x9630] =	vst.add.f32.msk $0xffff, v4  }
0x88: {  	[tilespmem:s26+$0x9640] =	vst.add.f32.msk $0xffff, v5  }
0x89: {  	[tilespmem:s26+$0x9650] =	vst.add.f32.msk $0xffff, v6  }
0x8a: {  	[tilespmem:s26+$0x9660] =	vst.add.f32.msk $0xffff, v7  }
0x8b: {  	[tilespmem:s26+$0x9670] =	vst.add.f32.msk $0xffff, v8  }
0x8c: {  	[tilespmem:s26+$0x9680] =	vst.add.f32.msk $0xffff, v9  }
0x8d: {  	[tilespmem:s26+$0x9690] =	vst.add.f32.msk $0xffff, v10  }
0x8e: {  	[tilespmem:s26+$0x96A0] =	vst.add.f32.msk $0xffff, v11  }
0x8f: {  	[tilespmem:s26+$0x96B0] =	vst.add.f32.msk $0xffff, v12  }
0x90: {  	[tilespmem:s26+$0x96C0] =	vst.add.f32.msk $0xffff, v13  }
0x91: {  	s29 =	simm.s32 $0x400;
	s28 =	simm.s32 $0x0;
	[tilespmem:s26+$0x96D0] =	vst.add.f32.msk $0xffff, v14  }
.LBB2_5:
0x92: {  	s28 =	sadd.s32 $0x4, s28;
	[tilespmem:s26+$0x96E0] =	vst.add.f32.msk $0xffff, v0;
	s26 =	sshra.s32 s29, $0x2  }
0x93: {  	v0 =	vld [tilespmem:s26+$0xC8F0];
	p0 =	slt.u32 s28, $0xC4  }
0x94: {  	v1 =	vld [tilespmem:s26+$0xC800]  }
0x95: {  	v2 =	vld [tilespmem:s26+$0xC810]  }
0x96: {  	v3 =	vld [tilespmem:s26+$0xC820]  }
0x97: {  	v4 =	vld [tilespmem:s26+$0xC830]  }
0x98: {  	[tilespmem:s26+$0x96F0] =	vst.add.f32.msk $0xffff, v0  }
0x99: {  	v5 =	vld [tilespmem:s26+$0xC840]  }
0x9a: {  	v6 =	vld [tilespmem:s26+$0xC850]  }
0x9b: {  	v7 =	vld [tilespmem:s26+$0xC860]  }
0x9c: {  	v8 =	vld [tilespmem:s26+$0xC870]  }
0x9d: {  	v9 =	vld [tilespmem:s26+$0xC880]  }
0x9e: {  	v10 =	vld [tilespmem:s26+$0xC890]  }
0x9f: {  	v11 =	vld [tilespmem:s26+$0xC8A0]  }
0xa0: {  	v12 =	vld [tilespmem:s26+$0xC8B0]  }
0xa1: {  	v13 =	vld [tilespmem:s26+$0xC8C0]  }
0xa2: {  	v14 =	vld [tilespmem:s26+$0xC8D0]  }
0xa3: {  	v0 =	vld [tilespmem:s26+$0xC8E0]  }
0xa4: {  	[tilespmem:s26+$0x9600] =	vst.add.f32.msk $0xffff, v1  }
0xa5: {  	[tilespmem:s26+$0x9610] =	vst.add.f32.msk $0xffff, v2  }
0xa6: {  	[tilespmem:s26+$0x9620] =	vst.add.f32.msk $0xffff, v3  }
0xa7: {  	[tilespmem:s26+$0x9630] =	vst.add.f32.msk $0xffff, v4  }
0xa8: {  	[tilespmem:s26+$0x9640] =	vst.add.f32.msk $0xffff, v5  }
0xa9: {  	[tilespmem:s26+$0x9650] =	vst.add.f32.msk $0xffff, v6  }
0xaa: {  	[tilespmem:s26+$0x9660] =	vst.add.f32.msk $0xffff, v7  }
0xab: {  	[tilespmem:s26+$0x9670] =	vst.add.f32.msk $0xffff, v8  }
0xac: {  	[tilespmem:s26+$0x9680] =	vst.add.f32.msk $0xffff, v9  }
.Ltmp1:
0xad: {  	[tilespmem:s26+$0x9690] =	vst.add.f32.msk $0xffff, v10;
	(pc) =	sbr.rel @p0 .LBB2_5-.Ltmp1, $4  }
0xae: {  	[tilespmem:s26+$0x96A0] =	vst.add.f32.msk $0xffff, v11  }
0xaf: {  	[tilespmem:s26+$0x96B0] =	vst.add.f32.msk $0xffff, v12  }
0xb0: {  	[tilespmem:s26+$0x96C0] =	vst.add.f32.msk $0xffff, v13  }
0xb1: {  	s29 =	sadd.s32 $0x400, s29;
	[tilespmem:s26+$0x96D0] =	vst.add.f32.msk $0xffff, v14  }
0xb2: {  	s25 =	sadd.s32 s5, s25  }
0xb3: {  	s24 =	sadd.s32 $0x1, s24;
	s25 =	sshll.u32 s25, $0x3  }
0xb4: {  	p0 =	sne.s32 s24, $0x3F;
	s25 =	sand.u32 $0x1FFFFFC0, s25  }
.Ltmp2:
0xb5: {  	[tilespmem:s26+$0x96E0] =	vst.add.f32.msk $0xffff, v0;
	s25 =	sadd.s32 s3, s25;
	(pc) =	sbr.rel @p0 .LBB2_2-.Ltmp2, $4  }
0xb6: {  	[hbm4b:s25+s4] =	stream.linear.scatter [tilespmem:s17], [sflag:$0x3], $0x3200, $0x38;
	[tilespmem:$0xFA00] =	vst v63  }
0xb7: {  	_ =	swait.ge [sflag:s12], $0x3200  }
0xb8: {  	[sflag:s12] =	ssyncset.done $0x0  }
0xb9: {  	[sflag:s12] =	ssyncadd.s32 $0xFFFFCE00  }
0xba: {  	[tilespmem:s17], [sflag:$0x2] =	stream.indirect.gather [hbm4b:s6+s13], $0x40, s21, s13, $0xb8;
	[tilespmem:$0xFA00] =	vst v63  }
0xbb: {  	_ = 	snop  }
0xbc: {  	[tilespmem:s18], [sflag:$0x2] =	stream.indirect.gather [hbm4b:s6+s15], $0x40, s22, s15, $0xb8;
	[tilespmem:$0xFA00] =	vst v63  }
0xbd: {  	_ =	swait.ge [sflag:s19], $0x1A00  }
0xbe: {  	[sflag:s19] =	ssyncset.done $0x0  }
0xbf: {  	[sflag:s19] =	ssyncadd.s32 $0xFFFFE600  }
0xc0: {  	_ =	swait.ge [sflag:s19], $0x1800  }
0xc1: {  	[sflag:s19] =	ssyncset.done $0x0  }
0xc2: {  	s24 =	simm.s32 $0x0;
	[sflag:s19] =	ssyncadd.s32 $0xFFFFE800  }
0xc3: {  	v0 =	vld [tilespmem:s24+$0xC8F0]  }
0xc4: {  	v1 =	vld [tilespmem:s24+$0xC800]  }
0xc5: {  	v2 =	vld [tilespmem:s24+$0xC810]  }
0xc6: {  	v3 =	vld [tilespmem:s24+$0xC820]  }
0xc7: {  	v4 =	vld [tilespmem:s24+$0xC830]  }
0xc8: {  	v5 =	vld [tilespmem:s24+$0xC840]  }
0xc9: {  	v6 =	vld [tilespmem:s24+$0xC850]  }
0xca: {  	v7 =	vld [tilespmem:s24+$0xC860]  }
0xcb: {  	v8 =	vld [tilespmem:s24+$0xC870]  }
0xcc: {  	v9 =	vld [tilespmem:s24+$0xC880]  }
0xcd: {  	v10 =	vld [tilespmem:s24+$0xC890]  }
0xce: {  	v11 =	vld [tilespmem:s24+$0xC8A0]  }
0xcf: {  	v12 =	vld [tilespmem:s24+$0xC8B0]  }
0xd0: {  	v13 =	vld [tilespmem:s24+$0xC8C0]  }
0xd1: {  	v14 =	vld [tilespmem:s24+$0xC8D0]  }
0xd2: {  	[tilespmem:s24+$0x64F0] =	vst.add.f32.msk $0xffff, v0  }
0xd3: {  	v0 =	vld [tilespmem:s24+$0xC8E0]  }
0xd4: {  	[tilespmem:s24+$0x6400] =	vst.add.f32.msk $0xffff, v1  }
0xd5: {  	[tilespmem:s24+$0x6410] =	vst.add.f32.msk $0xffff, v2  }
0xd6: {  	[tilespmem:s24+$0x6420] =	vst.add.f32.msk $0xffff, v3  }
0xd7: {  	[tilespmem:s24+$0x6430] =	vst.add.f32.msk $0xffff, v4  }
0xd8: {  	[tilespmem:s24+$0x6440] =	vst.add.f32.msk $0xffff, v5  }
0xd9: {  	[tilespmem:s24+$0x6450] =	vst.add.f32.msk $0xffff, v6  }
0xda: {  	[tilespmem:s24+$0x6460] =	vst.add.f32.msk $0xffff, v7  }
0xdb: {  	[tilespmem:s24+$0x6470] =	vst.add.f32.msk $0xffff, v8  }
0xdc: {  	[tilespmem:s24+$0x6480] =	vst.add.f32.msk $0xffff, v9  }
0xdd: {  	[tilespmem:s24+$0x6490] =	vst.add.f32.msk $0xffff, v10  }
0xde: {  	[tilespmem:s24+$0x64A0] =	vst.add.f32.msk $0xffff, v11  }
0xdf: {  	[tilespmem:s24+$0x64B0] =	vst.add.f32.msk $0xffff, v12  }
0xe0: {  	[tilespmem:s24+$0x64C0] =	vst.add.f32.msk $0xffff, v13  }
0xe1: {  	s25 =	simm.s32 $0x0;
	s26 =	simm.s32 $0x400;
	[tilespmem:s24+$0x64D0] =	vst.add.f32.msk $0xffff, v14  }
.LBB2_8:
0xe2: {  	s25 =	sadd.s32 $0x4, s25;
	[tilespmem:s24+$0x64E0] =	vst.add.f32.msk $0xffff, v0;
	s24 =	sshra.s32 s26, $0x2  }
0xe3: {  	v0 =	vld [tilespmem:s24+$0xC8F0];
	p0 =	slt.u32 s25, $0xC4  }
0xe4: {  	v1 =	vld [tilespmem:s24+$0xC800]  }
0xe5: {  	v2 =	vld [tilespmem:s24+$0xC810]  }
0xe6: {  	v3 =	vld [tilespmem:s24+$0xC820]  }
0xe7: {  	v4 =	vld [tilespmem:s24+$0xC830]  }
0xe8: {  	[tilespmem:s24+$0x64F0] =	vst.add.f32.msk $0xffff, v0  }
0xe9: {  	v5 =	vld [tilespmem:s24+$0xC840]  }
0xea: {  	v6 =	vld [tilespmem:s24+$0xC850]  }
0xeb: {  	v7 =	vld [tilespmem:s24+$0xC860]  }
0xec: {  	v8 =	vld [tilespmem:s24+$0xC870]  }
0xed: {  	v9 =	vld [tilespmem:s24+$0xC880]  }
0xee: {  	v10 =	vld [tilespmem:s24+$0xC890]  }
0xef: {  	v11 =	vld [tilespmem:s24+$0xC8A0]  }
0xf0: {  	v12 =	vld [tilespmem:s24+$0xC8B0]  }
0xf1: {  	v13 =	vld [tilespmem:s24+$0xC8C0]  }
0xf2: {  	v14 =	vld [tilespmem:s24+$0xC8D0]  }
0xf3: {  	v0 =	vld [tilespmem:s24+$0xC8E0]  }
0xf4: {  	[tilespmem:s24+$0x6400] =	vst.add.f32.msk $0xffff, v1  }
0xf5: {  	[tilespmem:s24+$0x6410] =	vst.add.f32.msk $0xffff, v2  }
0xf6: {  	[tilespmem:s24+$0x6420] =	vst.add.f32.msk $0xffff, v3  }
0xf7: {  	[tilespmem:s24+$0x6430] =	vst.add.f32.msk $0xffff, v4  }
0xf8: {  	[tilespmem:s24+$0x6440] =	vst.add.f32.msk $0xffff, v5  }
0xf9: {  	[tilespmem:s24+$0x6450] =	vst.add.f32.msk $0xffff, v6  }
0xfa: {  	[tilespmem:s24+$0x6460] =	vst.add.f32.msk $0xffff, v7  }
0xfb: {  	[tilespmem:s24+$0x6470] =	vst.add.f32.msk $0xffff, v8  }
0xfc: {  	[tilespmem:s24+$0x6480] =	vst.add.f32.msk $0xffff, v9  }
.Ltmp3:
0xfd: {  	[tilespmem:s24+$0x6490] =	vst.add.f32.msk $0xffff, v10;
	(pc) =	sbr.rel @p0 .LBB2_8-.Ltmp3, $4  }
0xfe: {  	[tilespmem:s24+$0x64A0] =	vst.add.f32.msk $0xffff, v11  }
0xff: {  	[tilespmem:s24+$0x64B0] =	vst.add.f32.msk $0xffff, v12  }
0x100: {  	[tilespmem:s24+$0x64C0] =	vst.add.f32.msk $0xffff, v13  }
0x101: {  	s26 =	sadd.s32 $0x400, s26;
	[tilespmem:s24+$0x64D0] =	vst.add.f32.msk $0xffff, v14  }
0x102: {  	[tilespmem:s24+$0x64E0] =	vst.add.f32.msk $0xffff, v0;
	s31 =	simm.s32 $0x0  }
0x103: {  	[hbm4b:s8+s31] =	stream.linear.scatter [tilespmem:s14], [sflag:$0x3], $0x3200, $0x38;
	[tilespmem:$0xFA00] =	vst v63  }
0x104: {  	_ =	swait.ge [sflag:s12], $0x3200  }
0x105: {  	[sflag:s12] =	ssyncset.done $0x0  }
0x106: {  	[sflag:s12] =	ssyncadd.s32 $0xFFFFCE00  }
0x107: {  	_ =	swait.ge [sflag:s20], $0x1A00  }
0x108: {  	[sflag:s20] =	ssyncset.done $0x0  }
0x109: {  	[sflag:s20] =	ssyncadd.s32 $0xFFFFE600  }
0x10a: {  	_ =	swait.ge [sflag:s20], $0x1800  }
0x10b: {  	[sflag:s20] =	ssyncset.done $0x0  }
0x10c: {  	s24 =	simm.s32 $0x0;
	[sflag:s20] =	ssyncadd.s32 $0xFFFFE800  }
0x10d: {  	v0 =	vld [tilespmem:s24+$0xC8F0]  }
0x10e: {  	v1 =	vld [tilespmem:s24+$0xC800]  }
0x10f: {  	v2 =	vld [tilespmem:s24+$0xC810]  }
0x110: {  	v3 =	vld [tilespmem:s24+$0xC820]  }
0x111: {  	v4 =	vld [tilespmem:s24+$0xC830]  }
0x112: {  	v5 =	vld [tilespmem:s24+$0xC840]  }
0x113: {  	v6 =	vld [tilespmem:s24+$0xC850]  }
0x114: {  	v7 =	vld [tilespmem:s24+$0xC860]  }
0x115: {  	v8 =	vld [tilespmem:s24+$0xC870]  }
0x116: {  	v9 =	vld [tilespmem:s24+$0xC880]  }
0x117: {  	v10 =	vld [tilespmem:s24+$0xC890]  }
0x118: {  	v11 =	vld [tilespmem:s24+$0xC8A0]  }
0x119: {  	v12 =	vld [tilespmem:s24+$0xC8B0]  }
0x11a: {  	v13 =	vld [tilespmem:s24+$0xC8C0]  }
0x11b: {  	v14 =	vld [tilespmem:s24+$0xC8D0]  }
0x11c: {  	[tilespmem:s24+$0x96F0] =	vst.add.f32.msk $0xffff, v0  }
0x11d: {  	v0 =	vld [tilespmem:s24+$0xC8E0]  }
0x11e: {  	[tilespmem:s24+$0x9600] =	vst.add.f32.msk $0xffff, v1  }
0x11f: {  	[tilespmem:s24+$0x9610] =	vst.add.f32.msk $0xffff, v2  }
0x120: {  	[tilespmem:s24+$0x9620] =	vst.add.f32.msk $0xffff, v3  }
0x121: {  	[tilespmem:s24+$0x9630] =	vst.add.f32.msk $0xffff, v4  }
0x122: {  	[tilespmem:s24+$0x9640] =	vst.add.f32.msk $0xffff, v5  }
0x123: {  	[tilespmem:s24+$0x9650] =	vst.add.f32.msk $0xffff, v6  }
0x124: {  	[tilespmem:s24+$0x9660] =	vst.add.f32.msk $0xffff, v7  }
0x125: {  	[tilespmem:s24+$0x9670] =	vst.add.f32.msk $0xffff, v8  }
0x126: {  	[tilespmem:s24+$0x9680] =	vst.add.f32.msk $0xffff, v9  }
0x127: {  	[tilespmem:s24+$0x9690] =	vst.add.f32.msk $0xffff, v10  }
0x128: {  	[tilespmem:s24+$0x96A0] =	vst.add.f32.msk $0xffff, v11  }
0x129: {  	[tilespmem:s24+$0x96B0] =	vst.add.f32.msk $0xffff, v12  }
0x12a: {  	[tilespmem:s24+$0x96C0] =	vst.add.f32.msk $0xffff, v13  }
0x12b: {  	s25 =	simm.s32 $0x0;
	s26 =	simm.s32 $0x400;
	[tilespmem:s24+$0x96D0] =	vst.add.f32.msk $0xffff, v14  }
.LBB2_10:
0x12c: {  	s25 =	sadd.s32 $0x4, s25;
	[tilespmem:s24+$0x96E0] =	vst.add.f32.msk $0xffff, v0;
	s24 =	sshra.s32 s26, $0x2  }
0x12d: {  	v0 =	vld [tilespmem:s24+$0xC8F0];
	p0 =	slt.u32 s25, $0xC4  }
0x12e: {  	v1 =	vld [tilespmem:s24+$0xC800]  }
0x12f: {  	v2 =	vld [tilespmem:s24+$0xC810]  }
0x130: {  	v3 =	vld [tilespmem:s24+$0xC820]  }
0x131: {  	v4 =	vld [tilespmem:s24+$0xC830]  }
0x132: {  	[tilespmem:s24+$0x96F0] =	vst.add.f32.msk $0xffff, v0  }
0x133: {  	v5 =	vld [tilespmem:s24+$0xC840]  }
0x134: {  	v6 =	vld [tilespmem:s24+$0xC850]  }
0x135: {  	v7 =	vld [tilespmem:s24+$0xC860]  }
0x136: {  	v8 =	vld [tilespmem:s24+$0xC870]  }
0x137: {  	v9 =	vld [tilespmem:s24+$0xC880]  }
0x138: {  	v10 =	vld [tilespmem:s24+$0xC890]  }
0x139: {  	v11 =	vld [tilespmem:s24+$0xC8A0]  }
0x13a: {  	v12 =	vld [tilespmem:s24+$0xC8B0]  }
0x13b: {  	v13 =	vld [tilespmem:s24+$0xC8C0]  }
0x13c: {  	v14 =	vld [tilespmem:s24+$0xC8D0]  }
0x13d: {  	v0 =	vld [tilespmem:s24+$0xC8E0]  }
0x13e: {  	[tilespmem:s24+$0x9600] =	vst.add.f32.msk $0xffff, v1  }
0x13f: {  	[tilespmem:s24+$0x9610] =	vst.add.f32.msk $0xffff, v2  }
0x140: {  	[tilespmem:s24+$0x9620] =	vst.add.f32.msk $0xffff, v3  }
0x141: {  	[tilespmem:s24+$0x9630] =	vst.add.f32.msk $0xffff, v4  }
0x142: {  	[tilespmem:s24+$0x9640] =	vst.add.f32.msk $0xffff, v5  }
0x143: {  	[tilespmem:s24+$0x9650] =	vst.add.f32.msk $0xffff, v6  }
0x144: {  	[tilespmem:s24+$0x9660] =	vst.add.f32.msk $0xffff, v7  }
0x145: {  	[tilespmem:s24+$0x9670] =	vst.add.f32.msk $0xffff, v8  }
0x146: {  	[tilespmem:s24+$0x9680] =	vst.add.f32.msk $0xffff, v9  }
.Ltmp4:
0x147: {  	[tilespmem:s24+$0x9690] =	vst.add.f32.msk $0xffff, v10;
	(pc) =	sbr.rel @p0 .LBB2_10-.Ltmp4, $4  }
0x148: {  	[tilespmem:s24+$0x96A0] =	vst.add.f32.msk $0xffff, v11  }
0x149: {  	[tilespmem:s24+$0x96B0] =	vst.add.f32.msk $0xffff, v12  }
0x14a: {  	[tilespmem:s24+$0x96C0] =	vst.add.f32.msk $0xffff, v13  }
0x14b: {  	s26 =	sadd.s32 $0x400, s26;
	[tilespmem:s24+$0x96D0] =	vst.add.f32.msk $0xffff, v14  }
0x14c: {  	s23 =	sadd.s32 $0x1, s23  }
0x14d: {  	p0 =	sne.s32 s23, s10  }
.Ltmp5:
0x14e: {  	[tilespmem:s24+$0x96E0] =	vst.add.f32.msk $0xffff, v0;
	(pc) =	sbr.rel @p0 .LBB2_1-.Ltmp5, $4  }
0x14f: {  	[hbm4b:s9+s4] =	stream.linear.scatter [tilespmem:s17], [sflag:$0x3], $0x3200, $0x38;
	[tilespmem:$0xFA00] =	vst v63  }
0x150: {  	_ =	swait.ge [sflag:s12], $0x3200  }
0x151: {  	[sflag:s12] =	ssyncset.done $0x0  }
0x152: {  	[sflag:s12] =	ssyncadd.s32 $0xFFFFCE00  }
0x153: {  	_ =	sfence.sel $0x180000  }
0x154: {  	[bflag:$0x0] =	sbarrier.arrive $0xFFFF  }
0x155: {  	p0 =	sne.s32 s0, $0x0;
	_ =	strace $0x90000047  }
0x156: {  	s0 =	sadd.s32 @!p0 $0x100000, s1;
	[bflag:$0x2] =	sbarrier.arrive $0xFFFF  }
0x157: {  	[sflag:s0] =	ssyncadd.tile.s32 @!p0 $0x1;
	_ =	shalt  }
.Lfunc_end2:
_tile_overlayer_lowered:
.L_overlay_start_2:
0x158: {  	(tag) =	ssettag $0x2  }
0x159: {  	s0 =	rddreg [dreg:$0x0];
	s2 =	stileid.u32  }
0x15a: {  	s1 =	rddreg [dreg:$0x1];
	p0 =	sne.s32 s2, $0x0  }
0x15b: {  	s3 =	rddreg [dreg:$0x2];
	[bflag:$0x3] =	sbarrier.arrive $0xFFFF;
	s2 =	simm.s32 @!p0 $0x1C03  }
0x15c: {  	[timem:s3], [sflag:s2] =	dma.local @!p0 [hbm:s0], s1  }
0x15d: {  	s0 =	simm.s32 @!p0 $0x3  }
0x15e: {  	_ =	swait.ge @!p0 [sflag:s0], s1  }
0x15f: {  	s1 =	ssub.s32 @!p0 $0x0, s1;
	[sflag:s0] =	ssyncset.done @!p0 $0x0  }
0x160: {  	[sflag:s0] =	ssyncadd.s32 @!p0 s1  }
0x161: {  	[bflag:$0x3] =	sbarrier.arrive $0xFFFF  }
0x162: {  	_ =	shalt  }

</sc_bundles>
